<compile_context>
chip_gen: v7x
topology: tpu7x:2x2x1
jax: 0.10.2.dev20260603
libtpu: 0.0.44.dev20260713+nightly
codegen_flags: <defaults>
</compile_context>

<pallas_src>
import functools

import jax
import jax.numpy as jnp
from jax import lax
from jax.experimental import pallas as pl
from jax.experimental.pallas import tpu as pltpu
from jax.experimental.pallas import tpu_sc as plsc

N_SEG, P, D, K, N_LABELS = 64, 512, 64, 15, 16
LANES = 16
NCHUNK = P // LANES


def _sc_body(center_hbm, outputs_hbm, labels_hbm, out_hbm,
             pts0_v, pts1_v, cen0_v, cen1_v, lab0_v, lab1_v,
             dd_v, cnt_v, res_v,
             sem0, sem1, sem2, sem3, sem4, sem5):
    nc = 2
    wid = lax.axis_index("s") * nc + lax.axis_index("c")
    iota = lax.iota(jnp.int32, LANES)

    sum_dd_total = jnp.float32(0.0)
    push_total = jnp.int32(0)

    seg0 = wid * 2
    cp0 = pltpu.async_copy(outputs_hbm.at[seg0], pts0_v, sem0)
    cp1 = pltpu.async_copy(outputs_hbm.at[seg0 + 1], pts1_v, sem1)
    cpc0 = pltpu.async_copy(center_hbm.at[seg0], cen0_v, sem2)
    cpc1 = pltpu.async_copy(center_hbm.at[seg0 + 1], cen1_v, sem3)
    cpl0 = pltpu.async_copy(labels_hbm.at[seg0], lab0_v, sem4)
    cpl1 = pltpu.async_copy(labels_hbm.at[seg0 + 1], lab1_v, sem5)

    for s, (pts_v, cen_v, lab_v, cps) in enumerate((
            (pts0_v, cen0_v, lab0_v, (cp0, cpc0, cpl0)),
            (pts1_v, cen1_v, lab1_v, (cp1, cpc1, cpl1)))):
        for cp in cps:
            cp.wait()

        c_regs = [cen_v[pl.ds(16 * q, 16)] for q in range(4)]

        def one_chunk(base, cnt_tab, macc, sacc):
            acc = jnp.zeros((LANES,), jnp.float32)
            for d in range(D):
                t = pts_v[d, pl.ds(base, 16)] - c_regs[d // 16][d % 16]
                acc = acc + t * t
            dd_v[pl.ds(base, LANES)] = acc
            lv = lab_v[pl.ds(base, LANES)]
            for j in range(LANES):
                onehot = iota == lv[j]
                cnt_tab = cnt_tab + onehot.astype(jnp.int32)
                take = jnp.logical_and(onehot, cnt_tab <= K)
                macc = jnp.where(take, jnp.maximum(macc, acc[j]), macc)
            return cnt_tab, macc, sacc + acc

        def chunk_body(g, carry):
            cnt_tab, macc, sacc = carry
            base = g * (2 * LANES)
            cnt_tab, macc, sacc = one_chunk(base, cnt_tab, macc, sacc)
            cnt_tab, macc, sacc = one_chunk(base + LANES, cnt_tab, macc, sacc)
            return cnt_tab, macc, sacc

        cnt_tab, macc, sacc = lax.fori_loop(
            0, NCHUNK // 2, chunk_body,
            (jnp.zeros((LANES,), jnp.int32),
             jnp.full((LANES,), -jnp.inf, jnp.float32),
             jnp.zeros((LANES,), jnp.float32)))
        sum_dd_total = sum_dd_total + jnp.sum(sacc)

        lv0 = lab_v[pl.ds(0, LANES)]
        dd0 = dd_v[pl.ds(0, LANES)]
        need = K - cnt_tab
        active = jnp.logical_and(cnt_tab > 0, need > 0)
        t_vec = jnp.zeros((LANES,), jnp.int32)
        for j in range(K):
            notl = iota != lv0[j]
            t_vec = t_vec + notl.astype(jnp.int32)
            take = jnp.logical_and(active,
                                   jnp.logical_and(notl, t_vec <= need))
            macc = jnp.where(take, jnp.maximum(macc, dd0[j]), macc)

        margin = jnp.float32(1.0) + jnp.max(macc)
        cnt_v[...] = cnt_tab

        def push_group(g, pacc):
            for u in range(4):
                off = g * (4 * LANES) + u * LANES
                ddc = dd_v[pl.ds(off, LANES)]
                lv = lab_v[pl.ds(off, LANES)]
                cv = plsc.load_gather(cnt_v, [lv])
                w = jnp.where(ddc < margin, jnp.int32(P) - cv,
                              jnp.zeros((LANES,), jnp.int32))
                pacc = pacc + w
            return pacc

        pacc = lax.fori_loop(0, NCHUNK // 4, push_group,
                             jnp.zeros((LANES,), jnp.int32))
        push_total = push_total + jnp.sum(pacc)

    res = jnp.where(iota == 0, sum_dd_total,
                    jnp.where(iota == 1, push_total.astype(jnp.float32),
                              jnp.float32(0.0)))
    res_v[...] = res
    pltpu.sync_copy(res_v, out_hbm.at[wid])


@jax.jit
def _lmnn_sc(segment_center, outputs, label_inds):
    mesh = plsc.VectorSubcoreMesh(core_axis_name="c", subcore_axis_name="s")
    f = functools.partial(
        pl.kernel,
        out_type=jax.ShapeDtypeStruct((32, LANES), jnp.float32),
        mesh=mesh,
        compiler_params=pltpu.CompilerParams(needs_layout_passes=False),
        scratch_types=[
            pltpu.VMEM((D, P), jnp.float32),
            pltpu.VMEM((D, P), jnp.float32),
            pltpu.VMEM((D,), jnp.float32),
            pltpu.VMEM((D,), jnp.float32),
            pltpu.VMEM((P,), jnp.int32),
            pltpu.VMEM((P,), jnp.int32),
            pltpu.VMEM((P,), jnp.float32),
            pltpu.VMEM((N_LABELS,), jnp.int32),
            pltpu.VMEM((LANES,), jnp.float32),
        ] + [pltpu.SemaphoreType.DMA] * 6,
    )(_sc_body)
    out = f(segment_center, outputs.transpose(0, 2, 1), label_inds)
    pull = jnp.float32(K) * jnp.sum(out[:, 0])
    push = jnp.sum(out[:, 1])
    return (pull + push) / jnp.float32(N_SEG * P)


def kernel(segment_center, outputs, label_inds):
    return _lmnn_sc(segment_center, outputs, label_inds)

# --- scband reference (transcript-rebuilt; emitter-appended) ---
"""Pipeline reference for scband-lmnnloss-sp-opt-7146825581135 (READ-ONLY COPY).

The authoritative reference and input builder live on the scoring server;
editing this copy changes nothing except your own understanding.
"""

import jax, jax.numpy as jnp
import numpy as np

N_SEG, P, D, K, N_LABELS = 64, 512, 64, 15, 16


def setup_inputs(seed: int = 0) -> dict:
    key = jax.random.key(seed)
    k1, k2, k3 = jax.random.split(key, 3)
    return {
        "segment_center": jax.random.normal(k1, (N_SEG, D), dtype=jnp.float32),
        "outputs": jax.random.normal(k2, (N_SEG, P, D), dtype=jnp.float32),
        "label_inds": jax.random.randint(k3, (N_SEG, P), 0, N_LABELS, dtype=jnp.int32),
    }


def _forward(segment_center, outputs, label_inds):
    n, p, d = outputs.shape
    labels = label_inds.reshape(n, p)
    # _select_targets: per-point squared distance to the segment center,
    # expanded over the pair axis and masked to same-label pairs, then top-k smallest.
    same = labels[:, :, None] == labels[:, None, :]
    dd = jnp.sum((segment_center[:, None, :] - outputs) ** 2, axis=-1)  # [n, p]
    ddE = jnp.broadcast_to(dd[:, :, None], (n, p, p))
    ddm = jnp.where(same, ddE, jnp.inf)
    _, target_neighbors = jax.lax.top_k(-ddm, K)  # smallest-k -> [n, p, K]
    # forward: squared distance of every point to its segment center -> [n, p, 1]
    distance = jnp.sum((outputs - segment_center[:, None, :]) ** 2, axis=-1, keepdims=True)
    # torch gather(2, target_neighbors) on a size-1 axis; JAX gather semantics clamp
    gathered = jnp.take_along_axis(distance, target_neighbors, axis=2, mode="clip")  # [n, p, K]
    furthest = jnp.max(gathered, axis=2, keepdims=True)
    margin_radii = 1.0 + furthest  # [n, p, 1]
    # _find_impostors
    diff = labels[:, :, None] != labels[:, None, :]
    idx_flat = target_neighbors.reshape(n, p * K)
    pts = jnp.take_along_axis(outputs, idx_flat[:, :, None], axis=1, mode="clip")  # [n, p*K, d]
    d2 = jnp.sum((segment_center[:, None, :] - pts) ** 2, axis=-1)  # [n, p*K]
    margin_radius = 1.0 + jnp.max(d2, axis=1)[:, None, None]  # [n, 1, 1]
    dist_b = jnp.broadcast_to(distance, (n, p, p))
    dist_masked = jnp.where(diff, dist_b, jnp.inf)
    imp_mask = dist_masked < margin_radius  # dense equivalent of nonzero() impostor list
    pull_loss = jnp.sum(gathered)
    push_terms = jnp.maximum(margin_radii - distance, 0.0)  # [n, p, 1]
    push_loss = jnp.sum(jnp.where(imp_mask, jnp.broadcast_to(push_terms, (n, p, p)), 0.0))
    return (pull_loss + push_loss) / (n * p)


def reference(segment_center, outputs, label_inds):
    return _forward(segment_center, outputs, label_inds)

if __name__ == "__main__":
    import jax
    _d = setup_inputs()
    print(jax.jit(kernel)(*tuple(_d.values())))

</pallas_src>

<mosaic_0001>
#map = affine_map<(d0, d1) -> (0, 0)>
#map1 = affine_map<(d0, d1) -> (0, 0, 0)>
module attributes {stable_mosaic.version = 14 : i64} {
  func.func @_sc_body(%arg0: i32, %arg1: i32, %arg2: memref<64x64xf32, #tpu.memory_space<hbm>>, %arg3: memref<64x64x512xf32, #tpu.memory_space<hbm>>, %arg4: memref<64x512xi32, #tpu.memory_space<hbm>>, %arg5: memref<32x16xf32, #tpu.memory_space<hbm>>, %arg6: memref<64x512xf32, #tpu.memory_space<vmem>>, %arg7: memref<64x512xf32, #tpu.memory_space<vmem>>, %arg8: memref<64xf32, #tpu.memory_space<vmem>>, %arg9: memref<64xf32, #tpu.memory_space<vmem>>, %arg10: memref<512xi32, #tpu.memory_space<vmem>>, %arg11: memref<512xi32, #tpu.memory_space<vmem>>, %arg12: memref<512xf32, #tpu.memory_space<vmem>>, %arg13: memref<16xi32, #tpu.memory_space<vmem>>, %arg14: memref<16xf32, #tpu.memory_space<vmem>>, %arg15: memref<!tpu.dma_semaphore, #tpu.memory_space<semaphore_mem>>, %arg16: memref<!tpu.dma_semaphore, #tpu.memory_space<semaphore_mem>>, %arg17: memref<!tpu.dma_semaphore, #tpu.memory_space<semaphore_mem>>, %arg18: memref<!tpu.dma_semaphore, #tpu.memory_space<semaphore_mem>>, %arg19: memref<!tpu.dma_semaphore, #tpu.memory_space<semaphore_mem>>, %arg20: memref<!tpu.dma_semaphore, #tpu.memory_space<semaphore_mem>>) attributes {dimension_semantics = [#tpu.dimension_semantics<core_parallel>, #tpu.dimension_semantics<subcore_parallel>], iteration_bounds = array<i64: 2, 16>, scalar_prefetch = 0 : i64, scratch_operands = 15 : i64, tpu.core_type = #tpu.core_type<sc_vector_subcore>, window_params = [{transform_indices = #map}, {transform_indices = #map1}, {transform_indices = #map}, {transform_indices = #map}]} {
    %mul3A = arith.constant 2 : i32
    %mul3A_0 = arith.muli %arg1, %mul3A : i32
    %add3A = arith.addi %mul3A_0, %arg0 : i32
    %iota3A = tpu.iota {dimensions = array<i32: 0>} : vector<16xi32>
    %mul3A_1 = arith.constant 2 : i32
    %mul3A_2 = arith.muli %add3A, %mul3A_1 : i32
    %dma_start3A = arith.constant 0 : i32
    %dma_start3A_3 = arith.constant 0 : i32
    %dma_start3A_4 = tpu.memref_slice %arg3[%mul3A_2, %dma_start3A, %dma_start3A_3] : memref<64x64x512xf32, #tpu.memory_space<hbm>> -> memref<1x64x512xf32, #tpu.memory_space<hbm>>
    %dma_start3A_5 = tpu.memref_squeeze %dma_start3A_4 : memref<1x64x512xf32, #tpu.memory_space<hbm>> -> memref<64x512xf32, #tpu.memory_space<hbm>>
    %dma_start3A_6 = arith.constant 0 : i32
    %dma_start3A_7 = arith.constant 0 : i32
    %dma_start3A_8 = tpu.memref_slice %arg3[%mul3A_2, %dma_start3A_6, %dma_start3A_7] : memref<64x64x512xf32, #tpu.memory_space<hbm>> -> memref<1x64x512xf32, #tpu.memory_space<hbm>>
    %dma_start3A_9 = tpu.memref_squeeze %dma_start3A_8 : memref<1x64x512xf32, #tpu.memory_space<hbm>> -> memref<64x512xf32, #tpu.memory_space<hbm>>
    tpu.enqueue_dma source(%dma_start3A_9 : memref<64x512xf32, #tpu.memory_space<hbm>>) target(%arg6 : memref<64x512xf32, #tpu.memory_space<vmem>>) target_semaphore(%arg15 : memref<!tpu.dma_semaphore, #tpu.memory_space<semaphore_mem>>)
    %add3A_10 = arith.constant 1 : i32
    %add3A_11 = arith.addi %mul3A_2, %add3A_10 : i32
    %dma_start3A_12 = arith.constant 0 : i32
    %dma_start3A_13 = arith.constant 0 : i32
    %dma_start3A_14 = tpu.memref_slice %arg3[%add3A_11, %dma_start3A_12, %dma_start3A_13] : memref<64x64x512xf32, #tpu.memory_space<hbm>> -> memref<1x64x512xf32, #tpu.memory_space<hbm>>
    %dma_start3A_15 = tpu.memref_squeeze %dma_start3A_14 : memref<1x64x512xf32, #tpu.memory_space<hbm>> -> memref<64x512xf32, #tpu.memory_space<hbm>>
    %dma_start3A_16 = arith.constant 0 : i32
    %dma_start3A_17 = arith.constant 0 : i32
    %dma_start3A_18 = tpu.memref_slice %arg3[%add3A_11, %dma_start3A_16, %dma_start3A_17] : memref<64x64x512xf32, #tpu.memory_space<hbm>> -> memref<1x64x512xf32, #tpu.memory_space<hbm>>
    %dma_start3A_19 = tpu.memref_squeeze %dma_start3A_18 : memref<1x64x512xf32, #tpu.memory_space<hbm>> -> memref<64x512xf32, #tpu.memory_space<hbm>>
    tpu.enqueue_dma source(%dma_start3A_19 : memref<64x512xf32, #tpu.memory_space<hbm>>) target(%arg7 : memref<64x512xf32, #tpu.memory_space<vmem>>) target_semaphore(%arg16 : memref<!tpu.dma_semaphore, #tpu.memory_space<semaphore_mem>>)
    %dma_start3A_20 = arith.constant 0 : i32
    %dma_start3A_21 = tpu.memref_slice %arg2[%mul3A_2, %dma_start3A_20] : memref<64x64xf32, #tpu.memory_space<hbm>> -> memref<1x64xf32, #tpu.memory_space<hbm>>
    %dma_start3A_22 = tpu.memref_squeeze %dma_start3A_21 : memref<1x64xf32, #tpu.memory_space<hbm>> -> memref<64xf32, #tpu.memory_space<hbm>>
    %dma_start3A_23 = arith.constant 0 : i32
    %dma_start3A_24 = tpu.memref_slice %arg2[%mul3A_2, %dma_start3A_23] : memref<64x64xf32, #tpu.memory_space<hbm>> -> memref<1x64xf32, #tpu.memory_space<hbm>>
    %dma_start3A_25 = tpu.memref_squeeze %dma_start3A_24 : memref<1x64xf32, #tpu.memory_space<hbm>> -> memref<64xf32, #tpu.memory_space<hbm>>
    tpu.enqueue_dma source(%dma_start3A_25 : memref<64xf32, #tpu.memory_space<hbm>>) target(%arg8 : memref<64xf32, #tpu.memory_space<vmem>>) target_semaphore(%arg17 : memref<!tpu.dma_semaphore, #tpu.memory_space<semaphore_mem>>)
    %add3A_26 = arith.constant 1 : i32
    %add3A_27 = arith.addi %mul3A_2, %add3A_26 : i32
    %dma_start3A_28 = arith.constant 0 : i32
    %dma_start3A_29 = tpu.memref_slice %arg2[%add3A_27, %dma_start3A_28] : memref<64x64xf32, #tpu.memory_space<hbm>> -> memref<1x64xf32, #tpu.memory_space<hbm>>
    %dma_start3A_30 = tpu.memref_squeeze %dma_start3A_29 : memref<1x64xf32, #tpu.memory_space<hbm>> -> memref<64xf32, #tpu.memory_space<hbm>>
    %dma_start3A_31 = arith.constant 0 : i32
    %dma_start3A_32 = tpu.memref_slice %arg2[%add3A_27, %dma_start3A_31] : memref<64x64xf32, #tpu.memory_space<hbm>> -> memref<1x64xf32, #tpu.memory_space<hbm>>
    %dma_start3A_33 = tpu.memref_squeeze %dma_start3A_32 : memref<1x64xf32, #tpu.memory_space<hbm>> -> memref<64xf32, #tpu.memory_space<hbm>>
    tpu.enqueue_dma source(%dma_start3A_33 : memref<64xf32, #tpu.memory_space<hbm>>) target(%arg9 : memref<64xf32, #tpu.memory_space<vmem>>) target_semaphore(%arg18 : memref<!tpu.dma_semaphore, #tpu.memory_space<semaphore_mem>>)
    %dma_start3A_34 = arith.constant 0 : i32
    %dma_start3A_35 = tpu.memref_slice %arg4[%mul3A_2, %dma_start3A_34] : memref<64x512xi32, #tpu.memory_space<hbm>> -> memref<1x512xi32, #tpu.memory_space<hbm>>
    %dma_start3A_36 = tpu.memref_squeeze %dma_start3A_35 : memref<1x512xi32, #tpu.memory_space<hbm>> -> memref<512xi32, #tpu.memory_space<hbm>>
    %dma_start3A_37 = arith.constant 0 : i32
    %dma_start3A_38 = tpu.memref_slice %arg4[%mul3A_2, %dma_start3A_37] : memref<64x512xi32, #tpu.memory_space<hbm>> -> memref<1x512xi32, #tpu.memory_space<hbm>>
    %dma_start3A_39 = tpu.memref_squeeze %dma_start3A_38 : memref<1x512xi32, #tpu.memory_space<hbm>> -> memref<512xi32, #tpu.memory_space<hbm>>
    tpu.enqueue_dma source(%dma_start3A_39 : memref<512xi32, #tpu.memory_space<hbm>>) target(%arg10 : memref<512xi32, #tpu.memory_space<vmem>>) target_semaphore(%arg19 : memref<!tpu.dma_semaphore, #tpu.memory_space<semaphore_mem>>)
    %add3A_40 = arith.constant 1 : i32
    %add3A_41 = arith.addi %mul3A_2, %add3A_40 : i32
    %dma_start3A_42 = arith.constant 0 : i32
    %dma_start3A_43 = tpu.memref_slice %arg4[%add3A_41, %dma_start3A_42] : memref<64x512xi32, #tpu.memory_space<hbm>> -> memref<1x512xi32, #tpu.memory_space<hbm>>
    %dma_start3A_44 = tpu.memref_squeeze %dma_start3A_43 : memref<1x512xi32, #tpu.memory_space<hbm>> -> memref<512xi32, #tpu.memory_space<hbm>>
    %dma_start3A_45 = arith.constant 0 : i32
    %dma_start3A_46 = tpu.memref_slice %arg4[%add3A_41, %dma_start3A_45] : memref<64x512xi32, #tpu.memory_space<hbm>> -> memref<1x512xi32, #tpu.memory_space<hbm>>
    %dma_start3A_47 = tpu.memref_squeeze %dma_start3A_46 : memref<1x512xi32, #tpu.memory_space<hbm>> -> memref<512xi32, #tpu.memory_space<hbm>>
    tpu.enqueue_dma source(%dma_start3A_47 : memref<512xi32, #tpu.memory_space<hbm>>) target(%arg11 : memref<512xi32, #tpu.memory_space<vmem>>) target_semaphore(%arg20 : memref<!tpu.dma_semaphore, #tpu.memory_space<semaphore_mem>>)
    %dma_wait3A = arith.constant 0 : i32
    %dma_wait3A_48 = arith.constant 0 : i32
    %dma_wait3A_49 = tpu.memref_slice %arg3[%mul3A_2, %dma_wait3A, %dma_wait3A_48] : memref<64x64x512xf32, #tpu.memory_space<hbm>> -> memref<1x64x512xf32, #tpu.memory_space<hbm>>
    %dma_wait3A_50 = tpu.memref_squeeze %dma_wait3A_49 : memref<1x64x512xf32, #tpu.memory_space<hbm>> -> memref<64x512xf32, #tpu.memory_space<hbm>>
    %dma_wait3A_51 = arith.constant 0 : i32
    %dma_wait3A_52 = arith.constant 0 : i32
    %dma_wait3A_53 = tpu.memref_slice %arg3[%mul3A_2, %dma_wait3A_51, %dma_wait3A_52] : memref<64x64x512xf32, #tpu.memory_space<hbm>> -> memref<1x64x512xf32, #tpu.memory_space<hbm>>
    %dma_wait3A_54 = tpu.memref_squeeze %dma_wait3A_53 : memref<1x64x512xf32, #tpu.memory_space<hbm>> -> memref<64x512xf32, #tpu.memory_space<hbm>>
    tpu.wait_dma2 semaphore(%arg15 : memref<!tpu.dma_semaphore, #tpu.memory_space<semaphore_mem>>) src(%dma_wait3A_54 : memref<64x512xf32, #tpu.memory_space<hbm>>) dst(%arg6 : memref<64x512xf32, #tpu.memory_space<vmem>>)
    %dma_wait3A_55 = arith.constant 0 : i32
    %dma_wait3A_56 = tpu.memref_slice %arg2[%mul3A_2, %dma_wait3A_55] : memref<64x64xf32, #tpu.memory_space<hbm>> -> memref<1x64xf32, #tpu.memory_space<hbm>>
    %dma_wait3A_57 = tpu.memref_squeeze %dma_wait3A_56 : memref<1x64xf32, #tpu.memory_space<hbm>> -> memref<64xf32, #tpu.memory_space<hbm>>
    %dma_wait3A_58 = arith.constant 0 : i32
    %dma_wait3A_59 = tpu.memref_slice %arg2[%mul3A_2, %dma_wait3A_58] : memref<64x64xf32, #tpu.memory_space<hbm>> -> memref<1x64xf32, #tpu.memory_space<hbm>>
    %dma_wait3A_60 = tpu.memref_squeeze %dma_wait3A_59 : memref<1x64xf32, #tpu.memory_space<hbm>> -> memref<64xf32, #tpu.memory_space<hbm>>
    tpu.wait_dma2 semaphore(%arg17 : memref<!tpu.dma_semaphore, #tpu.memory_space<semaphore_mem>>) src(%dma_wait3A_60 : memref<64xf32, #tpu.memory_space<hbm>>) dst(%arg8 : memref<64xf32, #tpu.memory_space<vmem>>)
    %dma_wait3A_61 = arith.constant 0 : i32
    %dma_wait3A_62 = tpu.memref_slice %arg4[%mul3A_2, %dma_wait3A_61] : memref<64x512xi32, #tpu.memory_space<hbm>> -> memref<1x512xi32, #tpu.memory_space<hbm>>
    %dma_wait3A_63 = tpu.memref_squeeze %dma_wait3A_62 : memref<1x512xi32, #tpu.memory_space<hbm>> -> memref<512xi32, #tpu.memory_space<hbm>>
    %dma_wait3A_64 = arith.constant 0 : i32
    %dma_wait3A_65 = tpu.memref_slice %arg4[%mul3A_2, %dma_wait3A_64] : memref<64x512xi32, #tpu.memory_space<hbm>> -> memref<1x512xi32, #tpu.memory_space<hbm>>
    %dma_wait3A_66 = tpu.memref_squeeze %dma_wait3A_65 : memref<1x512xi32, #tpu.memory_space<hbm>> -> memref<512xi32, #tpu.memory_space<hbm>>
    tpu.wait_dma2 semaphore(%arg19 : memref<!tpu.dma_semaphore, #tpu.memory_space<semaphore_mem>>) src(%dma_wait3A_66 : memref<512xi32, #tpu.memory_space<hbm>>) dst(%arg10 : memref<512xi32, #tpu.memory_space<vmem>>)
    %get3A = arith.constant 0 : index
    %get3A_67 = tpu.vector_load %arg8[%get3A] {strides = array<i32>} : memref<64xf32, #tpu.memory_space<vmem>>, vector<16xf32>,
    %get3A_68 = arith.constant 16 : index
    %get3A_69 = tpu.vector_load %arg8[%get3A_68] {strides = array<i32>} : memref<64xf32, #tpu.memory_space<vmem>>, vector<16xf32>,
    %get3A_70 = arith.constant 32 : index
    %get3A_71 = tpu.vector_load %arg8[%get3A_70] {strides = array<i32>} : memref<64xf32, #tpu.memory_space<vmem>>, vector<16xf32>,
    %get3A_72 = arith.constant 48 : index
    %get3A_73 = tpu.vector_load %arg8[%get3A_72] {strides = array<i32>} : memref<64xf32, #tpu.memory_space<vmem>>, vector<16xf32>,
    %broadcast_in_dim3A = arith.constant 0 : i32
    %broadcast_in_dim3A_74 = vector.broadcast %broadcast_in_dim3A : i32 to vector<16xi32>
    %broadcast_in_dim3A_75 = arith.constant 0xFF800000 : f32
    %broadcast_in_dim3A_76 = vector.broadcast %broadcast_in_dim3A_75 : f32 to vector<16xf32>
    %broadcast_in_dim3A_77 = arith.constant 0.000000e+00 : f32
    %broadcast_in_dim3A_78 = vector.broadcast %broadcast_in_dim3A_77 : f32 to vector<16xf32>
    %scan3A = arith.constant 0 : i32
    %scan3A_79 = arith.constant 16 : i32
    %scan3A_80 = arith.addi %scan3A, %scan3A_79 : i32
    %scan3A_81 = arith.constant 1 : i32
    %scan3A_82:3 = scf.for %scan3A_630 = %scan3A to %scan3A_80 step %scan3A_81 iter_args(%scan3A_631 = %broadcast_in_dim3A_74, %scan3A_632 = %broadcast_in_dim3A_76, %scan3A_633 = %broadcast_in_dim3A_78) -> (vector<16xi32>, vector<16xf32>, vector<16xf32>)  : i32 {
      %mul3A_634 = arith.constant 32 : i32
      %mul3A_635 = arith.muli %scan3A_630, %mul3A_634 : i32
      %broadcast_in_dim3A_636 = arith.constant 0.000000e+00 : f32
      %broadcast_in_dim3A_637 = vector.broadcast %broadcast_in_dim3A_636 : f32 to vector<16xf32>
      %get3A_638 = arith.constant 0 : i32
      %get3A_639 = arith.index_cast %get3A_638 : i32 to index
      %get3A_640 = arith.index_cast %mul3A_635 : i32 to index
      %get3A_641 = tpu.vector_load %arg6[%get3A_639, %get3A_640] {strides = array<i32>} : memref<64x512xf32, #tpu.memory_space<vmem>>, vector<16xf32>,
      %slice3A_642 = vector.extract_strided_slice %get3A_67 {offsets = [0], sizes = [1], strides = [1]} : vector<16xf32> to vector<1xf32>
      %squeeze3A_643 = vector.extract %slice3A_642[0] : f32 from vector<1xf32>
      %sub3A_644 = vector.broadcast %squeeze3A_643 : f32 to vector<16xf32>
      %sub3A_645 = arith.subf %get3A_641, %sub3A_644 : vector<16xf32>
      %mul3A_646 = arith.mulf %sub3A_645, %sub3A_645 : vector<16xf32>
      %add3A_647 = arith.addf %broadcast_in_dim3A_637, %mul3A_646 : vector<16xf32>
      %get3A_648 = arith.constant 1 : i32
      %get3A_649 = arith.index_cast %get3A_648 : i32 to index
      %get3A_650 = arith.index_cast %mul3A_635 : i32 to index
      %get3A_651 = tpu.vector_load %arg6[%get3A_649, %get3A_650] {strides = array<i32>} : memref<64x512xf32, #tpu.memory_space<vmem>>, vector<16xf32>,
      %slice3A_652 = vector.extract_strided_slice %get3A_67 {offsets = [1], sizes = [1], strides = [1]} : vector<16xf32> to vector<1xf32>
      %squeeze3A_653 = vector.extract %slice3A_652[0] : f32 from vector<1xf32>
      %sub3A_654 = vector.broadcast %squeeze3A_653 : f32 to vector<16xf32>
      %sub3A_655 = arith.subf %get3A_651, %sub3A_654 : vector<16xf32>
      %mul3A_656 = arith.mulf %sub3A_655, %sub3A_655 : vector<16xf32>
      %add3A_657 = arith.addf %add3A_647, %mul3A_656 : vector<16xf32>
      %get3A_658 = arith.constant 2 : i32
      %get3A_659 = arith.index_cast %get3A_658 : i32 to index
      %get3A_660 = arith.index_cast %mul3A_635 : i32 to index
      %get3A_661 = tpu.vector_load %arg6[%get3A_659, %get3A_660] {strides = array<i32>} : memref<64x512xf32, #tpu.memory_space<vmem>>, vector<16xf32>,
      %slice3A_662 = vector.extract_strided_slice %get3A_67 {offsets = [2], sizes = [1], strides = [1]} : vector<16xf32> to vector<1xf32>
      %squeeze3A_663 = vector.extract %slice3A_662[0] : f32 from vector<1xf32>
      %sub3A_664 = vector.broadcast %squeeze3A_663 : f32 to vector<16xf32>
      %sub3A_665 = arith.subf %get3A_661, %sub3A_664 : vector<16xf32>
      %mul3A_666 = arith.mulf %sub3A_665, %sub3A_665 : vector<16xf32>
      %add3A_667 = arith.addf %add3A_657, %mul3A_666 : vector<16xf32>
      %get3A_668 = arith.constant 3 : i32
      %get3A_669 = arith.index_cast %get3A_668 : i32 to index
      %get3A_670 = arith.index_cast %mul3A_635 : i32 to index
      %get3A_671 = tpu.vector_load %arg6[%get3A_669, %get3A_670] {strides = array<i32>} : memref<64x512xf32, #tpu.memory_space<vmem>>, vector<16xf32>,
      %slice3A_672 = vector.extract_strided_slice %get3A_67 {offsets = [3], sizes = [1], strides = [1]} : vector<16xf32> to vector<1xf32>
      %squeeze3A_673 = vector.extract %slice3A_672[0] : f32 from vector<1xf32>
      %sub3A_674 = vector.broadcast %squeeze3A_673 : f32 to vector<16xf32>
      %sub3A_675 = arith.subf %get3A_671, %sub3A_674 : vector<16xf32>
      %mul3A_676 = arith.mulf %sub3A_675, %sub3A_675 : vector<16xf32>
      %add3A_677 = arith.addf %add3A_667, %mul3A_676 : vector<16xf32>
      %get3A_678 = arith.constant 4 : i32
      %get3A_679 = arith.index_cast %get3A_678 : i32 to index
      %get3A_680 = arith.index_cast %mul3A_635 : i32 to index
      %get3A_681 = tpu.vector_load %arg6[%get3A_679, %get3A_680] {strides = array<i32>} : memref<64x512xf32, #tpu.memory_space<vmem>>, vector<16xf32>,
      %slice3A_682 = vector.extract_strided_slice %get3A_67 {offsets = [4], sizes = [1], strides = [1]} : vector<16xf32> to vector<1xf32>
      %squeeze3A_683 = vector.extract %slice3A_682[0] : f32 from vector<1xf32>
      %sub3A_684 = vector.broadcast %squeeze3A_683 : f32 to vector<16xf32>
      %sub3A_685 = arith.subf %get3A_681, %sub3A_684 : vector<16xf32>
      %mul3A_686 = arith.mulf %sub3A_685, %sub3A_685 : vector<16xf32>
      %add3A_687 = arith.addf %add3A_677, %mul3A_686 : vector<16xf32>
      %get3A_688 = arith.constant 5 : i32
      %get3A_689 = arith.index_cast %get3A_688 : i32 to index
      %get3A_690 = arith.index_cast %mul3A_635 : i32 to index
      %get3A_691 = tpu.vector_load %arg6[%get3A_689, %get3A_690] {strides = array<i32>} : memref<64x512xf32, #tpu.memory_space<vmem>>, vector<16xf32>,
      %slice3A_692 = vector.extract_strided_slice %get3A_67 {offsets = [5], sizes = [1], strides = [1]} : vector<16xf32> to vector<1xf32>
      %squeeze3A_693 = vector.extract %slice3A_692[0] : f32 from vector<1xf32>
      %sub3A_694 = vector.broadcast %squeeze3A_693 : f32 to vector<16xf32>
      %sub3A_695 = arith.subf %get3A_691, %sub3A_694 : vector<16xf32>
      %mul3A_696 = arith.mulf %sub3A_695, %sub3A_695 : vector<16xf32>
      %add3A_697 = arith.addf %add3A_687, %mul3A_696 : vector<16xf32>
      %get3A_698 = arith.constant 6 : i32
      %get3A_699 = arith.index_cast %get3A_698 : i32 to index
      %get3A_700 = arith.index_cast %mul3A_635 : i32 to index
      %get3A_701 = tpu.vector_load %arg6[%get3A_699, %get3A_700] {strides = array<i32>} : memref<64x512xf32, #tpu.memory_space<vmem>>, vector<16xf32>,
      %slice3A_702 = vector.extract_strided_slice %get3A_67 {offsets = [6], sizes = [1], strides = [1]} : vector<16xf32> to vector<1xf32>
      %squeeze3A_703 = vector.extract %slice3A_702[0] : f32 from vector<1xf32>
      %sub3A_704 = vector.broadcast %squeeze3A_703 : f32 to vector<16xf32>
      %sub3A_705 = arith.subf %get3A_701, %sub3A_704 : vector<16xf32>
      %mul3A_706 = arith.mulf %sub3A_705, %sub3A_705 : vector<16xf32>
      %add3A_707 = arith.addf %add3A_697, %mul3A_706 : vector<16xf32>
      %get3A_708 = arith.constant 7 : i32
      %get3A_709 = arith.index_cast %get3A_708 : i32 to index
      %get3A_710 = arith.index_cast %mul3A_635 : i32 to index
      %get3A_711 = tpu.vector_load %arg6[%get3A_709, %get3A_710] {strides = array<i32>} : memref<64x512xf32, #tpu.memory_space<vmem>>, vector<16xf32>,
      %slice3A_712 = vector.extract_strided_slice %get3A_67 {offsets = [7], sizes = [1], strides = [1]} : vector<16xf32> to vector<1xf32>
      %squeeze3A_713 = vector.extract %slice3A_712[0] : f32 from vector<1xf32>
      %sub3A_714 = vector.broadcast %squeeze3A_713 : f32 to vector<16xf32>
      %sub3A_715 = arith.subf %get3A_711, %sub3A_714 : vector<16xf32>
      %mul3A_716 = arith.mulf %sub3A_715, %sub3A_715 : vector<16xf32>
      %add3A_717 = arith.addf %add3A_707, %mul3A_716 : vector<16xf32>
      %get3A_718 = arith.constant 8 : i32
      %get3A_719 = arith.index_cast %get3A_718 : i32 to index
      %get3A_720 = arith.index_cast %mul3A_635 : i32 to index
      %get3A_721 = tpu.vector_load %arg6[%get3A_719, %get3A_720] {strides = array<i32>} : memref<64x512xf32, #tpu.memory_space<vmem>>, vector<16xf32>,
      %slice3A_722 = vector.extract_strided_slice %get3A_67 {offsets = [8], sizes = [1], strides = [1]} : vector<16xf32> to vector<1xf32>
      %squeeze3A_723 = vector.extract %slice3A_722[0] : f32 from vector<1xf32>
      %sub3A_724 = vector.broadcast %squeeze3A_723 : f32 to vector<16xf32>
      %sub3A_725 = arith.subf %get3A_721, %sub3A_724 : vector<16xf32>
      %mul3A_726 = arith.mulf %sub3A_725, %sub3A_725 : vector<16xf32>
      %add3A_727 = arith.addf %add3A_717, %mul3A_726 : vector<16xf32>
      %get3A_728 = arith.constant 9 : i32
      %get3A_729 = arith.index_cast %get3A_728 : i32 to index
      %get3A_730 = arith.index_cast %mul3A_635 : i32 to index
      %get3A_731 = tpu.vector_load %arg6[%get3A_729, %get3A_730] {strides = array<i32>} : memref<64x512xf32, #tpu.memory_space<vmem>>, vector<16xf32>,
      %slice3A_732 = vector.extract_strided_slice %get3A_67 {offsets = [9], sizes = [1], strides = [1]} : vector<16xf32> to vector<1xf32>
      %squeeze3A_733 = vector.extract %slice3A_732[0] : f32 from vector<1xf32>
      %sub3A_734 = vector.broadcast %squeeze3A_733 : f32 to vector<16xf32>
      %sub3A_735 = arith.subf %get3A_731, %sub3A_734 : vector<16xf32>
      %mul3A_736 = arith.mulf %sub3A_735, %sub3A_735 : vector<16xf32>
      %add3A_737 = arith.addf %add3A_727, %mul3A_736 : vector<16xf32>
      %get3A_738 = arith.constant 10 : i32
      %get3A_739 = arith.index_cast %get3A_738 : i32 to index
      %get3A_740 = arith.index_cast %mul3A_635 : i32 to index
      %get3A_741 = tpu.vector_load %arg6[%get3A_739, %get3A_740] {strides = array<i32>} : memref<64x512xf32, #tpu.memory_space<vmem>>, vector<16xf32>,
      %slice3A_742 = vector.extract_strided_slice %get3A_67 {offsets = [10], sizes = [1], strides = [1]} : vector<16xf32> to vector<1xf32>
      %squeeze3A_743 = vector.extract %slice3A_742[0] : f32 from vector<1xf32>
      %sub3A_744 = vector.broadcast %squeeze3A_743 : f32 to vector<16xf32>
      %sub3A_745 = arith.subf %get3A_741, %sub3A_744 : vector<16xf32>
      %mul3A_746 = arith.mulf %sub3A_745, %sub3A_745 : vector<16xf32>
      %add3A_747 = arith.addf %add3A_737, %mul3A_746 : vector<16xf32>
      %get3A_748 = arith.constant 11 : i32
      %get3A_749 = arith.index_cast %get3A_748 : i32 to index
      %get3A_750 = arith.index_cast %mul3A_635 : i32 to index
      %get3A_751 = tpu.vector_load %arg6[%get3A_749, %get3A_750] {strides = array<i32>} : memref<64x512xf32, #tpu.memory_space<vmem>>, vector<16xf32>,
      %slice3A_752 = vector.extract_strided_slice %get3A_67 {offsets = [11], sizes = [1], strides = [1]} : vector<16xf32> to vector<1xf32>
      %squeeze3A_753 = vector.extract %slice3A_752[0] : f32 from vector<1xf32>
      %sub3A_754 = vector.broadcast %squeeze3A_753 : f32 to vector<16xf32>
      %sub3A_755 = arith.subf %get3A_751, %sub3A_754 : vector<16xf32>
      %mul3A_756 = arith.mulf %sub3A_755, %sub3A_755 : vector<16xf32>
      %add3A_757 = arith.addf %add3A_747, %mul3A_756 : vector<16xf32>
      %get3A_758 = arith.constant 12 : i32
      %get3A_759 = arith.index_cast %get3A_758 : i32 to index
      %get3A_760 = arith.index_cast %mul3A_635 : i32 to index
      %get3A_761 = tpu.vector_load %arg6[%get3A_759, %get3A_760] {strides = array<i32>} : memref<64x512xf32, #tpu.memory_space<vmem>>, vector<16xf32>,
      %slice3A_762 = vector.extract_strided_slice %get3A_67 {offsets = [12], sizes = [1], strides = [1]} : vector<16xf32> to vector<1xf32>
      %squeeze3A_763 = vector.extract %slice3A_762[0] : f32 from vector<1xf32>
      %sub3A_764 = vector.broadcast %squeeze3A_763 : f32 to vector<16xf32>
      %sub3A_765 = arith.subf %get3A_761, %sub3A_764 : vector<16xf32>
      %mul3A_766 = arith.mulf %sub3A_765, %sub3A_765 : vector<16xf32>
      %add3A_767 = arith.addf %add3A_757, %mul3A_766 : vector<16xf32>
      %get3A_768 = arith.constant 13 : i32
      %get3A_769 = arith.index_cast %get3A_768 : i32 to index
      %get3A_770 = arith.index_cast %mul3A_635 : i32 to index
      %get3A_771 = tpu.vector_load %arg6[%get3A_769, %get3A_770] {strides = array<i32>} : memref<64x512xf32, #tpu.memory_space<vmem>>, vector<16xf32>,
      %slice3A_772 = vector.extract_strided_slice %get3A_67 {offsets = [13], sizes = [1], strides = [1]} : vector<16xf32> to vector<1xf32>
      %squeeze3A_773 = vector.extract %slice3A_772[0] : f32 from vector<1xf32>
      %sub3A_774 = vector.broadcast %squeeze3A_773 : f32 to vector<16xf32>
      %sub3A_775 = arith.subf %get3A_771, %sub3A_774 : vector<16xf32>
      %mul3A_776 = arith.mulf %sub3A_775, %sub3A_775 : vector<16xf32>
      %add3A_777 = arith.addf %add3A_767, %mul3A_776 : vector<16xf32>
      %get3A_778 = arith.constant 14 : i32
      %get3A_779 = arith.index_cast %get3A_778 : i32 to index
      %get3A_780 = arith.index_cast %mul3A_635 : i32 to index
      %get3A_781 = tpu.vector_load %arg6[%get3A_779, %get3A_780] {strides = array<i32>} : memref<64x512xf32, #tpu.memory_space<vmem>>, vector<16xf32>,
      %slice3A_782 = vector.extract_strided_slice %get3A_67 {offsets = [14], sizes = [1], strides = [1]} : vector<16xf32> to vector<1xf32>
      %squeeze3A_783 = vector.extract %slice3A_782[0] : f32 from vector<1xf32>
      %sub3A_784 = vector.broadcast %squeeze3A_783 : f32 to vector<16xf32>
      %sub3A_785 = arith.subf %get3A_781, %sub3A_784 : vector<16xf32>
      %mul3A_786 = arith.mulf %sub3A_785, %sub3A_785 : vector<16xf32>
      %add3A_787 = arith.addf %add3A_777, %mul3A_786 : vector<16xf32>
      %get3A_788 = arith.constant 15 : i32
      %get3A_789 = arith.index_cast %get3A_788 : i32 to index
      %get3A_790 = arith.index_cast %mul3A_635 : i32 to index
      %get3A_791 = tpu.vector_load %arg6[%get3A_789, %get3A_790] {strides = array<i32>} : memref<64x512xf32, #tpu.memory_space<vmem>>, vector<16xf32>,
      %slice3A_792 = vector.extract_strided_slice %get3A_67 {offsets = [15], sizes = [1], strides = [1]} : vector<16xf32> to vector<1xf32>
      %squeeze3A_793 = vector.extract %slice3A_792[0] : f32 from vector<1xf32>
      %sub3A_794 = vector.broadcast %squeeze3A_793 : f32 to vector<16xf32>
      %sub3A_795 = arith.subf %get3A_791, %sub3A_794 : vector<16xf32>
      %mul3A_796 = arith.mulf %sub3A_795, %sub3A_795 : vector<16xf32>
      %add3A_797 = arith.addf %add3A_787, %mul3A_796 : vector<16xf32>
      %get3A_798 = arith.constant 16 : i32
      %get3A_799 = arith.index_cast %get3A_798 : i32 to index
      %get3A_800 = arith.index_cast %mul3A_635 : i32 to index
      %get3A_801 = tpu.vector_load %arg6[%get3A_799, %get3A_800] {strides = array<i32>} : memref<64x512xf32, #tpu.memory_space<vmem>>, vector<16xf32>,
      %slice3A_802 = vector.extract_strided_slice %get3A_69 {offsets = [0], sizes = [1], strides = [1]} : vector<16xf32> to vector<1xf32>
      %squeeze3A_803 = vector.extract %slice3A_802[0] : f32 from vector<1xf32>
      %sub3A_804 = vector.broadcast %squeeze3A_803 : f32 to vector<16xf32>
      %sub3A_805 = arith.subf %get3A_801, %sub3A_804 : vector<16xf32>
      %mul3A_806 = arith.mulf %sub3A_805, %sub3A_805 : vector<16xf32>
      %add3A_807 = arith.addf %add3A_797, %mul3A_806 : vector<16xf32>
      %get3A_808 = arith.constant 17 : i32
      %get3A_809 = arith.index_cast %get3A_808 : i32 to index
      %get3A_810 = arith.index_cast %mul3A_635 : i32 to index
      %get3A_811 = tpu.vector_load %arg6[%get3A_809, %get3A_810] {strides = array<i32>} : memref<64x512xf32, #tpu.memory_space<vmem>>, vector<16xf32>,
      %slice3A_812 = vector.extract_strided_slice %get3A_69 {offsets = [1], sizes = [1], strides = [1]} : vector<16xf32> to vector<1xf32>
      %squeeze3A_813 = vector.extract %slice3A_812[0] : f32 from vector<1xf32>
      %sub3A_814 = vector.broadcast %squeeze3A_813 : f32 to vector<16xf32>
      %sub3A_815 = arith.subf %get3A_811, %sub3A_814 : vector<16xf32>
      %mul3A_816 = arith.mulf %sub3A_815, %sub3A_815 : vector<16xf32>
      %add3A_817 = arith.addf %add3A_807, %mul3A_816 : vector<16xf32>
      %get3A_818 = arith.constant 18 : i32
      %get3A_819 = arith.index_cast %get3A_818 : i32 to index
      %get3A_820 = arith.index_cast %mul3A_635 : i32 to index
      %get3A_821 = tpu.vector_load %arg6[%get3A_819, %get3A_820] {strides = array<i32>} : memref<64x512xf32, #tpu.memory_space<vmem>>, vector<16xf32>,
      %slice3A_822 = vector.extract_strided_slice %get3A_69 {offsets = [2], sizes = [1], strides = [1]} : vector<16xf32> to vector<1xf32>
      %squeeze3A_823 = vector.extract %slice3A_822[0] : f32 from vector<1xf32>
      %sub3A_824 = vector.broadcast %squeeze3A_823 : f32 to vector<16xf32>
      %sub3A_825 = arith.subf %get3A_821, %sub3A_824 : vector<16xf32>
      %mul3A_826 = arith.mulf %sub3A_825, %sub3A_825 : vector<16xf32>
      %add3A_827 = arith.addf %add3A_817, %mul3A_826 : vector<16xf32>
      %get3A_828 = arith.constant 19 : i32
      %get3A_829 = arith.index_cast %get3A_828 : i32 to index
      %get3A_830 = arith.index_cast %mul3A_635 : i32 to index
      %get3A_831 = tpu.vector_load %arg6[%get3A_829, %get3A_830] {strides = array<i32>} : memref<64x512xf32, #tpu.memory_space<vmem>>, vector<16xf32>,
      %slice3A_832 = vector.extract_strided_slice %get3A_69 {offsets = [3], sizes = [1], strides = [1]} : vector<16xf32> to vector<1xf32>
      %squeeze3A_833 = vector.extract %slice3A_832[0] : f32 from vector<1xf32>
      %sub3A_834 = vector.broadcast %squeeze3A_833 : f32 to vector<16xf32>
      %sub3A_835 = arith.subf %get3A_831, %sub3A_834 : vector<16xf32>
      %mul3A_836 = arith.mulf %sub3A_835, %sub3A_835 : vector<16xf32>
      %add3A_837 = arith.addf %add3A_827, %mul3A_836 : vector<16xf32>
      %get3A_838 = arith.constant 20 : i32
      %get3A_839 = arith.index_cast %get3A_838 : i32 to index
      %get3A_840 = arith.index_cast %mul3A_635 : i32 to index
      %get3A_841 = tpu.vector_load %arg6[%get3A_839, %get3A_840] {strides = array<i32>} : memref<64x512xf32, #tpu.memory_space<vmem>>, vector<16xf32>,
      %slice3A_842 = vector.extract_strided_slice %get3A_69 {offsets = [4], sizes = [1], strides = [1]} : vector<16xf32> to vector<1xf32>
      %squeeze3A_843 = vector.extract %slice3A_842[0] : f32 from vector<1xf32>
      %sub3A_844 = vector.broadcast %squeeze3A_843 : f32 to vector<16xf32>
      %sub3A_845 = arith.subf %get3A_841, %sub3A_844 : vector<16xf32>
      %mul3A_846 = arith.mulf %sub3A_845, %sub3A_845 : vector<16xf32>
      %add3A_847 = arith.addf %add3A_837, %mul3A_846 : vector<16xf32>
      %get3A_848 = arith.constant 21 : i32
      %get3A_849 = arith.index_cast %get3A_848 : i32 to index
      %get3A_850 = arith.index_cast %mul3A_635 : i32 to index
      %get3A_851 = tpu.vector_load %arg6[%get3A_849, %get3A_850] {strides = array<i32>} : memref<64x512xf32, #tpu.memory_space<vmem>>, vector<16xf32>,
      %slice3A_852 = vector.extract_strided_slice %get3A_69 {offsets = [5], sizes = [1], strides = [1]} : vector<16xf32> to vector<1xf32>
      %squeeze3A_853 = vector.extract %slice3A_852[0] : f32 from vector<1xf32>
      %sub3A_854 = vector.broadcast %squeeze3A_853 : f32 to vector<16xf32>
      %sub3A_855 = arith.subf %get3A_851, %sub3A_854 : vector<16xf32>
      %mul3A_856 = arith.mulf %sub3A_855, %sub3A_855 : vector<16xf32>
      %add3A_857 = arith.addf %add3A_847, %mul3A_856 : vector<16xf32>
      %get3A_858 = arith.constant 22 : i32
      %get3A_859 = arith.index_cast %get3A_858 : i32 to index
      %get3A_860 = arith.index_cast %mul3A_635 : i32 to index
      %get3A_861 = tpu.vector_load %arg6[%get3A_859, %get3A_860] {strides = array<i32>} : memref<64x512xf32, #tpu.memory_space<vmem>>, vector<16xf32>,
      %slice3A_862 = vector.extract_strided_slice %get3A_69 {offsets = [6], sizes = [1], strides = [1]} : vector<16xf32> to vector<1xf32>
      %squeeze3A_863 = vector.extract %slice3A_862[0] : f32 from vector<1xf32>
      %sub3A_864 = vector.broadcast %squeeze3A_863 : f32 to vector<16xf32>
      %sub3A_865 = arith.subf %get3A_861, %sub3A_864 : vector<16xf32>
      %mul3A_866 = arith.mulf %sub3A_865, %sub3A_865 : vector<16xf32>
      %add3A_867 = arith.addf %add3A_857, %mul3A_866 : vector<16xf32>
      %get3A_868 = arith.constant 23 : i32
      %get3A_869 = arith.index_cast %get3A_868 : i32 to index
      %get3A_870 = arith.index_cast %mul3A_635 : i32 to index
      %get3A_871 = tpu.vector_load %arg6[%get3A_869, %get3A_870] {strides = array<i32>} : memref<64x512xf32, #tpu.memory_space<vmem>>, vector<16xf32>,
      %slice3A_872 = vector.extract_strided_slice %get3A_69 {offsets = [7], sizes = [1], strides = [1]} : vector<16xf32> to vector<1xf32>
      %squeeze3A_873 = vector.extract %slice3A_872[0] : f32 from vector<1xf32>
      %sub3A_874 = vector.broadcast %squeeze3A_873 : f32 to vector<16xf32>
      %sub3A_875 = arith.subf %get3A_871, %sub3A_874 : vector<16xf32>
      %mul3A_876 = arith.mulf %sub3A_875, %sub3A_875 : vector<16xf32>
      %add3A_877 = arith.addf %add3A_867, %mul3A_876 : vector<16xf32>
      %get3A_878 = arith.constant 24 : i32
      %get3A_879 = arith.index_cast %get3A_878 : i32 to index
      %get3A_880 = arith.index_cast %mul3A_635 : i32 to index
      %get3A_881 = tpu.vector_load %arg6[%get3A_879, %get3A_880] {strides = array<i32>} : memref<64x512xf32, #tpu.memory_space<vmem>>, vector<16xf32>,
      %slice3A_882 = vector.extract_strided_slice %get3A_69 {offsets = [8], sizes = [1], strides = [1]} : vector<16xf32> to vector<1xf32>
      %squeeze3A_883 = vector.extract %slice3A_882[0] : f32 from vector<1xf32>
      %sub3A_884 = vector.broadcast %squeeze3A_883 : f32 to vector<16xf32>
      %sub3A_885 = arith.subf %get3A_881, %sub3A_884 : vector<16xf32>
      %mul3A_886 = arith.mulf %sub3A_885, %sub3A_885 : vector<16xf32>
      %add3A_887 = arith.addf %add3A_877, %mul3A_886 : vector<16xf32>
      %get3A_888 = arith.constant 25 : i32
      %get3A_889 = arith.index_cast %get3A_888 : i32 to index
      %get3A_890 = arith.index_cast %mul3A_635 : i32 to index
      %get3A_891 = tpu.vector_load %arg6[%get3A_889, %get3A_890] {strides = array<i32>} : memref<64x512xf32, #tpu.memory_space<vmem>>, vector<16xf32>,
      %slice3A_892 = vector.extract_strided_slice %get3A_69 {offsets = [9], sizes = [1], strides = [1]} : vector<16xf32> to vector<1xf32>
      %squeeze3A_893 = vector.extract %slice3A_892[0] : f32 from vector<1xf32>
      %sub3A_894 = vector.broadcast %squeeze3A_893 : f32 to vector<16xf32>
      %sub3A_895 = arith.subf %get3A_891, %sub3A_894 : vector<16xf32>
      %mul3A_896 = arith.mulf %sub3A_895, %sub3A_895 : vector<16xf32>
      %add3A_897 = arith.addf %add3A_887, %mul3A_896 : vector<16xf32>
      %get3A_898 = arith.constant 26 : i32
      %get3A_899 = arith.index_cast %get3A_898 : i32 to index
      %get3A_900 = arith.index_cast %mul3A_635 : i32 to index
      %get3A_901 = tpu.vector_load %arg6[%get3A_899, %get3A_900] {strides = array<i32>} : memref<64x512xf32, #tpu.memory_space<vmem>>, vector<16xf32>,
      %slice3A_902 = vector.extract_strided_slice %get3A_69 {offsets = [10], sizes = [1], strides = [1]} : vector<16xf32> to vector<1xf32>
      %squeeze3A_903 = vector.extract %slice3A_902[0] : f32 from vector<1xf32>
      %sub3A_904 = vector.broadcast %squeeze3A_903 : f32 to vector<16xf32>
      %sub3A_905 = arith.subf %get3A_901, %sub3A_904 : vector<16xf32>
      %mul3A_906 = arith.mulf %sub3A_905, %sub3A_905 : vector<16xf32>
      %add3A_907 = arith.addf %add3A_897, %mul3A_906 : vector<16xf32>
      %get3A_908 = arith.constant 27 : i32
      %get3A_909 = arith.index_cast %get3A_908 : i32 to index
      %get3A_910 = arith.index_cast %mul3A_635 : i32 to index
      %get3A_911 = tpu.vector_load %arg6[%get3A_909, %get3A_910] {strides = array<i32>} : memref<64x512xf32, #tpu.memory_space<vmem>>, vector<16xf32>,
      %slice3A_912 = vector.extract_strided_slice %get3A_69 {offsets = [11], sizes = [1], strides = [1]} : vector<16xf32> to vector<1xf32>
      %squeeze3A_913 = vector.extract %slice3A_912[0] : f32 from vector<1xf32>
      %sub3A_914 = vector.broadcast %squeeze3A_913 : f32 to vector<16xf32>
      %sub3A_915 = arith.subf %get3A_911, %sub3A_914 : vector<16xf32>
      %mul3A_916 = arith.mulf %sub3A_915, %sub3A_915 : vector<16xf32>
      %add3A_917 = arith.addf %add3A_907, %mul3A_916 : vector<16xf32>
      %get3A_918 = arith.constant 28 : i32
      %get3A_919 = arith.index_cast %get3A_918 : i32 to index
      %get3A_920 = arith.index_cast %mul3A_635 : i32 to index
      %get3A_921 = tpu.vector_load %arg6[%get3A_919, %get3A_920] {strides = array<i32>} : memref<64x512xf32, #tpu.memory_space<vmem>>, vector<16xf32>,
      %slice3A_922 = vector.extract_strided_slice %get3A_69 {offsets = [12], sizes = [1], strides = [1]} : vector<16xf32> to vector<1xf32>
      %squeeze3A_923 = vector.extract %slice3A_922[0] : f32 from vector<1xf32>
      %sub3A_924 = vector.broadcast %squeeze3A_923 : f32 to vector<16xf32>
      %sub3A_925 = arith.subf %get3A_921, %sub3A_924 : vector<16xf32>
      %mul3A_926 = arith.mulf %sub3A_925, %sub3A_925 : vector<16xf32>
      %add3A_927 = arith.addf %add3A_917, %mul3A_926 : vector<16xf32>
      %get3A_928 = arith.constant 29 : i32
      %get3A_929 = arith.index_cast %get3A_928 : i32 to index
      %get3A_930 = arith.index_cast %mul3A_635 : i32 to index
      %get3A_931 = tpu.vector_load %arg6[%get3A_929, %get3A_930] {strides = array<i32>} : memref<64x512xf32, #tpu.memory_space<vmem>>, vector<16xf32>,
      %slice3A_932 = vector.extract_strided_slice %get3A_69 {offsets = [13], sizes = [1], strides = [1]} : vector<16xf32> to vector<1xf32>
      %squeeze3A_933 = vector.extract %slice3A_932[0] : f32 from vector<1xf32>
      %sub3A_934 = vector.broadcast %squeeze3A_933 : f32 to vector<16xf32>
      %sub3A_935 = arith.subf %get3A_931, %sub3A_934 : vector<16xf32>
      %mul3A_936 = arith.mulf %sub3A_935, %sub3A_935 : vector<16xf32>
      %add3A_937 = arith.addf %add3A_927, %mul3A_936 : vector<16xf32>
      %get3A_938 = arith.constant 30 : i32
      %get3A_939 = arith.index_cast %get3A_938 : i32 to index
      %get3A_940 = arith.index_cast %mul3A_635 : i32 to index
      %get3A_941 = tpu.vector_load %arg6[%get3A_939, %get3A_940] {strides = array<i32>} : memref<64x512xf32, #tpu.memory_space<vmem>>, vector<16xf32>,
      %slice3A_942 = vector.extract_strided_slice %get3A_69 {offsets = [14], sizes = [1], strides = [1]} : vector<16xf32> to vector<1xf32>
      %squeeze3A_943 = vector.extract %slice3A_942[0] : f32 from vector<1xf32>
      %sub3A_944 = vector.broadcast %squeeze3A_943 : f32 to vector<16xf32>
      %sub3A_945 = arith.subf %get3A_941, %sub3A_944 : vector<16xf32>
      %mul3A_946 = arith.mulf %sub3A_945, %sub3A_945 : vector<16xf32>
      %add3A_947 = arith.addf %add3A_937, %mul3A_946 : vector<16xf32>
      %get3A_948 = arith.constant 31 : i32
      %get3A_949 = arith.index_cast %get3A_948 : i32 to index
      %get3A_950 = arith.index_cast %mul3A_635 : i32 to index
      %get3A_951 = tpu.vector_load %arg6[%get3A_949, %get3A_950] {strides = array<i32>} : memref<64x512xf32, #tpu.memory_space<vmem>>, vector<16xf32>,
      %slice3A_952 = vector.extract_strided_slice %get3A_69 {offsets = [15], sizes = [1], strides = [1]} : vector<16xf32> to vector<1xf32>
      %squeeze3A_953 = vector.extract %slice3A_952[0] : f32 from vector<1xf32>
      %sub3A_954 = vector.broadcast %squeeze3A_953 : f32 to vector<16xf32>
      %sub3A_955 = arith.subf %get3A_951, %sub3A_954 : vector<16xf32>
      %mul3A_956 = arith.mulf %sub3A_955, %sub3A_955 : vector<16xf32>
      %add3A_957 = arith.addf %add3A_947, %mul3A_956 : vector<16xf32>
      %get3A_958 = arith.constant 32 : i32
      %get3A_959 = arith.index_cast %get3A_958 : i32 to index
      %get3A_960 = arith.index_cast %mul3A_635 : i32 to index
      %get3A_961 = tpu.vector_load %arg6[%get3A_959, %get3A_960] {strides = array<i32>} : memref<64x512xf32, #tpu.memory_space<vmem>>, vector<16xf32>,
      %slice3A_962 = vector.extract_strided_slice %get3A_71 {offsets = [0], sizes = [1], strides = [1]} : vector<16xf32> to vector<1xf32>
      %squeeze3A_963 = vector.extract %slice3A_962[0] : f32 from vector<1xf32>
      %sub3A_964 = vector.broadcast %squeeze3A_963 : f32 to vector<16xf32>
      %sub3A_965 = arith.subf %get3A_961, %sub3A_964 : vector<16xf32>
      %mul3A_966 = arith.mulf %sub3A_965, %sub3A_965 : vector<16xf32>
      %add3A_967 = arith.addf %add3A_957, %mul3A_966 : vector<16xf32>
      %get3A_968 = arith.constant 33 : i32
      %get3A_969 = arith.index_cast %get3A_968 : i32 to index
      %get3A_970 = arith.index_cast %mul3A_635 : i32 to index
      %get3A_971 = tpu.vector_load %arg6[%get3A_969, %get3A_970] {strides = array<i32>} : memref<64x512xf32, #tpu.memory_space<vmem>>, vector<16xf32>,
      %slice3A_972 = vector.extract_strided_slice %get3A_71 {offsets = [1], sizes = [1], strides = [1]} : vector<16xf32> to vector<1xf32>
      %squeeze3A_973 = vector.extract %slice3A_972[0] : f32 from vector<1xf32>
      %sub3A_974 = vector.broadcast %squeeze3A_973 : f32 to vector<16xf32>
      %sub3A_975 = arith.subf %get3A_971, %sub3A_974 : vector<16xf32>
      %mul3A_976 = arith.mulf %sub3A_975, %sub3A_975 : vector<16xf32>
      %add3A_977 = arith.addf %add3A_967, %mul3A_976 : vector<16xf32>
      %get3A_978 = arith.constant 34 : i32
      %get3A_979 = arith.index_cast %get3A_978 : i32 to index
      %get3A_980 = arith.index_cast %mul3A_635 : i32 to index
      %get3A_981 = tpu.vector_load %arg6[%get3A_979, %get3A_980] {strides = array<i32>} : memref<64x512xf32, #tpu.memory_space<vmem>>, vector<16xf32>,
      %slice3A_982 = vector.extract_strided_slice %get3A_71 {offsets = [2], sizes = [1], strides = [1]} : vector<16xf32> to vector<1xf32>
      %squeeze3A_983 = vector.extract %slice3A_982[0] : f32 from vector<1xf32>
      %sub3A_984 = vector.broadcast %squeeze3A_983 : f32 to vector<16xf32>
      %sub3A_985 = arith.subf %get3A_981, %sub3A_984 : vector<16xf32>
      %mul3A_986 = arith.mulf %sub3A_985, %sub3A_985 : vector<16xf32>
      %add3A_987 = arith.addf %add3A_977, %mul3A_986 : vector<16xf32>
      %get3A_988 = arith.constant 35 : i32
      %get3A_989 = arith.index_cast %get3A_988 : i32 to index
      %get3A_990 = arith.index_cast %mul3A_635 : i32 to index
      %get3A_991 = tpu.vector_load %arg6[%get3A_989, %get3A_990] {strides = array<i32>} : memref<64x512xf32, #tpu.memory_space<vmem>>, vector<16xf32>,
      %slice3A_992 = vector.extract_strided_slice %get3A_71 {offsets = [3], sizes = [1], strides = [1]} : vector<16xf32> to vector<1xf32>
      %squeeze3A_993 = vector.extract %slice3A_992[0] : f32 from vector<1xf32>
      %sub3A_994 = vector.broadcast %squeeze3A_993 : f32 to vector<16xf32>
      %sub3A_995 = arith.subf %get3A_991, %sub3A_994 : vector<16xf32>
      %mul3A_996 = arith.mulf %sub3A_995, %sub3A_995 : vector<16xf32>
      %add3A_997 = arith.addf %add3A_987, %mul3A_996 : vector<16xf32>
      %get3A_998 = arith.constant 36 : i32
      %get3A_999 = arith.index_cast %get3A_998 : i32 to index
      %get3A_1000 = arith.index_cast %mul3A_635 : i32 to index
      %get3A_1001 = tpu.vector_load %arg6[%get3A_999, %get3A_1000] {strides = array<i32>} : memref<64x512xf32, #tpu.memory_space<vmem>>, vector<16xf32>,
      %slice3A_1002 = vector.extract_strided_slice %get3A_71 {offsets = [4], sizes = [1], strides = [1]} : vector<16xf32> to vector<1xf32>
      %squeeze3A_1003 = vector.extract %slice3A_1002[0] : f32 from vector<1xf32>
      %sub3A_1004 = vector.broadcast %squeeze3A_1003 : f32 to vector<16xf32>
      %sub3A_1005 = arith.subf %get3A_1001, %sub3A_1004 : vector<16xf32>
      %mul3A_1006 = arith.mulf %sub3A_1005, %sub3A_1005 : vector<16xf32>
      %add3A_1007 = arith.addf %add3A_997, %mul3A_1006 : vector<16xf32>
      %get3A_1008 = arith.constant 37 : i32
      %get3A_1009 = arith.index_cast %get3A_1008 : i32 to index
      %get3A_1010 = arith.index_cast %mul3A_635 : i32 to index
      %get3A_1011 = tpu.vector_load %arg6[%get3A_1009, %get3A_1010] {strides = array<i32>} : memref<64x512xf32, #tpu.memory_space<vmem>>, vector<16xf32>,
      %slice3A_1012 = vector.extract_strided_slice %get3A_71 {offsets = [5], sizes = [1], strides = [1]} : vector<16xf32> to vector<1xf32>
      %squeeze3A_1013 = vector.extract %slice3A_1012[0] : f32 from vector<1xf32>
      %sub3A_1014 = vector.broadcast %squeeze3A_1013 : f32 to vector<16xf32>
      %sub3A_1015 = arith.subf %get3A_1011, %sub3A_1014 : vector<16xf32>
      %mul3A_1016 = arith.mulf %sub3A_1015, %sub3A_1015 : vector<16xf32>
      %add3A_1017 = arith.addf %add3A_1007, %mul3A_1016 : vector<16xf32>
      %get3A_1018 = arith.constant 38 : i32
      %get3A_1019 = arith.index_cast %get3A_1018 : i32 to index
      %get3A_1020 = arith.index_cast %mul3A_635 : i32 to index
      %get3A_1021 = tpu.vector_load %arg6[%get3A_1019, %get3A_1020] {strides = array<i32>} : memref<64x512xf32, #tpu.memory_space<vmem>>, vector<16xf32>,
      %slice3A_1022 = vector.extract_strided_slice %get3A_71 {offsets = [6], sizes = [1], strides = [1]} : vector<16xf32> to vector<1xf32>
      %squeeze3A_1023 = vector.extract %slice3A_1022[0] : f32 from vector<1xf32>
      %sub3A_1024 = vector.broadcast %squeeze3A_1023 : f32 to vector<16xf32>
      %sub3A_1025 = arith.subf %get3A_1021, %sub3A_1024 : vector<16xf32>
      %mul3A_1026 = arith.mulf %sub3A_1025, %sub3A_1025 : vector<16xf32>
      %add3A_1027 = arith.addf %add3A_1017, %mul3A_1026 : vector<16xf32>
      %get3A_1028 = arith.constant 39 : i32
      %get3A_1029 = arith.index_cast %get3A_1028 : i32 to index
      %get3A_1030 = arith.index_cast %mul3A_635 : i32 to index
      %get3A_1031 = tpu.vector_load %arg6[%get3A_1029, %get3A_1030] {strides = array<i32>} : memref<64x512xf32, #tpu.memory_space<vmem>>, vector<16xf32>,
      %slice3A_1032 = vector.extract_strided_slice %get3A_71 {offsets = [7], sizes = [1], strides = [1]} : vector<16xf32> to vector<1xf32>
      %squeeze3A_1033 = vector.extract %slice3A_1032[0] : f32 from vector<1xf32>
      %sub3A_1034 = vector.broadcast %squeeze3A_1033 : f32 to vector<16xf32>
      %sub3A_1035 = arith.subf %get3A_1031, %sub3A_1034 : vector<16xf32>
      %mul3A_1036 = arith.mulf %sub3A_1035, %sub3A_1035 : vector<16xf32>
      %add3A_1037 = arith.addf %add3A_1027, %mul3A_1036 : vector<16xf32>
      %get3A_1038 = arith.constant 40 : i32
      %get3A_1039 = arith.index_cast %get3A_1038 : i32 to index
      %get3A_1040 = arith.index_cast %mul3A_635 : i32 to index
      %get3A_1041 = tpu.vector_load %arg6[%get3A_1039, %get3A_1040] {strides = array<i32>} : memref<64x512xf32, #tpu.memory_space<vmem>>, vector<16xf32>,
      %slice3A_1042 = vector.extract_strided_slice %get3A_71 {offsets = [8], sizes = [1], strides = [1]} : vector<16xf32> to vector<1xf32>
      %squeeze3A_1043 = vector.extract %slice3A_1042[0] : f32 from vector<1xf32>
      %sub3A_1044 = vector.broadcast %squeeze3A_1043 : f32 to vector<16xf32>
      %sub3A_1045 = arith.subf %get3A_1041, %sub3A_1044 : vector<16xf32>
      %mul3A_1046 = arith.mulf %sub3A_1045, %sub3A_1045 : vector<16xf32>
      %add3A_1047 = arith.addf %add3A_1037, %mul3A_1046 : vector<16xf32>
      %get3A_1048 = arith.constant 41 : i32
      %get3A_1049 = arith.index_cast %get3A_1048 : i32 to index
      %get3A_1050 = arith.index_cast %mul3A_635 : i32 to index
      %get3A_1051 = tpu.vector_load %arg6[%get3A_1049, %get3A_1050] {strides = array<i32>} : memref<64x512xf32, #tpu.memory_space<vmem>>, vector<16xf32>,
      %slice3A_1052 = vector.extract_strided_slice %get3A_71 {offsets = [9], sizes = [1], strides = [1]} : vector<16xf32> to vector<1xf32>
      %squeeze3A_1053 = vector.extract %slice3A_1052[0] : f32 from vector<1xf32>
      %sub3A_1054 = vector.broadcast %squeeze3A_1053 : f32 to vector<16xf32>
      %sub3A_1055 = arith.subf %get3A_1051, %sub3A_1054 : vector<16xf32>
      %mul3A_1056 = arith.mulf %sub3A_1055, %sub3A_1055 : vector<16xf32>
      %add3A_1057 = arith.addf %add3A_1047, %mul3A_1056 : vector<16xf32>
      %get3A_1058 = arith.constant 42 : i32
      %get3A_1059 = arith.index_cast %get3A_1058 : i32 to index
      %get3A_1060 = arith.index_cast %mul3A_635 : i32 to index
      %get3A_1061 = tpu.vector_load %arg6[%get3A_1059, %get3A_1060] {strides = array<i32>} : memref<64x512xf32, #tpu.memory_space<vmem>>, vector<16xf32>,
      %slice3A_1062 = vector.extract_strided_slice %get3A_71 {offsets = [10], sizes = [1], strides = [1]} : vector<16xf32> to vector<1xf32>
      %squeeze3A_1063 = vector.extract %slice3A_1062[0] : f32 from vector<1xf32>
      %sub3A_1064 = vector.broadcast %squeeze3A_1063 : f32 to vector<16xf32>
      %sub3A_1065 = arith.subf %get3A_1061, %sub3A_1064 : vector<16xf32>
      %mul3A_1066 = arith.mulf %sub3A_1065, %sub3A_1065 : vector<16xf32>
      %add3A_1067 = arith.addf %add3A_1057, %mul3A_1066 : vector<16xf32>
      %get3A_1068 = arith.constant 43 : i32
      %get3A_1069 = arith.index_cast %get3A_1068 : i32 to index
      %get3A_1070 = arith.index_cast %mul3A_635 : i32 to index
      %get3A_1071 = tpu.vector_load %arg6[%get3A_1069, %get3A_1070] {strides = array<i32>} : memref<64x512xf32, #tpu.memory_space<vmem>>, vector<16xf32>,
      %slice3A_1072 = vector.extract_strided_slice %get3A_71 {offsets = [11], sizes = [1], strides = [1]} : vector<16xf32> to vector<1xf32>
      %squeeze3A_1073 = vector.extract %slice3A_1072[0] : f32 from vector<1xf32>
      %sub3A_1074 = vector.broadcast %squeeze3A_1073 : f32 to vector<16xf32>
      %sub3A_1075 = arith.subf %get3A_1071, %sub3A_1074 : vector<16xf32>
      %mul3A_1076 = arith.mulf %sub3A_1075, %sub3A_1075 : vector<16xf32>
      %add3A_1077 = arith.addf %add3A_1067, %mul3A_1076 : vector<16xf32>
      %get3A_1078 = arith.constant 44 : i32
      %get3A_1079 = arith.index_cast %get3A_1078 : i32 to index
      %get3A_1080 = arith.index_cast %mul3A_635 : i32 to index
      %get3A_1081 = tpu.vector_load %arg6[%get3A_1079, %get3A_1080] {strides = array<i32>} : memref<64x512xf32, #tpu.memory_space<vmem>>, vector<16xf32>,
      %slice3A_1082 = vector.extract_strided_slice %get3A_71 {offsets = [12], sizes = [1], strides = [1]} : vector<16xf32> to vector<1xf32>
      %squeeze3A_1083 = vector.extract %slice3A_1082[0] : f32 from vector<1xf32>
      %sub3A_1084 = vector.broadcast %squeeze3A_1083 : f32 to vector<16xf32>
      %sub3A_1085 = arith.subf %get3A_1081, %sub3A_1084 : vector<16xf32>
      %mul3A_1086 = arith.mulf %sub3A_1085, %sub3A_1085 : vector<16xf32>
      %add3A_1087 = arith.addf %add3A_1077, %mul3A_1086 : vector<16xf32>
      %get3A_1088 = arith.constant 45 : i32
      %get3A_1089 = arith.index_cast %get3A_1088 : i32 to index
      %get3A_1090 = arith.index_cast %mul3A_635 : i32 to index
      %get3A_1091 = tpu.vector_load %arg6[%get3A_1089, %get3A_1090] {strides = array<i32>} : memref<64x512xf32, #tpu.memory_space<vmem>>, vector<16xf32>,
      %slice3A_1092 = vector.extract_strided_slice %get3A_71 {offsets = [13], sizes = [1], strides = [1]} : vector<16xf32> to vector<1xf32>
      %squeeze3A_1093 = vector.extract %slice3A_1092[0] : f32 from vector<1xf32>
      %sub3A_1094 = vector.broadcast %squeeze3A_1093 : f32 to vector<16xf32>
      %sub3A_1095 = arith.subf %get3A_1091, %sub3A_1094 : vector<16xf32>
      %mul3A_1096 = arith.mulf %sub3A_1095, %sub3A_1095 : vector<16xf32>
      %add3A_1097 = arith.addf %add3A_1087, %mul3A_1096 : vector<16xf32>
      %get3A_1098 = arith.constant 46 : i32
      %get3A_1099 = arith.index_cast %get3A_1098 : i32 to index
      %get3A_1100 = arith.index_cast %mul3A_635 : i32 to index
      %get3A_1101 = tpu.vector_load %arg6[%get3A_1099, %get3A_1100] {strides = array<i32>} : memref<64x512xf32, #tpu.memory_space<vmem>>, vector<16xf32>,
      %slice3A_1102 = vector.extract_strided_slice %get3A_71 {offsets = [14], sizes = [1], strides = [1]} : vector<16xf32> to vector<1xf32>
      %squeeze3A_1103 = vector.extract %slice3A_1102[0] : f32 from vector<1xf32>
      %sub3A_1104 = vector.broadcast %squeeze3A_1103 : f32 to vector<16xf32>
      %sub3A_1105 = arith.subf %get3A_1101, %sub3A_1104 : vector<16xf32>
      %mul3A_1106 = arith.mulf %sub3A_1105, %sub3A_1105 : vector<16xf32>
      %add3A_1107 = arith.addf %add3A_1097, %mul3A_1106 : vector<16xf32>
      %get3A_1108 = arith.constant 47 : i32
      %get3A_1109 = arith.index_cast %get3A_1108 : i32 to index
      %get3A_1110 = arith.index_cast %mul3A_635 : i32 to index
      %get3A_1111 = tpu.vector_load %arg6[%get3A_1109, %get3A_1110] {strides = array<i32>} : memref<64x512xf32, #tpu.memory_space<vmem>>, vector<16xf32>,
      %slice3A_1112 = vector.extract_strided_slice %get3A_71 {offsets = [15], sizes = [1], strides = [1]} : vector<16xf32> to vector<1xf32>
      %squeeze3A_1113 = vector.extract %slice3A_1112[0] : f32 from vector<1xf32>
      %sub3A_1114 = vector.broadcast %squeeze3A_1113 : f32 to vector<16xf32>
      %sub3A_1115 = arith.subf %get3A_1111, %sub3A_1114 : vector<16xf32>
      %mul3A_1116 = arith.mulf %sub3A_1115, %sub3A_1115 : vector<16xf32>
      %add3A_1117 = arith.addf %add3A_1107, %mul3A_1116 : vector<16xf32>
      %get3A_1118 = arith.constant 48 : i32
      %get3A_1119 = arith.index_cast %get3A_1118 : i32 to index
      %get3A_1120 = arith.index_cast %mul3A_635 : i32 to index
      %get3A_1121 = tpu.vector_load %arg6[%get3A_1119, %get3A_1120] {strides = array<i32>} : memref<64x512xf32, #tpu.memory_space<vmem>>, vector<16xf32>,
      %slice3A_1122 = vector.extract_strided_slice %get3A_73 {offsets = [0], sizes = [1], strides = [1]} : vector<16xf32> to vector<1xf32>
      %squeeze3A_1123 = vector.extract %slice3A_1122[0] : f32 from vector<1xf32>
      %sub3A_1124 = vector.broadcast %squeeze3A_1123 : f32 to vector<16xf32>
      %sub3A_1125 = arith.subf %get3A_1121, %sub3A_1124 : vector<16xf32>
      %mul3A_1126 = arith.mulf %sub3A_1125, %sub3A_1125 : vector<16xf32>
      %add3A_1127 = arith.addf %add3A_1117, %mul3A_1126 : vector<16xf32>
      %get3A_1128 = arith.constant 49 : i32
      %get3A_1129 = arith.index_cast %get3A_1128 : i32 to index
      %get3A_1130 = arith.index_cast %mul3A_635 : i32 to index
      %get3A_1131 = tpu.vector_load %arg6[%get3A_1129, %get3A_1130] {strides = array<i32>} : memref<64x512xf32, #tpu.memory_space<vmem>>, vector<16xf32>,
      %slice3A_1132 = vector.extract_strided_slice %get3A_73 {offsets = [1], sizes = [1], strides = [1]} : vector<16xf32> to vector<1xf32>
      %squeeze3A_1133 = vector.extract %slice3A_1132[0] : f32 from vector<1xf32>
      %sub3A_1134 = vector.broadcast %squeeze3A_1133 : f32 to vector<16xf32>
      %sub3A_1135 = arith.subf %get3A_1131, %sub3A_1134 : vector<16xf32>
      %mul3A_1136 = arith.mulf %sub3A_1135, %sub3A_1135 : vector<16xf32>
      %add3A_1137 = arith.addf %add3A_1127, %mul3A_1136 : vector<16xf32>
      %get3A_1138 = arith.constant 50 : i32
      %get3A_1139 = arith.index_cast %get3A_1138 : i32 to index
      %get3A_1140 = arith.index_cast %mul3A_635 : i32 to index
      %get3A_1141 = tpu.vector_load %arg6[%get3A_1139, %get3A_1140] {strides = array<i32>} : memref<64x512xf32, #tpu.memory_space<vmem>>, vector<16xf32>,
      %slice3A_1142 = vector.extract_strided_slice %get3A_73 {offsets = [2], sizes = [1], strides = [1]} : vector<16xf32> to vector<1xf32>
      %squeeze3A_1143 = vector.extract %slice3A_1142[0] : f32 from vector<1xf32>
      %sub3A_1144 = vector.broadcast %squeeze3A_1143 : f32 to vector<16xf32>
      %sub3A_1145 = arith.subf %get3A_1141, %sub3A_1144 : vector<16xf32>
      %mul3A_1146 = arith.mulf %sub3A_1145, %sub3A_1145 : vector<16xf32>
      %add3A_1147 = arith.addf %add3A_1137, %mul3A_1146 : vector<16xf32>
      %get3A_1148 = arith.constant 51 : i32
      %get3A_1149 = arith.index_cast %get3A_1148 : i32 to index
      %get3A_1150 = arith.index_cast %mul3A_635 : i32 to index
      %get3A_1151 = tpu.vector_load %arg6[%get3A_1149, %get3A_1150] {strides = array<i32>} : memref<64x512xf32, #tpu.memory_space<vmem>>, vector<16xf32>,
      %slice3A_1152 = vector.extract_strided_slice %get3A_73 {offsets = [3], sizes = [1], strides = [1]} : vector<16xf32> to vector<1xf32>
      %squeeze3A_1153 = vector.extract %slice3A_1152[0] : f32 from vector<1xf32>
      %sub3A_1154 = vector.broadcast %squeeze3A_1153 : f32 to vector<16xf32>
      %sub3A_1155 = arith.subf %get3A_1151, %sub3A_1154 : vector<16xf32>
      %mul3A_1156 = arith.mulf %sub3A_1155, %sub3A_1155 : vector<16xf32>
      %add3A_1157 = arith.addf %add3A_1147, %mul3A_1156 : vector<16xf32>
      %get3A_1158 = arith.constant 52 : i32
      %get3A_1159 = arith.index_cast %get3A_1158 : i32 to index
      %get3A_1160 = arith.index_cast %mul3A_635 : i32 to index
      %get3A_1161 = tpu.vector_load %arg6[%get3A_1159, %get3A_1160] {strides = array<i32>} : memref<64x512xf32, #tpu.memory_space<vmem>>, vector<16xf32>,
      %slice3A_1162 = vector.extract_strided_slice %get3A_73 {offsets = [4], sizes = [1], strides = [1]} : vector<16xf32> to vector<1xf32>
      %squeeze3A_1163 = vector.extract %slice3A_1162[0] : f32 from vector<1xf32>
      %sub3A_1164 = vector.broadcast %squeeze3A_1163 : f32 to vector<16xf32>
      %sub3A_1165 = arith.subf %get3A_1161, %sub3A_1164 : vector<16xf32>
      %mul3A_1166 = arith.mulf %sub3A_1165, %sub3A_1165 : vector<16xf32>
      %add3A_1167 = arith.addf %add3A_1157, %mul3A_1166 : vector<16xf32>
      %get3A_1168 = arith.constant 53 : i32
      %get3A_1169 = arith.index_cast %get3A_1168 : i32 to index
      %get3A_1170 = arith.index_cast %mul3A_635 : i32 to index
      %get3A_1171 = tpu.vector_load %arg6[%get3A_1169, %get3A_1170] {strides = array<i32>} : memref<64x512xf32, #tpu.memory_space<vmem>>, vector<16xf32>,
      %slice3A_1172 = vector.extract_strided_slice %get3A_73 {offsets = [5], sizes = [1], strides = [1]} : vector<16xf32> to vector<1xf32>
      %squeeze3A_1173 = vector.extract %slice3A_1172[0] : f32 from vector<1xf32>
      %sub3A_1174 = vector.broadcast %squeeze3A_1173 : f32 to vector<16xf32>
      %sub3A_1175 = arith.subf %get3A_1171, %sub3A_1174 : vector<16xf32>
      %mul3A_1176 = arith.mulf %sub3A_1175, %sub3A_1175 : vector<16xf32>
      %add3A_1177 = arith.addf %add3A_1167, %mul3A_1176 : vector<16xf32>
      %get3A_1178 = arith.constant 54 : i32
      %get3A_1179 = arith.index_cast %get3A_1178 : i32 to index
      %get3A_1180 = arith.index_cast %mul3A_635 : i32 to index
      %get3A_1181 = tpu.vector_load %arg6[%get3A_1179, %get3A_1180] {strides = array<i32>} : memref<64x512xf32, #tpu.memory_space<vmem>>, vector<16xf32>,
      %slice3A_1182 = vector.extract_strided_slice %get3A_73 {offsets = [6], sizes = [1], strides = [1]} : vector<16xf32> to vector<1xf32>
      %squeeze3A_1183 = vector.extract %slice3A_1182[0] : f32 from vector<1xf32>
      %sub3A_1184 = vector.broadcast %squeeze3A_1183 : f32 to vector<16xf32>
      %sub3A_1185 = arith.subf %get3A_1181, %sub3A_1184 : vector<16xf32>
      %mul3A_1186 = arith.mulf %sub3A_1185, %sub3A_1185 : vector<16xf32>
      %add3A_1187 = arith.addf %add3A_1177, %mul3A_1186 : vector<16xf32>
      %get3A_1188 = arith.constant 55 : i32
      %get3A_1189 = arith.index_cast %get3A_1188 : i32 to index
      %get3A_1190 = arith.index_cast %mul3A_635 : i32 to index
      %get3A_1191 = tpu.vector_load %arg6[%get3A_1189, %get3A_1190] {strides = array<i32>} : memref<64x512xf32, #tpu.memory_space<vmem>>, vector<16xf32>,
      %slice3A_1192 = vector.extract_strided_slice %get3A_73 {offsets = [7], sizes = [1], strides = [1]} : vector<16xf32> to vector<1xf32>
      %squeeze3A_1193 = vector.extract %slice3A_1192[0] : f32 from vector<1xf32>
      %sub3A_1194 = vector.broadcast %squeeze3A_1193 : f32 to vector<16xf32>
      %sub3A_1195 = arith.subf %get3A_1191, %sub3A_1194 : vector<16xf32>
      %mul3A_1196 = arith.mulf %sub3A_1195, %sub3A_1195 : vector<16xf32>
      %add3A_1197 = arith.addf %add3A_1187, %mul3A_1196 : vector<16xf32>
      %get3A_1198 = arith.constant 56 : i32
      %get3A_1199 = arith.index_cast %get3A_1198 : i32 to index
      %get3A_1200 = arith.index_cast %mul3A_635 : i32 to index
      %get3A_1201 = tpu.vector_load %arg6[%get3A_1199, %get3A_1200] {strides = array<i32>} : memref<64x512xf32, #tpu.memory_space<vmem>>, vector<16xf32>,
      %slice3A_1202 = vector.extract_strided_slice %get3A_73 {offsets = [8], sizes = [1], strides = [1]} : vector<16xf32> to vector<1xf32>
      %squeeze3A_1203 = vector.extract %slice3A_1202[0] : f32 from vector<1xf32>
      %sub3A_1204 = vector.broadcast %squeeze3A_1203 : f32 to vector<16xf32>
      %sub3A_1205 = arith.subf %get3A_1201, %sub3A_1204 : vector<16xf32>
      %mul3A_1206 = arith.mulf %sub3A_1205, %sub3A_1205 : vector<16xf32>
      %add3A_1207 = arith.addf %add3A_1197, %mul3A_1206 : vector<16xf32>
      %get3A_1208 = arith.constant 57 : i32
      %get3A_1209 = arith.index_cast %get3A_1208 : i32 to index
      %get3A_1210 = arith.index_cast %mul3A_635 : i32 to index
      %get3A_1211 = tpu.vector_load %arg6[%get3A_1209, %get3A_1210] {strides = array<i32>} : memref<64x512xf32, #tpu.memory_space<vmem>>, vector<16xf32>,
      %slice3A_1212 = vector.extract_strided_slice %get3A_73 {offsets = [9], sizes = [1], strides = [1]} : vector<16xf32> to vector<1xf32>
      %squeeze3A_1213 = vector.extract %slice3A_1212[0] : f32 from vector<1xf32>
      %sub3A_1214 = vector.broadcast %squeeze3A_1213 : f32 to vector<16xf32>
      %sub3A_1215 = arith.subf %get3A_1211, %sub3A_1214 : vector<16xf32>
      %mul3A_1216 = arith.mulf %sub3A_1215, %sub3A_1215 : vector<16xf32>
      %add3A_1217 = arith.addf %add3A_1207, %mul3A_1216 : vector<16xf32>
      %get3A_1218 = arith.constant 58 : i32
      %get3A_1219 = arith.index_cast %get3A_1218 : i32 to index
      %get3A_1220 = arith.index_cast %mul3A_635 : i32 to index
      %get3A_1221 = tpu.vector_load %arg6[%get3A_1219, %get3A_1220] {strides = array<i32>} : memref<64x512xf32, #tpu.memory_space<vmem>>, vector<16xf32>,
      %slice3A_1222 = vector.extract_strided_slice %get3A_73 {offsets = [10], sizes = [1], strides = [1]} : vector<16xf32> to vector<1xf32>
      %squeeze3A_1223 = vector.extract %slice3A_1222[0] : f32 from vector<1xf32>
      %sub3A_1224 = vector.broadcast %squeeze3A_1223 : f32 to vector<16xf32>
      %sub3A_1225 = arith.subf %get3A_1221, %sub3A_1224 : vector<16xf32>
      %mul3A_1226 = arith.mulf %sub3A_1225, %sub3A_1225 : vector<16xf32>
      %add3A_1227 = arith.addf %add3A_1217, %mul3A_1226 : vector<16xf32>
      %get3A_1228 = arith.constant 59 : i32
      %get3A_1229 = arith.index_cast %get3A_1228 : i32 to index
      %get3A_1230 = arith.index_cast %mul3A_635 : i32 to index
      %get3A_1231 = tpu.vector_load %arg6[%get3A_1229, %get3A_1230] {strides = array<i32>} : memref<64x512xf32, #tpu.memory_space<vmem>>, vector<16xf32>,
      %slice3A_1232 = vector.extract_strided_slice %get3A_73 {offsets = [11], sizes = [1], strides = [1]} : vector<16xf32> to vector<1xf32>
      %squeeze3A_1233 = vector.extract %slice3A_1232[0] : f32 from vector<1xf32>
      %sub3A_1234 = vector.broadcast %squeeze3A_1233 : f32 to vector<16xf32>
      %sub3A_1235 = arith.subf %get3A_1231, %sub3A_1234 : vector<16xf32>
      %mul3A_1236 = arith.mulf %sub3A_1235, %sub3A_1235 : vector<16xf32>
      %add3A_1237 = arith.addf %add3A_1227, %mul3A_1236 : vector<16xf32>
      %get3A_1238 = arith.constant 60 : i32
      %get3A_1239 = arith.index_cast %get3A_1238 : i32 to index
      %get3A_1240 = arith.index_cast %mul3A_635 : i32 to index
      %get3A_1241 = tpu.vector_load %arg6[%get3A_1239, %get3A_1240] {strides = array<i32>} : memref<64x512xf32, #tpu.memory_space<vmem>>, vector<16xf32>,
      %slice3A_1242 = vector.extract_strided_slice %get3A_73 {offsets = [12], sizes = [1], strides = [1]} : vector<16xf32> to vector<1xf32>
      %squeeze3A_1243 = vector.extract %slice3A_1242[0] : f32 from vector<1xf32>
      %sub3A_1244 = vector.broadcast %squeeze3A_1243 : f32 to vector<16xf32>
      %sub3A_1245 = arith.subf %get3A_1241, %sub3A_1244 : vector<16xf32>
      %mul3A_1246 = arith.mulf %sub3A_1245, %sub3A_1245 : vector<16xf32>
      %add3A_1247 = arith.addf %add3A_1237, %mul3A_1246 : vector<16xf32>
      %get3A_1248 = arith.constant 61 : i32
      %get3A_1249 = arith.index_cast %get3A_1248 : i32 to index
      %get3A_1250 = arith.index_cast %mul3A_635 : i32 to index
      %get3A_1251 = tpu.vector_load %arg6[%get3A_1249, %get3A_1250] {strides = array<i32>} : memref<64x512xf32, #tpu.memory_space<vmem>>, vector<16xf32>,
      %slice3A_1252 = vector.extract_strided_slice %get3A_73 {offsets = [13], sizes = [1], strides = [1]} : vector<16xf32> to vector<1xf32>
      %squeeze3A_1253 = vector.extract %slice3A_1252[0] : f32 from vector<1xf32>
      %sub3A_1254 = vector.broadcast %squeeze3A_1253 : f32 to vector<16xf32>
      %sub3A_1255 = arith.subf %get3A_1251, %sub3A_1254 : vector<16xf32>
      %mul3A_1256 = arith.mulf %sub3A_1255, %sub3A_1255 : vector<16xf32>
      %add3A_1257 = arith.addf %add3A_1247, %mul3A_1256 : vector<16xf32>
      %get3A_1258 = arith.constant 62 : i32
      %get3A_1259 = arith.index_cast %get3A_1258 : i32 to index
      %get3A_1260 = arith.index_cast %mul3A_635 : i32 to index
      %get3A_1261 = tpu.vector_load %arg6[%get3A_1259, %get3A_1260] {strides = array<i32>} : memref<64x512xf32, #tpu.memory_space<vmem>>, vector<16xf32>,
      %slice3A_1262 = vector.extract_strided_slice %get3A_73 {offsets = [14], sizes = [1], strides = [1]} : vector<16xf32> to vector<1xf32>
      %squeeze3A_1263 = vector.extract %slice3A_1262[0] : f32 from vector<1xf32>
      %sub3A_1264 = vector.broadcast %squeeze3A_1263 : f32 to vector<16xf32>
      %sub3A_1265 = arith.subf %get3A_1261, %sub3A_1264 : vector<16xf32>
      %mul3A_1266 = arith.mulf %sub3A_1265, %sub3A_1265 : vector<16xf32>
      %add3A_1267 = arith.addf %add3A_1257, %mul3A_1266 : vector<16xf32>
      %get3A_1268 = arith.constant 63 : i32
      %get3A_1269 = arith.index_cast %get3A_1268 : i32 to index
      %get3A_1270 = arith.index_cast %mul3A_635 : i32 to index
      %get3A_1271 = tpu.vector_load %arg6[%get3A_1269, %get3A_1270] {strides = array<i32>} : memref<64x512xf32, #tpu.memory_space<vmem>>, vector<16xf32>,
      %slice3A_1272 = vector.extract_strided_slice %get3A_73 {offsets = [15], sizes = [1], strides = [1]} : vector<16xf32> to vector<1xf32>
      %squeeze3A_1273 = vector.extract %slice3A_1272[0] : f32 from vector<1xf32>
      %sub3A_1274 = vector.broadcast %squeeze3A_1273 : f32 to vector<16xf32>
      %sub3A_1275 = arith.subf %get3A_1271, %sub3A_1274 : vector<16xf32>
      %mul3A_1276 = arith.mulf %sub3A_1275, %sub3A_1275 : vector<16xf32>
      %add3A_1277 = arith.addf %add3A_1267, %mul3A_1276 : vector<16xf32>
      %swap3A_1278 = arith.index_cast %mul3A_635 : i32 to index
      %swap3A_1279 = tpu.vector_load %arg12[%swap3A_1278] {strides = array<i32>} : memref<512xf32, #tpu.memory_space<vmem>>, vector<16xf32>,
      tpu.vector_store %arg12[%swap3A_1278], %add3A_1277 {strides = array<i32>} : memref<512xf32, #tpu.memory_space<vmem>>, vector<16xf32>,
      %get3A_1280 = arith.index_cast %mul3A_635 : i32 to index
      %get3A_1281 = tpu.vector_load %arg10[%get3A_1280] {strides = array<i32>} : memref<512xi32, #tpu.memory_space<vmem>>, vector<16xi32>,
      %slice3A_1282 = vector.extract_strided_slice %get3A_1281 {offsets = [0], sizes = [1], strides = [1]} : vector<16xi32> to vector<1xi32>
      %squeeze3A_1283 = vector.extract %slice3A_1282[0] : i32 from vector<1xi32>
      %eq3A_1284 = vector.broadcast %squeeze3A_1283 : i32 to vector<16xi32>
      %eq3A_1285 = arith.cmpi eq, %iota3A, %eq3A_1284 : vector<16xi32>
      %convert_element_type3A_1286 = arith.extui %eq3A_1285 : vector<16xi1> to vector<16xi32>
      %add3A_1287 = arith.addi %scan3A_631, %convert_element_type3A_1286 : vector<16xi32>
      %le3A_1288 = arith.constant 15 : i32
      %le3A_1289 = vector.broadcast %le3A_1288 : i32 to vector<16xi32>
      %le3A_1290 = arith.cmpi sle, %add3A_1287, %le3A_1289 : vector<16xi32>
      %and3A_1291 = arith.andi %eq3A_1285, %le3A_1290 : vector<16xi1>
      %slice3A_1292 = vector.extract_strided_slice %add3A_1277 {offsets = [0], sizes = [1], strides = [1]} : vector<16xf32> to vector<1xf32>
      %squeeze3A_1293 = vector.extract %slice3A_1292[0] : f32 from vector<1xf32>
      %max3A_1294 = vector.broadcast %squeeze3A_1293 : f32 to vector<16xf32>
      %max3A_1295 = arith.maximumf %scan3A_632, %max3A_1294 : vector<16xf32>
      %select_n3A_1296 = arith.select %and3A_1291, %max3A_1295, %scan3A_632 : vector<16xi1>, vector<16xf32>
      %slice3A_1297 = vector.extract_strided_slice %get3A_1281 {offsets = [1], sizes = [1], strides = [1]} : vector<16xi32> to vector<1xi32>
      %squeeze3A_1298 = vector.extract %slice3A_1297[0] : i32 from vector<1xi32>
      %eq3A_1299 = vector.broadcast %squeeze3A_1298 : i32 to vector<16xi32>
      %eq3A_1300 = arith.cmpi eq, %iota3A, %eq3A_1299 : vector<16xi32>
      %convert_element_type3A_1301 = arith.extui %eq3A_1300 : vector<16xi1> to vector<16xi32>
      %add3A_1302 = arith.addi %add3A_1287, %convert_element_type3A_1301 : vector<16xi32>
      %le3A_1303 = arith.constant 15 : i32
      %le3A_1304 = vector.broadcast %le3A_1303 : i32 to vector<16xi32>
      %le3A_1305 = arith.cmpi sle, %add3A_1302, %le3A_1304 : vector<16xi32>
      %and3A_1306 = arith.andi %eq3A_1300, %le3A_1305 : vector<16xi1>
      %slice3A_1307 = vector.extract_strided_slice %add3A_1277 {offsets = [1], sizes = [1], strides = [1]} : vector<16xf32> to vector<1xf32>
      %squeeze3A_1308 = vector.extract %slice3A_1307[0] : f32 from vector<1xf32>
      %max3A_1309 = vector.broadcast %squeeze3A_1308 : f32 to vector<16xf32>
      %max3A_1310 = arith.maximumf %select_n3A_1296, %max3A_1309 : vector<16xf32>
      %select_n3A_1311 = arith.select %and3A_1306, %max3A_1310, %select_n3A_1296 : vector<16xi1>, vector<16xf32>
      %slice3A_1312 = vector.extract_strided_slice %get3A_1281 {offsets = [2], sizes = [1], strides = [1]} : vector<16xi32> to vector<1xi32>
      %squeeze3A_1313 = vector.extract %slice3A_1312[0] : i32 from vector<1xi32>
      %eq3A_1314 = vector.broadcast %squeeze3A_1313 : i32 to vector<16xi32>
      %eq3A_1315 = arith.cmpi eq, %iota3A, %eq3A_1314 : vector<16xi32>
      %convert_element_type3A_1316 = arith.extui %eq3A_1315 : vector<16xi1> to vector<16xi32>
      %add3A_1317 = arith.addi %add3A_1302, %convert_element_type3A_1316 : vector<16xi32>
      %le3A_1318 = arith.constant 15 : i32
      %le3A_1319 = vector.broadcast %le3A_1318 : i32 to vector<16xi32>
      %le3A_1320 = arith.cmpi sle, %add3A_1317, %le3A_1319 : vector<16xi32>
      %and3A_1321 = arith.andi %eq3A_1315, %le3A_1320 : vector<16xi1>
      %slice3A_1322 = vector.extract_strided_slice %add3A_1277 {offsets = [2], sizes = [1], strides = [1]} : vector<16xf32> to vector<1xf32>
      %squeeze3A_1323 = vector.extract %slice3A_1322[0] : f32 from vector<1xf32>
      %max3A_1324 = vector.broadcast %squeeze3A_1323 : f32 to vector<16xf32>
      %max3A_1325 = arith.maximumf %select_n3A_1311, %max3A_1324 : vector<16xf32>
      %select_n3A_1326 = arith.select %and3A_1321, %max3A_1325, %select_n3A_1311 : vector<16xi1>, vector<16xf32>
      %slice3A_1327 = vector.extract_strided_slice %get3A_1281 {offsets = [3], sizes = [1], strides = [1]} : vector<16xi32> to vector<1xi32>
      %squeeze3A_1328 = vector.extract %slice3A_1327[0] : i32 from vector<1xi32>
      %eq3A_1329 = vector.broadcast %squeeze3A_1328 : i32 to vector<16xi32>
      %eq3A_1330 = arith.cmpi eq, %iota3A, %eq3A_1329 : vector<16xi32>
      %convert_element_type3A_1331 = arith.extui %eq3A_1330 : vector<16xi1> to vector<16xi32>
      %add3A_1332 = arith.addi %add3A_1317, %convert_element_type3A_1331 : vector<16xi32>
      %le3A_1333 = arith.constant 15 : i32
      %le3A_1334 = vector.broadcast %le3A_1333 : i32 to vector<16xi32>
      %le3A_1335 = arith.cmpi sle, %add3A_1332, %le3A_1334 : vector<16xi32>
      %and3A_1336 = arith.andi %eq3A_1330, %le3A_1335 : vector<16xi1>
      %slice3A_1337 = vector.extract_strided_slice %add3A_1277 {offsets = [3], sizes = [1], strides = [1]} : vector<16xf32> to vector<1xf32>
      %squeeze3A_1338 = vector.extract %slice3A_1337[0] : f32 from vector<1xf32>
      %max3A_1339 = vector.broadcast %squeeze3A_1338 : f32 to vector<16xf32>
      %max3A_1340 = arith.maximumf %select_n3A_1326, %max3A_1339 : vector<16xf32>
      %select_n3A_1341 = arith.select %and3A_1336, %max3A_1340, %select_n3A_1326 : vector<16xi1>, vector<16xf32>
      %slice3A_1342 = vector.extract_strided_slice %get3A_1281 {offsets = [4], sizes = [1], strides = [1]} : vector<16xi32> to vector<1xi32>
      %squeeze3A_1343 = vector.extract %slice3A_1342[0] : i32 from vector<1xi32>
      %eq3A_1344 = vector.broadcast %squeeze3A_1343 : i32 to vector<16xi32>
      %eq3A_1345 = arith.cmpi eq, %iota3A, %eq3A_1344 : vector<16xi32>
      %convert_element_type3A_1346 = arith.extui %eq3A_1345 : vector<16xi1> to vector<16xi32>
      %add3A_1347 = arith.addi %add3A_1332, %convert_element_type3A_1346 : vector<16xi32>
      %le3A_1348 = arith.constant 15 : i32
      %le3A_1349 = vector.broadcast %le3A_1348 : i32 to vector<16xi32>
      %le3A_1350 = arith.cmpi sle, %add3A_1347, %le3A_1349 : vector<16xi32>
      %and3A_1351 = arith.andi %eq3A_1345, %le3A_1350 : vector<16xi1>
      %slice3A_1352 = vector.extract_strided_slice %add3A_1277 {offsets = [4], sizes = [1], strides = [1]} : vector<16xf32> to vector<1xf32>
      %squeeze3A_1353 = vector.extract %slice3A_1352[0] : f32 from vector<1xf32>
      %max3A_1354 = vector.broadcast %squeeze3A_1353 : f32 to vector<16xf32>
      %max3A_1355 = arith.maximumf %select_n3A_1341, %max3A_1354 : vector<16xf32>
      %select_n3A_1356 = arith.select %and3A_1351, %max3A_1355, %select_n3A_1341 : vector<16xi1>, vector<16xf32>
      %slice3A_1357 = vector.extract_strided_slice %get3A_1281 {offsets = [5], sizes = [1], strides = [1]} : vector<16xi32> to vector<1xi32>
      %squeeze3A_1358 = vector.extract %slice3A_1357[0] : i32 from vector<1xi32>
      %eq3A_1359 = vector.broadcast %squeeze3A_1358 : i32 to vector<16xi32>
      %eq3A_1360 = arith.cmpi eq, %iota3A, %eq3A_1359 : vector<16xi32>
      %convert_element_type3A_1361 = arith.extui %eq3A_1360 : vector<16xi1> to vector<16xi32>
      %add3A_1362 = arith.addi %add3A_1347, %convert_element_type3A_1361 : vector<16xi32>
      %le3A_1363 = arith.constant 15 : i32
      %le3A_1364 = vector.broadcast %le3A_1363 : i32 to vector<16xi32>
      %le3A_1365 = arith.cmpi sle, %add3A_1362, %le3A_1364 : vector<16xi32>
      %and3A_1366 = arith.andi %eq3A_1360, %le3A_1365 : vector<16xi1>
      %slice3A_1367 = vector.extract_strided_slice %add3A_1277 {offsets = [5], sizes = [1], strides = [1]} : vector<16xf32> to vector<1xf32>
      %squeeze3A_1368 = vector.extract %slice3A_1367[0] : f32 from vector<1xf32>
      %max3A_1369 = vector.broadcast %squeeze3A_1368 : f32 to vector<16xf32>
      %max3A_1370 = arith.maximumf %select_n3A_1356, %max3A_1369 : vector<16xf32>
      %select_n3A_1371 = arith.select %and3A_1366, %max3A_1370, %select_n3A_1356 : vector<16xi1>, vector<16xf32>
      %slice3A_1372 = vector.extract_strided_slice %get3A_1281 {offsets = [6], sizes = [1], strides = [1]} : vector<16xi32> to vector<1xi32>
      %squeeze3A_1373 = vector.extract %slice3A_1372[0] : i32 from vector<1xi32>
      %eq3A_1374 = vector.broadcast %squeeze3A_1373 : i32 to vector<16xi32>
      %eq3A_1375 = arith.cmpi eq, %iota3A, %eq3A_1374 : vector<16xi32>
      %convert_element_type3A_1376 = arith.extui %eq3A_1375 : vector<16xi1> to vector<16xi32>
      %add3A_1377 = arith.addi %add3A_1362, %convert_element_type3A_1376 : vector<16xi32>
      %le3A_1378 = arith.constant 15 : i32
      %le3A_1379 = vector.broadcast %le3A_1378 : i32 to vector<16xi32>
      %le3A_1380 = arith.cmpi sle, %add3A_1377, %le3A_1379 : vector<16xi32>
      %and3A_1381 = arith.andi %eq3A_1375, %le3A_1380 : vector<16xi1>
      %slice3A_1382 = vector.extract_strided_slice %add3A_1277 {offsets = [6], sizes = [1], strides = [1]} : vector<16xf32> to vector<1xf32>
      %squeeze3A_1383 = vector.extract %slice3A_1382[0] : f32 from vector<1xf32>
      %max3A_1384 = vector.broadcast %squeeze3A_1383 : f32 to vector<16xf32>
      %max3A_1385 = arith.maximumf %select_n3A_1371, %max3A_1384 : vector<16xf32>
      %select_n3A_1386 = arith.select %and3A_1381, %max3A_1385, %select_n3A_1371 : vector<16xi1>, vector<16xf32>
      %slice3A_1387 = vector.extract_strided_slice %get3A_1281 {offsets = [7], sizes = [1], strides = [1]} : vector<16xi32> to vector<1xi32>
      %squeeze3A_1388 = vector.extract %slice3A_1387[0] : i32 from vector<1xi32>
      %eq3A_1389 = vector.broadcast %squeeze3A_1388 : i32 to vector<16xi32>
      %eq3A_1390 = arith.cmpi eq, %iota3A, %eq3A_1389 : vector<16xi32>
      %convert_element_type3A_1391 = arith.extui %eq3A_1390 : vector<16xi1> to vector<16xi32>
      %add3A_1392 = arith.addi %add3A_1377, %convert_element_type3A_1391 : vector<16xi32>
      %le3A_1393 = arith.constant 15 : i32
      %le3A_1394 = vector.broadcast %le3A_1393 : i32 to vector<16xi32>
      %le3A_1395 = arith.cmpi sle, %add3A_1392, %le3A_1394 : vector<16xi32>
      %and3A_1396 = arith.andi %eq3A_1390, %le3A_1395 : vector<16xi1>
      %slice3A_1397 = vector.extract_strided_slice %add3A_1277 {offsets = [7], sizes = [1], strides = [1]} : vector<16xf32> to vector<1xf32>
      %squeeze3A_1398 = vector.extract %slice3A_1397[0] : f32 from vector<1xf32>
      %max3A_1399 = vector.broadcast %squeeze3A_1398 : f32 to vector<16xf32>
      %max3A_1400 = arith.maximumf %select_n3A_1386, %max3A_1399 : vector<16xf32>
      %select_n3A_1401 = arith.select %and3A_1396, %max3A_1400, %select_n3A_1386 : vector<16xi1>, vector<16xf32>
      %slice3A_1402 = vector.extract_strided_slice %get3A_1281 {offsets = [8], sizes = [1], strides = [1]} : vector<16xi32> to vector<1xi32>
      %squeeze3A_1403 = vector.extract %slice3A_1402[0] : i32 from vector<1xi32>
      %eq3A_1404 = vector.broadcast %squeeze3A_1403 : i32 to vector<16xi32>
      %eq3A_1405 = arith.cmpi eq, %iota3A, %eq3A_1404 : vector<16xi32>
      %convert_element_type3A_1406 = arith.extui %eq3A_1405 : vector<16xi1> to vector<16xi32>
      %add3A_1407 = arith.addi %add3A_1392, %convert_element_type3A_1406 : vector<16xi32>
      %le3A_1408 = arith.constant 15 : i32
      %le3A_1409 = vector.broadcast %le3A_1408 : i32 to vector<16xi32>
      %le3A_1410 = arith.cmpi sle, %add3A_1407, %le3A_1409 : vector<16xi32>
      %and3A_1411 = arith.andi %eq3A_1405, %le3A_1410 : vector<16xi1>
      %slice3A_1412 = vector.extract_strided_slice %add3A_1277 {offsets = [8], sizes = [1], strides = [1]} : vector<16xf32> to vector<1xf32>
      %squeeze3A_1413 = vector.extract %slice3A_1412[0] : f32 from vector<1xf32>
      %max3A_1414 = vector.broadcast %squeeze3A_1413 : f32 to vector<16xf32>
      %max3A_1415 = arith.maximumf %select_n3A_1401, %max3A_1414 : vector<16xf32>
      %select_n3A_1416 = arith.select %and3A_1411, %max3A_1415, %select_n3A_1401 : vector<16xi1>, vector<16xf32>
      %slice3A_1417 = vector.extract_strided_slice %get3A_1281 {offsets = [9], sizes = [1], strides = [1]} : vector<16xi32> to vector<1xi32>
      %squeeze3A_1418 = vector.extract %slice3A_1417[0] : i32 from vector<1xi32>
      %eq3A_1419 = vector.broadcast %squeeze3A_1418 : i32 to vector<16xi32>
      %eq3A_1420 = arith.cmpi eq, %iota3A, %eq3A_1419 : vector<16xi32>
      %convert_element_type3A_1421 = arith.extui %eq3A_1420 : vector<16xi1> to vector<16xi32>
      %add3A_1422 = arith.addi %add3A_1407, %convert_element_type3A_1421 : vector<16xi32>
      %le3A_1423 = arith.constant 15 : i32
      %le3A_1424 = vector.broadcast %le3A_1423 : i32 to vector<16xi32>
      %le3A_1425 = arith.cmpi sle, %add3A_1422, %le3A_1424 : vector<16xi32>
      %and3A_1426 = arith.andi %eq3A_1420, %le3A_1425 : vector<16xi1>
      %slice3A_1427 = vector.extract_strided_slice %add3A_1277 {offsets = [9], sizes = [1], strides = [1]} : vector<16xf32> to vector<1xf32>
      %squeeze3A_1428 = vector.extract %slice3A_1427[0] : f32 from vector<1xf32>
      %max3A_1429 = vector.broadcast %squeeze3A_1428 : f32 to vector<16xf32>
      %max3A_1430 = arith.maximumf %select_n3A_1416, %max3A_1429 : vector<16xf32>
      %select_n3A_1431 = arith.select %and3A_1426, %max3A_1430, %select_n3A_1416 : vector<16xi1>, vector<16xf32>
      %slice3A_1432 = vector.extract_strided_slice %get3A_1281 {offsets = [10], sizes = [1], strides = [1]} : vector<16xi32> to vector<1xi32>
      %squeeze3A_1433 = vector.extract %slice3A_1432[0] : i32 from vector<1xi32>
      %eq3A_1434 = vector.broadcast %squeeze3A_1433 : i32 to vector<16xi32>
      %eq3A_1435 = arith.cmpi eq, %iota3A, %eq3A_1434 : vector<16xi32>
      %convert_element_type3A_1436 = arith.extui %eq3A_1435 : vector<16xi1> to vector<16xi32>
      %add3A_1437 = arith.addi %add3A_1422, %convert_element_type3A_1436 : vector<16xi32>
      %le3A_1438 = arith.constant 15 : i32
      %le3A_1439 = vector.broadcast %le3A_1438 : i32 to vector<16xi32>
      %le3A_1440 = arith.cmpi sle, %add3A_1437, %le3A_1439 : vector<16xi32>
      %and3A_1441 = arith.andi %eq3A_1435, %le3A_1440 : vector<16xi1>
      %slice3A_1442 = vector.extract_strided_slice %add3A_1277 {offsets = [10], sizes = [1], strides = [1]} : vector<16xf32> to vector<1xf32>
      %squeeze3A_1443 = vector.extract %slice3A_1442[0] : f32 from vector<1xf32>
      %max3A_1444 = vector.broadcast %squeeze3A_1443 : f32 to vector<16xf32>
      %max3A_1445 = arith.maximumf %select_n3A_1431, %max3A_1444 : vector<16xf32>
      %select_n3A_1446 = arith.select %and3A_1441, %max3A_1445, %select_n3A_1431 : vector<16xi1>, vector<16xf32>
      %slice3A_1447 = vector.extract_strided_slice %get3A_1281 {offsets = [11], sizes = [1], strides = [1]} : vector<16xi32> to vector<1xi32>
      %squeeze3A_1448 = vector.extract %slice3A_1447[0] : i32 from vector<1xi32>
      %eq3A_1449 = vector.broadcast %squeeze3A_1448 : i32 to vector<16xi32>
      %eq3A_1450 = arith.cmpi eq, %iota3A, %eq3A_1449 : vector<16xi32>
      %convert_element_type3A_1451 = arith.extui %eq3A_1450 : vector<16xi1> to vector<16xi32>
      %add3A_1452 = arith.addi %add3A_1437, %convert_element_type3A_1451 : vector<16xi32>
      %le3A_1453 = arith.constant 15 : i32
      %le3A_1454 = vector.broadcast %le3A_1453 : i32 to vector<16xi32>
      %le3A_1455 = arith.cmpi sle, %add3A_1452, %le3A_1454 : vector<16xi32>
      %and3A_1456 = arith.andi %eq3A_1450, %le3A_1455 : vector<16xi1>
      %slice3A_1457 = vector.extract_strided_slice %add3A_1277 {offsets = [11], sizes = [1], strides = [1]} : vector<16xf32> to vector<1xf32>
      %squeeze3A_1458 = vector.extract %slice3A_1457[0] : f32 from vector<1xf32>
      %max3A_1459 = vector.broadcast %squeeze3A_1458 : f32 to vector<16xf32>
      %max3A_1460 = arith.maximumf %select_n3A_1446, %max3A_1459 : vector<16xf32>
      %select_n3A_1461 = arith.select %and3A_1456, %max3A_1460, %select_n3A_1446 : vector<16xi1>, vector<16xf32>
      %slice3A_1462 = vector.extract_strided_slice %get3A_1281 {offsets = [12], sizes = [1], strides = [1]} : vector<16xi32> to vector<1xi32>
      %squeeze3A_1463 = vector.extract %slice3A_1462[0] : i32 from vector<1xi32>
      %eq3A_1464 = vector.broadcast %squeeze3A_1463 : i32 to vector<16xi32>
      %eq3A_1465 = arith.cmpi eq, %iota3A, %eq3A_1464 : vector<16xi32>
      %convert_element_type3A_1466 = arith.extui %eq3A_1465 : vector<16xi1> to vector<16xi32>
      %add3A_1467 = arith.addi %add3A_1452, %convert_element_type3A_1466 : vector<16xi32>
      %le3A_1468 = arith.constant 15 : i32
      %le3A_1469 = vector.broadcast %le3A_1468 : i32 to vector<16xi32>
      %le3A_1470 = arith.cmpi sle, %add3A_1467, %le3A_1469 : vector<16xi32>
      %and3A_1471 = arith.andi %eq3A_1465, %le3A_1470 : vector<16xi1>
      %slice3A_1472 = vector.extract_strided_slice %add3A_1277 {offsets = [12], sizes = [1], strides = [1]} : vector<16xf32> to vector<1xf32>
      %squeeze3A_1473 = vector.extract %slice3A_1472[0] : f32 from vector<1xf32>
      %max3A_1474 = vector.broadcast %squeeze3A_1473 : f32 to vector<16xf32>
      %max3A_1475 = arith.maximumf %select_n3A_1461, %max3A_1474 : vector<16xf32>
      %select_n3A_1476 = arith.select %and3A_1471, %max3A_1475, %select_n3A_1461 : vector<16xi1>, vector<16xf32>
      %slice3A_1477 = vector.extract_strided_slice %get3A_1281 {offsets = [13], sizes = [1], strides = [1]} : vector<16xi32> to vector<1xi32>
      %squeeze3A_1478 = vector.extract %slice3A_1477[0] : i32 from vector<1xi32>
      %eq3A_1479 = vector.broadcast %squeeze3A_1478 : i32 to vector<16xi32>
      %eq3A_1480 = arith.cmpi eq, %iota3A, %eq3A_1479 : vector<16xi32>
      %convert_element_type3A_1481 = arith.extui %eq3A_1480 : vector<16xi1> to vector<16xi32>
      %add3A_1482 = arith.addi %add3A_1467, %convert_element_type3A_1481 : vector<16xi32>
      %le3A_1483 = arith.constant 15 : i32
      %le3A_1484 = vector.broadcast %le3A_1483 : i32 to vector<16xi32>
      %le3A_1485 = arith.cmpi sle, %add3A_1482, %le3A_1484 : vector<16xi32>
      %and3A_1486 = arith.andi %eq3A_1480, %le3A_1485 : vector<16xi1>
      %slice3A_1487 = vector.extract_strided_slice %add3A_1277 {offsets = [13], sizes = [1], strides = [1]} : vector<16xf32> to vector<1xf32>
      %squeeze3A_1488 = vector.extract %slice3A_1487[0] : f32 from vector<1xf32>
      %max3A_1489 = vector.broadcast %squeeze3A_1488 : f32 to vector<16xf32>
      %max3A_1490 = arith.maximumf %select_n3A_1476, %max3A_1489 : vector<16xf32>
      %select_n3A_1491 = arith.select %and3A_1486, %max3A_1490, %select_n3A_1476 : vector<16xi1>, vector<16xf32>
      %slice3A_1492 = vector.extract_strided_slice %get3A_1281 {offsets = [14], sizes = [1], strides = [1]} : vector<16xi32> to vector<1xi32>
      %squeeze3A_1493 = vector.extract %slice3A_1492[0] : i32 from vector<1xi32>
      %eq3A_1494 = vector.broadcast %squeeze3A_1493 : i32 to vector<16xi32>
      %eq3A_1495 = arith.cmpi eq, %iota3A, %eq3A_1494 : vector<16xi32>
      %convert_element_type3A_1496 = arith.extui %eq3A_1495 : vector<16xi1> to vector<16xi32>
      %add3A_1497 = arith.addi %add3A_1482, %convert_element_type3A_1496 : vector<16xi32>
      %le3A_1498 = arith.constant 15 : i32
      %le3A_1499 = vector.broadcast %le3A_1498 : i32 to vector<16xi32>
      %le3A_1500 = arith.cmpi sle, %add3A_1497, %le3A_1499 : vector<16xi32>
      %and3A_1501 = arith.andi %eq3A_1495, %le3A_1500 : vector<16xi1>
      %slice3A_1502 = vector.extract_strided_slice %add3A_1277 {offsets = [14], sizes = [1], strides = [1]} : vector<16xf32> to vector<1xf32>
      %squeeze3A_1503 = vector.extract %slice3A_1502[0] : f32 from vector<1xf32>
      %max3A_1504 = vector.broadcast %squeeze3A_1503 : f32 to vector<16xf32>
      %max3A_1505 = arith.maximumf %select_n3A_1491, %max3A_1504 : vector<16xf32>
      %select_n3A_1506 = arith.select %and3A_1501, %max3A_1505, %select_n3A_1491 : vector<16xi1>, vector<16xf32>
      %slice3A_1507 = vector.extract_strided_slice %get3A_1281 {offsets = [15], sizes = [1], strides = [1]} : vector<16xi32> to vector<1xi32>
      %squeeze3A_1508 = vector.extract %slice3A_1507[0] : i32 from vector<1xi32>
      %eq3A_1509 = vector.broadcast %squeeze3A_1508 : i32 to vector<16xi32>
      %eq3A_1510 = arith.cmpi eq, %iota3A, %eq3A_1509 : vector<16xi32>
      %convert_element_type3A_1511 = arith.extui %eq3A_1510 : vector<16xi1> to vector<16xi32>
      %add3A_1512 = arith.addi %add3A_1497, %convert_element_type3A_1511 : vector<16xi32>
      %le3A_1513 = arith.constant 15 : i32
      %le3A_1514 = vector.broadcast %le3A_1513 : i32 to vector<16xi32>
      %le3A_1515 = arith.cmpi sle, %add3A_1512, %le3A_1514 : vector<16xi32>
      %and3A_1516 = arith.andi %eq3A_1510, %le3A_1515 : vector<16xi1>
      %slice3A_1517 = vector.extract_strided_slice %add3A_1277 {offsets = [15], sizes = [1], strides = [1]} : vector<16xf32> to vector<1xf32>
      %squeeze3A_1518 = vector.extract %slice3A_1517[0] : f32 from vector<1xf32>
      %max3A_1519 = vector.broadcast %squeeze3A_1518 : f32 to vector<16xf32>
      %max3A_1520 = arith.maximumf %select_n3A_1506, %max3A_1519 : vector<16xf32>
      %select_n3A_1521 = arith.select %and3A_1516, %max3A_1520, %select_n3A_1506 : vector<16xi1>, vector<16xf32>
      %add3A_1522 = arith.addf %scan3A_633, %add3A_1277 : vector<16xf32>
      %add3A_1523 = arith.constant 16 : i32
      %add3A_1524 = arith.addi %mul3A_635, %add3A_1523 : i32
      %broadcast_in_dim3A_1525 = arith.constant 0.000000e+00 : f32
      %broadcast_in_dim3A_1526 = vector.broadcast %broadcast_in_dim3A_1525 : f32 to vector<16xf32>
      %get3A_1527 = arith.constant 0 : i32
      %get3A_1528 = arith.index_cast %get3A_1527 : i32 to index
      %get3A_1529 = arith.index_cast %add3A_1524 : i32 to index
      %get3A_1530 = tpu.vector_load %arg6[%get3A_1528, %get3A_1529] {strides = array<i32>} : memref<64x512xf32, #tpu.memory_space<vmem>>, vector<16xf32>,
      %slice3A_1531 = vector.extract_strided_slice %get3A_67 {offsets = [0], sizes = [1], strides = [1]} : vector<16xf32> to vector<1xf32>
      %squeeze3A_1532 = vector.extract %slice3A_1531[0] : f32 from vector<1xf32>
      %sub3A_1533 = vector.broadcast %squeeze3A_1532 : f32 to vector<16xf32>
      %sub3A_1534 = arith.subf %get3A_1530, %sub3A_1533 : vector<16xf32>
      %mul3A_1535 = arith.mulf %sub3A_1534, %sub3A_1534 : vector<16xf32>
      %add3A_1536 = arith.addf %broadcast_in_dim3A_1526, %mul3A_1535 : vector<16xf32>
      %get3A_1537 = arith.constant 1 : i32
      %get3A_1538 = arith.index_cast %get3A_1537 : i32 to index
      %get3A_1539 = arith.index_cast %add3A_1524 : i32 to index
      %get3A_1540 = tpu.vector_load %arg6[%get3A_1538, %get3A_1539] {strides = array<i32>} : memref<64x512xf32, #tpu.memory_space<vmem>>, vector<16xf32>,
      %slice3A_1541 = vector.extract_strided_slice %get3A_67 {offsets = [1], sizes = [1], strides = [1]} : vector<16xf32> to vector<1xf32>
      %squeeze3A_1542 = vector.extract %slice3A_1541[0] : f32 from vector<1xf32>
      %sub3A_1543 = vector.broadcast %squeeze3A_1542 : f32 to vector<16xf32>
      %sub3A_1544 = arith.subf %get3A_1540, %sub3A_1543 : vector<16xf32>
      %mul3A_1545 = arith.mulf %sub3A_1544, %sub3A_1544 : vector<16xf32>
      %add3A_1546 = arith.addf %add3A_1536, %mul3A_1545 : vector<16xf32>
      %get3A_1547 = arith.constant 2 : i32
      %get3A_1548 = arith.index_cast %get3A_1547 : i32 to index
      %get3A_1549 = arith.index_cast %add3A_1524 : i32 to index
      %get3A_1550 = tpu.vector_load %arg6[%get3A_1548, %get3A_1549] {strides = array<i32>} : memref<64x512xf32, #tpu.memory_space<vmem>>, vector<16xf32>,
      %slice3A_1551 = vector.extract_strided_slice %get3A_67 {offsets = [2], sizes = [1], strides = [1]} : vector<16xf32> to vector<1xf32>
      %squeeze3A_1552 = vector.extract %slice3A_1551[0] : f32 from vector<1xf32>
      %sub3A_1553 = vector.broadcast %squeeze3A_1552 : f32 to vector<16xf32>
      %sub3A_1554 = arith.subf %get3A_1550, %sub3A_1553 : vector<16xf32>
      %mul3A_1555 = arith.mulf %sub3A_1554, %sub3A_1554 : vector<16xf32>
      %add3A_1556 = arith.addf %add3A_1546, %mul3A_1555 : vector<16xf32>
      %get3A_1557 = arith.constant 3 : i32
      %get3A_1558 = arith.index_cast %get3A_1557 : i32 to index
      %get3A_1559 = arith.index_cast %add3A_1524 : i32 to index
      %get3A_1560 = tpu.vector_load %arg6[%get3A_1558, %get3A_1559] {strides = array<i32>} : memref<64x512xf32, #tpu.memory_space<vmem>>, vector<16xf32>,
      %slice3A_1561 = vector.extract_strided_slice %get3A_67 {offsets = [3], sizes = [1], strides = [1]} : vector<16xf32> to vector<1xf32>
      %squeeze3A_1562 = vector.extract %slice3A_1561[0] : f32 from vector<1xf32>
      %sub3A_1563 = vector.broadcast %squeeze3A_1562 : f32 to vector<16xf32>
      %sub3A_1564 = arith.subf %get3A_1560, %sub3A_1563 : vector<16xf32>
      %mul3A_1565 = arith.mulf %sub3A_1564, %sub3A_1564 : vector<16xf32>
      %add3A_1566 = arith.addf %add3A_1556, %mul3A_1565 : vector<16xf32>
      %get3A_1567 = arith.constant 4 : i32
      %get3A_1568 = arith.index_cast %get3A_1567 : i32 to index
      %get3A_1569 = arith.index_cast %add3A_1524 : i32 to index
      %get3A_1570 = tpu.vector_load %arg6[%get3A_1568, %get3A_1569] {strides = array<i32>} : memref<64x512xf32, #tpu.memory_space<vmem>>, vector<16xf32>,
      %slice3A_1571 = vector.extract_strided_slice %get3A_67 {offsets = [4], sizes = [1], strides = [1]} : vector<16xf32> to vector<1xf32>
      %squeeze3A_1572 = vector.extract %slice3A_1571[0] : f32 from vector<1xf32>
      %sub3A_1573 = vector.broadcast %squeeze3A_1572 : f32 to vector<16xf32>
      %sub3A_1574 = arith.subf %get3A_1570, %sub3A_1573 : vector<16xf32>
      %mul3A_1575 = arith.mulf %sub3A_1574, %sub3A_1574 : vector<16xf32>
      %add3A_1576 = arith.addf %add3A_1566, %mul3A_1575 : vector<16xf32>
      %get3A_1577 = arith.constant 5 : i32
      %get3A_1578 = arith.index_cast %get3A_1577 : i32 to index
      %get3A_1579 = arith.index_cast %add3A_1524 : i32 to index
      %get3A_1580 = tpu.vector_load %arg6[%get3A_1578, %get3A_1579] {strides = array<i32>} : memref<64x512xf32, #tpu.memory_space<vmem>>, vector<16xf32>,
      %slice3A_1581 = vector.extract_strided_slice %get3A_67 {offsets = [5], sizes = [1], strides = [1]} : vector<16xf32> to vector<1xf32>
      %squeeze3A_1582 = vector.extract %slice3A_1581[0] : f32 from vector<1xf32>
      %sub3A_1583 = vector.broadcast %squeeze3A_1582 : f32 to vector<16xf32>
      %sub3A_1584 = arith.subf %get3A_1580, %sub3A_1583 : vector<16xf32>
      %mul3A_1585 = arith.mulf %sub3A_1584, %sub3A_1584 : vector<16xf32>
      %add3A_1586 = arith.addf %add3A_1576, %mul3A_1585 : vector<16xf32>
      %get3A_1587 = arith.constant 6 : i32
      %get3A_1588 = arith.index_cast %get3A_1587 : i32 to index
      %get3A_1589 = arith.index_cast %add3A_1524 : i32 to index
      %get3A_1590 = tpu.vector_load %arg6[%get3A_1588, %get3A_1589] {strides = array<i32>} : memref<64x512xf32, #tpu.memory_space<vmem>>, vector<16xf32>,
      %slice3A_1591 = vector.extract_strided_slice %get3A_67 {offsets = [6], sizes = [1], strides = [1]} : vector<16xf32> to vector<1xf32>
      %squeeze3A_1592 = vector.extract %slice3A_1591[0] : f32 from vector<1xf32>
      %sub3A_1593 = vector.broadcast %squeeze3A_1592 : f32 to vector<16xf32>
      %sub3A_1594 = arith.subf %get3A_1590, %sub3A_1593 : vector<16xf32>
      %mul3A_1595 = arith.mulf %sub3A_1594, %sub3A_1594 : vector<16xf32>
      %add3A_1596 = arith.addf %add3A_1586, %mul3A_1595 : vector<16xf32>
      %get3A_1597 = arith.constant 7 : i32
      %get3A_1598 = arith.index_cast %get3A_1597 : i32 to index
      %get3A_1599 = arith.index_cast %add3A_1524 : i32 to index
      %get3A_1600 = tpu.vector_load %arg6[%get3A_1598, %get3A_1599] {strides = array<i32>} : memref<64x512xf32, #tpu.memory_space<vmem>>, vector<16xf32>,
      %slice3A_1601 = vector.extract_strided_slice %get3A_67 {offsets = [7], sizes = [1], strides = [1]} : vector<16xf32> to vector<1xf32>
      %squeeze3A_1602 = vector.extract %slice3A_1601[0] : f32 from vector<1xf32>
      %sub3A_1603 = vector.broadcast %squeeze3A_1602 : f32 to vector<16xf32>
      %sub3A_1604 = arith.subf %get3A_1600, %sub3A_1603 : vector<16xf32>
      %mul3A_1605 = arith.mulf %sub3A_1604, %sub3A_1604 : vector<16xf32>
      %add3A_1606 = arith.addf %add3A_1596, %mul3A_1605 : vector<16xf32>
      %get3A_1607 = arith.constant 8 : i32
      %get3A_1608 = arith.index_cast %get3A_1607 : i32 to index
      %get3A_1609 = arith.index_cast %add3A_1524 : i32 to index
      %get3A_1610 = tpu.vector_load %arg6[%get3A_1608, %get3A_1609] {strides = array<i32>} : memref<64x512xf32, #tpu.memory_space<vmem>>, vector<16xf32>,
      %slice3A_1611 = vector.extract_strided_slice %get3A_67 {offsets = [8], sizes = [1], strides = [1]} : vector<16xf32> to vector<1xf32>
      %squeeze3A_1612 = vector.extract %slice3A_1611[0] : f32 from vector<1xf32>
      %sub3A_1613 = vector.broadcast %squeeze3A_1612 : f32 to vector<16xf32>
      %sub3A_1614 = arith.subf %get3A_1610, %sub3A_1613 : vector<16xf32>
      %mul3A_1615 = arith.mulf %sub3A_1614, %sub3A_1614 : vector<16xf32>
      %add3A_1616 = arith.addf %add3A_1606, %mul3A_1615 : vector<16xf32>
      %get3A_1617 = arith.constant 9 : i32
      %get3A_1618 = arith.index_cast %get3A_1617 : i32 to index
      %get3A_1619 = arith.index_cast %add3A_1524 : i32 to index
      %get3A_1620 = tpu.vector_load %arg6[%get3A_1618, %get3A_1619] {strides = array<i32>} : memref<64x512xf32, #tpu.memory_space<vmem>>, vector<16xf32>,
      %slice3A_1621 = vector.extract_strided_slice %get3A_67 {offsets = [9], sizes = [1], strides = [1]} : vector<16xf32> to vector<1xf32>
      %squeeze3A_1622 = vector.extract %slice3A_1621[0] : f32 from vector<1xf32>
      %sub3A_1623 = vector.broadcast %squeeze3A_1622 : f32 to vector<16xf32>
      %sub3A_1624 = arith.subf %get3A_1620, %sub3A_1623 : vector<16xf32>
      %mul3A_1625 = arith.mulf %sub3A_1624, %sub3A_1624 : vector<16xf32>
      %add3A_1626 = arith.addf %add3A_1616, %mul3A_1625 : vector<16xf32>
      %get3A_1627 = arith.constant 10 : i32
      %get3A_1628 = arith.index_cast %get3A_1627 : i32 to index
      %get3A_1629 = arith.index_cast %add3A_1524 : i32 to index
      %get3A_1630 = tpu.vector_load %arg6[%get3A_1628, %get3A_1629] {strides = array<i32>} : memref<64x512xf32, #tpu.memory_space<vmem>>, vector<16xf32>,
      %slice3A_1631 = vector.extract_strided_slice %get3A_67 {offsets = [10], sizes = [1], strides = [1]} : vector<16xf32> to vector<1xf32>
      %squeeze3A_1632 = vector.extract %slice3A_1631[0] : f32 from vector<1xf32>
      %sub3A_1633 = vector.broadcast %squeeze3A_1632 : f32 to vector<16xf32>
      %sub3A_1634 = arith.subf %get3A_1630, %sub3A_1633 : vector<16xf32>
      %mul3A_1635 = arith.mulf %sub3A_1634, %sub3A_1634 : vector<16xf32>
      %add3A_1636 = arith.addf %add3A_1626, %mul3A_1635 : vector<16xf32>
      %get3A_1637 = arith.constant 11 : i32
      %get3A_1638 = arith.index_cast %get3A_1637 : i32 to index
      %get3A_1639 = arith.index_cast %add3A_1524 : i32 to index
      %get3A_1640 = tpu.vector_load %arg6[%get3A_1638, %get3A_1639] {strides = array<i32>} : memref<64x512xf32, #tpu.memory_space<vmem>>, vector<16xf32>,
      %slice3A_1641 = vector.extract_strided_slice %get3A_67 {offsets = [11], sizes = [1], strides = [1]} : vector<16xf32> to vector<1xf32>
      %squeeze3A_1642 = vector.extract %slice3A_1641[0] : f32 from vector<1xf32>
      %sub3A_1643 = vector.broadcast %squeeze3A_1642 : f32 to vector<16xf32>
      %sub3A_1644 = arith.subf %get3A_1640, %sub3A_1643 : vector<16xf32>
      %mul3A_1645 = arith.mulf %sub3A_1644, %sub3A_1644 : vector<16xf32>
      %add3A_1646 = arith.addf %add3A_1636, %mul3A_1645 : vector<16xf32>
      %get3A_1647 = arith.constant 12 : i32
      %get3A_1648 = arith.index_cast %get3A_1647 : i32 to index
      %get3A_1649 = arith.index_cast %add3A_1524 : i32 to index
      %get3A_1650 = tpu.vector_load %arg6[%get3A_1648, %get3A_1649] {strides = array<i32>} : memref<64x512xf32, #tpu.memory_space<vmem>>, vector<16xf32>,
      %slice3A_1651 = vector.extract_strided_slice %get3A_67 {offsets = [12], sizes = [1], strides = [1]} : vector<16xf32> to vector<1xf32>
      %squeeze3A_1652 = vector.extract %slice3A_1651[0] : f32 from vector<1xf32>
      %sub3A_1653 = vector.broadcast %squeeze3A_1652 : f32 to vector<16xf32>
      %sub3A_1654 = arith.subf %get3A_1650, %sub3A_1653 : vector<16xf32>
      %mul3A_1655 = arith.mulf %sub3A_1654, %sub3A_1654 : vector<16xf32>
      %add3A_1656 = arith.addf %add3A_1646, %mul3A_1655 : vector<16xf32>
      %get3A_1657 = arith.constant 13 : i32
      %get3A_1658 = arith.index_cast %get3A_1657 : i32 to index
      %get3A_1659 = arith.index_cast %add3A_1524 : i32 to index
      %get3A_1660 = tpu.vector_load %arg6[%get3A_1658, %get3A_1659] {strides = array<i32>} : memref<64x512xf32, #tpu.memory_space<vmem>>, vector<16xf32>,
      %slice3A_1661 = vector.extract_strided_slice %get3A_67 {offsets = [13], sizes = [1], strides = [1]} : vector<16xf32> to vector<1xf32>
      %squeeze3A_1662 = vector.extract %slice3A_1661[0] : f32 from vector<1xf32>
      %sub3A_1663 = vector.broadcast %squeeze3A_1662 : f32 to vector<16xf32>
      %sub3A_1664 = arith.subf %get3A_1660, %sub3A_1663 : vector<16xf32>
      %mul3A_1665 = arith.mulf %sub3A_1664, %sub3A_1664 : vector<16xf32>
      %add3A_1666 = arith.addf %add3A_1656, %mul3A_1665 : vector<16xf32>
      %get3A_1667 = arith.constant 14 : i32
      %get3A_1668 = arith.index_cast %get3A_1667 : i32 to index
      %get3A_1669 = arith.index_cast %add3A_1524 : i32 to index
      %get3A_1670 = tpu.vector_load %arg6[%get3A_1668, %get3A_1669] {strides = array<i32>} : memref<64x512xf32, #tpu.memory_space<vmem>>, vector<16xf32>,
      %slice3A_1671 = vector.extract_strided_slice %get3A_67 {offsets = [14], sizes = [1], strides = [1]} : vector<16xf32> to vector<1xf32>
      %squeeze3A_1672 = vector.extract %slice3A_1671[0] : f32 from vector<1xf32>
      %sub3A_1673 = vector.broadcast %squeeze3A_1672 : f32 to vector<16xf32>
      %sub3A_1674 = arith.subf %get3A_1670, %sub3A_1673 : vector<16xf32>
      %mul3A_1675 = arith.mulf %sub3A_1674, %sub3A_1674 : vector<16xf32>
      %add3A_1676 = arith.addf %add3A_1666, %mul3A_1675 : vector<16xf32>
      %get3A_1677 = arith.constant 15 : i32
      %get3A_1678 = arith.index_cast %get3A_1677 : i32 to index
      %get3A_1679 = arith.index_cast %add3A_1524 : i32 to index
      %get3A_1680 = tpu.vector_load %arg6[%get3A_1678, %get3A_1679] {strides = array<i32>} : memref<64x512xf32, #tpu.memory_space<vmem>>, vector<16xf32>,
      %slice3A_1681 = vector.extract_strided_slice %get3A_67 {offsets = [15], sizes = [1], strides = [1]} : vector<16xf32> to vector<1xf32>
      %squeeze3A_1682 = vector.extract %slice3A_1681[0] : f32 from vector<1xf32>
      %sub3A_1683 = vector.broadcast %squeeze3A_1682 : f32 to vector<16xf32>
      %sub3A_1684 = arith.subf %get3A_1680, %sub3A_1683 : vector<16xf32>
      %mul3A_1685 = arith.mulf %sub3A_1684, %sub3A_1684 : vector<16xf32>
      %add3A_1686 = arith.addf %add3A_1676, %mul3A_1685 : vector<16xf32>
      %get3A_1687 = arith.constant 16 : i32
      %get3A_1688 = arith.index_cast %get3A_1687 : i32 to index
      %get3A_1689 = arith.index_cast %add3A_1524 : i32 to index
      %get3A_1690 = tpu.vector_load %arg6[%get3A_1688, %get3A_1689] {strides = array<i32>} : memref<64x512xf32, #tpu.memory_space<vmem>>, vector<16xf32>,
      %slice3A_1691 = vector.extract_strided_slice %get3A_69 {offsets = [0], sizes = [1], strides = [1]} : vector<16xf32> to vector<1xf32>
      %squeeze3A_1692 = vector.extract %slice3A_1691[0] : f32 from vector<1xf32>
      %sub3A_1693 = vector.broadcast %squeeze3A_1692 : f32 to vector<16xf32>
      %sub3A_1694 = arith.subf %get3A_1690, %sub3A_1693 : vector<16xf32>
      %mul3A_1695 = arith.mulf %sub3A_1694, %sub3A_1694 : vector<16xf32>
      %add3A_1696 = arith.addf %add3A_1686, %mul3A_1695 : vector<16xf32>
      %get3A_1697 = arith.constant 17 : i32
      %get3A_1698 = arith.index_cast %get3A_1697 : i32 to index
      %get3A_1699 = arith.index_cast %add3A_1524 : i32 to index
      %get3A_1700 = tpu.vector_load %arg6[%get3A_1698, %get3A_1699] {strides = array<i32>} : memref<64x512xf32, #tpu.memory_space<vmem>>, vector<16xf32>,
      %slice3A_1701 = vector.extract_strided_slice %get3A_69 {offsets = [1], sizes = [1], strides = [1]} : vector<16xf32> to vector<1xf32>
      %squeeze3A_1702 = vector.extract %slice3A_1701[0] : f32 from vector<1xf32>
      %sub3A_1703 = vector.broadcast %squeeze3A_1702 : f32 to vector<16xf32>
      %sub3A_1704 = arith.subf %get3A_1700, %sub3A_1703 : vector<16xf32>
      %mul3A_1705 = arith.mulf %sub3A_1704, %sub3A_1704 : vector<16xf32>
      %add3A_1706 = arith.addf %add3A_1696, %mul3A_1705 : vector<16xf32>
      %get3A_1707 = arith.constant 18 : i32
      %get3A_1708 = arith.index_cast %get3A_1707 : i32 to index
      %get3A_1709 = arith.index_cast %add3A_1524 : i32 to index
      %get3A_1710 = tpu.vector_load %arg6[%get3A_1708, %get3A_1709] {strides = array<i32>} : memref<64x512xf32, #tpu.memory_space<vmem>>, vector<16xf32>,
      %slice3A_1711 = vector.extract_strided_slice %get3A_69 {offsets = [2], sizes = [1], strides = [1]} : vector<16xf32> to vector<1xf32>
      %squeeze3A_1712 = vector.extract %slice3A_1711[0] : f32 from vector<1xf32>
      %sub3A_1713 = vector.broadcast %squeeze3A_1712 : f32 to vector<16xf32>
      %sub3A_1714 = arith.subf %get3A_1710, %sub3A_1713 : vector<16xf32>
      %mul3A_1715 = arith.mulf %sub3A_1714, %sub3A_1714 : vector<16xf32>
      %add3A_1716 = arith.addf %add3A_1706, %mul3A_1715 : vector<16xf32>
      %get3A_1717 = arith.constant 19 : i32
      %get3A_1718 = arith.index_cast %get3A_1717 : i32 to index
      %get3A_1719 = arith.index_cast %add3A_1524 : i32 to index
      %get3A_1720 = tpu.vector_load %arg6[%get3A_1718, %get3A_1719] {strides = array<i32>} : memref<64x512xf32, #tpu.memory_space<vmem>>, vector<16xf32>,
      %slice3A_1721 = vector.extract_strided_slice %get3A_69 {offsets = [3], sizes = [1], strides = [1]} : vector<16xf32> to vector<1xf32>
      %squeeze3A_1722 = vector.extract %slice3A_1721[0] : f32 from vector<1xf32>
      %sub3A_1723 = vector.broadcast %squeeze3A_1722 : f32 to vector<16xf32>
      %sub3A_1724 = arith.subf %get3A_1720, %sub3A_1723 : vector<16xf32>
      %mul3A_1725 = arith.mulf %sub3A_1724, %sub3A_1724 : vector<16xf32>
      %add3A_1726 = arith.addf %add3A_1716, %mul3A_1725 : vector<16xf32>
      %get3A_1727 = arith.constant 20 : i32
      %get3A_1728 = arith.index_cast %get3A_1727 : i32 to index
      %get3A_1729 = arith.index_cast %add3A_1524 : i32 to index
      %get3A_1730 = tpu.vector_load %arg6[%get3A_1728, %get3A_1729] {strides = array<i32>} : memref<64x512xf32, #tpu.memory_space<vmem>>, vector<16xf32>,
      %slice3A_1731 = vector.extract_strided_slice %get3A_69 {offsets = [4], sizes = [1], strides = [1]} : vector<16xf32> to vector<1xf32>
      %squeeze3A_1732 = vector.extract %slice3A_1731[0] : f32 from vector<1xf32>
      %sub3A_1733 = vector.broadcast %squeeze3A_1732 : f32 to vector<16xf32>
      %sub3A_1734 = arith.subf %get3A_1730, %sub3A_1733 : vector<16xf32>
      %mul3A_1735 = arith.mulf %sub3A_1734, %sub3A_1734 : vector<16xf32>
      %add3A_1736 = arith.addf %add3A_1726, %mul3A_1735 : vector<16xf32>
      %get3A_1737 = arith.constant 21 : i32
      %get3A_1738 = arith.index_cast %get3A_1737 : i32 to index
      %get3A_1739 = arith.index_cast %add3A_1524 : i32 to index
      %get3A_1740 = tpu.vector_load %arg6[%get3A_1738, %get3A_1739] {strides = array<i32>} : memref<64x512xf32, #tpu.memory_space<vmem>>, vector<16xf32>,
      %slice3A_1741 = vector.extract_strided_slice %get3A_69 {offsets = [5], sizes = [1], strides = [1]} : vector<16xf32> to vector<1xf32>
      %squeeze3A_1742 = vector.extract %slice3A_1741[0] : f32 from vector<1xf32>
      %sub3A_1743 = vector.broadcast %squeeze3A_1742 : f32 to vector<16xf32>
      %sub3A_1744 = arith.subf %get3A_1740, %sub3A_1743 : vector<16xf32>
      %mul3A_1745 = arith.mulf %sub3A_1744, %sub3A_1744 : vector<16xf32>
      %add3A_1746 = arith.addf %add3A_1736, %mul3A_1745 : vector<16xf32>
      %get3A_1747 = arith.constant 22 : i32
      %get3A_1748 = arith.index_cast %get3A_1747 : i32 to index
      %get3A_1749 = arith.index_cast %add3A_1524 : i32 to index
      %get3A_1750 = tpu.vector_load %arg6[%get3A_1748, %get3A_1749] {strides = array<i32>} : memref<64x512xf32, #tpu.memory_space<vmem>>, vector<16xf32>,
      %slice3A_1751 = vector.extract_strided_slice %get3A_69 {offsets = [6], sizes = [1], strides = [1]} : vector<16xf32> to vector<1xf32>
      %squeeze3A_1752 = vector.extract %slice3A_1751[0] : f32 from vector<1xf32>
      %sub3A_1753 = vector.broadcast %squeeze3A_1752 : f32 to vector<16xf32>
      %sub3A_1754 = arith.subf %get3A_1750, %sub3A_1753 : vector<16xf32>
      %mul3A_1755 = arith.mulf %sub3A_1754, %sub3A_1754 : vector<16xf32>
      %add3A_1756 = arith.addf %add3A_1746, %mul3A_1755 : vector<16xf32>
      %get3A_1757 = arith.constant 23 : i32
      %get3A_1758 = arith.index_cast %get3A_1757 : i32 to index
      %get3A_1759 = arith.index_cast %add3A_1524 : i32 to index
      %get3A_1760 = tpu.vector_load %arg6[%get3A_1758, %get3A_1759] {strides = array<i32>} : memref<64x512xf32, #tpu.memory_space<vmem>>, vector<16xf32>,
      %slice3A_1761 = vector.extract_strided_slice %get3A_69 {offsets = [7], sizes = [1], strides = [1]} : vector<16xf32> to vector<1xf32>
      %squeeze3A_1762 = vector.extract %slice3A_1761[0] : f32 from vector<1xf32>
      %sub3A_1763 = vector.broadcast %squeeze3A_1762 : f32 to vector<16xf32>
      %sub3A_1764 = arith.subf %get3A_1760, %sub3A_1763 : vector<16xf32>
      %mul3A_1765 = arith.mulf %sub3A_1764, %sub3A_1764 : vector<16xf32>
      %add3A_1766 = arith.addf %add3A_1756, %mul3A_1765 : vector<16xf32>
      %get3A_1767 = arith.constant 24 : i32
      %get3A_1768 = arith.index_cast %get3A_1767 : i32 to index
      %get3A_1769 = arith.index_cast %add3A_1524 : i32 to index
      %get3A_1770 = tpu.vector_load %arg6[%get3A_1768, %get3A_1769] {strides = array<i32>} : memref<64x512xf32, #tpu.memory_space<vmem>>, vector<16xf32>,
      %slice3A_1771 = vector.extract_strided_slice %get3A_69 {offsets = [8], sizes = [1], strides = [1]} : vector<16xf32> to vector<1xf32>
      %squeeze3A_1772 = vector.extract %slice3A_1771[0] : f32 from vector<1xf32>
      %sub3A_1773 = vector.broadcast %squeeze3A_1772 : f32 to vector<16xf32>
      %sub3A_1774 = arith.subf %get3A_1770, %sub3A_1773 : vector<16xf32>
      %mul3A_1775 = arith.mulf %sub3A_1774, %sub3A_1774 : vector<16xf32>
      %add3A_1776 = arith.addf %add3A_1766, %mul3A_1775 : vector<16xf32>
      %get3A_1777 = arith.constant 25 : i32
      %get3A_1778 = arith.index_cast %get3A_1777 : i32 to index
      %get3A_1779 = arith.index_cast %add3A_1524 : i32 to index
      %get3A_1780 = tpu.vector_load %arg6[%get3A_1778, %get3A_1779] {strides = array<i32>} : memref<64x512xf32, #tpu.memory_space<vmem>>, vector<16xf32>,
      %slice3A_1781 = vector.extract_strided_slice %get3A_69 {offsets = [9], sizes = [1], strides = [1]} : vector<16xf32> to vector<1xf32>
      %squeeze3A_1782 = vector.extract %slice3A_1781[0] : f32 from vector<1xf32>
      %sub3A_1783 = vector.broadcast %squeeze3A_1782 : f32 to vector<16xf32>
      %sub3A_1784 = arith.subf %get3A_1780, %sub3A_1783 : vector<16xf32>
      %mul3A_1785 = arith.mulf %sub3A_1784, %sub3A_1784 : vector<16xf32>
      %add3A_1786 = arith.addf %add3A_1776, %mul3A_1785 : vector<16xf32>
      %get3A_1787 = arith.constant 26 : i32
      %get3A_1788 = arith.index_cast %get3A_1787 : i32 to index
      %get3A_1789 = arith.index_cast %add3A_1524 : i32 to index
      %get3A_1790 = tpu.vector_load %arg6[%get3A_1788, %get3A_1789] {strides = array<i32>} : memref<64x512xf32, #tpu.memory_space<vmem>>, vector<16xf32>,
      %slice3A_1791 = vector.extract_strided_slice %get3A_69 {offsets = [10], sizes = [1], strides = [1]} : vector<16xf32> to vector<1xf32>
      %squeeze3A_1792 = vector.extract %slice3A_1791[0] : f32 from vector<1xf32>
      %sub3A_1793 = vector.broadcast %squeeze3A_1792 : f32 to vector<16xf32>
      %sub3A_1794 = arith.subf %get3A_1790, %sub3A_1793 : vector<16xf32>
      %mul3A_1795 = arith.mulf %sub3A_1794, %sub3A_1794 : vector<16xf32>
      %add3A_1796 = arith.addf %add3A_1786, %mul3A_1795 : vector<16xf32>
      %get3A_1797 = arith.constant 27 : i32
      %get3A_1798 = arith.index_cast %get3A_1797 : i32 to index
      %get3A_1799 = arith.index_cast %add3A_1524 : i32 to index
      %get3A_1800 = tpu.vector_load %arg6[%get3A_1798, %get3A_1799] {strides = array<i32>} : memref<64x512xf32, #tpu.memory_space<vmem>>, vector<16xf32>,
      %slice3A_1801 = vector.extract_strided_slice %get3A_69 {offsets = [11], sizes = [1], strides = [1]} : vector<16xf32> to vector<1xf32>
      %squeeze3A_1802 = vector.extract %slice3A_1801[0] : f32 from vector<1xf32>
      %sub3A_1803 = vector.broadcast %squeeze3A_1802 : f32 to vector<16xf32>
      %sub3A_1804 = arith.subf %get3A_1800, %sub3A_1803 : vector<16xf32>
      %mul3A_1805 = arith.mulf %sub3A_1804, %sub3A_1804 : vector<16xf32>
      %add3A_1806 = arith.addf %add3A_1796, %mul3A_1805 : vector<16xf32>
      %get3A_1807 = arith.constant 28 : i32
      %get3A_1808 = arith.index_cast %get3A_1807 : i32 to index
      %get3A_1809 = arith.index_cast %add3A_1524 : i32 to index
      %get3A_1810 = tpu.vector_load %arg6[%get3A_1808, %get3A_1809] {strides = array<i32>} : memref<64x512xf32, #tpu.memory_space<vmem>>, vector<16xf32>,
      %slice3A_1811 = vector.extract_strided_slice %get3A_69 {offsets = [12], sizes = [1], strides = [1]} : vector<16xf32> to vector<1xf32>
      %squeeze3A_1812 = vector.extract %slice3A_1811[0] : f32 from vector<1xf32>
      %sub3A_1813 = vector.broadcast %squeeze3A_1812 : f32 to vector<16xf32>
      %sub3A_1814 = arith.subf %get3A_1810, %sub3A_1813 : vector<16xf32>
      %mul3A_1815 = arith.mulf %sub3A_1814, %sub3A_1814 : vector<16xf32>
      %add3A_1816 = arith.addf %add3A_1806, %mul3A_1815 : vector<16xf32>
      %get3A_1817 = arith.constant 29 : i32
      %get3A_1818 = arith.index_cast %get3A_1817 : i32 to index
      %get3A_1819 = arith.index_cast %add3A_1524 : i32 to index
      %get3A_1820 = tpu.vector_load %arg6[%get3A_1818, %get3A_1819] {strides = array<i32>} : memref<64x512xf32, #tpu.memory_space<vmem>>, vector<16xf32>,
      %slice3A_1821 = vector.extract_strided_slice %get3A_69 {offsets = [13], sizes = [1], strides = [1]} : vector<16xf32> to vector<1xf32>
      %squeeze3A_1822 = vector.extract %slice3A_1821[0] : f32 from vector<1xf32>
      %sub3A_1823 = vector.broadcast %squeeze3A_1822 : f32 to vector<16xf32>
      %sub3A_1824 = arith.subf %get3A_1820, %sub3A_1823 : vector<16xf32>
      %mul3A_1825 = arith.mulf %sub3A_1824, %sub3A_1824 : vector<16xf32>
      %add3A_1826 = arith.addf %add3A_1816, %mul3A_1825 : vector<16xf32>
      %get3A_1827 = arith.constant 30 : i32
      %get3A_1828 = arith.index_cast %get3A_1827 : i32 to index
      %get3A_1829 = arith.index_cast %add3A_1524 : i32 to index
      %get3A_1830 = tpu.vector_load %arg6[%get3A_1828, %get3A_1829] {strides = array<i32>} : memref<64x512xf32, #tpu.memory_space<vmem>>, vector<16xf32>,
      %slice3A_1831 = vector.extract_strided_slice %get3A_69 {offsets = [14], sizes = [1], strides = [1]} : vector<16xf32> to vector<1xf32>
      %squeeze3A_1832 = vector.extract %slice3A_1831[0] : f32 from vector<1xf32>
      %sub3A_1833 = vector.broadcast %squeeze3A_1832 : f32 to vector<16xf32>
      %sub3A_1834 = arith.subf %get3A_1830, %sub3A_1833 : vector<16xf32>
      %mul3A_1835 = arith.mulf %sub3A_1834, %sub3A_1834 : vector<16xf32>
      %add3A_1836 = arith.addf %add3A_1826, %mul3A_1835 : vector<16xf32>
      %get3A_1837 = arith.constant 31 : i32
      %get3A_1838 = arith.index_cast %get3A_1837 : i32 to index
      %get3A_1839 = arith.index_cast %add3A_1524 : i32 to index
      %get3A_1840 = tpu.vector_load %arg6[%get3A_1838, %get3A_1839] {strides = array<i32>} : memref<64x512xf32, #tpu.memory_space<vmem>>, vector<16xf32>,
      %slice3A_1841 = vector.extract_strided_slice %get3A_69 {offsets = [15], sizes = [1], strides = [1]} : vector<16xf32> to vector<1xf32>
      %squeeze3A_1842 = vector.extract %slice3A_1841[0] : f32 from vector<1xf32>
      %sub3A_1843 = vector.broadcast %squeeze3A_1842 : f32 to vector<16xf32>
      %sub3A_1844 = arith.subf %get3A_1840, %sub3A_1843 : vector<16xf32>
      %mul3A_1845 = arith.mulf %sub3A_1844, %sub3A_1844 : vector<16xf32>
      %add3A_1846 = arith.addf %add3A_1836, %mul3A_1845 : vector<16xf32>
      %get3A_1847 = arith.constant 32 : i32
      %get3A_1848 = arith.index_cast %get3A_1847 : i32 to index
      %get3A_1849 = arith.index_cast %add3A_1524 : i32 to index
      %get3A_1850 = tpu.vector_load %arg6[%get3A_1848, %get3A_1849] {strides = array<i32>} : memref<64x512xf32, #tpu.memory_space<vmem>>, vector<16xf32>,
      %slice3A_1851 = vector.extract_strided_slice %get3A_71 {offsets = [0], sizes = [1], strides = [1]} : vector<16xf32> to vector<1xf32>
      %squeeze3A_1852 = vector.extract %slice3A_1851[0] : f32 from vector<1xf32>
      %sub3A_1853 = vector.broadcast %squeeze3A_1852 : f32 to vector<16xf32>
      %sub3A_1854 = arith.subf %get3A_1850, %sub3A_1853 : vector<16xf32>
      %mul3A_1855 = arith.mulf %sub3A_1854, %sub3A_1854 : vector<16xf32>
      %add3A_1856 = arith.addf %add3A_1846, %mul3A_1855 : vector<16xf32>
      %get3A_1857 = arith.constant 33 : i32
      %get3A_1858 = arith.index_cast %get3A_1857 : i32 to index
      %get3A_1859 = arith.index_cast %add3A_1524 : i32 to index
      %get3A_1860 = tpu.vector_load %arg6[%get3A_1858, %get3A_1859] {strides = array<i32>} : memref<64x512xf32, #tpu.memory_space<vmem>>, vector<16xf32>,
      %slice3A_1861 = vector.extract_strided_slice %get3A_71 {offsets = [1], sizes = [1], strides = [1]} : vector<16xf32> to vector<1xf32>
      %squeeze3A_1862 = vector.extract %slice3A_1861[0] : f32 from vector<1xf32>
      %sub3A_1863 = vector.broadcast %squeeze3A_1862 : f32 to vector<16xf32>
      %sub3A_1864 = arith.subf %get3A_1860, %sub3A_1863 : vector<16xf32>
      %mul3A_1865 = arith.mulf %sub3A_1864, %sub3A_1864 : vector<16xf32>
      %add3A_1866 = arith.addf %add3A_1856, %mul3A_1865 : vector<16xf32>
      %get3A_1867 = arith.constant 34 : i32
      %get3A_1868 = arith.index_cast %get3A_1867 : i32 to index
      %get3A_1869 = arith.index_cast %add3A_1524 : i32 to index
      %get3A_1870 = tpu.vector_load %arg6[%get3A_1868, %get3A_1869] {strides = array<i32>} : memref<64x512xf32, #tpu.memory_space<vmem>>, vector<16xf32>,
      %slice3A_1871 = vector.extract_strided_slice %get3A_71 {offsets = [2], sizes = [1], strides = [1]} : vector<16xf32> to vector<1xf32>
      %squeeze3A_1872 = vector.extract %slice3A_1871[0] : f32 from vector<1xf32>
      %sub3A_1873 = vector.broadcast %squeeze3A_1872 : f32 to vector<16xf32>
      %sub3A_1874 = arith.subf %get3A_1870, %sub3A_1873 : vector<16xf32>
      %mul3A_1875 = arith.mulf %sub3A_1874, %sub3A_1874 : vector<16xf32>
      %add3A_1876 = arith.addf %add3A_1866, %mul3A_1875 : vector<16xf32>
      %get3A_1877 = arith.constant 35 : i32
      %get3A_1878 = arith.index_cast %get3A_1877 : i32 to index
      %get3A_1879 = arith.index_cast %add3A_1524 : i32 to index
      %get3A_1880 = tpu.vector_load %arg6[%get3A_1878, %get3A_1879] {strides = array<i32>} : memref<64x512xf32, #tpu.memory_space<vmem>>, vector<16xf32>,
      %slice3A_1881 = vector.extract_strided_slice %get3A_71 {offsets = [3], sizes = [1], strides = [1]} : vector<16xf32> to vector<1xf32>
      %squeeze3A_1882 = vector.extract %slice3A_1881[0] : f32 from vector<1xf32>
      %sub3A_1883 = vector.broadcast %squeeze3A_1882 : f32 to vector<16xf32>
      %sub3A_1884 = arith.subf %get3A_1880, %sub3A_1883 : vector<16xf32>
      %mul3A_1885 = arith.mulf %sub3A_1884, %sub3A_1884 : vector<16xf32>
      %add3A_1886 = arith.addf %add3A_1876, %mul3A_1885 : vector<16xf32>
      %get3A_1887 = arith.constant 36 : i32
      %get3A_1888 = arith.index_cast %get3A_1887 : i32 to index
      %get3A_1889 = arith.index_cast %add3A_1524 : i32 to index
      %get3A_1890 = tpu.vector_load %arg6[%get3A_1888, %get3A_1889] {strides = array<i32>} : memref<64x512xf32, #tpu.memory_space<vmem>>, vector<16xf32>,
      %slice3A_1891 = vector.extract_strided_slice %get3A_71 {offsets = [4], sizes = [1], strides = [1]} : vector<16xf32> to vector<1xf32>
      %squeeze3A_1892 = vector.extract %slice3A_1891[0] : f32 from vector<1xf32>
      %sub3A_1893 = vector.broadcast %squeeze3A_1892 : f32 to vector<16xf32>
      %sub3A_1894 = arith.subf %get3A_1890, %sub3A_1893 : vector<16xf32>
      %mul3A_1895 = arith.mulf %sub3A_1894, %sub3A_1894 : vector<16xf32>
      %add3A_1896 = arith.addf %add3A_1886, %mul3A_1895 : vector<16xf32>
      %get3A_1897 = arith.constant 37 : i32
      %get3A_1898 = arith.index_cast %get3A_1897 : i32 to index
      %get3A_1899 = arith.index_cast %add3A_1524 : i32 to index
      %get3A_1900 = tpu.vector_load %arg6[%get3A_1898, %get3A_1899] {strides = array<i32>} : memref<64x512xf32, #tpu.memory_space<vmem>>, vector<16xf32>,
      %slice3A_1901 = vector.extract_strided_slice %get3A_71 {offsets = [5], sizes = [1], strides = [1]} : vector<16xf32> to vector<1xf32>
      %squeeze3A_1902 = vector.extract %slice3A_1901[0] : f32 from vector<1xf32>
      %sub3A_1903 = vector.broadcast %squeeze3A_1902 : f32 to vector<16xf32>
      %sub3A_1904 = arith.subf %get3A_1900, %sub3A_1903 : vector<16xf32>
      %mul3A_1905 = arith.mulf %sub3A_1904, %sub3A_1904 : vector<16xf32>
      %add3A_1906 = arith.addf %add3A_1896, %mul3A_1905 : vector<16xf32>
      %get3A_1907 = arith.constant 38 : i32
      %get3A_1908 = arith.index_cast %get3A_1907 : i32 to index
      %get3A_1909 = arith.index_cast %add3A_1524 : i32 to index
      %get3A_1910 = tpu.vector_load %arg6[%get3A_1908, %get3A_1909] {strides = array<i32>} : memref<64x512xf32, #tpu.memory_space<vmem>>, vector<16xf32>,
      %slice3A_1911 = vector.extract_strided_slice %get3A_71 {offsets = [6], sizes = [1], strides = [1]} : vector<16xf32> to vector<1xf32>
      %squeeze3A_1912 = vector.extract %slice3A_1911[0] : f32 from vector<1xf32>
      %sub3A_1913 = vector.broadcast %squeeze3A_1912 : f32 to vector<16xf32>
      %sub3A_1914 = arith.subf %get3A_1910, %sub3A_1913 : vector<16xf32>
      %mul3A_1915 = arith.mulf %sub3A_1914, %sub3A_1914 : vector<16xf32>
      %add3A_1916 = arith.addf %add3A_1906, %mul3A_1915 : vector<16xf32>
      %get3A_1917 = arith.constant 39 : i32
      %get3A_1918 = arith.index_cast %get3A_1917 : i32 to index
      %get3A_1919 = arith.index_cast %add3A_1524 : i32 to index
      %get3A_1920 = tpu.vector_load %arg6[%get3A_1918, %get3A_1919] {strides = array<i32>} : memref<64x512xf32, #tpu.memory_space<vmem>>, vector<16xf32>,
      %slice3A_1921 = vector.extract_strided_slice %get3A_71 {offsets = [7], sizes = [1], strides = [1]} : vector<16xf32> to vector<1xf32>
      %squeeze3A_1922 = vector.extract %slice3A_1921[0] : f32 from vector<1xf32>
      %sub3A_1923 = vector.broadcast %squeeze3A_1922 : f32 to vector<16xf32>
      %sub3A_1924 = arith.subf %get3A_1920, %sub3A_1923 : vector<16xf32>
      %mul3A_1925 = arith.mulf %sub3A_1924, %sub3A_1924 : vector<16xf32>
      %add3A_1926 = arith.addf %add3A_1916, %mul3A_1925 : vector<16xf32>
      %get3A_1927 = arith.constant 40 : i32
      %get3A_1928 = arith.index_cast %get3A_1927 : i32 to index
      %get3A_1929 = arith.index_cast %add3A_1524 : i32 to index
      %get3A_1930 = tpu.vector_load %arg6[%get3A_1928, %get3A_1929] {strides = array<i32>} : memref<64x512xf32, #tpu.memory_space<vmem>>, vector<16xf32>,
      %slice3A_1931 = vector.extract_strided_slice %get3A_71 {offsets = [8], sizes = [1], strides = [1]} : vector<16xf32> to vector<1xf32>
      %squeeze3A_1932 = vector.extract %slice3A_1931[0] : f32 from vector<1xf32>
      %sub3A_1933 = vector.broadcast %squeeze3A_1932 : f32 to vector<16xf32>
      %sub3A_1934 = arith.subf %get3A_1930, %sub3A_1933 : vector<16xf32>
      %mul3A_1935 = arith.mulf %sub3A_1934, %sub3A_1934 : vector<16xf32>
      %add3A_1936 = arith.addf %add3A_1926, %mul3A_1935 : vector<16xf32>
      %get3A_1937 = arith.constant 41 : i32
      %get3A_1938 = arith.index_cast %get3A_1937 : i32 to index
      %get3A_1939 = arith.index_cast %add3A_1524 : i32 to index
      %get3A_1940 = tpu.vector_load %arg6[%get3A_1938, %get3A_1939] {strides = array<i32>} : memref<64x512xf32, #tpu.memory_space<vmem>>, vector<16xf32>,
      %slice3A_1941 = vector.extract_strided_slice %get3A_71 {offsets = [9], sizes = [1], strides = [1]} : vector<16xf32> to vector<1xf32>
      %squeeze3A_1942 = vector.extract %slice3A_1941[0] : f32 from vector<1xf32>
      %sub3A_1943 = vector.broadcast %squeeze3A_1942 : f32 to vector<16xf32>
      %sub3A_1944 = arith.subf %get3A_1940, %sub3A_1943 : vector<16xf32>
      %mul3A_1945 = arith.mulf %sub3A_1944, %sub3A_1944 : vector<16xf32>
      %add3A_1946 = arith.addf %add3A_1936, %mul3A_1945 : vector<16xf32>
      %get3A_1947 = arith.constant 42 : i32
      %get3A_1948 = arith.index_cast %get3A_1947 : i32 to index
      %get3A_1949 = arith.index_cast %add3A_1524 : i32 to index
      %get3A_1950 = tpu.vector_load %arg6[%get3A_1948, %get3A_1949] {strides = array<i32>} : memref<64x512xf32, #tpu.memory_space<vmem>>, vector<16xf32>,
      %slice3A_1951 = vector.extract_strided_slice %get3A_71 {offsets = [10], sizes = [1], strides = [1]} : vector<16xf32> to vector<1xf32>
      %squeeze3A_1952 = vector.extract %slice3A_1951[0] : f32 from vector<1xf32>
      %sub3A_1953 = vector.broadcast %squeeze3A_1952 : f32 to vector<16xf32>
      %sub3A_1954 = arith.subf %get3A_1950, %sub3A_1953 : vector<16xf32>
      %mul3A_1955 = arith.mulf %sub3A_1954, %sub3A_1954 : vector<16xf32>
      %add3A_1956 = arith.addf %add3A_1946, %mul3A_1955 : vector<16xf32>
      %get3A_1957 = arith.constant 43 : i32
      %get3A_1958 = arith.index_cast %get3A_1957 : i32 to index
      %get3A_1959 = arith.index_cast %add3A_1524 : i32 to index
      %get3A_1960 = tpu.vector_load %arg6[%get3A_1958, %get3A_1959] {strides = array<i32>} : memref<64x512xf32, #tpu.memory_space<vmem>>, vector<16xf32>,
      %slice3A_1961 = vector.extract_strided_slice %get3A_71 {offsets = [11], sizes = [1], strides = [1]} : vector<16xf32> to vector<1xf32>
      %squeeze3A_1962 = vector.extract %slice3A_1961[0] : f32 from vector<1xf32>
      %sub3A_1963 = vector.broadcast %squeeze3A_1962 : f32 to vector<16xf32>
      %sub3A_1964 = arith.subf %get3A_1960, %sub3A_1963 : vector<16xf32>
      %mul3A_1965 = arith.mulf %sub3A_1964, %sub3A_1964 : vector<16xf32>
      %add3A_1966 = arith.addf %add3A_1956, %mul3A_1965 : vector<16xf32>
      %get3A_1967 = arith.constant 44 : i32
      %get3A_1968 = arith.index_cast %get3A_1967 : i32 to index
      %get3A_1969 = arith.index_cast %add3A_1524 : i32 to index
      %get3A_1970 = tpu.vector_load %arg6[%get3A_1968, %get3A_1969] {strides = array<i32>} : memref<64x512xf32, #tpu.memory_space<vmem>>, vector<16xf32>,
      %slice3A_1971 = vector.extract_strided_slice %get3A_71 {offsets = [12], sizes = [1], strides = [1]} : vector<16xf32> to vector<1xf32>
      %squeeze3A_1972 = vector.extract %slice3A_1971[0] : f32 from vector<1xf32>
      %sub3A_1973 = vector.broadcast %squeeze3A_1972 : f32 to vector<16xf32>
      %sub3A_1974 = arith.subf %get3A_1970, %sub3A_1973 : vector<16xf32>
      %mul3A_1975 = arith.mulf %sub3A_1974, %sub3A_1974 : vector<16xf32>
      %add3A_1976 = arith.addf %add3A_1966, %mul3A_1975 : vector<16xf32>
      %get3A_1977 = arith.constant 45 : i32
      %get3A_1978 = arith.index_cast %get3A_1977 : i32 to index
      %get3A_1979 = arith.index_cast %add3A_1524 : i32 to index
      %get3A_1980 = tpu.vector_load %arg6[%get3A_1978, %get3A_1979] {strides = array<i32>} : memref<64x512xf32, #tpu.memory_space<vmem>>, vector<16xf32>,
      %slice3A_1981 = vector.extract_strided_slice %get3A_71 {offsets = [13], sizes = [1], strides = [1]} : vector<16xf32> to vector<1xf32>
      %squeeze3A_1982 = vector.extract %slice3A_1981[0] : f32 from vector<1xf32>
      %sub3A_1983 = vector.broadcast %squeeze3A_1982 : f32 to vector<16xf32>
      %sub3A_1984 = arith.subf %get3A_1980, %sub3A_1983 : vector<16xf32>
      %mul3A_1985 = arith.mulf %sub3A_1984, %sub3A_1984 : vector<16xf32>
      %add3A_1986 = arith.addf %add3A_1976, %mul3A_1985 : vector<16xf32>
      %get3A_1987 = arith.constant 46 : i32
      %get3A_1988 = arith.index_cast %get3A_1987 : i32 to index
      %get3A_1989 = arith.index_cast %add3A_1524 : i32 to index
      %get3A_1990 = tpu.vector_load %arg6[%get3A_1988, %get3A_1989] {strides = array<i32>} : memref<64x512xf32, #tpu.memory_space<vmem>>, vector<16xf32>,
      %slice3A_1991 = vector.extract_strided_slice %get3A_71 {offsets = [14], sizes = [1], strides = [1]} : vector<16xf32> to vector<1xf32>
      %squeeze3A_1992 = vector.extract %slice3A_1991[0] : f32 from vector<1xf32>
      %sub3A_1993 = vector.broadcast %squeeze3A_1992 : f32 to vector<16xf32>
      %sub3A_1994 = arith.subf %get3A_1990, %sub3A_1993 : vector<16xf32>
      %mul3A_1995 = arith.mulf %sub3A_1994, %sub3A_1994 : vector<16xf32>
      %add3A_1996 = arith.addf %add3A_1986, %mul3A_1995 : vector<16xf32>
      %get3A_1997 = arith.constant 47 : i32
      %get3A_1998 = arith.index_cast %get3A_1997 : i32 to index
      %get3A_1999 = arith.index_cast %add3A_1524 : i32 to index
      %get3A_2000 = tpu.vector_load %arg6[%get3A_1998, %get3A_1999] {strides = array<i32>} : memref<64x512xf32, #tpu.memory_space<vmem>>, vector<16xf32>,
      %slice3A_2001 = vector.extract_strided_slice %get3A_71 {offsets = [15], sizes = [1], strides = [1]} : vector<16xf32> to vector<1xf32>
      %squeeze3A_2002 = vector.extract %slice3A_2001[0] : f32 from vector<1xf32>
      %sub3A_2003 = vector.broadcast %squeeze3A_2002 : f32 to vector<16xf32>
      %sub3A_2004 = arith.subf %get3A_2000, %sub3A_2003 : vector<16xf32>
      %mul3A_2005 = arith.mulf %sub3A_2004, %sub3A_2004 : vector<16xf32>
      %add3A_2006 = arith.addf %add3A_1996, %mul3A_2005 : vector<16xf32>
      %get3A_2007 = arith.constant 48 : i32
      %get3A_2008 = arith.index_cast %get3A_2007 : i32 to index
      %get3A_2009 = arith.index_cast %add3A_1524 : i32 to index
      %get3A_2010 = tpu.vector_load %arg6[%get3A_2008, %get3A_2009] {strides = array<i32>} : memref<64x512xf32, #tpu.memory_space<vmem>>, vector<16xf32>,
      %slice3A_2011 = vector.extract_strided_slice %get3A_73 {offsets = [0], sizes = [1], strides = [1]} : vector<16xf32> to vector<1xf32>
      %squeeze3A_2012 = vector.extract %slice3A_2011[0] : f32 from vector<1xf32>
      %sub3A_2013 = vector.broadcast %squeeze3A_2012 : f32 to vector<16xf32>
      %sub3A_2014 = arith.subf %get3A_2010, %sub3A_2013 : vector<16xf32>
      %mul3A_2015 = arith.mulf %sub3A_2014, %sub3A_2014 : vector<16xf32>
      %add3A_2016 = arith.addf %add3A_2006, %mul3A_2015 : vector<16xf32>
      %get3A_2017 = arith.constant 49 : i32
      %get3A_2018 = arith.index_cast %get3A_2017 : i32 to index
      %get3A_2019 = arith.index_cast %add3A_1524 : i32 to index
      %get3A_2020 = tpu.vector_load %arg6[%get3A_2018, %get3A_2019] {strides = array<i32>} : memref<64x512xf32, #tpu.memory_space<vmem>>, vector<16xf32>,
      %slice3A_2021 = vector.extract_strided_slice %get3A_73 {offsets = [1], sizes = [1], strides = [1]} : vector<16xf32> to vector<1xf32>
      %squeeze3A_2022 = vector.extract %slice3A_2021[0] : f32 from vector<1xf32>
      %sub3A_2023 = vector.broadcast %squeeze3A_2022 : f32 to vector<16xf32>
      %sub3A_2024 = arith.subf %get3A_2020, %sub3A_2023 : vector<16xf32>
      %mul3A_2025 = arith.mulf %sub3A_2024, %sub3A_2024 : vector<16xf32>
      %add3A_2026 = arith.addf %add3A_2016, %mul3A_2025 : vector<16xf32>
      %get3A_2027 = arith.constant 50 : i32
      %get3A_2028 = arith.index_cast %get3A_2027 : i32 to index
      %get3A_2029 = arith.index_cast %add3A_1524 : i32 to index
      %get3A_2030 = tpu.vector_load %arg6[%get3A_2028, %get3A_2029] {strides = array<i32>} : memref<64x512xf32, #tpu.memory_space<vmem>>, vector<16xf32>,
      %slice3A_2031 = vector.extract_strided_slice %get3A_73 {offsets = [2], sizes = [1], strides = [1]} : vector<16xf32> to vector<1xf32>
      %squeeze3A_2032 = vector.extract %slice3A_2031[0] : f32 from vector<1xf32>
      %sub3A_2033 = vector.broadcast %squeeze3A_2032 : f32 to vector<16xf32>
      %sub3A_2034 = arith.subf %get3A_2030, %sub3A_2033 : vector<16xf32>
      %mul3A_2035 = arith.mulf %sub3A_2034, %sub3A_2034 : vector<16xf32>
      %add3A_2036 = arith.addf %add3A_2026, %mul3A_2035 : vector<16xf32>
      %get3A_2037 = arith.constant 51 : i32
      %get3A_2038 = arith.index_cast %get3A_2037 : i32 to index
      %get3A_2039 = arith.index_cast %add3A_1524 : i32 to index
      %get3A_2040 = tpu.vector_load %arg6[%get3A_2038, %get3A_2039] {strides = array<i32>} : memref<64x512xf32, #tpu.memory_space<vmem>>, vector<16xf32>,
      %slice3A_2041 = vector.extract_strided_slice %get3A_73 {offsets = [3], sizes = [1], strides = [1]} : vector<16xf32> to vector<1xf32>
      %squeeze3A_2042 = vector.extract %slice3A_2041[0] : f32 from vector<1xf32>
      %sub3A_2043 = vector.broadcast %squeeze3A_2042 : f32 to vector<16xf32>
      %sub3A_2044 = arith.subf %get3A_2040, %sub3A_2043 : vector<16xf32>
      %mul3A_2045 = arith.mulf %sub3A_2044, %sub3A_2044 : vector<16xf32>
      %add3A_2046 = arith.addf %add3A_2036, %mul3A_2045 : vector<16xf32>
      %get3A_2047 = arith.constant 52 : i32
      %get3A_2048 = arith.index_cast %get3A_2047 : i32 to index
      %get3A_2049 = arith.index_cast %add3A_1524 : i32 to index
      %get3A_2050 = tpu.vector_load %arg6[%get3A_2048, %get3A_2049] {strides = array<i32>} : memref<64x512xf32, #tpu.memory_space<vmem>>, vector<16xf32>,
      %slice3A_2051 = vector.extract_strided_slice %get3A_73 {offsets = [4], sizes = [1], strides = [1]} : vector<16xf32> to vector<1xf32>
      %squeeze3A_2052 = vector.extract %slice3A_2051[0] : f32 from vector<1xf32>
      %sub3A_2053 = vector.broadcast %squeeze3A_2052 : f32 to vector<16xf32>
      %sub3A_2054 = arith.subf %get3A_2050, %sub3A_2053 : vector<16xf32>
      %mul3A_2055 = arith.mulf %sub3A_2054, %sub3A_2054 : vector<16xf32>
      %add3A_2056 = arith.addf %add3A_2046, %mul3A_2055 : vector<16xf32>
      %get3A_2057 = arith.constant 53 : i32
      %get3A_2058 = arith.index_cast %get3A_2057 : i32 to index
      %get3A_2059 = arith.index_cast %add3A_1524 : i32 to index
      %get3A_2060 = tpu.vector_load %arg6[%get3A_2058, %get3A_2059] {strides = array<i32>} : memref<64x512xf32, #tpu.memory_space<vmem>>, vector<16xf32>,
      %slice3A_2061 = vector.extract_strided_slice %get3A_73 {offsets = [5], sizes = [1], strides = [1]} : vector<16xf32> to vector<1xf32>
      %squeeze3A_2062 = vector.extract %slice3A_2061[0] : f32 from vector<1xf32>
      %sub3A_2063 = vector.broadcast %squeeze3A_2062 : f32 to vector<16xf32>
      %sub3A_2064 = arith.subf %get3A_2060, %sub3A_2063 : vector<16xf32>
      %mul3A_2065 = arith.mulf %sub3A_2064, %sub3A_2064 : vector<16xf32>
      %add3A_2066 = arith.addf %add3A_2056, %mul3A_2065 : vector<16xf32>
      %get3A_2067 = arith.constant 54 : i32
      %get3A_2068 = arith.index_cast %get3A_2067 : i32 to index
      %get3A_2069 = arith.index_cast %add3A_1524 : i32 to index
      %get3A_2070 = tpu.vector_load %arg6[%get3A_2068, %get3A_2069] {strides = array<i32>} : memref<64x512xf32, #tpu.memory_space<vmem>>, vector<16xf32>,
      %slice3A_2071 = vector.extract_strided_slice %get3A_73 {offsets = [6], sizes = [1], strides = [1]} : vector<16xf32> to vector<1xf32>
      %squeeze3A_2072 = vector.extract %slice3A_2071[0] : f32 from vector<1xf32>
      %sub3A_2073 = vector.broadcast %squeeze3A_2072 : f32 to vector<16xf32>
      %sub3A_2074 = arith.subf %get3A_2070, %sub3A_2073 : vector<16xf32>
      %mul3A_2075 = arith.mulf %sub3A_2074, %sub3A_2074 : vector<16xf32>
      %add3A_2076 = arith.addf %add3A_2066, %mul3A_2075 : vector<16xf32>
      %get3A_2077 = arith.constant 55 : i32
      %get3A_2078 = arith.index_cast %get3A_2077 : i32 to index
      %get3A_2079 = arith.index_cast %add3A_1524 : i32 to index
      %get3A_2080 = tpu.vector_load %arg6[%get3A_2078, %get3A_2079] {strides = array<i32>} : memref<64x512xf32, #tpu.memory_space<vmem>>, vector<16xf32>,
      %slice3A_2081 = vector.extract_strided_slice %get3A_73 {offsets = [7], sizes = [1], strides = [1]} : vector<16xf32> to vector<1xf32>
      %squeeze3A_2082 = vector.extract %slice3A_2081[0] : f32 from vector<1xf32>
      %sub3A_2083 = vector.broadcast %squeeze3A_2082 : f32 to vector<16xf32>
      %sub3A_2084 = arith.subf %get3A_2080, %sub3A_2083 : vector<16xf32>
      %mul3A_2085 = arith.mulf %sub3A_2084, %sub3A_2084 : vector<16xf32>
      %add3A_2086 = arith.addf %add3A_2076, %mul3A_2085 : vector<16xf32>
      %get3A_2087 = arith.constant 56 : i32
      %get3A_2088 = arith.index_cast %get3A_2087 : i32 to index
      %get3A_2089 = arith.index_cast %add3A_1524 : i32 to index
      %get3A_2090 = tpu.vector_load %arg6[%get3A_2088, %get3A_2089] {strides = array<i32>} : memref<64x512xf32, #tpu.memory_space<vmem>>, vector<16xf32>,
      %slice3A_2091 = vector.extract_strided_slice %get3A_73 {offsets = [8], sizes = [1], strides = [1]} : vector<16xf32> to vector<1xf32>
      %squeeze3A_2092 = vector.extract %slice3A_2091[0] : f32 from vector<1xf32>
      %sub3A_2093 = vector.broadcast %squeeze3A_2092 : f32 to vector<16xf32>
      %sub3A_2094 = arith.subf %get3A_2090, %sub3A_2093 : vector<16xf32>
      %mul3A_2095 = arith.mulf %sub3A_2094, %sub3A_2094 : vector<16xf32>
      %add3A_2096 = arith.addf %add3A_2086, %mul3A_2095 : vector<16xf32>
      %get3A_2097 = arith.constant 57 : i32
      %get3A_2098 = arith.index_cast %get3A_2097 : i32 to index
      %get3A_2099 = arith.index_cast %add3A_1524 : i32 to index
      %get3A_2100 = tpu.vector_load %arg6[%get3A_2098, %get3A_2099] {strides = array<i32>} : memref<64x512xf32, #tpu.memory_space<vmem>>, vector<16xf32>,
      %slice3A_2101 = vector.extract_strided_slice %get3A_73 {offsets = [9], sizes = [1], strides = [1]} : vector<16xf32> to vector<1xf32>
      %squeeze3A_2102 = vector.extract %slice3A_2101[0] : f32 from vector<1xf32>
      %sub3A_2103 = vector.broadcast %squeeze3A_2102 : f32 to vector<16xf32>
      %sub3A_2104 = arith.subf %get3A_2100, %sub3A_2103 : vector<16xf32>
      %mul3A_2105 = arith.mulf %sub3A_2104, %sub3A_2104 : vector<16xf32>
      %add3A_2106 = arith.addf %add3A_2096, %mul3A_2105 : vector<16xf32>
      %get3A_2107 = arith.constant 58 : i32
      %get3A_2108 = arith.index_cast %get3A_2107 : i32 to index
      %get3A_2109 = arith.index_cast %add3A_1524 : i32 to index
      %get3A_2110 = tpu.vector_load %arg6[%get3A_2108, %get3A_2109] {strides = array<i32>} : memref<64x512xf32, #tpu.memory_space<vmem>>, vector<16xf32>,
      %slice3A_2111 = vector.extract_strided_slice %get3A_73 {offsets = [10], sizes = [1], strides = [1]} : vector<16xf32> to vector<1xf32>
      %squeeze3A_2112 = vector.extract %slice3A_2111[0] : f32 from vector<1xf32>
      %sub3A_2113 = vector.broadcast %squeeze3A_2112 : f32 to vector<16xf32>
      %sub3A_2114 = arith.subf %get3A_2110, %sub3A_2113 : vector<16xf32>
      %mul3A_2115 = arith.mulf %sub3A_2114, %sub3A_2114 : vector<16xf32>
      %add3A_2116 = arith.addf %add3A_2106, %mul3A_2115 : vector<16xf32>
      %get3A_2117 = arith.constant 59 : i32
      %get3A_2118 = arith.index_cast %get3A_2117 : i32 to index
      %get3A_2119 = arith.index_cast %add3A_1524 : i32 to index
      %get3A_2120 = tpu.vector_load %arg6[%get3A_2118, %get3A_2119] {strides = array<i32>} : memref<64x512xf32, #tpu.memory_space<vmem>>, vector<16xf32>,
      %slice3A_2121 = vector.extract_strided_slice %get3A_73 {offsets = [11], sizes = [1], strides = [1]} : vector<16xf32> to vector<1xf32>
      %squeeze3A_2122 = vector.extract %slice3A_2121[0] : f32 from vector<1xf32>
      %sub3A_2123 = vector.broadcast %squeeze3A_2122 : f32 to vector<16xf32>
      %sub3A_2124 = arith.subf %get3A_2120, %sub3A_2123 : vector<16xf32>
      %mul3A_2125 = arith.mulf %sub3A_2124, %sub3A_2124 : vector<16xf32>
      %add3A_2126 = arith.addf %add3A_2116, %mul3A_2125 : vector<16xf32>
      %get3A_2127 = arith.constant 60 : i32
      %get3A_2128 = arith.index_cast %get3A_2127 : i32 to index
      %get3A_2129 = arith.index_cast %add3A_1524 : i32 to index
      %get3A_2130 = tpu.vector_load %arg6[%get3A_2128, %get3A_2129] {strides = array<i32>} : memref<64x512xf32, #tpu.memory_space<vmem>>, vector<16xf32>,
      %slice3A_2131 = vector.extract_strided_slice %get3A_73 {offsets = [12], sizes = [1], strides = [1]} : vector<16xf32> to vector<1xf32>
      %squeeze3A_2132 = vector.extract %slice3A_2131[0] : f32 from vector<1xf32>
      %sub3A_2133 = vector.broadcast %squeeze3A_2132 : f32 to vector<16xf32>
      %sub3A_2134 = arith.subf %get3A_2130, %sub3A_2133 : vector<16xf32>
      %mul3A_2135 = arith.mulf %sub3A_2134, %sub3A_2134 : vector<16xf32>
      %add3A_2136 = arith.addf %add3A_2126, %mul3A_2135 : vector<16xf32>
      %get3A_2137 = arith.constant 61 : i32
      %get3A_2138 = arith.index_cast %get3A_2137 : i32 to index
      %get3A_2139 = arith.index_cast %add3A_1524 : i32 to index
      %get3A_2140 = tpu.vector_load %arg6[%get3A_2138, %get3A_2139] {strides = array<i32>} : memref<64x512xf32, #tpu.memory_space<vmem>>, vector<16xf32>,
      %slice3A_2141 = vector.extract_strided_slice %get3A_73 {offsets = [13], sizes = [1], strides = [1]} : vector<16xf32> to vector<1xf32>
      %squeeze3A_2142 = vector.extract %slice3A_2141[0] : f32 from vector<1xf32>
      %sub3A_2143 = vector.broadcast %squeeze3A_2142 : f32 to vector<16xf32>
      %sub3A_2144 = arith.subf %get3A_2140, %sub3A_2143 : vector<16xf32>
      %mul3A_2145 = arith.mulf %sub3A_2144, %sub3A_2144 : vector<16xf32>
      %add3A_2146 = arith.addf %add3A_2136, %mul3A_2145 : vector<16xf32>
      %get3A_2147 = arith.constant 62 : i32
      %get3A_2148 = arith.index_cast %get3A_2147 : i32 to index
      %get3A_2149 = arith.index_cast %add3A_1524 : i32 to index
      %get3A_2150 = tpu.vector_load %arg6[%get3A_2148, %get3A_2149] {strides = array<i32>} : memref<64x512xf32, #tpu.memory_space<vmem>>, vector<16xf32>,
      %slice3A_2151 = vector.extract_strided_slice %get3A_73 {offsets = [14], sizes = [1], strides = [1]} : vector<16xf32> to vector<1xf32>
      %squeeze3A_2152 = vector.extract %slice3A_2151[0] : f32 from vector<1xf32>
      %sub3A_2153 = vector.broadcast %squeeze3A_2152 : f32 to vector<16xf32>
      %sub3A_2154 = arith.subf %get3A_2150, %sub3A_2153 : vector<16xf32>
      %mul3A_2155 = arith.mulf %sub3A_2154, %sub3A_2154 : vector<16xf32>
      %add3A_2156 = arith.addf %add3A_2146, %mul3A_2155 : vector<16xf32>
      %get3A_2157 = arith.constant 63 : i32
      %get3A_2158 = arith.index_cast %get3A_2157 : i32 to index
      %get3A_2159 = arith.index_cast %add3A_1524 : i32 to index
      %get3A_2160 = tpu.vector_load %arg6[%get3A_2158, %get3A_2159] {strides = array<i32>} : memref<64x512xf32, #tpu.memory_space<vmem>>, vector<16xf32>,
      %slice3A_2161 = vector.extract_strided_slice %get3A_73 {offsets = [15], sizes = [1], strides = [1]} : vector<16xf32> to vector<1xf32>
      %squeeze3A_2162 = vector.extract %slice3A_2161[0] : f32 from vector<1xf32>
      %sub3A_2163 = vector.broadcast %squeeze3A_2162 : f32 to vector<16xf32>
      %sub3A_2164 = arith.subf %get3A_2160, %sub3A_2163 : vector<16xf32>
      %mul3A_2165 = arith.mulf %sub3A_2164, %sub3A_2164 : vector<16xf32>
      %add3A_2166 = arith.addf %add3A_2156, %mul3A_2165 : vector<16xf32>
      %swap3A_2167 = arith.index_cast %add3A_1524 : i32 to index
      %swap3A_2168 = tpu.vector_load %arg12[%swap3A_2167] {strides = array<i32>} : memref<512xf32, #tpu.memory_space<vmem>>, vector<16xf32>,
      tpu.vector_store %arg12[%swap3A_2167], %add3A_2166 {strides = array<i32>} : memref<512xf32, #tpu.memory_space<vmem>>, vector<16xf32>,
      %get3A_2169 = arith.index_cast %add3A_1524 : i32 to index
      %get3A_2170 = tpu.vector_load %arg10[%get3A_2169] {strides = array<i32>} : memref<512xi32, #tpu.memory_space<vmem>>, vector<16xi32>,
      %slice3A_2171 = vector.extract_strided_slice %get3A_2170 {offsets = [0], sizes = [1], strides = [1]} : vector<16xi32> to vector<1xi32>
      %squeeze3A_2172 = vector.extract %slice3A_2171[0] : i32 from vector<1xi32>
      %eq3A_2173 = vector.broadcast %squeeze3A_2172 : i32 to vector<16xi32>
      %eq3A_2174 = arith.cmpi eq, %iota3A, %eq3A_2173 : vector<16xi32>
      %convert_element_type3A_2175 = arith.extui %eq3A_2174 : vector<16xi1> to vector<16xi32>
      %add3A_2176 = arith.addi %add3A_1512, %convert_element_type3A_2175 : vector<16xi32>
      %le3A_2177 = arith.constant 15 : i32
      %le3A_2178 = vector.broadcast %le3A_2177 : i32 to vector<16xi32>
      %le3A_2179 = arith.cmpi sle, %add3A_2176, %le3A_2178 : vector<16xi32>
      %and3A_2180 = arith.andi %eq3A_2174, %le3A_2179 : vector<16xi1>
      %slice3A_2181 = vector.extract_strided_slice %add3A_2166 {offsets = [0], sizes = [1], strides = [1]} : vector<16xf32> to vector<1xf32>
      %squeeze3A_2182 = vector.extract %slice3A_2181[0] : f32 from vector<1xf32>
      %max3A_2183 = vector.broadcast %squeeze3A_2182 : f32 to vector<16xf32>
      %max3A_2184 = arith.maximumf %select_n3A_1521, %max3A_2183 : vector<16xf32>
      %select_n3A_2185 = arith.select %and3A_2180, %max3A_2184, %select_n3A_1521 : vector<16xi1>, vector<16xf32>
      %slice3A_2186 = vector.extract_strided_slice %get3A_2170 {offsets = [1], sizes = [1], strides = [1]} : vector<16xi32> to vector<1xi32>
      %squeeze3A_2187 = vector.extract %slice3A_2186[0] : i32 from vector<1xi32>
      %eq3A_2188 = vector.broadcast %squeeze3A_2187 : i32 to vector<16xi32>
      %eq3A_2189 = arith.cmpi eq, %iota3A, %eq3A_2188 : vector<16xi32>
      %convert_element_type3A_2190 = arith.extui %eq3A_2189 : vector<16xi1> to vector<16xi32>
      %add3A_2191 = arith.addi %add3A_2176, %convert_element_type3A_2190 : vector<16xi32>
      %le3A_2192 = arith.constant 15 : i32
      %le3A_2193 = vector.broadcast %le3A_2192 : i32 to vector<16xi32>
      %le3A_2194 = arith.cmpi sle, %add3A_2191, %le3A_2193 : vector<16xi32>
      %and3A_2195 = arith.andi %eq3A_2189, %le3A_2194 : vector<16xi1>
      %slice3A_2196 = vector.extract_strided_slice %add3A_2166 {offsets = [1], sizes = [1], strides = [1]} : vector<16xf32> to vector<1xf32>
      %squeeze3A_2197 = vector.extract %slice3A_2196[0] : f32 from vector<1xf32>
      %max3A_2198 = vector.broadcast %squeeze3A_2197 : f32 to vector<16xf32>
      %max3A_2199 = arith.maximumf %select_n3A_2185, %max3A_2198 : vector<16xf32>
      %select_n3A_2200 = arith.select %and3A_2195, %max3A_2199, %select_n3A_2185 : vector<16xi1>, vector<16xf32>
      %slice3A_2201 = vector.extract_strided_slice %get3A_2170 {offsets = [2], sizes = [1], strides = [1]} : vector<16xi32> to vector<1xi32>
      %squeeze3A_2202 = vector.extract %slice3A_2201[0] : i32 from vector<1xi32>
      %eq3A_2203 = vector.broadcast %squeeze3A_2202 : i32 to vector<16xi32>
      %eq3A_2204 = arith.cmpi eq, %iota3A, %eq3A_2203 : vector<16xi32>
      %convert_element_type3A_2205 = arith.extui %eq3A_2204 : vector<16xi1> to vector<16xi32>
      %add3A_2206 = arith.addi %add3A_2191, %convert_element_type3A_2205 : vector<16xi32>
      %le3A_2207 = arith.constant 15 : i32
      %le3A_2208 = vector.broadcast %le3A_2207 : i32 to vector<16xi32>
      %le3A_2209 = arith.cmpi sle, %add3A_2206, %le3A_2208 : vector<16xi32>
      %and3A_2210 = arith.andi %eq3A_2204, %le3A_2209 : vector<16xi1>
      %slice3A_2211 = vector.extract_strided_slice %add3A_2166 {offsets = [2], sizes = [1], strides = [1]} : vector<16xf32> to vector<1xf32>
      %squeeze3A_2212 = vector.extract %slice3A_2211[0] : f32 from vector<1xf32>
      %max3A_2213 = vector.broadcast %squeeze3A_2212 : f32 to vector<16xf32>
      %max3A_2214 = arith.maximumf %select_n3A_2200, %max3A_2213 : vector<16xf32>
      %select_n3A_2215 = arith.select %and3A_2210, %max3A_2214, %select_n3A_2200 : vector<16xi1>, vector<16xf32>
      %slice3A_2216 = vector.extract_strided_slice %get3A_2170 {offsets = [3], sizes = [1], strides = [1]} : vector<16xi32> to vector<1xi32>
      %squeeze3A_2217 = vector.extract %slice3A_2216[0] : i32 from vector<1xi32>
      %eq3A_2218 = vector.broadcast %squeeze3A_2217 : i32 to vector<16xi32>
      %eq3A_2219 = arith.cmpi eq, %iota3A, %eq3A_2218 : vector<16xi32>
      %convert_element_type3A_2220 = arith.extui %eq3A_2219 : vector<16xi1> to vector<16xi32>
      %add3A_2221 = arith.addi %add3A_2206, %convert_element_type3A_2220 : vector<16xi32>
      %le3A_2222 = arith.constant 15 : i32
      %le3A_2223 = vector.broadcast %le3A_2222 : i32 to vector<16xi32>
      %le3A_2224 = arith.cmpi sle, %add3A_2221, %le3A_2223 : vector<16xi32>
      %and3A_2225 = arith.andi %eq3A_2219, %le3A_2224 : vector<16xi1>
      %slice3A_2226 = vector.extract_strided_slice %add3A_2166 {offsets = [3], sizes = [1], strides = [1]} : vector<16xf32> to vector<1xf32>
      %squeeze3A_2227 = vector.extract %slice3A_2226[0] : f32 from vector<1xf32>
      %max3A_2228 = vector.broadcast %squeeze3A_2227 : f32 to vector<16xf32>
      %max3A_2229 = arith.maximumf %select_n3A_2215, %max3A_2228 : vector<16xf32>
      %select_n3A_2230 = arith.select %and3A_2225, %max3A_2229, %select_n3A_2215 : vector<16xi1>, vector<16xf32>
      %slice3A_2231 = vector.extract_strided_slice %get3A_2170 {offsets = [4], sizes = [1], strides = [1]} : vector<16xi32> to vector<1xi32>
      %squeeze3A_2232 = vector.extract %slice3A_2231[0] : i32 from vector<1xi32>
      %eq3A_2233 = vector.broadcast %squeeze3A_2232 : i32 to vector<16xi32>
      %eq3A_2234 = arith.cmpi eq, %iota3A, %eq3A_2233 : vector<16xi32>
      %convert_element_type3A_2235 = arith.extui %eq3A_2234 : vector<16xi1> to vector<16xi32>
      %add3A_2236 = arith.addi %add3A_2221, %convert_element_type3A_2235 : vector<16xi32>
      %le3A_2237 = arith.constant 15 : i32
      %le3A_2238 = vector.broadcast %le3A_2237 : i32 to vector<16xi32>
      %le3A_2239 = arith.cmpi sle, %add3A_2236, %le3A_2238 : vector<16xi32>
      %and3A_2240 = arith.andi %eq3A_2234, %le3A_2239 : vector<16xi1>
      %slice3A_2241 = vector.extract_strided_slice %add3A_2166 {offsets = [4], sizes = [1], strides = [1]} : vector<16xf32> to vector<1xf32>
      %squeeze3A_2242 = vector.extract %slice3A_2241[0] : f32 from vector<1xf32>
      %max3A_2243 = vector.broadcast %squeeze3A_2242 : f32 to vector<16xf32>
      %max3A_2244 = arith.maximumf %select_n3A_2230, %max3A_2243 : vector<16xf32>
      %select_n3A_2245 = arith.select %and3A_2240, %max3A_2244, %select_n3A_2230 : vector<16xi1>, vector<16xf32>
      %slice3A_2246 = vector.extract_strided_slice %get3A_2170 {offsets = [5], sizes = [1], strides = [1]} : vector<16xi32> to vector<1xi32>
      %squeeze3A_2247 = vector.extract %slice3A_2246[0] : i32 from vector<1xi32>
      %eq3A_2248 = vector.broadcast %squeeze3A_2247 : i32 to vector<16xi32>
      %eq3A_2249 = arith.cmpi eq, %iota3A, %eq3A_2248 : vector<16xi32>
      %convert_element_type3A_2250 = arith.extui %eq3A_2249 : vector<16xi1> to vector<16xi32>
      %add3A_2251 = arith.addi %add3A_2236, %convert_element_type3A_2250 : vector<16xi32>
      %le3A_2252 = arith.constant 15 : i32
      %le3A_2253 = vector.broadcast %le3A_2252 : i32 to vector<16xi32>
      %le3A_2254 = arith.cmpi sle, %add3A_2251, %le3A_2253 : vector<16xi32>
      %and3A_2255 = arith.andi %eq3A_2249, %le3A_2254 : vector<16xi1>
      %slice3A_2256 = vector.extract_strided_slice %add3A_2166 {offsets = [5], sizes = [1], strides = [1]} : vector<16xf32> to vector<1xf32>
      %squeeze3A_2257 = vector.extract %slice3A_2256[0] : f32 from vector<1xf32>
      %max3A_2258 = vector.broadcast %squeeze3A_2257 : f32 to vector<16xf32>
      %max3A_2259 = arith.maximumf %select_n3A_2245, %max3A_2258 : vector<16xf32>
      %select_n3A_2260 = arith.select %and3A_2255, %max3A_2259, %select_n3A_2245 : vector<16xi1>, vector<16xf32>
      %slice3A_2261 = vector.extract_strided_slice %get3A_2170 {offsets = [6], sizes = [1], strides = [1]} : vector<16xi32> to vector<1xi32>
      %squeeze3A_2262 = vector.extract %slice3A_2261[0] : i32 from vector<1xi32>
      %eq3A_2263 = vector.broadcast %squeeze3A_2262 : i32 to vector<16xi32>
      %eq3A_2264 = arith.cmpi eq, %iota3A, %eq3A_2263 : vector<16xi32>
      %convert_element_type3A_2265 = arith.extui %eq3A_2264 : vector<16xi1> to vector<16xi32>
      %add3A_2266 = arith.addi %add3A_2251, %convert_element_type3A_2265 : vector<16xi32>
      %le3A_2267 = arith.constant 15 : i32
      %le3A_2268 = vector.broadcast %le3A_2267 : i32 to vector<16xi32>
      %le3A_2269 = arith.cmpi sle, %add3A_2266, %le3A_2268 : vector<16xi32>
      %and3A_2270 = arith.andi %eq3A_2264, %le3A_2269 : vector<16xi1>
      %slice3A_2271 = vector.extract_strided_slice %add3A_2166 {offsets = [6], sizes = [1], strides = [1]} : vector<16xf32> to vector<1xf32>
      %squeeze3A_2272 = vector.extract %slice3A_2271[0] : f32 from vector<1xf32>
      %max3A_2273 = vector.broadcast %squeeze3A_2272 : f32 to vector<16xf32>
      %max3A_2274 = arith.maximumf %select_n3A_2260, %max3A_2273 : vector<16xf32>
      %select_n3A_2275 = arith.select %and3A_2270, %max3A_2274, %select_n3A_2260 : vector<16xi1>, vector<16xf32>
      %slice3A_2276 = vector.extract_strided_slice %get3A_2170 {offsets = [7], sizes = [1], strides = [1]} : vector<16xi32> to vector<1xi32>
      %squeeze3A_2277 = vector.extract %slice3A_2276[0] : i32 from vector<1xi32>
      %eq3A_2278 = vector.broadcast %squeeze3A_2277 : i32 to vector<16xi32>
      %eq3A_2279 = arith.cmpi eq, %iota3A, %eq3A_2278 : vector<16xi32>
      %convert_element_type3A_2280 = arith.extui %eq3A_2279 : vector<16xi1> to vector<16xi32>
      %add3A_2281 = arith.addi %add3A_2266, %convert_element_type3A_2280 : vector<16xi32>
      %le3A_2282 = arith.constant 15 : i32
      %le3A_2283 = vector.broadcast %le3A_2282 : i32 to vector<16xi32>
      %le3A_2284 = arith.cmpi sle, %add3A_2281, %le3A_2283 : vector<16xi32>
      %and3A_2285 = arith.andi %eq3A_2279, %le3A_2284 : vector<16xi1>
      %slice3A_2286 = vector.extract_strided_slice %add3A_2166 {offsets = [7], sizes = [1], strides = [1]} : vector<16xf32> to vector<1xf32>
      %squeeze3A_2287 = vector.extract %slice3A_2286[0] : f32 from vector<1xf32>
      %max3A_2288 = vector.broadcast %squeeze3A_2287 : f32 to vector<16xf32>
      %max3A_2289 = arith.maximumf %select_n3A_2275, %max3A_2288 : vector<16xf32>
      %select_n3A_2290 = arith.select %and3A_2285, %max3A_2289, %select_n3A_2275 : vector<16xi1>, vector<16xf32>
      %slice3A_2291 = vector.extract_strided_slice %get3A_2170 {offsets = [8], sizes = [1], strides = [1]} : vector<16xi32> to vector<1xi32>
      %squeeze3A_2292 = vector.extract %slice3A_2291[0] : i32 from vector<1xi32>
      %eq3A_2293 = vector.broadcast %squeeze3A_2292 : i32 to vector<16xi32>
      %eq3A_2294 = arith.cmpi eq, %iota3A, %eq3A_2293 : vector<16xi32>
      %convert_element_type3A_2295 = arith.extui %eq3A_2294 : vector<16xi1> to vector<16xi32>
      %add3A_2296 = arith.addi %add3A_2281, %convert_element_type3A_2295 : vector<16xi32>
      %le3A_2297 = arith.constant 15 : i32
      %le3A_2298 = vector.broadcast %le3A_2297 : i32 to vector<16xi32>
      %le3A_2299 = arith.cmpi sle, %add3A_2296, %le3A_2298 : vector<16xi32>
      %and3A_2300 = arith.andi %eq3A_2294, %le3A_2299 : vector<16xi1>
      %slice3A_2301 = vector.extract_strided_slice %add3A_2166 {offsets = [8], sizes = [1], strides = [1]} : vector<16xf32> to vector<1xf32>
      %squeeze3A_2302 = vector.extract %slice3A_2301[0] : f32 from vector<1xf32>
      %max3A_2303 = vector.broadcast %squeeze3A_2302 : f32 to vector<16xf32>
      %max3A_2304 = arith.maximumf %select_n3A_2290, %max3A_2303 : vector<16xf32>
      %select_n3A_2305 = arith.select %and3A_2300, %max3A_2304, %select_n3A_2290 : vector<16xi1>, vector<16xf32>
      %slice3A_2306 = vector.extract_strided_slice %get3A_2170 {offsets = [9], sizes = [1], strides = [1]} : vector<16xi32> to vector<1xi32>
      %squeeze3A_2307 = vector.extract %slice3A_2306[0] : i32 from vector<1xi32>
      %eq3A_2308 = vector.broadcast %squeeze3A_2307 : i32 to vector<16xi32>
      %eq3A_2309 = arith.cmpi eq, %iota3A, %eq3A_2308 : vector<16xi32>
      %convert_element_type3A_2310 = arith.extui %eq3A_2309 : vector<16xi1> to vector<16xi32>
      %add3A_2311 = arith.addi %add3A_2296, %convert_element_type3A_2310 : vector<16xi32>
      %le3A_2312 = arith.constant 15 : i32
      %le3A_2313 = vector.broadcast %le3A_2312 : i32 to vector<16xi32>
      %le3A_2314 = arith.cmpi sle, %add3A_2311, %le3A_2313 : vector<16xi32>
      %and3A_2315 = arith.andi %eq3A_2309, %le3A_2314 : vector<16xi1>
      %slice3A_2316 = vector.extract_strided_slice %add3A_2166 {offsets = [9], sizes = [1], strides = [1]} : vector<16xf32> to vector<1xf32>
      %squeeze3A_2317 = vector.extract %slice3A_2316[0] : f32 from vector<1xf32>
      %max3A_2318 = vector.broadcast %squeeze3A_2317 : f32 to vector<16xf32>
      %max3A_2319 = arith.maximumf %select_n3A_2305, %max3A_2318 : vector<16xf32>
      %select_n3A_2320 = arith.select %and3A_2315, %max3A_2319, %select_n3A_2305 : vector<16xi1>, vector<16xf32>
      %slice3A_2321 = vector.extract_strided_slice %get3A_2170 {offsets = [10], sizes = [1], strides = [1]} : vector<16xi32> to vector<1xi32>
      %squeeze3A_2322 = vector.extract %slice3A_2321[0] : i32 from vector<1xi32>
      %eq3A_2323 = vector.broadcast %squeeze3A_2322 : i32 to vector<16xi32>
      %eq3A_2324 = arith.cmpi eq, %iota3A, %eq3A_2323 : vector<16xi32>
      %convert_element_type3A_2325 = arith.extui %eq3A_2324 : vector<16xi1> to vector<16xi32>
      %add3A_2326 = arith.addi %add3A_2311, %convert_element_type3A_2325 : vector<16xi32>
      %le3A_2327 = arith.constant 15 : i32
      %le3A_2328 = vector.broadcast %le3A_2327 : i32 to vector<16xi32>
      %le3A_2329 = arith.cmpi sle, %add3A_2326, %le3A_2328 : vector<16xi32>
      %and3A_2330 = arith.andi %eq3A_2324, %le3A_2329 : vector<16xi1>
      %slice3A_2331 = vector.extract_strided_slice %add3A_2166 {offsets = [10], sizes = [1], strides = [1]} : vector<16xf32> to vector<1xf32>
      %squeeze3A_2332 = vector.extract %slice3A_2331[0] : f32 from vector<1xf32>
      %max3A_2333 = vector.broadcast %squeeze3A_2332 : f32 to vector<16xf32>
      %max3A_2334 = arith.maximumf %select_n3A_2320, %max3A_2333 : vector<16xf32>
      %select_n3A_2335 = arith.select %and3A_2330, %max3A_2334, %select_n3A_2320 : vector<16xi1>, vector<16xf32>
      %slice3A_2336 = vector.extract_strided_slice %get3A_2170 {offsets = [11], sizes = [1], strides = [1]} : vector<16xi32> to vector<1xi32>
      %squeeze3A_2337 = vector.extract %slice3A_2336[0] : i32 from vector<1xi32>
      %eq3A_2338 = vector.broadcast %squeeze3A_2337 : i32 to vector<16xi32>
      %eq3A_2339 = arith.cmpi eq, %iota3A, %eq3A_2338 : vector<16xi32>
      %convert_element_type3A_2340 = arith.extui %eq3A_2339 : vector<16xi1> to vector<16xi32>
      %add3A_2341 = arith.addi %add3A_2326, %convert_element_type3A_2340 : vector<16xi32>
      %le3A_2342 = arith.constant 15 : i32
      %le3A_2343 = vector.broadcast %le3A_2342 : i32 to vector<16xi32>
      %le3A_2344 = arith.cmpi sle, %add3A_2341, %le3A_2343 : vector<16xi32>
      %and3A_2345 = arith.andi %eq3A_2339, %le3A_2344 : vector<16xi1>
      %slice3A_2346 = vector.extract_strided_slice %add3A_2166 {offsets = [11], sizes = [1], strides = [1]} : vector<16xf32> to vector<1xf32>
      %squeeze3A_2347 = vector.extract %slice3A_2346[0] : f32 from vector<1xf32>
      %max3A_2348 = vector.broadcast %squeeze3A_2347 : f32 to vector<16xf32>
      %max3A_2349 = arith.maximumf %select_n3A_2335, %max3A_2348 : vector<16xf32>
      %select_n3A_2350 = arith.select %and3A_2345, %max3A_2349, %select_n3A_2335 : vector<16xi1>, vector<16xf32>
      %slice3A_2351 = vector.extract_strided_slice %get3A_2170 {offsets = [12], sizes = [1], strides = [1]} : vector<16xi32> to vector<1xi32>
      %squeeze3A_2352 = vector.extract %slice3A_2351[0] : i32 from vector<1xi32>
      %eq3A_2353 = vector.broadcast %squeeze3A_2352 : i32 to vector<16xi32>
      %eq3A_2354 = arith.cmpi eq, %iota3A, %eq3A_2353 : vector<16xi32>
      %convert_element_type3A_2355 = arith.extui %eq3A_2354 : vector<16xi1> to vector<16xi32>
      %add3A_2356 = arith.addi %add3A_2341, %convert_element_type3A_2355 : vector<16xi32>
      %le3A_2357 = arith.constant 15 : i32
      %le3A_2358 = vector.broadcast %le3A_2357 : i32 to vector<16xi32>
      %le3A_2359 = arith.cmpi sle, %add3A_2356, %le3A_2358 : vector<16xi32>
      %and3A_2360 = arith.andi %eq3A_2354, %le3A_2359 : vector<16xi1>
      %slice3A_2361 = vector.extract_strided_slice %add3A_2166 {offsets = [12], sizes = [1], strides = [1]} : vector<16xf32> to vector<1xf32>
      %squeeze3A_2362 = vector.extract %slice3A_2361[0] : f32 from vector<1xf32>
      %max3A_2363 = vector.broadcast %squeeze3A_2362 : f32 to vector<16xf32>
      %max3A_2364 = arith.maximumf %select_n3A_2350, %max3A_2363 : vector<16xf32>
      %select_n3A_2365 = arith.select %and3A_2360, %max3A_2364, %select_n3A_2350 : vector<16xi1>, vector<16xf32>
      %slice3A_2366 = vector.extract_strided_slice %get3A_2170 {offsets = [13], sizes = [1], strides = [1]} : vector<16xi32> to vector<1xi32>
      %squeeze3A_2367 = vector.extract %slice3A_2366[0] : i32 from vector<1xi32>
      %eq3A_2368 = vector.broadcast %squeeze3A_2367 : i32 to vector<16xi32>
      %eq3A_2369 = arith.cmpi eq, %iota3A, %eq3A_2368 : vector<16xi32>
      %convert_element_type3A_2370 = arith.extui %eq3A_2369 : vector<16xi1> to vector<16xi32>
      %add3A_2371 = arith.addi %add3A_2356, %convert_element_type3A_2370 : vector<16xi32>
      %le3A_2372 = arith.constant 15 : i32
      %le3A_2373 = vector.broadcast %le3A_2372 : i32 to vector<16xi32>
      %le3A_2374 = arith.cmpi sle, %add3A_2371, %le3A_2373 : vector<16xi32>
      %and3A_2375 = arith.andi %eq3A_2369, %le3A_2374 : vector<16xi1>
      %slice3A_2376 = vector.extract_strided_slice %add3A_2166 {offsets = [13], sizes = [1], strides = [1]} : vector<16xf32> to vector<1xf32>
      %squeeze3A_2377 = vector.extract %slice3A_2376[0] : f32 from vector<1xf32>
      %max3A_2378 = vector.broadcast %squeeze3A_2377 : f32 to vector<16xf32>
      %max3A_2379 = arith.maximumf %select_n3A_2365, %max3A_2378 : vector<16xf32>
      %select_n3A_2380 = arith.select %and3A_2375, %max3A_2379, %select_n3A_2365 : vector<16xi1>, vector<16xf32>
      %slice3A_2381 = vector.extract_strided_slice %get3A_2170 {offsets = [14], sizes = [1], strides = [1]} : vector<16xi32> to vector<1xi32>
      %squeeze3A_2382 = vector.extract %slice3A_2381[0] : i32 from vector<1xi32>
      %eq3A_2383 = vector.broadcast %squeeze3A_2382 : i32 to vector<16xi32>
      %eq3A_2384 = arith.cmpi eq, %iota3A, %eq3A_2383 : vector<16xi32>
      %convert_element_type3A_2385 = arith.extui %eq3A_2384 : vector<16xi1> to vector<16xi32>
      %add3A_2386 = arith.addi %add3A_2371, %convert_element_type3A_2385 : vector<16xi32>
      %le3A_2387 = arith.constant 15 : i32
      %le3A_2388 = vector.broadcast %le3A_2387 : i32 to vector<16xi32>
      %le3A_2389 = arith.cmpi sle, %add3A_2386, %le3A_2388 : vector<16xi32>
      %and3A_2390 = arith.andi %eq3A_2384, %le3A_2389 : vector<16xi1>
      %slice3A_2391 = vector.extract_strided_slice %add3A_2166 {offsets = [14], sizes = [1], strides = [1]} : vector<16xf32> to vector<1xf32>
      %squeeze3A_2392 = vector.extract %slice3A_2391[0] : f32 from vector<1xf32>
      %max3A_2393 = vector.broadcast %squeeze3A_2392 : f32 to vector<16xf32>
      %max3A_2394 = arith.maximumf %select_n3A_2380, %max3A_2393 : vector<16xf32>
      %select_n3A_2395 = arith.select %and3A_2390, %max3A_2394, %select_n3A_2380 : vector<16xi1>, vector<16xf32>
      %slice3A_2396 = vector.extract_strided_slice %get3A_2170 {offsets = [15], sizes = [1], strides = [1]} : vector<16xi32> to vector<1xi32>
      %squeeze3A_2397 = vector.extract %slice3A_2396[0] : i32 from vector<1xi32>
      %eq3A_2398 = vector.broadcast %squeeze3A_2397 : i32 to vector<16xi32>
      %eq3A_2399 = arith.cmpi eq, %iota3A, %eq3A_2398 : vector<16xi32>
      %convert_element_type3A_2400 = arith.extui %eq3A_2399 : vector<16xi1> to vector<16xi32>
      %add3A_2401 = arith.addi %add3A_2386, %convert_element_type3A_2400 : vector<16xi32>
      %le3A_2402 = arith.constant 15 : i32
      %le3A_2403 = vector.broadcast %le3A_2402 : i32 to vector<16xi32>
      %le3A_2404 = arith.cmpi sle, %add3A_2401, %le3A_2403 : vector<16xi32>
      %and3A_2405 = arith.andi %eq3A_2399, %le3A_2404 : vector<16xi1>
      %slice3A_2406 = vector.extract_strided_slice %add3A_2166 {offsets = [15], sizes = [1], strides = [1]} : vector<16xf32> to vector<1xf32>
      %squeeze3A_2407 = vector.extract %slice3A_2406[0] : f32 from vector<1xf32>
      %max3A_2408 = vector.broadcast %squeeze3A_2407 : f32 to vector<16xf32>
      %max3A_2409 = arith.maximumf %select_n3A_2395, %max3A_2408 : vector<16xf32>
      %select_n3A_2410 = arith.select %and3A_2405, %max3A_2409, %select_n3A_2395 : vector<16xi1>, vector<16xf32>
      %add3A_2411 = arith.addf %add3A_1522, %add3A_2166 : vector<16xf32>
      scf.yield %add3A_2401, %select_n3A_2410, %add3A_2411 : vector<16xi32>, vector<16xf32>, vector<16xf32>
    }
    %scan3A_83 = arith.constant 16 : i32
    %reduce_sum3A = arith.constant true
    %reduce_sum3A_84 = vector.broadcast %reduce_sum3A : i1 to vector<16xi1>
    %reduce_sum3A_85 = tpu.scan <sum>, %scan3A_82#2 masked %reduce_sum3A_84 : vector<16xf32>, vector<16xi1> -> vector<16xf32>
    %reduce_sum3A_86 = vector.extract %reduce_sum3A_85[15] : f32 from vector<16xf32>
    %add3A_87 = arith.constant 0.000000e+00 : f32
    %add3A_88 = arith.addf %add3A_87, %reduce_sum3A_86 : f32
    %get3A_89 = arith.constant 0 : index
    %get3A_90 = tpu.vector_load %arg10[%get3A_89] {strides = array<i32>} : memref<512xi32, #tpu.memory_space<vmem>>, vector<16xi32>,
    %get3A_91 = arith.constant 0 : index
    %get3A_92 = tpu.vector_load %arg12[%get3A_91] {strides = array<i32>} : memref<512xf32, #tpu.memory_space<vmem>>, vector<16xf32>,
    %sub3A = arith.constant 15 : i32
    %sub3A_93 = vector.broadcast %sub3A : i32 to vector<16xi32>
    %sub3A_94 = arith.subi %sub3A_93, %scan3A_82#0 : vector<16xi32>
    %gt3A = arith.constant 0 : i32
    %gt3A_95 = vector.broadcast %gt3A : i32 to vector<16xi32>
    %gt3A_96 = arith.cmpi sgt, %scan3A_82#0, %gt3A_95 : vector<16xi32>
    %gt3A_97 = arith.constant 0 : i32
    %gt3A_98 = vector.broadcast %gt3A_97 : i32 to vector<16xi32>
    %gt3A_99 = arith.cmpi sgt, %sub3A_94, %gt3A_98 : vector<16xi32>
    %and3A = arith.andi %gt3A_96, %gt3A_99 : vector<16xi1>
    %broadcast_in_dim3A_100 = arith.constant 0 : i32
    %broadcast_in_dim3A_101 = vector.broadcast %broadcast_in_dim3A_100 : i32 to vector<16xi32>
    %slice3A = vector.extract_strided_slice %get3A_90 {offsets = [0], sizes = [1], strides = [1]} : vector<16xi32> to vector<1xi32>
    %squeeze3A = vector.extract %slice3A[0] : i32 from vector<1xi32>
    %ne3A = vector.broadcast %squeeze3A : i32 to vector<16xi32>
    %ne3A_102 = arith.cmpi ne, %iota3A, %ne3A : vector<16xi32>
    %convert_element_type3A = arith.extui %ne3A_102 : vector<16xi1> to vector<16xi32>
    %add3A_103 = arith.addi %broadcast_in_dim3A_101, %convert_element_type3A : vector<16xi32>
    %le3A = arith.cmpi sle, %add3A_103, %sub3A_94 : vector<16xi32>
    %and3A_104 = arith.andi %ne3A_102, %le3A : vector<16xi1>
    %and3A_105 = arith.andi %and3A, %and3A_104 : vector<16xi1>
    %slice3A_106 = vector.extract_strided_slice %get3A_92 {offsets = [0], sizes = [1], strides = [1]} : vector<16xf32> to vector<1xf32>
    %squeeze3A_107 = vector.extract %slice3A_106[0] : f32 from vector<1xf32>
    %max3A = vector.broadcast %squeeze3A_107 : f32 to vector<16xf32>
    %max3A_108 = arith.maximumf %scan3A_82#1, %max3A : vector<16xf32>
    %select_n3A = arith.select %and3A_105, %max3A_108, %scan3A_82#1 : vector<16xi1>, vector<16xf32>
    %slice3A_109 = vector.extract_strided_slice %get3A_90 {offsets = [1], sizes = [1], strides = [1]} : vector<16xi32> to vector<1xi32>
    %squeeze3A_110 = vector.extract %slice3A_109[0] : i32 from vector<1xi32>
    %ne3A_111 = vector.broadcast %squeeze3A_110 : i32 to vector<16xi32>
    %ne3A_112 = arith.cmpi ne, %iota3A, %ne3A_111 : vector<16xi32>
    %convert_element_type3A_113 = arith.extui %ne3A_112 : vector<16xi1> to vector<16xi32>
    %add3A_114 = arith.addi %add3A_103, %convert_element_type3A_113 : vector<16xi32>
    %le3A_115 = arith.cmpi sle, %add3A_114, %sub3A_94 : vector<16xi32>
    %and3A_116 = arith.andi %ne3A_112, %le3A_115 : vector<16xi1>
    %and3A_117 = arith.andi %and3A, %and3A_116 : vector<16xi1>
    %slice3A_118 = vector.extract_strided_slice %get3A_92 {offsets = [1], sizes = [1], strides = [1]} : vector<16xf32> to vector<1xf32>
    %squeeze3A_119 = vector.extract %slice3A_118[0] : f32 from vector<1xf32>
    %max3A_120 = vector.broadcast %squeeze3A_119 : f32 to vector<16xf32>
    %max3A_121 = arith.maximumf %select_n3A, %max3A_120 : vector<16xf32>
    %select_n3A_122 = arith.select %and3A_117, %max3A_121, %select_n3A : vector<16xi1>, vector<16xf32>
    %slice3A_123 = vector.extract_strided_slice %get3A_90 {offsets = [2], sizes = [1], strides = [1]} : vector<16xi32> to vector<1xi32>
    %squeeze3A_124 = vector.extract %slice3A_123[0] : i32 from vector<1xi32>
    %ne3A_125 = vector.broadcast %squeeze3A_124 : i32 to vector<16xi32>
    %ne3A_126 = arith.cmpi ne, %iota3A, %ne3A_125 : vector<16xi32>
    %convert_element_type3A_127 = arith.extui %ne3A_126 : vector<16xi1> to vector<16xi32>
    %add3A_128 = arith.addi %add3A_114, %convert_element_type3A_127 : vector<16xi32>
    %le3A_129 = arith.cmpi sle, %add3A_128, %sub3A_94 : vector<16xi32>
    %and3A_130 = arith.andi %ne3A_126, %le3A_129 : vector<16xi1>
    %and3A_131 = arith.andi %and3A, %and3A_130 : vector<16xi1>
    %slice3A_132 = vector.extract_strided_slice %get3A_92 {offsets = [2], sizes = [1], strides = [1]} : vector<16xf32> to vector<1xf32>
    %squeeze3A_133 = vector.extract %slice3A_132[0] : f32 from vector<1xf32>
    %max3A_134 = vector.broadcast %squeeze3A_133 : f32 to vector<16xf32>
    %max3A_135 = arith.maximumf %select_n3A_122, %max3A_134 : vector<16xf32>
    %select_n3A_136 = arith.select %and3A_131, %max3A_135, %select_n3A_122 : vector<16xi1>, vector<16xf32>
    %slice3A_137 = vector.extract_strided_slice %get3A_90 {offsets = [3], sizes = [1], strides = [1]} : vector<16xi32> to vector<1xi32>
    %squeeze3A_138 = vector.extract %slice3A_137[0] : i32 from vector<1xi32>
    %ne3A_139 = vector.broadcast %squeeze3A_138 : i32 to vector<16xi32>
    %ne3A_140 = arith.cmpi ne, %iota3A, %ne3A_139 : vector<16xi32>
    %convert_element_type3A_141 = arith.extui %ne3A_140 : vector<16xi1> to vector<16xi32>
    %add3A_142 = arith.addi %add3A_128, %convert_element_type3A_141 : vector<16xi32>
    %le3A_143 = arith.cmpi sle, %add3A_142, %sub3A_94 : vector<16xi32>
    %and3A_144 = arith.andi %ne3A_140, %le3A_143 : vector<16xi1>
    %and3A_145 = arith.andi %and3A, %and3A_144 : vector<16xi1>
    %slice3A_146 = vector.extract_strided_slice %get3A_92 {offsets = [3], sizes = [1], strides = [1]} : vector<16xf32> to vector<1xf32>
    %squeeze3A_147 = vector.extract %slice3A_146[0] : f32 from vector<1xf32>
    %max3A_148 = vector.broadcast %squeeze3A_147 : f32 to vector<16xf32>
    %max3A_149 = arith.maximumf %select_n3A_136, %max3A_148 : vector<16xf32>
    %select_n3A_150 = arith.select %and3A_145, %max3A_149, %select_n3A_136 : vector<16xi1>, vector<16xf32>
    %slice3A_151 = vector.extract_strided_slice %get3A_90 {offsets = [4], sizes = [1], strides = [1]} : vector<16xi32> to vector<1xi32>
    %squeeze3A_152 = vector.extract %slice3A_151[0] : i32 from vector<1xi32>
    %ne3A_153 = vector.broadcast %squeeze3A_152 : i32 to vector<16xi32>
    %ne3A_154 = arith.cmpi ne, %iota3A, %ne3A_153 : vector<16xi32>
    %convert_element_type3A_155 = arith.extui %ne3A_154 : vector<16xi1> to vector<16xi32>
    %add3A_156 = arith.addi %add3A_142, %convert_element_type3A_155 : vector<16xi32>
    %le3A_157 = arith.cmpi sle, %add3A_156, %sub3A_94 : vector<16xi32>
    %and3A_158 = arith.andi %ne3A_154, %le3A_157 : vector<16xi1>
    %and3A_159 = arith.andi %and3A, %and3A_158 : vector<16xi1>
    %slice3A_160 = vector.extract_strided_slice %get3A_92 {offsets = [4], sizes = [1], strides = [1]} : vector<16xf32> to vector<1xf32>
    %squeeze3A_161 = vector.extract %slice3A_160[0] : f32 from vector<1xf32>
    %max3A_162 = vector.broadcast %squeeze3A_161 : f32 to vector<16xf32>
    %max3A_163 = arith.maximumf %select_n3A_150, %max3A_162 : vector<16xf32>
    %select_n3A_164 = arith.select %and3A_159, %max3A_163, %select_n3A_150 : vector<16xi1>, vector<16xf32>
    %slice3A_165 = vector.extract_strided_slice %get3A_90 {offsets = [5], sizes = [1], strides = [1]} : vector<16xi32> to vector<1xi32>
    %squeeze3A_166 = vector.extract %slice3A_165[0] : i32 from vector<1xi32>
    %ne3A_167 = vector.broadcast %squeeze3A_166 : i32 to vector<16xi32>
    %ne3A_168 = arith.cmpi ne, %iota3A, %ne3A_167 : vector<16xi32>
    %convert_element_type3A_169 = arith.extui %ne3A_168 : vector<16xi1> to vector<16xi32>
    %add3A_170 = arith.addi %add3A_156, %convert_element_type3A_169 : vector<16xi32>
    %le3A_171 = arith.cmpi sle, %add3A_170, %sub3A_94 : vector<16xi32>
    %and3A_172 = arith.andi %ne3A_168, %le3A_171 : vector<16xi1>
    %and3A_173 = arith.andi %and3A, %and3A_172 : vector<16xi1>
    %slice3A_174 = vector.extract_strided_slice %get3A_92 {offsets = [5], sizes = [1], strides = [1]} : vector<16xf32> to vector<1xf32>
    %squeeze3A_175 = vector.extract %slice3A_174[0] : f32 from vector<1xf32>
    %max3A_176 = vector.broadcast %squeeze3A_175 : f32 to vector<16xf32>
    %max3A_177 = arith.maximumf %select_n3A_164, %max3A_176 : vector<16xf32>
    %select_n3A_178 = arith.select %and3A_173, %max3A_177, %select_n3A_164 : vector<16xi1>, vector<16xf32>
    %slice3A_179 = vector.extract_strided_slice %get3A_90 {offsets = [6], sizes = [1], strides = [1]} : vector<16xi32> to vector<1xi32>
    %squeeze3A_180 = vector.extract %slice3A_179[0] : i32 from vector<1xi32>
    %ne3A_181 = vector.broadcast %squeeze3A_180 : i32 to vector<16xi32>
    %ne3A_182 = arith.cmpi ne, %iota3A, %ne3A_181 : vector<16xi32>
    %convert_element_type3A_183 = arith.extui %ne3A_182 : vector<16xi1> to vector<16xi32>
    %add3A_184 = arith.addi %add3A_170, %convert_element_type3A_183 : vector<16xi32>
    %le3A_185 = arith.cmpi sle, %add3A_184, %sub3A_94 : vector<16xi32>
    %and3A_186 = arith.andi %ne3A_182, %le3A_185 : vector<16xi1>
    %and3A_187 = arith.andi %and3A, %and3A_186 : vector<16xi1>
    %slice3A_188 = vector.extract_strided_slice %get3A_92 {offsets = [6], sizes = [1], strides = [1]} : vector<16xf32> to vector<1xf32>
    %squeeze3A_189 = vector.extract %slice3A_188[0] : f32 from vector<1xf32>
    %max3A_190 = vector.broadcast %squeeze3A_189 : f32 to vector<16xf32>
    %max3A_191 = arith.maximumf %select_n3A_178, %max3A_190 : vector<16xf32>
    %select_n3A_192 = arith.select %and3A_187, %max3A_191, %select_n3A_178 : vector<16xi1>, vector<16xf32>
    %slice3A_193 = vector.extract_strided_slice %get3A_90 {offsets = [7], sizes = [1], strides = [1]} : vector<16xi32> to vector<1xi32>
    %squeeze3A_194 = vector.extract %slice3A_193[0] : i32 from vector<1xi32>
    %ne3A_195 = vector.broadcast %squeeze3A_194 : i32 to vector<16xi32>
    %ne3A_196 = arith.cmpi ne, %iota3A, %ne3A_195 : vector<16xi32>
    %convert_element_type3A_197 = arith.extui %ne3A_196 : vector<16xi1> to vector<16xi32>
    %add3A_198 = arith.addi %add3A_184, %convert_element_type3A_197 : vector<16xi32>
    %le3A_199 = arith.cmpi sle, %add3A_198, %sub3A_94 : vector<16xi32>
    %and3A_200 = arith.andi %ne3A_196, %le3A_199 : vector<16xi1>
    %and3A_201 = arith.andi %and3A, %and3A_200 : vector<16xi1>
    %slice3A_202 = vector.extract_strided_slice %get3A_92 {offsets = [7], sizes = [1], strides = [1]} : vector<16xf32> to vector<1xf32>
    %squeeze3A_203 = vector.extract %slice3A_202[0] : f32 from vector<1xf32>
    %max3A_204 = vector.broadcast %squeeze3A_203 : f32 to vector<16xf32>
    %max3A_205 = arith.maximumf %select_n3A_192, %max3A_204 : vector<16xf32>
    %select_n3A_206 = arith.select %and3A_201, %max3A_205, %select_n3A_192 : vector<16xi1>, vector<16xf32>
    %slice3A_207 = vector.extract_strided_slice %get3A_90 {offsets = [8], sizes = [1], strides = [1]} : vector<16xi32> to vector<1xi32>
    %squeeze3A_208 = vector.extract %slice3A_207[0] : i32 from vector<1xi32>
    %ne3A_209 = vector.broadcast %squeeze3A_208 : i32 to vector<16xi32>
    %ne3A_210 = arith.cmpi ne, %iota3A, %ne3A_209 : vector<16xi32>
    %convert_element_type3A_211 = arith.extui %ne3A_210 : vector<16xi1> to vector<16xi32>
    %add3A_212 = arith.addi %add3A_198, %convert_element_type3A_211 : vector<16xi32>
    %le3A_213 = arith.cmpi sle, %add3A_212, %sub3A_94 : vector<16xi32>
    %and3A_214 = arith.andi %ne3A_210, %le3A_213 : vector<16xi1>
    %and3A_215 = arith.andi %and3A, %and3A_214 : vector<16xi1>
    %slice3A_216 = vector.extract_strided_slice %get3A_92 {offsets = [8], sizes = [1], strides = [1]} : vector<16xf32> to vector<1xf32>
    %squeeze3A_217 = vector.extract %slice3A_216[0] : f32 from vector<1xf32>
    %max3A_218 = vector.broadcast %squeeze3A_217 : f32 to vector<16xf32>
    %max3A_219 = arith.maximumf %select_n3A_206, %max3A_218 : vector<16xf32>
    %select_n3A_220 = arith.select %and3A_215, %max3A_219, %select_n3A_206 : vector<16xi1>, vector<16xf32>
    %slice3A_221 = vector.extract_strided_slice %get3A_90 {offsets = [9], sizes = [1], strides = [1]} : vector<16xi32> to vector<1xi32>
    %squeeze3A_222 = vector.extract %slice3A_221[0] : i32 from vector<1xi32>
    %ne3A_223 = vector.broadcast %squeeze3A_222 : i32 to vector<16xi32>
    %ne3A_224 = arith.cmpi ne, %iota3A, %ne3A_223 : vector<16xi32>
    %convert_element_type3A_225 = arith.extui %ne3A_224 : vector<16xi1> to vector<16xi32>
    %add3A_226 = arith.addi %add3A_212, %convert_element_type3A_225 : vector<16xi32>
    %le3A_227 = arith.cmpi sle, %add3A_226, %sub3A_94 : vector<16xi32>
    %and3A_228 = arith.andi %ne3A_224, %le3A_227 : vector<16xi1>
    %and3A_229 = arith.andi %and3A, %and3A_228 : vector<16xi1>
    %slice3A_230 = vector.extract_strided_slice %get3A_92 {offsets = [9], sizes = [1], strides = [1]} : vector<16xf32> to vector<1xf32>
    %squeeze3A_231 = vector.extract %slice3A_230[0] : f32 from vector<1xf32>
    %max3A_232 = vector.broadcast %squeeze3A_231 : f32 to vector<16xf32>
    %max3A_233 = arith.maximumf %select_n3A_220, %max3A_232 : vector<16xf32>
    %select_n3A_234 = arith.select %and3A_229, %max3A_233, %select_n3A_220 : vector<16xi1>, vector<16xf32>
    %slice3A_235 = vector.extract_strided_slice %get3A_90 {offsets = [10], sizes = [1], strides = [1]} : vector<16xi32> to vector<1xi32>
    %squeeze3A_236 = vector.extract %slice3A_235[0] : i32 from vector<1xi32>
    %ne3A_237 = vector.broadcast %squeeze3A_236 : i32 to vector<16xi32>
    %ne3A_238 = arith.cmpi ne, %iota3A, %ne3A_237 : vector<16xi32>
    %convert_element_type3A_239 = arith.extui %ne3A_238 : vector<16xi1> to vector<16xi32>
    %add3A_240 = arith.addi %add3A_226, %convert_element_type3A_239 : vector<16xi32>
    %le3A_241 = arith.cmpi sle, %add3A_240, %sub3A_94 : vector<16xi32>
    %and3A_242 = arith.andi %ne3A_238, %le3A_241 : vector<16xi1>
    %and3A_243 = arith.andi %and3A, %and3A_242 : vector<16xi1>
    %slice3A_244 = vector.extract_strided_slice %get3A_92 {offsets = [10], sizes = [1], strides = [1]} : vector<16xf32> to vector<1xf32>
    %squeeze3A_245 = vector.extract %slice3A_244[0] : f32 from vector<1xf32>
    %max3A_246 = vector.broadcast %squeeze3A_245 : f32 to vector<16xf32>
    %max3A_247 = arith.maximumf %select_n3A_234, %max3A_246 : vector<16xf32>
    %select_n3A_248 = arith.select %and3A_243, %max3A_247, %select_n3A_234 : vector<16xi1>, vector<16xf32>
    %slice3A_249 = vector.extract_strided_slice %get3A_90 {offsets = [11], sizes = [1], strides = [1]} : vector<16xi32> to vector<1xi32>
    %squeeze3A_250 = vector.extract %slice3A_249[0] : i32 from vector<1xi32>
    %ne3A_251 = vector.broadcast %squeeze3A_250 : i32 to vector<16xi32>
    %ne3A_252 = arith.cmpi ne, %iota3A, %ne3A_251 : vector<16xi32>
    %convert_element_type3A_253 = arith.extui %ne3A_252 : vector<16xi1> to vector<16xi32>
    %add3A_254 = arith.addi %add3A_240, %convert_element_type3A_253 : vector<16xi32>
    %le3A_255 = arith.cmpi sle, %add3A_254, %sub3A_94 : vector<16xi32>
    %and3A_256 = arith.andi %ne3A_252, %le3A_255 : vector<16xi1>
    %and3A_257 = arith.andi %and3A, %and3A_256 : vector<16xi1>
    %slice3A_258 = vector.extract_strided_slice %get3A_92 {offsets = [11], sizes = [1], strides = [1]} : vector<16xf32> to vector<1xf32>
    %squeeze3A_259 = vector.extract %slice3A_258[0] : f32 from vector<1xf32>
    %max3A_260 = vector.broadcast %squeeze3A_259 : f32 to vector<16xf32>
    %max3A_261 = arith.maximumf %select_n3A_248, %max3A_260 : vector<16xf32>
    %select_n3A_262 = arith.select %and3A_257, %max3A_261, %select_n3A_248 : vector<16xi1>, vector<16xf32>
    %slice3A_263 = vector.extract_strided_slice %get3A_90 {offsets = [12], sizes = [1], strides = [1]} : vector<16xi32> to vector<1xi32>
    %squeeze3A_264 = vector.extract %slice3A_263[0] : i32 from vector<1xi32>
    %ne3A_265 = vector.broadcast %squeeze3A_264 : i32 to vector<16xi32>
    %ne3A_266 = arith.cmpi ne, %iota3A, %ne3A_265 : vector<16xi32>
    %convert_element_type3A_267 = arith.extui %ne3A_266 : vector<16xi1> to vector<16xi32>
    %add3A_268 = arith.addi %add3A_254, %convert_element_type3A_267 : vector<16xi32>
    %le3A_269 = arith.cmpi sle, %add3A_268, %sub3A_94 : vector<16xi32>
    %and3A_270 = arith.andi %ne3A_266, %le3A_269 : vector<16xi1>
    %and3A_271 = arith.andi %and3A, %and3A_270 : vector<16xi1>
    %slice3A_272 = vector.extract_strided_slice %get3A_92 {offsets = [12], sizes = [1], strides = [1]} : vector<16xf32> to vector<1xf32>
    %squeeze3A_273 = vector.extract %slice3A_272[0] : f32 from vector<1xf32>
    %max3A_274 = vector.broadcast %squeeze3A_273 : f32 to vector<16xf32>
    %max3A_275 = arith.maximumf %select_n3A_262, %max3A_274 : vector<16xf32>
    %select_n3A_276 = arith.select %and3A_271, %max3A_275, %select_n3A_262 : vector<16xi1>, vector<16xf32>
    %slice3A_277 = vector.extract_strided_slice %get3A_90 {offsets = [13], sizes = [1], strides = [1]} : vector<16xi32> to vector<1xi32>
    %squeeze3A_278 = vector.extract %slice3A_277[0] : i32 from vector<1xi32>
    %ne3A_279 = vector.broadcast %squeeze3A_278 : i32 to vector<16xi32>
    %ne3A_280 = arith.cmpi ne, %iota3A, %ne3A_279 : vector<16xi32>
    %convert_element_type3A_281 = arith.extui %ne3A_280 : vector<16xi1> to vector<16xi32>
    %add3A_282 = arith.addi %add3A_268, %convert_element_type3A_281 : vector<16xi32>
    %le3A_283 = arith.cmpi sle, %add3A_282, %sub3A_94 : vector<16xi32>
    %and3A_284 = arith.andi %ne3A_280, %le3A_283 : vector<16xi1>
    %and3A_285 = arith.andi %and3A, %and3A_284 : vector<16xi1>
    %slice3A_286 = vector.extract_strided_slice %get3A_92 {offsets = [13], sizes = [1], strides = [1]} : vector<16xf32> to vector<1xf32>
    %squeeze3A_287 = vector.extract %slice3A_286[0] : f32 from vector<1xf32>
    %max3A_288 = vector.broadcast %squeeze3A_287 : f32 to vector<16xf32>
    %max3A_289 = arith.maximumf %select_n3A_276, %max3A_288 : vector<16xf32>
    %select_n3A_290 = arith.select %and3A_285, %max3A_289, %select_n3A_276 : vector<16xi1>, vector<16xf32>
    %slice3A_291 = vector.extract_strided_slice %get3A_90 {offsets = [14], sizes = [1], strides = [1]} : vector<16xi32> to vector<1xi32>
    %squeeze3A_292 = vector.extract %slice3A_291[0] : i32 from vector<1xi32>
    %ne3A_293 = vector.broadcast %squeeze3A_292 : i32 to vector<16xi32>
    %ne3A_294 = arith.cmpi ne, %iota3A, %ne3A_293 : vector<16xi32>
    %convert_element_type3A_295 = arith.extui %ne3A_294 : vector<16xi1> to vector<16xi32>
    %add3A_296 = arith.addi %add3A_282, %convert_element_type3A_295 : vector<16xi32>
    %le3A_297 = arith.cmpi sle, %add3A_296, %sub3A_94 : vector<16xi32>
    %and3A_298 = arith.andi %ne3A_294, %le3A_297 : vector<16xi1>
    %and3A_299 = arith.andi %and3A, %and3A_298 : vector<16xi1>
    %slice3A_300 = vector.extract_strided_slice %get3A_92 {offsets = [14], sizes = [1], strides = [1]} : vector<16xf32> to vector<1xf32>
    %squeeze3A_301 = vector.extract %slice3A_300[0] : f32 from vector<1xf32>
    %max3A_302 = vector.broadcast %squeeze3A_301 : f32 to vector<16xf32>
    %max3A_303 = arith.maximumf %select_n3A_290, %max3A_302 : vector<16xf32>
    %select_n3A_304 = arith.select %and3A_299, %max3A_303, %select_n3A_290 : vector<16xi1>, vector<16xf32>
    %reduce_max3A = arith.constant true
    %reduce_max3A_305 = vector.broadcast %reduce_max3A : i1 to vector<16xi1>
    %reduce_max3A_306 = tpu.scan <max>, %select_n3A_304 masked %reduce_max3A_305 : vector<16xf32>, vector<16xi1> -> vector<16xf32>
    %reduce_max3A_307 = vector.extract %reduce_max3A_306[15] : f32 from vector<16xf32>
    %add3A_308 = arith.constant 1.000000e+00 : f32
    %add3A_309 = arith.addf %add3A_308, %reduce_max3A_307 : f32
    %swap3A = arith.constant 0 : index
    %swap3A_310 = tpu.vector_load %arg13[%swap3A] {strides = array<i32>} : memref<16xi32, #tpu.memory_space<vmem>>, vector<16xi32>,
    tpu.vector_store %arg13[%swap3A], %scan3A_82#0 {strides = array<i32>} : memref<16xi32, #tpu.memory_space<vmem>>, vector<16xi32>,
    %broadcast_in_dim3A_311 = arith.constant 0 : i32
    %broadcast_in_dim3A_312 = vector.broadcast %broadcast_in_dim3A_311 : i32 to vector<16xi32>
    %scan3A_313 = arith.constant 0 : i32
    %scan3A_314 = arith.constant 8 : i32
    %scan3A_315 = arith.addi %scan3A_313, %scan3A_314 : i32
    %scan3A_316 = arith.constant 1 : i32
    %scan3A_317 = scf.for %scan3A_630 = %scan3A_313 to %scan3A_315 step %scan3A_316 iter_args(%scan3A_631 = %broadcast_in_dim3A_312) -> (vector<16xi32>)  : i32 {
      %mul3A_632 = arith.constant 64 : i32
      %mul3A_633 = arith.muli %scan3A_630, %mul3A_632 : i32
      %add3A_634 = arith.constant 0 : i32
      %add3A_635 = arith.addi %mul3A_633, %add3A_634 : i32
      %get3A_636 = arith.index_cast %add3A_635 : i32 to index
      %get3A_637 = tpu.vector_load %arg12[%get3A_636] {strides = array<i32>} : memref<512xf32, #tpu.memory_space<vmem>>, vector<16xf32>,
      %get3A_638 = arith.index_cast %add3A_635 : i32 to index
      %get3A_639 = tpu.vector_load %arg10[%get3A_638] {strides = array<i32>} : memref<512xi32, #tpu.memory_space<vmem>>, vector<16xi32>,
      %gather3A = tpu.vector_load_idx %arg13[%get3A_639] : memref<16xi32, #tpu.memory_space<vmem>>[vector<16xi32>], vector<16xi32>,
      %lt3A = vector.broadcast %add3A_309 : f32 to vector<16xf32>
      %lt3A_640 = arith.cmpf olt, %get3A_637, %lt3A : vector<16xf32>
      %sub3A_641 = arith.constant 512 : i32
      %sub3A_642 = vector.broadcast %sub3A_641 : i32 to vector<16xi32>
      %sub3A_643 = arith.subi %sub3A_642, %gather3A : vector<16xi32>
      %broadcast_in_dim3A_644 = arith.constant 0 : i32
      %broadcast_in_dim3A_645 = vector.broadcast %broadcast_in_dim3A_644 : i32 to vector<16xi32>
      %select_n3A_646 = arith.select %lt3A_640, %sub3A_643, %broadcast_in_dim3A_645 : vector<16xi1>, vector<16xi32>
      %add3A_647 = arith.addi %scan3A_631, %select_n3A_646 : vector<16xi32>
      %mul3A_648 = arith.constant 64 : i32
      %mul3A_649 = arith.muli %scan3A_630, %mul3A_648 : i32
      %add3A_650 = arith.constant 16 : i32
      %add3A_651 = arith.addi %mul3A_649, %add3A_650 : i32
      %get3A_652 = arith.index_cast %add3A_651 : i32 to index
      %get3A_653 = tpu.vector_load %arg12[%get3A_652] {strides = array<i32>} : memref<512xf32, #tpu.memory_space<vmem>>, vector<16xf32>,
      %get3A_654 = arith.index_cast %add3A_651 : i32 to index
      %get3A_655 = tpu.vector_load %arg10[%get3A_654] {strides = array<i32>} : memref<512xi32, #tpu.memory_space<vmem>>, vector<16xi32>,
      %gather3A_656 = tpu.vector_load_idx %arg13[%get3A_655] : memref<16xi32, #tpu.memory_space<vmem>>[vector<16xi32>], vector<16xi32>,
      %lt3A_657 = vector.broadcast %add3A_309 : f32 to vector<16xf32>
      %lt3A_658 = arith.cmpf olt, %get3A_653, %lt3A_657 : vector<16xf32>
      %sub3A_659 = arith.constant 512 : i32
      %sub3A_660 = vector.broadcast %sub3A_659 : i32 to vector<16xi32>
      %sub3A_661 = arith.subi %sub3A_660, %gather3A_656 : vector<16xi32>
      %broadcast_in_dim3A_662 = arith.constant 0 : i32
      %broadcast_in_dim3A_663 = vector.broadcast %broadcast_in_dim3A_662 : i32 to vector<16xi32>
      %select_n3A_664 = arith.select %lt3A_658, %sub3A_661, %broadcast_in_dim3A_663 : vector<16xi1>, vector<16xi32>
      %add3A_665 = arith.addi %add3A_647, %select_n3A_664 : vector<16xi32>
      %mul3A_666 = arith.constant 64 : i32
      %mul3A_667 = arith.muli %scan3A_630, %mul3A_666 : i32
      %add3A_668 = arith.constant 32 : i32
      %add3A_669 = arith.addi %mul3A_667, %add3A_668 : i32
      %get3A_670 = arith.index_cast %add3A_669 : i32 to index
      %get3A_671 = tpu.vector_load %arg12[%get3A_670] {strides = array<i32>} : memref<512xf32, #tpu.memory_space<vmem>>, vector<16xf32>,
      %get3A_672 = arith.index_cast %add3A_669 : i32 to index
      %get3A_673 = tpu.vector_load %arg10[%get3A_672] {strides = array<i32>} : memref<512xi32, #tpu.memory_space<vmem>>, vector<16xi32>,
      %gather3A_674 = tpu.vector_load_idx %arg13[%get3A_673] : memref<16xi32, #tpu.memory_space<vmem>>[vector<16xi32>], vector<16xi32>,
      %lt3A_675 = vector.broadcast %add3A_309 : f32 to vector<16xf32>
      %lt3A_676 = arith.cmpf olt, %get3A_671, %lt3A_675 : vector<16xf32>
      %sub3A_677 = arith.constant 512 : i32
      %sub3A_678 = vector.broadcast %sub3A_677 : i32 to vector<16xi32>
      %sub3A_679 = arith.subi %sub3A_678, %gather3A_674 : vector<16xi32>
      %broadcast_in_dim3A_680 = arith.constant 0 : i32
      %broadcast_in_dim3A_681 = vector.broadcast %broadcast_in_dim3A_680 : i32 to vector<16xi32>
      %select_n3A_682 = arith.select %lt3A_676, %sub3A_679, %broadcast_in_dim3A_681 : vector<16xi1>, vector<16xi32>
      %add3A_683 = arith.addi %add3A_665, %select_n3A_682 : vector<16xi32>
      %mul3A_684 = arith.constant 64 : i32
      %mul3A_685 = arith.muli %scan3A_630, %mul3A_684 : i32
      %add3A_686 = arith.constant 48 : i32
      %add3A_687 = arith.addi %mul3A_685, %add3A_686 : i32
      %get3A_688 = arith.index_cast %add3A_687 : i32 to index
      %get3A_689 = tpu.vector_load %arg12[%get3A_688] {strides = array<i32>} : memref<512xf32, #tpu.memory_space<vmem>>, vector<16xf32>,
      %get3A_690 = arith.index_cast %add3A_687 : i32 to index
      %get3A_691 = tpu.vector_load %arg10[%get3A_690] {strides = array<i32>} : memref<512xi32, #tpu.memory_space<vmem>>, vector<16xi32>,
      %gather3A_692 = tpu.vector_load_idx %arg13[%get3A_691] : memref<16xi32, #tpu.memory_space<vmem>>[vector<16xi32>], vector<16xi32>,
      %lt3A_693 = vector.broadcast %add3A_309 : f32 to vector<16xf32>
      %lt3A_694 = arith.cmpf olt, %get3A_689, %lt3A_693 : vector<16xf32>
      %sub3A_695 = arith.constant 512 : i32
      %sub3A_696 = vector.broadcast %sub3A_695 : i32 to vector<16xi32>
      %sub3A_697 = arith.subi %sub3A_696, %gather3A_692 : vector<16xi32>
      %broadcast_in_dim3A_698 = arith.constant 0 : i32
      %broadcast_in_dim3A_699 = vector.broadcast %broadcast_in_dim3A_698 : i32 to vector<16xi32>
      %select_n3A_700 = arith.select %lt3A_694, %sub3A_697, %broadcast_in_dim3A_699 : vector<16xi1>, vector<16xi32>
      %add3A_701 = arith.addi %add3A_683, %select_n3A_700 : vector<16xi32>
      scf.yield %add3A_701 : vector<16xi32>
    }
    %scan3A_318 = arith.constant 8 : i32
    %reduce_sum3A_319 = arith.constant true
    %reduce_sum3A_320 = vector.broadcast %reduce_sum3A_319 : i1 to vector<16xi1>
    %reduce_sum3A_321 = tpu.scan <sum>, %scan3A_317 masked %reduce_sum3A_320 : vector<16xi32>, vector<16xi1> -> vector<16xi32>
    %reduce_sum3A_322 = vector.extract %reduce_sum3A_321[15] : i32 from vector<16xi32>
    %add3A_323 = arith.constant 0 : i32
    %add3A_324 = arith.addi %add3A_323, %reduce_sum3A_322 : i32
    %dma_wait3A_325 = arith.constant 0 : i32
    %dma_wait3A_326 = arith.constant 0 : i32
    %dma_wait3A_327 = tpu.memref_slice %arg3[%add3A_11, %dma_wait3A_325, %dma_wait3A_326] : memref<64x64x512xf32, #tpu.memory_space<hbm>> -> memref<1x64x512xf32, #tpu.memory_space<hbm>>
    %dma_wait3A_328 = tpu.memref_squeeze %dma_wait3A_327 : memref<1x64x512xf32, #tpu.memory_space<hbm>> -> memref<64x512xf32, #tpu.memory_space<hbm>>
    %dma_wait3A_329 = arith.constant 0 : i32
    %dma_wait3A_330 = arith.constant 0 : i32
    %dma_wait3A_331 = tpu.memref_slice %arg3[%add3A_11, %dma_wait3A_329, %dma_wait3A_330] : memref<64x64x512xf32, #tpu.memory_space<hbm>> -> memref<1x64x512xf32, #tpu.memory_space<hbm>>
    %dma_wait3A_332 = tpu.memref_squeeze %dma_wait3A_331 : memref<1x64x512xf32, #tpu.memory_space<hbm>> -> memref<64x512xf32, #tpu.memory_space<hbm>>
    tpu.wait_dma2 semaphore(%arg16 : memref<!tpu.dma_semaphore, #tpu.memory_space<semaphore_mem>>) src(%dma_wait3A_332 : memref<64x512xf32, #tpu.memory_space<hbm>>) dst(%arg7 : memref<64x512xf32, #tpu.memory_space<vmem>>)
    %dma_wait3A_333 = arith.constant 0 : i32
    %dma_wait3A_334 = tpu.memref_slice %arg2[%add3A_27, %dma_wait3A_333] : memref<64x64xf32, #tpu.memory_space<hbm>> -> memref<1x64xf32, #tpu.memory_space<hbm>>
    %dma_wait3A_335 = tpu.memref_squeeze %dma_wait3A_334 : memref<1x64xf32, #tpu.memory_space<hbm>> -> memref<64xf32, #tpu.memory_space<hbm>>
    %dma_wait3A_336 = arith.constant 0 : i32
    %dma_wait3A_337 = tpu.memref_slice %arg2[%add3A_27, %dma_wait3A_336] : memref<64x64xf32, #tpu.memory_space<hbm>> -> memref<1x64xf32, #tpu.memory_space<hbm>>
    %dma_wait3A_338 = tpu.memref_squeeze %dma_wait3A_337 : memref<1x64xf32, #tpu.memory_space<hbm>> -> memref<64xf32, #tpu.memory_space<hbm>>
    tpu.wait_dma2 semaphore(%arg18 : memref<!tpu.dma_semaphore, #tpu.memory_space<semaphore_mem>>) src(%dma_wait3A_338 : memref<64xf32, #tpu.memory_space<hbm>>) dst(%arg9 : memref<64xf32, #tpu.memory_space<vmem>>)
    %dma_wait3A_339 = arith.constant 0 : i32
    %dma_wait3A_340 = tpu.memref_slice %arg4[%add3A_41, %dma_wait3A_339] : memref<64x512xi32, #tpu.memory_space<hbm>> -> memref<1x512xi32, #tpu.memory_space<hbm>>
    %dma_wait3A_341 = tpu.memref_squeeze %dma_wait3A_340 : memref<1x512xi32, #tpu.memory_space<hbm>> -> memref<512xi32, #tpu.memory_space<hbm>>
    %dma_wait3A_342 = arith.constant 0 : i32
    %dma_wait3A_343 = tpu.memref_slice %arg4[%add3A_41, %dma_wait3A_342] : memref<64x512xi32, #tpu.memory_space<hbm>> -> memref<1x512xi32, #tpu.memory_space<hbm>>
    %dma_wait3A_344 = tpu.memref_squeeze %dma_wait3A_343 : memref<1x512xi32, #tpu.memory_space<hbm>> -> memref<512xi32, #tpu.memory_space<hbm>>
    tpu.wait_dma2 semaphore(%arg20 : memref<!tpu.dma_semaphore, #tpu.memory_space<semaphore_mem>>) src(%dma_wait3A_344 : memref<512xi32, #tpu.memory_space<hbm>>) dst(%arg11 : memref<512xi32, #tpu.memory_space<vmem>>)
    %get3A_345 = arith.constant 0 : index
    %get3A_346 = tpu.vector_load %arg9[%get3A_345] {strides = array<i32>} : memref<64xf32, #tpu.memory_space<vmem>>, vector<16xf32>,
    %get3A_347 = arith.constant 16 : index
    %get3A_348 = tpu.vector_load %arg9[%get3A_347] {strides = array<i32>} : memref<64xf32, #tpu.memory_space<vmem>>, vector<16xf32>,
    %get3A_349 = arith.constant 32 : index
    %get3A_350 = tpu.vector_load %arg9[%get3A_349] {strides = array<i32>} : memref<64xf32, #tpu.memory_space<vmem>>, vector<16xf32>,
    %get3A_351 = arith.constant 48 : index
    %get3A_352 = tpu.vector_load %arg9[%get3A_351] {strides = array<i32>} : memref<64xf32, #tpu.memory_space<vmem>>, vector<16xf32>,
    %broadcast_in_dim3A_353 = arith.constant 0 : i32
    %broadcast_in_dim3A_354 = vector.broadcast %broadcast_in_dim3A_353 : i32 to vector<16xi32>
    %broadcast_in_dim3A_355 = arith.constant 0xFF800000 : f32
    %broadcast_in_dim3A_356 = vector.broadcast %broadcast_in_dim3A_355 : f32 to vector<16xf32>
    %broadcast_in_dim3A_357 = arith.constant 0.000000e+00 : f32
    %broadcast_in_dim3A_358 = vector.broadcast %broadcast_in_dim3A_357 : f32 to vector<16xf32>
    %scan3A_359 = arith.constant 0 : i32
    %scan3A_360 = arith.constant 16 : i32
    %scan3A_361 = arith.addi %scan3A_359, %scan3A_360 : i32
    %scan3A_362 = arith.constant 1 : i32
    %scan3A_363:3 = scf.for %scan3A_630 = %scan3A_359 to %scan3A_361 step %scan3A_362 iter_args(%scan3A_631 = %broadcast_in_dim3A_354, %scan3A_632 = %broadcast_in_dim3A_356, %scan3A_633 = %broadcast_in_dim3A_358) -> (vector<16xi32>, vector<16xf32>, vector<16xf32>)  : i32 {
      %mul3A_634 = arith.constant 32 : i32
      %mul3A_635 = arith.muli %scan3A_630, %mul3A_634 : i32
      %broadcast_in_dim3A_636 = arith.constant 0.000000e+00 : f32
      %broadcast_in_dim3A_637 = vector.broadcast %broadcast_in_dim3A_636 : f32 to vector<16xf32>
      %get3A_638 = arith.constant 0 : i32
      %get3A_639 = arith.index_cast %get3A_638 : i32 to index
      %get3A_640 = arith.index_cast %mul3A_635 : i32 to index
      %get3A_641 = tpu.vector_load %arg7[%get3A_639, %get3A_640] {strides = array<i32>} : memref<64x512xf32, #tpu.memory_space<vmem>>, vector<16xf32>,
      %slice3A_642 = vector.extract_strided_slice %get3A_346 {offsets = [0], sizes = [1], strides = [1]} : vector<16xf32> to vector<1xf32>
      %squeeze3A_643 = vector.extract %slice3A_642[0] : f32 from vector<1xf32>
      %sub3A_644 = vector.broadcast %squeeze3A_643 : f32 to vector<16xf32>
      %sub3A_645 = arith.subf %get3A_641, %sub3A_644 : vector<16xf32>
      %mul3A_646 = arith.mulf %sub3A_645, %sub3A_645 : vector<16xf32>
      %add3A_647 = arith.addf %broadcast_in_dim3A_637, %mul3A_646 : vector<16xf32>
      %get3A_648 = arith.constant 1 : i32
      %get3A_649 = arith.index_cast %get3A_648 : i32 to index
      %get3A_650 = arith.index_cast %mul3A_635 : i32 to index
      %get3A_651 = tpu.vector_load %arg7[%get3A_649, %get3A_650] {strides = array<i32>} : memref<64x512xf32, #tpu.memory_space<vmem>>, vector<16xf32>,
      %slice3A_652 = vector.extract_strided_slice %get3A_346 {offsets = [1], sizes = [1], strides = [1]} : vector<16xf32> to vector<1xf32>
      %squeeze3A_653 = vector.extract %slice3A_652[0] : f32 from vector<1xf32>
      %sub3A_654 = vector.broadcast %squeeze3A_653 : f32 to vector<16xf32>
      %sub3A_655 = arith.subf %get3A_651, %sub3A_654 : vector<16xf32>
      %mul3A_656 = arith.mulf %sub3A_655, %sub3A_655 : vector<16xf32>
      %add3A_657 = arith.addf %add3A_647, %mul3A_656 : vector<16xf32>
      %get3A_658 = arith.constant 2 : i32
      %get3A_659 = arith.index_cast %get3A_658 : i32 to index
      %get3A_660 = arith.index_cast %mul3A_635 : i32 to index
      %get3A_661 = tpu.vector_load %arg7[%get3A_659, %get3A_660] {strides = array<i32>} : memref<64x512xf32, #tpu.memory_space<vmem>>, vector<16xf32>,
      %slice3A_662 = vector.extract_strided_slice %get3A_346 {offsets = [2], sizes = [1], strides = [1]} : vector<16xf32> to vector<1xf32>
      %squeeze3A_663 = vector.extract %slice3A_662[0] : f32 from vector<1xf32>
      %sub3A_664 = vector.broadcast %squeeze3A_663 : f32 to vector<16xf32>
      %sub3A_665 = arith.subf %get3A_661, %sub3A_664 : vector<16xf32>
      %mul3A_666 = arith.mulf %sub3A_665, %sub3A_665 : vector<16xf32>
      %add3A_667 = arith.addf %add3A_657, %mul3A_666 : vector<16xf32>
      %get3A_668 = arith.constant 3 : i32
      %get3A_669 = arith.index_cast %get3A_668 : i32 to index
      %get3A_670 = arith.index_cast %mul3A_635 : i32 to index
      %get3A_671 = tpu.vector_load %arg7[%get3A_669, %get3A_670] {strides = array<i32>} : memref<64x512xf32, #tpu.memory_space<vmem>>, vector<16xf32>,
      %slice3A_672 = vector.extract_strided_slice %get3A_346 {offsets = [3], sizes = [1], strides = [1]} : vector<16xf32> to vector<1xf32>
      %squeeze3A_673 = vector.extract %slice3A_672[0] : f32 from vector<1xf32>
      %sub3A_674 = vector.broadcast %squeeze3A_673 : f32 to vector<16xf32>
      %sub3A_675 = arith.subf %get3A_671, %sub3A_674 : vector<16xf32>
      %mul3A_676 = arith.mulf %sub3A_675, %sub3A_675 : vector<16xf32>
      %add3A_677 = arith.addf %add3A_667, %mul3A_676 : vector<16xf32>
      %get3A_678 = arith.constant 4 : i32
      %get3A_679 = arith.index_cast %get3A_678 : i32 to index
      %get3A_680 = arith.index_cast %mul3A_635 : i32 to index
      %get3A_681 = tpu.vector_load %arg7[%get3A_679, %get3A_680] {strides = array<i32>} : memref<64x512xf32, #tpu.memory_space<vmem>>, vector<16xf32>,
      %slice3A_682 = vector.extract_strided_slice %get3A_346 {offsets = [4], sizes = [1], strides = [1]} : vector<16xf32> to vector<1xf32>
      %squeeze3A_683 = vector.extract %slice3A_682[0] : f32 from vector<1xf32>
      %sub3A_684 = vector.broadcast %squeeze3A_683 : f32 to vector<16xf32>
      %sub3A_685 = arith.subf %get3A_681, %sub3A_684 : vector<16xf32>
      %mul3A_686 = arith.mulf %sub3A_685, %sub3A_685 : vector<16xf32>
      %add3A_687 = arith.addf %add3A_677, %mul3A_686 : vector<16xf32>
      %get3A_688 = arith.constant 5 : i32
      %get3A_689 = arith.index_cast %get3A_688 : i32 to index
      %get3A_690 = arith.index_cast %mul3A_635 : i32 to index
      %get3A_691 = tpu.vector_load %arg7[%get3A_689, %get3A_690] {strides = array<i32>} : memref<64x512xf32, #tpu.memory_space<vmem>>, vector<16xf32>,
      %slice3A_692 = vector.extract_strided_slice %get3A_346 {offsets = [5], sizes = [1], strides = [1]} : vector<16xf32> to vector<1xf32>
      %squeeze3A_693 = vector.extract %slice3A_692[0] : f32 from vector<1xf32>
      %sub3A_694 = vector.broadcast %squeeze3A_693 : f32 to vector<16xf32>
      %sub3A_695 = arith.subf %get3A_691, %sub3A_694 : vector<16xf32>
      %mul3A_696 = arith.mulf %sub3A_695, %sub3A_695 : vector<16xf32>
      %add3A_697 = arith.addf %add3A_687, %mul3A_696 : vector<16xf32>
      %get3A_698 = arith.constant 6 : i32
      %get3A_699 = arith.index_cast %get3A_698 : i32 to index
      %get3A_700 = arith.index_cast %mul3A_635 : i32 to index
      %get3A_701 = tpu.vector_load %arg7[%get3A_699, %get3A_700] {strides = array<i32>} : memref<64x512xf32, #tpu.memory_space<vmem>>, vector<16xf32>,
      %slice3A_702 = vector.extract_strided_slice %get3A_346 {offsets = [6], sizes = [1], strides = [1]} : vector<16xf32> to vector<1xf32>
      %squeeze3A_703 = vector.extract %slice3A_702[0] : f32 from vector<1xf32>
      %sub3A_704 = vector.broadcast %squeeze3A_703 : f32 to vector<16xf32>
      %sub3A_705 = arith.subf %get3A_701, %sub3A_704 : vector<16xf32>
      %mul3A_706 = arith.mulf %sub3A_705, %sub3A_705 : vector<16xf32>
      %add3A_707 = arith.addf %add3A_697, %mul3A_706 : vector<16xf32>
      %get3A_708 = arith.constant 7 : i32
      %get3A_709 = arith.index_cast %get3A_708 : i32 to index
      %get3A_710 = arith.index_cast %mul3A_635 : i32 to index
      %get3A_711 = tpu.vector_load %arg7[%get3A_709, %get3A_710] {strides = array<i32>} : memref<64x512xf32, #tpu.memory_space<vmem>>, vector<16xf32>,
      %slice3A_712 = vector.extract_strided_slice %get3A_346 {offsets = [7], sizes = [1], strides = [1]} : vector<16xf32> to vector<1xf32>
      %squeeze3A_713 = vector.extract %slice3A_712[0] : f32 from vector<1xf32>
      %sub3A_714 = vector.broadcast %squeeze3A_713 : f32 to vector<16xf32>
      %sub3A_715 = arith.subf %get3A_711, %sub3A_714 : vector<16xf32>
      %mul3A_716 = arith.mulf %sub3A_715, %sub3A_715 : vector<16xf32>
      %add3A_717 = arith.addf %add3A_707, %mul3A_716 : vector<16xf32>
      %get3A_718 = arith.constant 8 : i32
      %get3A_719 = arith.index_cast %get3A_718 : i32 to index
      %get3A_720 = arith.index_cast %mul3A_635 : i32 to index
      %get3A_721 = tpu.vector_load %arg7[%get3A_719, %get3A_720] {strides = array<i32>} : memref<64x512xf32, #tpu.memory_space<vmem>>, vector<16xf32>,
      %slice3A_722 = vector.extract_strided_slice %get3A_346 {offsets = [8], sizes = [1], strides = [1]} : vector<16xf32> to vector<1xf32>
      %squeeze3A_723 = vector.extract %slice3A_722[0] : f32 from vector<1xf32>
      %sub3A_724 = vector.broadcast %squeeze3A_723 : f32 to vector<16xf32>
      %sub3A_725 = arith.subf %get3A_721, %sub3A_724 : vector<16xf32>
      %mul3A_726 = arith.mulf %sub3A_725, %sub3A_725 : vector<16xf32>
      %add3A_727 = arith.addf %add3A_717, %mul3A_726 : vector<16xf32>
      %get3A_728 = arith.constant 9 : i32
      %get3A_729 = arith.index_cast %get3A_728 : i32 to index
      %get3A_730 = arith.index_cast %mul3A_635 : i32 to index
      %get3A_731 = tpu.vector_load %arg7[%get3A_729, %get3A_730] {strides = array<i32>} : memref<64x512xf32, #tpu.memory_space<vmem>>, vector<16xf32>,
      %slice3A_732 = vector.extract_strided_slice %get3A_346 {offsets = [9], sizes = [1], strides = [1]} : vector<16xf32> to vector<1xf32>
      %squeeze3A_733 = vector.extract %slice3A_732[0] : f32 from vector<1xf32>
      %sub3A_734 = vector.broadcast %squeeze3A_733 : f32 to vector<16xf32>
      %sub3A_735 = arith.subf %get3A_731, %sub3A_734 : vector<16xf32>
      %mul3A_736 = arith.mulf %sub3A_735, %sub3A_735 : vector<16xf32>
      %add3A_737 = arith.addf %add3A_727, %mul3A_736 : vector<16xf32>
      %get3A_738 = arith.constant 10 : i32
      %get3A_739 = arith.index_cast %get3A_738 : i32 to index
      %get3A_740 = arith.index_cast %mul3A_635 : i32 to index
      %get3A_741 = tpu.vector_load %arg7[%get3A_739, %get3A_740] {strides = array<i32>} : memref<64x512xf32, #tpu.memory_space<vmem>>, vector<16xf32>,
      %slice3A_742 = vector.extract_strided_slice %get3A_346 {offsets = [10], sizes = [1], strides = [1]} : vector<16xf32> to vector<1xf32>
      %squeeze3A_743 = vector.extract %slice3A_742[0] : f32 from vector<1xf32>
      %sub3A_744 = vector.broadcast %squeeze3A_743 : f32 to vector<16xf32>
      %sub3A_745 = arith.subf %get3A_741, %sub3A_744 : vector<16xf32>
      %mul3A_746 = arith.mulf %sub3A_745, %sub3A_745 : vector<16xf32>
      %add3A_747 = arith.addf %add3A_737, %mul3A_746 : vector<16xf32>
      %get3A_748 = arith.constant 11 : i32
      %get3A_749 = arith.index_cast %get3A_748 : i32 to index
      %get3A_750 = arith.index_cast %mul3A_635 : i32 to index
      %get3A_751 = tpu.vector_load %arg7[%get3A_749, %get3A_750] {strides = array<i32>} : memref<64x512xf32, #tpu.memory_space<vmem>>, vector<16xf32>,
      %slice3A_752 = vector.extract_strided_slice %get3A_346 {offsets = [11], sizes = [1], strides = [1]} : vector<16xf32> to vector<1xf32>
      %squeeze3A_753 = vector.extract %slice3A_752[0] : f32 from vector<1xf32>
      %sub3A_754 = vector.broadcast %squeeze3A_753 : f32 to vector<16xf32>
      %sub3A_755 = arith.subf %get3A_751, %sub3A_754 : vector<16xf32>
      %mul3A_756 = arith.mulf %sub3A_755, %sub3A_755 : vector<16xf32>
      %add3A_757 = arith.addf %add3A_747, %mul3A_756 : vector<16xf32>
      %get3A_758 = arith.constant 12 : i32
      %get3A_759 = arith.index_cast %get3A_758 : i32 to index
      %get3A_760 = arith.index_cast %mul3A_635 : i32 to index
      %get3A_761 = tpu.vector_load %arg7[%get3A_759, %get3A_760] {strides = array<i32>} : memref<64x512xf32, #tpu.memory_space<vmem>>, vector<16xf32>,
      %slice3A_762 = vector.extract_strided_slice %get3A_346 {offsets = [12], sizes = [1], strides = [1]} : vector<16xf32> to vector<1xf32>
      %squeeze3A_763 = vector.extract %slice3A_762[0] : f32 from vector<1xf32>
      %sub3A_764 = vector.broadcast %squeeze3A_763 : f32 to vector<16xf32>
      %sub3A_765 = arith.subf %get3A_761, %sub3A_764 : vector<16xf32>
      %mul3A_766 = arith.mulf %sub3A_765, %sub3A_765 : vector<16xf32>
      %add3A_767 = arith.addf %add3A_757, %mul3A_766 : vector<16xf32>
      %get3A_768 = arith.constant 13 : i32
      %get3A_769 = arith.index_cast %get3A_768 : i32 to index
      %get3A_770 = arith.index_cast %mul3A_635 : i32 to index
      %get3A_771 = tpu.vector_load %arg7[%get3A_769, %get3A_770] {strides = array<i32>} : memref<64x512xf32, #tpu.memory_space<vmem>>, vector<16xf32>,
      %slice3A_772 = vector.extract_strided_slice %get3A_346 {offsets = [13], sizes = [1], strides = [1]} : vector<16xf32> to vector<1xf32>
      %squeeze3A_773 = vector.extract %slice3A_772[0] : f32 from vector<1xf32>
      %sub3A_774 = vector.broadcast %squeeze3A_773 : f32 to vector<16xf32>
      %sub3A_775 = arith.subf %get3A_771, %sub3A_774 : vector<16xf32>
      %mul3A_776 = arith.mulf %sub3A_775, %sub3A_775 : vector<16xf32>
      %add3A_777 = arith.addf %add3A_767, %mul3A_776 : vector<16xf32>
      %get3A_778 = arith.constant 14 : i32
      %get3A_779 = arith.index_cast %get3A_778 : i32 to index
      %get3A_780 = arith.index_cast %mul3A_635 : i32 to index
      %get3A_781 = tpu.vector_load %arg7[%get3A_779, %get3A_780] {strides = array<i32>} : memref<64x512xf32, #tpu.memory_space<vmem>>, vector<16xf32>,
      %slice3A_782 = vector.extract_strided_slice %get3A_346 {offsets = [14], sizes = [1], strides = [1]} : vector<16xf32> to vector<1xf32>
      %squeeze3A_783 = vector.extract %slice3A_782[0] : f32 from vector<1xf32>
      %sub3A_784 = vector.broadcast %squeeze3A_783 : f32 to vector<16xf32>
      %sub3A_785 = arith.subf %get3A_781, %sub3A_784 : vector<16xf32>
      %mul3A_786 = arith.mulf %sub3A_785, %sub3A_785 : vector<16xf32>
      %add3A_787 = arith.addf %add3A_777, %mul3A_786 : vector<16xf32>
      %get3A_788 = arith.constant 15 : i32
      %get3A_789 = arith.index_cast %get3A_788 : i32 to index
      %get3A_790 = arith.index_cast %mul3A_635 : i32 to index
      %get3A_791 = tpu.vector_load %arg7[%get3A_789, %get3A_790] {strides = array<i32>} : memref<64x512xf32, #tpu.memory_space<vmem>>, vector<16xf32>,
      %slice3A_792 = vector.extract_strided_slice %get3A_346 {offsets = [15], sizes = [1], strides = [1]} : vector<16xf32> to vector<1xf32>
      %squeeze3A_793 = vector.extract %slice3A_792[0] : f32 from vector<1xf32>
      %sub3A_794 = vector.broadcast %squeeze3A_793 : f32 to vector<16xf32>
      %sub3A_795 = arith.subf %get3A_791, %sub3A_794 : vector<16xf32>
      %mul3A_796 = arith.mulf %sub3A_795, %sub3A_795 : vector<16xf32>
      %add3A_797 = arith.addf %add3A_787, %mul3A_796 : vector<16xf32>
      %get3A_798 = arith.constant 16 : i32
      %get3A_799 = arith.index_cast %get3A_798 : i32 to index
      %get3A_800 = arith.index_cast %mul3A_635 : i32 to index
      %get3A_801 = tpu.vector_load %arg7[%get3A_799, %get3A_800] {strides = array<i32>} : memref<64x512xf32, #tpu.memory_space<vmem>>, vector<16xf32>,
      %slice3A_802 = vector.extract_strided_slice %get3A_348 {offsets = [0], sizes = [1], strides = [1]} : vector<16xf32> to vector<1xf32>
      %squeeze3A_803 = vector.extract %slice3A_802[0] : f32 from vector<1xf32>
      %sub3A_804 = vector.broadcast %squeeze3A_803 : f32 to vector<16xf32>
      %sub3A_805 = arith.subf %get3A_801, %sub3A_804 : vector<16xf32>
      %mul3A_806 = arith.mulf %sub3A_805, %sub3A_805 : vector<16xf32>
      %add3A_807 = arith.addf %add3A_797, %mul3A_806 : vector<16xf32>
      %get3A_808 = arith.constant 17 : i32
      %get3A_809 = arith.index_cast %get3A_808 : i32 to index
      %get3A_810 = arith.index_cast %mul3A_635 : i32 to index
      %get3A_811 = tpu.vector_load %arg7[%get3A_809, %get3A_810] {strides = array<i32>} : memref<64x512xf32, #tpu.memory_space<vmem>>, vector<16xf32>,
      %slice3A_812 = vector.extract_strided_slice %get3A_348 {offsets = [1], sizes = [1], strides = [1]} : vector<16xf32> to vector<1xf32>
      %squeeze3A_813 = vector.extract %slice3A_812[0] : f32 from vector<1xf32>
      %sub3A_814 = vector.broadcast %squeeze3A_813 : f32 to vector<16xf32>
      %sub3A_815 = arith.subf %get3A_811, %sub3A_814 : vector<16xf32>
      %mul3A_816 = arith.mulf %sub3A_815, %sub3A_815 : vector<16xf32>
      %add3A_817 = arith.addf %add3A_807, %mul3A_816 : vector<16xf32>
      %get3A_818 = arith.constant 18 : i32
      %get3A_819 = arith.index_cast %get3A_818 : i32 to index
      %get3A_820 = arith.index_cast %mul3A_635 : i32 to index
      %get3A_821 = tpu.vector_load %arg7[%get3A_819, %get3A_820] {strides = array<i32>} : memref<64x512xf32, #tpu.memory_space<vmem>>, vector<16xf32>,
      %slice3A_822 = vector.extract_strided_slice %get3A_348 {offsets = [2], sizes = [1], strides = [1]} : vector<16xf32> to vector<1xf32>
      %squeeze3A_823 = vector.extract %slice3A_822[0] : f32 from vector<1xf32>
      %sub3A_824 = vector.broadcast %squeeze3A_823 : f32 to vector<16xf32>
      %sub3A_825 = arith.subf %get3A_821, %sub3A_824 : vector<16xf32>
      %mul3A_826 = arith.mulf %sub3A_825, %sub3A_825 : vector<16xf32>
      %add3A_827 = arith.addf %add3A_817, %mul3A_826 : vector<16xf32>
      %get3A_828 = arith.constant 19 : i32
      %get3A_829 = arith.index_cast %get3A_828 : i32 to index
      %get3A_830 = arith.index_cast %mul3A_635 : i32 to index
      %get3A_831 = tpu.vector_load %arg7[%get3A_829, %get3A_830] {strides = array<i32>} : memref<64x512xf32, #tpu.memory_space<vmem>>, vector<16xf32>,
      %slice3A_832 = vector.extract_strided_slice %get3A_348 {offsets = [3], sizes = [1], strides = [1]} : vector<16xf32> to vector<1xf32>
      %squeeze3A_833 = vector.extract %slice3A_832[0] : f32 from vector<1xf32>
      %sub3A_834 = vector.broadcast %squeeze3A_833 : f32 to vector<16xf32>
      %sub3A_835 = arith.subf %get3A_831, %sub3A_834 : vector<16xf32>
      %mul3A_836 = arith.mulf %sub3A_835, %sub3A_835 : vector<16xf32>
      %add3A_837 = arith.addf %add3A_827, %mul3A_836 : vector<16xf32>
      %get3A_838 = arith.constant 20 : i32
      %get3A_839 = arith.index_cast %get3A_838 : i32 to index
      %get3A_840 = arith.index_cast %mul3A_635 : i32 to index
      %get3A_841 = tpu.vector_load %arg7[%get3A_839, %get3A_840] {strides = array<i32>} : memref<64x512xf32, #tpu.memory_space<vmem>>, vector<16xf32>,
      %slice3A_842 = vector.extract_strided_slice %get3A_348 {offsets = [4], sizes = [1], strides = [1]} : vector<16xf32> to vector<1xf32>
      %squeeze3A_843 = vector.extract %slice3A_842[0] : f32 from vector<1xf32>
      %sub3A_844 = vector.broadcast %squeeze3A_843 : f32 to vector<16xf32>
      %sub3A_845 = arith.subf %get3A_841, %sub3A_844 : vector<16xf32>
      %mul3A_846 = arith.mulf %sub3A_845, %sub3A_845 : vector<16xf32>
      %add3A_847 = arith.addf %add3A_837, %mul3A_846 : vector<16xf32>
      %get3A_848 = arith.constant 21 : i32
      %get3A_849 = arith.index_cast %get3A_848 : i32 to index
      %get3A_850 = arith.index_cast %mul3A_635 : i32 to index
      %get3A_851 = tpu.vector_load %arg7[%get3A_849, %get3A_850] {strides = array<i32>} : memref<64x512xf32, #tpu.memory_space<vmem>>, vector<16xf32>,
      %slice3A_852 = vector.extract_strided_slice %get3A_348 {offsets = [5], sizes = [1], strides = [1]} : vector<16xf32> to vector<1xf32>
      %squeeze3A_853 = vector.extract %slice3A_852[0] : f32 from vector<1xf32>
      %sub3A_854 = vector.broadcast %squeeze3A_853 : f32 to vector<16xf32>
      %sub3A_855 = arith.subf %get3A_851, %sub3A_854 : vector<16xf32>
      %mul3A_856 = arith.mulf %sub3A_855, %sub3A_855 : vector<16xf32>
      %add3A_857 = arith.addf %add3A_847, %mul3A_856 : vector<16xf32>
      %get3A_858 = arith.constant 22 : i32
      %get3A_859 = arith.index_cast %get3A_858 : i32 to index
      %get3A_860 = arith.index_cast %mul3A_635 : i32 to index
      %get3A_861 = tpu.vector_load %arg7[%get3A_859, %get3A_860] {strides = array<i32>} : memref<64x512xf32, #tpu.memory_space<vmem>>, vector<16xf32>,
      %slice3A_862 = vector.extract_strided_slice %get3A_348 {offsets = [6], sizes = [1], strides = [1]} : vector<16xf32> to vector<1xf32>
      %squeeze3A_863 = vector.extract %slice3A_862[0] : f32 from vector<1xf32>
      %sub3A_864 = vector.broadcast %squeeze3A_863 : f32 to vector<16xf32>
      %sub3A_865 = arith.subf %get3A_861, %sub3A_864 : vector<16xf32>
      %mul3A_866 = arith.mulf %sub3A_865, %sub3A_865 : vector<16xf32>
      %add3A_867 = arith.addf %add3A_857, %mul3A_866 : vector<16xf32>
      %get3A_868 = arith.constant 23 : i32
      %get3A_869 = arith.index_cast %get3A_868 : i32 to index
      %get3A_870 = arith.index_cast %mul3A_635 : i32 to index
      %get3A_871 = tpu.vector_load %arg7[%get3A_869, %get3A_870] {strides = array<i32>} : memref<64x512xf32, #tpu.memory_space<vmem>>, vector<16xf32>,
      %slice3A_872 = vector.extract_strided_slice %get3A_348 {offsets = [7], sizes = [1], strides = [1]} : vector<16xf32> to vector<1xf32>
      %squeeze3A_873 = vector.extract %slice3A_872[0] : f32 from vector<1xf32>
      %sub3A_874 = vector.broadcast %squeeze3A_873 : f32 to vector<16xf32>
      %sub3A_875 = arith.subf %get3A_871, %sub3A_874 : vector<16xf32>
      %mul3A_876 = arith.mulf %sub3A_875, %sub3A_875 : vector<16xf32>
      %add3A_877 = arith.addf %add3A_867, %mul3A_876 : vector<16xf32>
      %get3A_878 = arith.constant 24 : i32
      %get3A_879 = arith.index_cast %get3A_878 : i32 to index
      %get3A_880 = arith.index_cast %mul3A_635 : i32 to index
      %get3A_881 = tpu.vector_load %arg7[%get3A_879, %get3A_880] {strides = array<i32>} : memref<64x512xf32, #tpu.memory_space<vmem>>, vector<16xf32>,
      %slice3A_882 = vector.extract_strided_slice %get3A_348 {offsets = [8], sizes = [1], strides = [1]} : vector<16xf32> to vector<1xf32>
      %squeeze3A_883 = vector.extract %slice3A_882[0] : f32 from vector<1xf32>
      %sub3A_884 = vector.broadcast %squeeze3A_883 : f32 to vector<16xf32>
      %sub3A_885 = arith.subf %get3A_881, %sub3A_884 : vector<16xf32>
      %mul3A_886 = arith.mulf %sub3A_885, %sub3A_885 : vector<16xf32>
      %add3A_887 = arith.addf %add3A_877, %mul3A_886 : vector<16xf32>
      %get3A_888 = arith.constant 25 : i32
      %get3A_889 = arith.index_cast %get3A_888 : i32 to index
      %get3A_890 = arith.index_cast %mul3A_635 : i32 to index
      %get3A_891 = tpu.vector_load %arg7[%get3A_889, %get3A_890] {strides = array<i32>} : memref<64x512xf32, #tpu.memory_space<vmem>>, vector<16xf32>,
      %slice3A_892 = vector.extract_strided_slice %get3A_348 {offsets = [9], sizes = [1], strides = [1]} : vector<16xf32> to vector<1xf32>
      %squeeze3A_893 = vector.extract %slice3A_892[0] : f32 from vector<1xf32>
      %sub3A_894 = vector.broadcast %squeeze3A_893 : f32 to vector<16xf32>
      %sub3A_895 = arith.subf %get3A_891, %sub3A_894 : vector<16xf32>
      %mul3A_896 = arith.mulf %sub3A_895, %sub3A_895 : vector<16xf32>
      %add3A_897 = arith.addf %add3A_887, %mul3A_896 : vector<16xf32>
      %get3A_898 = arith.constant 26 : i32
      %get3A_899 = arith.index_cast %get3A_898 : i32 to index
      %get3A_900 = arith.index_cast %mul3A_635 : i32 to index
      %get3A_901 = tpu.vector_load %arg7[%get3A_899, %get3A_900] {strides = array<i32>} : memref<64x512xf32, #tpu.memory_space<vmem>>, vector<16xf32>,
      %slice3A_902 = vector.extract_strided_slice %get3A_348 {offsets = [10], sizes = [1], strides = [1]} : vector<16xf32> to vector<1xf32>
      %squeeze3A_903 = vector.extract %slice3A_902[0] : f32 from vector<1xf32>
      %sub3A_904 = vector.broadcast %squeeze3A_903 : f32 to vector<16xf32>
      %sub3A_905 = arith.subf %get3A_901, %sub3A_904 : vector<16xf32>
      %mul3A_906 = arith.mulf %sub3A_905, %sub3A_905 : vector<16xf32>
      %add3A_907 = arith.addf %add3A_897, %mul3A_906 : vector<16xf32>
      %get3A_908 = arith.constant 27 : i32
      %get3A_909 = arith.index_cast %get3A_908 : i32 to index
      %get3A_910 = arith.index_cast %mul3A_635 : i32 to index
      %get3A_911 = tpu.vector_load %arg7[%get3A_909, %get3A_910] {strides = array<i32>} : memref<64x512xf32, #tpu.memory_space<vmem>>, vector<16xf32>,
      %slice3A_912 = vector.extract_strided_slice %get3A_348 {offsets = [11], sizes = [1], strides = [1]} : vector<16xf32> to vector<1xf32>
      %squeeze3A_913 = vector.extract %slice3A_912[0] : f32 from vector<1xf32>
      %sub3A_914 = vector.broadcast %squeeze3A_913 : f32 to vector<16xf32>
      %sub3A_915 = arith.subf %get3A_911, %sub3A_914 : vector<16xf32>
      %mul3A_916 = arith.mulf %sub3A_915, %sub3A_915 : vector<16xf32>
      %add3A_917 = arith.addf %add3A_907, %mul3A_916 : vector<16xf32>
      %get3A_918 = arith.constant 28 : i32
      %get3A_919 = arith.index_cast %get3A_918 : i32 to index
      %get3A_920 = arith.index_cast %mul3A_635 : i32 to index
      %get3A_921 = tpu.vector_load %arg7[%get3A_919, %get3A_920] {strides = array<i32>} : memref<64x512xf32, #tpu.memory_space<vmem>>, vector<16xf32>,
      %slice3A_922 = vector.extract_strided_slice %get3A_348 {offsets = [12], sizes = [1], strides = [1]} : vector<16xf32> to vector<1xf32>
      %squeeze3A_923 = vector.extract %slice3A_922[0] : f32 from vector<1xf32>
      %sub3A_924 = vector.broadcast %squeeze3A_923 : f32 to vector<16xf32>
      %sub3A_925 = arith.subf %get3A_921, %sub3A_924 : vector<16xf32>
      %mul3A_926 = arith.mulf %sub3A_925, %sub3A_925 : vector<16xf32>
      %add3A_927 = arith.addf %add3A_917, %mul3A_926 : vector<16xf32>
      %get3A_928 = arith.constant 29 : i32
      %get3A_929 = arith.index_cast %get3A_928 : i32 to index
      %get3A_930 = arith.index_cast %mul3A_635 : i32 to index
      %get3A_931 = tpu.vector_load %arg7[%get3A_929, %get3A_930] {strides = array<i32>} : memref<64x512xf32, #tpu.memory_space<vmem>>, vector<16xf32>,
      %slice3A_932 = vector.extract_strided_slice %get3A_348 {offsets = [13], sizes = [1], strides = [1]} : vector<16xf32> to vector<1xf32>
      %squeeze3A_933 = vector.extract %slice3A_932[0] : f32 from vector<1xf32>
      %sub3A_934 = vector.broadcast %squeeze3A_933 : f32 to vector<16xf32>
      %sub3A_935 = arith.subf %get3A_931, %sub3A_934 : vector<16xf32>
      %mul3A_936 = arith.mulf %sub3A_935, %sub3A_935 : vector<16xf32>
      %add3A_937 = arith.addf %add3A_927, %mul3A_936 : vector<16xf32>
      %get3A_938 = arith.constant 30 : i32
      %get3A_939 = arith.index_cast %get3A_938 : i32 to index
      %get3A_940 = arith.index_cast %mul3A_635 : i32 to index
      %get3A_941 = tpu.vector_load %arg7[%get3A_939, %get3A_940] {strides = array<i32>} : memref<64x512xf32, #tpu.memory_space<vmem>>, vector<16xf32>,
      %slice3A_942 = vector.extract_strided_slice %get3A_348 {offsets = [14], sizes = [1], strides = [1]} : vector<16xf32> to vector<1xf32>
      %squeeze3A_943 = vector.extract %slice3A_942[0] : f32 from vector<1xf32>
      %sub3A_944 = vector.broadcast %squeeze3A_943 : f32 to vector<16xf32>
      %sub3A_945 = arith.subf %get3A_941, %sub3A_944 : vector<16xf32>
      %mul3A_946 = arith.mulf %sub3A_945, %sub3A_945 : vector<16xf32>
      %add3A_947 = arith.addf %add3A_937, %mul3A_946 : vector<16xf32>
      %get3A_948 = arith.constant 31 : i32
      %get3A_949 = arith.index_cast %get3A_948 : i32 to index
      %get3A_950 = arith.index_cast %mul3A_635 : i32 to index
      %get3A_951 = tpu.vector_load %arg7[%get3A_949, %get3A_950] {strides = array<i32>} : memref<64x512xf32, #tpu.memory_space<vmem>>, vector<16xf32>,
      %slice3A_952 = vector.extract_strided_slice %get3A_348 {offsets = [15], sizes = [1], strides = [1]} : vector<16xf32> to vector<1xf32>
      %squeeze3A_953 = vector.extract %slice3A_952[0] : f32 from vector<1xf32>
      %sub3A_954 = vector.broadcast %squeeze3A_953 : f32 to vector<16xf32>
      %sub3A_955 = arith.subf %get3A_951, %sub3A_954 : vector<16xf32>
      %mul3A_956 = arith.mulf %sub3A_955, %sub3A_955 : vector<16xf32>
      %add3A_957 = arith.addf %add3A_947, %mul3A_956 : vector<16xf32>
      %get3A_958 = arith.constant 32 : i32
      %get3A_959 = arith.index_cast %get3A_958 : i32 to index
      %get3A_960 = arith.index_cast %mul3A_635 : i32 to index
      %get3A_961 = tpu.vector_load %arg7[%get3A_959, %get3A_960] {strides = array<i32>} : memref<64x512xf32, #tpu.memory_space<vmem>>, vector<16xf32>,
      %slice3A_962 = vector.extract_strided_slice %get3A_350 {offsets = [0], sizes = [1], strides = [1]} : vector<16xf32> to vector<1xf32>
      %squeeze3A_963 = vector.extract %slice3A_962[0] : f32 from vector<1xf32>
      %sub3A_964 = vector.broadcast %squeeze3A_963 : f32 to vector<16xf32>
      %sub3A_965 = arith.subf %get3A_961, %sub3A_964 : vector<16xf32>
      %mul3A_966 = arith.mulf %sub3A_965, %sub3A_965 : vector<16xf32>
      %add3A_967 = arith.addf %add3A_957, %mul3A_966 : vector<16xf32>
      %get3A_968 = arith.constant 33 : i32
      %get3A_969 = arith.index_cast %get3A_968 : i32 to index
      %get3A_970 = arith.index_cast %mul3A_635 : i32 to index
      %get3A_971 = tpu.vector_load %arg7[%get3A_969, %get3A_970] {strides = array<i32>} : memref<64x512xf32, #tpu.memory_space<vmem>>, vector<16xf32>,
      %slice3A_972 = vector.extract_strided_slice %get3A_350 {offsets = [1], sizes = [1], strides = [1]} : vector<16xf32> to vector<1xf32>
      %squeeze3A_973 = vector.extract %slice3A_972[0] : f32 from vector<1xf32>
      %sub3A_974 = vector.broadcast %squeeze3A_973 : f32 to vector<16xf32>
      %sub3A_975 = arith.subf %get3A_971, %sub3A_974 : vector<16xf32>
      %mul3A_976 = arith.mulf %sub3A_975, %sub3A_975 : vector<16xf32>
      %add3A_977 = arith.addf %add3A_967, %mul3A_976 : vector<16xf32>
      %get3A_978 = arith.constant 34 : i32
      %get3A_979 = arith.index_cast %get3A_978 : i32 to index
      %get3A_980 = arith.index_cast %mul3A_635 : i32 to index
      %get3A_981 = tpu.vector_load %arg7[%get3A_979, %get3A_980] {strides = array<i32>} : memref<64x512xf32, #tpu.memory_space<vmem>>, vector<16xf32>,
      %slice3A_982 = vector.extract_strided_slice %get3A_350 {offsets = [2], sizes = [1], strides = [1]} : vector<16xf32> to vector<1xf32>
      %squeeze3A_983 = vector.extract %slice3A_982[0] : f32 from vector<1xf32>
      %sub3A_984 = vector.broadcast %squeeze3A_983 : f32 to vector<16xf32>
      %sub3A_985 = arith.subf %get3A_981, %sub3A_984 : vector<16xf32>
      %mul3A_986 = arith.mulf %sub3A_985, %sub3A_985 : vector<16xf32>
      %add3A_987 = arith.addf %add3A_977, %mul3A_986 : vector<16xf32>
      %get3A_988 = arith.constant 35 : i32
      %get3A_989 = arith.index_cast %get3A_988 : i32 to index
      %get3A_990 = arith.index_cast %mul3A_635 : i32 to index
      %get3A_991 = tpu.vector_load %arg7[%get3A_989, %get3A_990] {strides = array<i32>} : memref<64x512xf32, #tpu.memory_space<vmem>>, vector<16xf32>,
      %slice3A_992 = vector.extract_strided_slice %get3A_350 {offsets = [3], sizes = [1], strides = [1]} : vector<16xf32> to vector<1xf32>
      %squeeze3A_993 = vector.extract %slice3A_992[0] : f32 from vector<1xf32>
      %sub3A_994 = vector.broadcast %squeeze3A_993 : f32 to vector<16xf32>
      %sub3A_995 = arith.subf %get3A_991, %sub3A_994 : vector<16xf32>
      %mul3A_996 = arith.mulf %sub3A_995, %sub3A_995 : vector<16xf32>
      %add3A_997 = arith.addf %add3A_987, %mul3A_996 : vector<16xf32>
      %get3A_998 = arith.constant 36 : i32
      %get3A_999 = arith.index_cast %get3A_998 : i32 to index
      %get3A_1000 = arith.index_cast %mul3A_635 : i32 to index
      %get3A_1001 = tpu.vector_load %arg7[%get3A_999, %get3A_1000] {strides = array<i32>} : memref<64x512xf32, #tpu.memory_space<vmem>>, vector<16xf32>,
      %slice3A_1002 = vector.extract_strided_slice %get3A_350 {offsets = [4], sizes = [1], strides = [1]} : vector<16xf32> to vector<1xf32>
      %squeeze3A_1003 = vector.extract %slice3A_1002[0] : f32 from vector<1xf32>
      %sub3A_1004 = vector.broadcast %squeeze3A_1003 : f32 to vector<16xf32>
      %sub3A_1005 = arith.subf %get3A_1001, %sub3A_1004 : vector<16xf32>
      %mul3A_1006 = arith.mulf %sub3A_1005, %sub3A_1005 : vector<16xf32>
      %add3A_1007 = arith.addf %add3A_997, %mul3A_1006 : vector<16xf32>
      %get3A_1008 = arith.constant 37 : i32
      %get3A_1009 = arith.index_cast %get3A_1008 : i32 to index
      %get3A_1010 = arith.index_cast %mul3A_635 : i32 to index
      %get3A_1011 = tpu.vector_load %arg7[%get3A_1009, %get3A_1010] {strides = array<i32>} : memref<64x512xf32, #tpu.memory_space<vmem>>, vector<16xf32>,
      %slice3A_1012 = vector.extract_strided_slice %get3A_350 {offsets = [5], sizes = [1], strides = [1]} : vector<16xf32> to vector<1xf32>
      %squeeze3A_1013 = vector.extract %slice3A_1012[0] : f32 from vector<1xf32>
      %sub3A_1014 = vector.broadcast %squeeze3A_1013 : f32 to vector<16xf32>
      %sub3A_1015 = arith.subf %get3A_1011, %sub3A_1014 : vector<16xf32>
      %mul3A_1016 = arith.mulf %sub3A_1015, %sub3A_1015 : vector<16xf32>
      %add3A_1017 = arith.addf %add3A_1007, %mul3A_1016 : vector<16xf32>
      %get3A_1018 = arith.constant 38 : i32
      %get3A_1019 = arith.index_cast %get3A_1018 : i32 to index
      %get3A_1020 = arith.index_cast %mul3A_635 : i32 to index
      %get3A_1021 = tpu.vector_load %arg7[%get3A_1019, %get3A_1020] {strides = array<i32>} : memref<64x512xf32, #tpu.memory_space<vmem>>, vector<16xf32>,
      %slice3A_1022 = vector.extract_strided_slice %get3A_350 {offsets = [6], sizes = [1], strides = [1]} : vector<16xf32> to vector<1xf32>
      %squeeze3A_1023 = vector.extract %slice3A_1022[0] : f32 from vector<1xf32>
      %sub3A_1024 = vector.broadcast %squeeze3A_1023 : f32 to vector<16xf32>
      %sub3A_1025 = arith.subf %get3A_1021, %sub3A_1024 : vector<16xf32>
      %mul3A_1026 = arith.mulf %sub3A_1025, %sub3A_1025 : vector<16xf32>
      %add3A_1027 = arith.addf %add3A_1017, %mul3A_1026 : vector<16xf32>
      %get3A_1028 = arith.constant 39 : i32
      %get3A_1029 = arith.index_cast %get3A_1028 : i32 to index
      %get3A_1030 = arith.index_cast %mul3A_635 : i32 to index
      %get3A_1031 = tpu.vector_load %arg7[%get3A_1029, %get3A_1030] {strides = array<i32>} : memref<64x512xf32, #tpu.memory_space<vmem>>, vector<16xf32>,
      %slice3A_1032 = vector.extract_strided_slice %get3A_350 {offsets = [7], sizes = [1], strides = [1]} : vector<16xf32> to vector<1xf32>
      %squeeze3A_1033 = vector.extract %slice3A_1032[0] : f32 from vector<1xf32>
      %sub3A_1034 = vector.broadcast %squeeze3A_1033 : f32 to vector<16xf32>
      %sub3A_1035 = arith.subf %get3A_1031, %sub3A_1034 : vector<16xf32>
      %mul3A_1036 = arith.mulf %sub3A_1035, %sub3A_1035 : vector<16xf32>
      %add3A_1037 = arith.addf %add3A_1027, %mul3A_1036 : vector<16xf32>
      %get3A_1038 = arith.constant 40 : i32
      %get3A_1039 = arith.index_cast %get3A_1038 : i32 to index
      %get3A_1040 = arith.index_cast %mul3A_635 : i32 to index
      %get3A_1041 = tpu.vector_load %arg7[%get3A_1039, %get3A_1040] {strides = array<i32>} : memref<64x512xf32, #tpu.memory_space<vmem>>, vector<16xf32>,
      %slice3A_1042 = vector.extract_strided_slice %get3A_350 {offsets = [8], sizes = [1], strides = [1]} : vector<16xf32> to vector<1xf32>
      %squeeze3A_1043 = vector.extract %slice3A_1042[0] : f32 from vector<1xf32>
      %sub3A_1044 = vector.broadcast %squeeze3A_1043 : f32 to vector<16xf32>
      %sub3A_1045 = arith.subf %get3A_1041, %sub3A_1044 : vector<16xf32>
      %mul3A_1046 = arith.mulf %sub3A_1045, %sub3A_1045 : vector<16xf32>
      %add3A_1047 = arith.addf %add3A_1037, %mul3A_1046 : vector<16xf32>
      %get3A_1048 = arith.constant 41 : i32
      %get3A_1049 = arith.index_cast %get3A_1048 : i32 to index
      %get3A_1050 = arith.index_cast %mul3A_635 : i32 to index
      %get3A_1051 = tpu.vector_load %arg7[%get3A_1049, %get3A_1050] {strides = array<i32>} : memref<64x512xf32, #tpu.memory_space<vmem>>, vector<16xf32>,
      %slice3A_1052 = vector.extract_strided_slice %get3A_350 {offsets = [9], sizes = [1], strides = [1]} : vector<16xf32> to vector<1xf32>
      %squeeze3A_1053 = vector.extract %slice3A_1052[0] : f32 from vector<1xf32>
      %sub3A_1054 = vector.broadcast %squeeze3A_1053 : f32 to vector<16xf32>
      %sub3A_1055 = arith.subf %get3A_1051, %sub3A_1054 : vector<16xf32>
      %mul3A_1056 = arith.mulf %sub3A_1055, %sub3A_1055 : vector<16xf32>
      %add3A_1057 = arith.addf %add3A_1047, %mul3A_1056 : vector<16xf32>
      %get3A_1058 = arith.constant 42 : i32
      %get3A_1059 = arith.index_cast %get3A_1058 : i32 to index
      %get3A_1060 = arith.index_cast %mul3A_635 : i32 to index
      %get3A_1061 = tpu.vector_load %arg7[%get3A_1059, %get3A_1060] {strides = array<i32>} : memref<64x512xf32, #tpu.memory_space<vmem>>, vector<16xf32>,
      %slice3A_1062 = vector.extract_strided_slice %get3A_350 {offsets = [10], sizes = [1], strides = [1]} : vector<16xf32> to vector<1xf32>
      %squeeze3A_1063 = vector.extract %slice3A_1062[0] : f32 from vector<1xf32>
      %sub3A_1064 = vector.broadcast %squeeze3A_1063 : f32 to vector<16xf32>
      %sub3A_1065 = arith.subf %get3A_1061, %sub3A_1064 : vector<16xf32>
      %mul3A_1066 = arith.mulf %sub3A_1065, %sub3A_1065 : vector<16xf32>
      %add3A_1067 = arith.addf %add3A_1057, %mul3A_1066 : vector<16xf32>
      %get3A_1068 = arith.constant 43 : i32
      %get3A_1069 = arith.index_cast %get3A_1068 : i32 to index
      %get3A_1070 = arith.index_cast %mul3A_635 : i32 to index
      %get3A_1071 = tpu.vector_load %arg7[%get3A_1069, %get3A_1070] {strides = array<i32>} : memref<64x512xf32, #tpu.memory_space<vmem>>, vector<16xf32>,
      %slice3A_1072 = vector.extract_strided_slice %get3A_350 {offsets = [11], sizes = [1], strides = [1]} : vector<16xf32> to vector<1xf32>
      %squeeze3A_1073 = vector.extract %slice3A_1072[0] : f32 from vector<1xf32>
      %sub3A_1074 = vector.broadcast %squeeze3A_1073 : f32 to vector<16xf32>
      %sub3A_1075 = arith.subf %get3A_1071, %sub3A_1074 : vector<16xf32>
      %mul3A_1076 = arith.mulf %sub3A_1075, %sub3A_1075 : vector<16xf32>
      %add3A_1077 = arith.addf %add3A_1067, %mul3A_1076 : vector<16xf32>
      %get3A_1078 = arith.constant 44 : i32
      %get3A_1079 = arith.index_cast %get3A_1078 : i32 to index
      %get3A_1080 = arith.index_cast %mul3A_635 : i32 to index
      %get3A_1081 = tpu.vector_load %arg7[%get3A_1079, %get3A_1080] {strides = array<i32>} : memref<64x512xf32, #tpu.memory_space<vmem>>, vector<16xf32>,
      %slice3A_1082 = vector.extract_strided_slice %get3A_350 {offsets = [12], sizes = [1], strides = [1]} : vector<16xf32> to vector<1xf32>
      %squeeze3A_1083 = vector.extract %slice3A_1082[0] : f32 from vector<1xf32>
      %sub3A_1084 = vector.broadcast %squeeze3A_1083 : f32 to vector<16xf32>
      %sub3A_1085 = arith.subf %get3A_1081, %sub3A_1084 : vector<16xf32>
      %mul3A_1086 = arith.mulf %sub3A_1085, %sub3A_1085 : vector<16xf32>
      %add3A_1087 = arith.addf %add3A_1077, %mul3A_1086 : vector<16xf32>
      %get3A_1088 = arith.constant 45 : i32
      %get3A_1089 = arith.index_cast %get3A_1088 : i32 to index
      %get3A_1090 = arith.index_cast %mul3A_635 : i32 to index
      %get3A_1091 = tpu.vector_load %arg7[%get3A_1089, %get3A_1090] {strides = array<i32>} : memref<64x512xf32, #tpu.memory_space<vmem>>, vector<16xf32>,
      %slice3A_1092 = vector.extract_strided_slice %get3A_350 {offsets = [13], sizes = [1], strides = [1]} : vector<16xf32> to vector<1xf32>
      %squeeze3A_1093 = vector.extract %slice3A_1092[0] : f32 from vector<1xf32>
      %sub3A_1094 = vector.broadcast %squeeze3A_1093 : f32 to vector<16xf32>
      %sub3A_1095 = arith.subf %get3A_1091, %sub3A_1094 : vector<16xf32>
      %mul3A_1096 = arith.mulf %sub3A_1095, %sub3A_1095 : vector<16xf32>
      %add3A_1097 = arith.addf %add3A_1087, %mul3A_1096 : vector<16xf32>
      %get3A_1098 = arith.constant 46 : i32
      %get3A_1099 = arith.index_cast %get3A_1098 : i32 to index
      %get3A_1100 = arith.index_cast %mul3A_635 : i32 to index
      %get3A_1101 = tpu.vector_load %arg7[%get3A_1099, %get3A_1100] {strides = array<i32>} : memref<64x512xf32, #tpu.memory_space<vmem>>, vector<16xf32>,
      %slice3A_1102 = vector.extract_strided_slice %get3A_350 {offsets = [14], sizes = [1], strides = [1]} : vector<16xf32> to vector<1xf32>
      %squeeze3A_1103 = vector.extract %slice3A_1102[0] : f32 from vector<1xf32>
      %sub3A_1104 = vector.broadcast %squeeze3A_1103 : f32 to vector<16xf32>
      %sub3A_1105 = arith.subf %get3A_1101, %sub3A_1104 : vector<16xf32>
      %mul3A_1106 = arith.mulf %sub3A_1105, %sub3A_1105 : vector<16xf32>
      %add3A_1107 = arith.addf %add3A_1097, %mul3A_1106 : vector<16xf32>
      %get3A_1108 = arith.constant 47 : i32
      %get3A_1109 = arith.index_cast %get3A_1108 : i32 to index
      %get3A_1110 = arith.index_cast %mul3A_635 : i32 to index
      %get3A_1111 = tpu.vector_load %arg7[%get3A_1109, %get3A_1110] {strides = array<i32>} : memref<64x512xf32, #tpu.memory_space<vmem>>, vector<16xf32>,
      %slice3A_1112 = vector.extract_strided_slice %get3A_350 {offsets = [15], sizes = [1], strides = [1]} : vector<16xf32> to vector<1xf32>
      %squeeze3A_1113 = vector.extract %slice3A_1112[0] : f32 from vector<1xf32>
      %sub3A_1114 = vector.broadcast %squeeze3A_1113 : f32 to vector<16xf32>
      %sub3A_1115 = arith.subf %get3A_1111, %sub3A_1114 : vector<16xf32>
      %mul3A_1116 = arith.mulf %sub3A_1115, %sub3A_1115 : vector<16xf32>
      %add3A_1117 = arith.addf %add3A_1107, %mul3A_1116 : vector<16xf32>
      %get3A_1118 = arith.constant 48 : i32
      %get3A_1119 = arith.index_cast %get3A_1118 : i32 to index
      %get3A_1120 = arith.index_cast %mul3A_635 : i32 to index
      %get3A_1121 = tpu.vector_load %arg7[%get3A_1119, %get3A_1120] {strides = array<i32>} : memref<64x512xf32, #tpu.memory_space<vmem>>, vector<16xf32>,
      %slice3A_1122 = vector.extract_strided_slice %get3A_352 {offsets = [0], sizes = [1], strides = [1]} : vector<16xf32> to vector<1xf32>
      %squeeze3A_1123 = vector.extract %slice3A_1122[0] : f32 from vector<1xf32>
      %sub3A_1124 = vector.broadcast %squeeze3A_1123 : f32 to vector<16xf32>
      %sub3A_1125 = arith.subf %get3A_1121, %sub3A_1124 : vector<16xf32>
      %mul3A_1126 = arith.mulf %sub3A_1125, %sub3A_1125 : vector<16xf32>
      %add3A_1127 = arith.addf %add3A_1117, %mul3A_1126 : vector<16xf32>
      %get3A_1128 = arith.constant 49 : i32
      %get3A_1129 = arith.index_cast %get3A_1128 : i32 to index
      %get3A_1130 = arith.index_cast %mul3A_635 : i32 to index
      %get3A_1131 = tpu.vector_load %arg7[%get3A_1129, %get3A_1130] {strides = array<i32>} : memref<64x512xf32, #tpu.memory_space<vmem>>, vector<16xf32>,
      %slice3A_1132 = vector.extract_strided_slice %get3A_352 {offsets = [1], sizes = [1], strides = [1]} : vector<16xf32> to vector<1xf32>
      %squeeze3A_1133 = vector.extract %slice3A_1132[0] : f32 from vector<1xf32>
      %sub3A_1134 = vector.broadcast %squeeze3A_1133 : f32 to vector<16xf32>
      %sub3A_1135 = arith.subf %get3A_1131, %sub3A_1134 : vector<16xf32>
      %mul3A_1136 = arith.mulf %sub3A_1135, %sub3A_1135 : vector<16xf32>
      %add3A_1137 = arith.addf %add3A_1127, %mul3A_1136 : vector<16xf32>
      %get3A_1138 = arith.constant 50 : i32
      %get3A_1139 = arith.index_cast %get3A_1138 : i32 to index
      %get3A_1140 = arith.index_cast %mul3A_635 : i32 to index
      %get3A_1141 = tpu.vector_load %arg7[%get3A_1139, %get3A_1140] {strides = array<i32>} : memref<64x512xf32, #tpu.memory_space<vmem>>, vector<16xf32>,
      %slice3A_1142 = vector.extract_strided_slice %get3A_352 {offsets = [2], sizes = [1], strides = [1]} : vector<16xf32> to vector<1xf32>
      %squeeze3A_1143 = vector.extract %slice3A_1142[0] : f32 from vector<1xf32>
      %sub3A_1144 = vector.broadcast %squeeze3A_1143 : f32 to vector<16xf32>
      %sub3A_1145 = arith.subf %get3A_1141, %sub3A_1144 : vector<16xf32>
      %mul3A_1146 = arith.mulf %sub3A_1145, %sub3A_1145 : vector<16xf32>
      %add3A_1147 = arith.addf %add3A_1137, %mul3A_1146 : vector<16xf32>
      %get3A_1148 = arith.constant 51 : i32
      %get3A_1149 = arith.index_cast %get3A_1148 : i32 to index
      %get3A_1150 = arith.index_cast %mul3A_635 : i32 to index
      %get3A_1151 = tpu.vector_load %arg7[%get3A_1149, %get3A_1150] {strides = array<i32>} : memref<64x512xf32, #tpu.memory_space<vmem>>, vector<16xf32>,
      %slice3A_1152 = vector.extract_strided_slice %get3A_352 {offsets = [3], sizes = [1], strides = [1]} : vector<16xf32> to vector<1xf32>
      %squeeze3A_1153 = vector.extract %slice3A_1152[0] : f32 from vector<1xf32>
      %sub3A_1154 = vector.broadcast %squeeze3A_1153 : f32 to vector<16xf32>
      %sub3A_1155 = arith.subf %get3A_1151, %sub3A_1154 : vector<16xf32>
      %mul3A_1156 = arith.mulf %sub3A_1155, %sub3A_1155 : vector<16xf32>
      %add3A_1157 = arith.addf %add3A_1147, %mul3A_1156 : vector<16xf32>
      %get3A_1158 = arith.constant 52 : i32
      %get3A_1159 = arith.index_cast %get3A_1158 : i32 to index
      %get3A_1160 = arith.index_cast %mul3A_635 : i32 to index
      %get3A_1161 = tpu.vector_load %arg7[%get3A_1159, %get3A_1160] {strides = array<i32>} : memref<64x512xf32, #tpu.memory_space<vmem>>, vector<16xf32>,
      %slice3A_1162 = vector.extract_strided_slice %get3A_352 {offsets = [4], sizes = [1], strides = [1]} : vector<16xf32> to vector<1xf32>
      %squeeze3A_1163 = vector.extract %slice3A_1162[0] : f32 from vector<1xf32>
      %sub3A_1164 = vector.broadcast %squeeze3A_1163 : f32 to vector<16xf32>
      %sub3A_1165 = arith.subf %get3A_1161, %sub3A_1164 : vector<16xf32>
      %mul3A_1166 = arith.mulf %sub3A_1165, %sub3A_1165 : vector<16xf32>
      %add3A_1167 = arith.addf %add3A_1157, %mul3A_1166 : vector<16xf32>
      %get3A_1168 = arith.constant 53 : i32
      %get3A_1169 = arith.index_cast %get3A_1168 : i32 to index
      %get3A_1170 = arith.index_cast %mul3A_635 : i32 to index
      %get3A_1171 = tpu.vector_load %arg7[%get3A_1169, %get3A_1170] {strides = array<i32>} : memref<64x512xf32, #tpu.memory_space<vmem>>, vector<16xf32>,
      %slice3A_1172 = vector.extract_strided_slice %get3A_352 {offsets = [5], sizes = [1], strides = [1]} : vector<16xf32> to vector<1xf32>
      %squeeze3A_1173 = vector.extract %slice3A_1172[0] : f32 from vector<1xf32>
      %sub3A_1174 = vector.broadcast %squeeze3A_1173 : f32 to vector<16xf32>
      %sub3A_1175 = arith.subf %get3A_1171, %sub3A_1174 : vector<16xf32>
      %mul3A_1176 = arith.mulf %sub3A_1175, %sub3A_1175 : vector<16xf32>
      %add3A_1177 = arith.addf %add3A_1167, %mul3A_1176 : vector<16xf32>
      %get3A_1178 = arith.constant 54 : i32
      %get3A_1179 = arith.index_cast %get3A_1178 : i32 to index
      %get3A_1180 = arith.index_cast %mul3A_635 : i32 to index
      %get3A_1181 = tpu.vector_load %arg7[%get3A_1179, %get3A_1180] {strides = array<i32>} : memref<64x512xf32, #tpu.memory_space<vmem>>, vector<16xf32>,
      %slice3A_1182 = vector.extract_strided_slice %get3A_352 {offsets = [6], sizes = [1], strides = [1]} : vector<16xf32> to vector<1xf32>
      %squeeze3A_1183 = vector.extract %slice3A_1182[0] : f32 from vector<1xf32>
      %sub3A_1184 = vector.broadcast %squeeze3A_1183 : f32 to vector<16xf32>
      %sub3A_1185 = arith.subf %get3A_1181, %sub3A_1184 : vector<16xf32>
      %mul3A_1186 = arith.mulf %sub3A_1185, %sub3A_1185 : vector<16xf32>
      %add3A_1187 = arith.addf %add3A_1177, %mul3A_1186 : vector<16xf32>
      %get3A_1188 = arith.constant 55 : i32
      %get3A_1189 = arith.index_cast %get3A_1188 : i32 to index
      %get3A_1190 = arith.index_cast %mul3A_635 : i32 to index
      %get3A_1191 = tpu.vector_load %arg7[%get3A_1189, %get3A_1190] {strides = array<i32>} : memref<64x512xf32, #tpu.memory_space<vmem>>, vector<16xf32>,
      %slice3A_1192 = vector.extract_strided_slice %get3A_352 {offsets = [7], sizes = [1], strides = [1]} : vector<16xf32> to vector<1xf32>
      %squeeze3A_1193 = vector.extract %slice3A_1192[0] : f32 from vector<1xf32>
      %sub3A_1194 = vector.broadcast %squeeze3A_1193 : f32 to vector<16xf32>
      %sub3A_1195 = arith.subf %get3A_1191, %sub3A_1194 : vector<16xf32>
      %mul3A_1196 = arith.mulf %sub3A_1195, %sub3A_1195 : vector<16xf32>
      %add3A_1197 = arith.addf %add3A_1187, %mul3A_1196 : vector<16xf32>
      %get3A_1198 = arith.constant 56 : i32
      %get3A_1199 = arith.index_cast %get3A_1198 : i32 to index
      %get3A_1200 = arith.index_cast %mul3A_635 : i32 to index
      %get3A_1201 = tpu.vector_load %arg7[%get3A_1199, %get3A_1200] {strides = array<i32>} : memref<64x512xf32, #tpu.memory_space<vmem>>, vector<16xf32>,
      %slice3A_1202 = vector.extract_strided_slice %get3A_352 {offsets = [8], sizes = [1], strides = [1]} : vector<16xf32> to vector<1xf32>
      %squeeze3A_1203 = vector.extract %slice3A_1202[0] : f32 from vector<1xf32>
      %sub3A_1204 = vector.broadcast %squeeze3A_1203 : f32 to vector<16xf32>
      %sub3A_1205 = arith.subf %get3A_1201, %sub3A_1204 : vector<16xf32>
      %mul3A_1206 = arith.mulf %sub3A_1205, %sub3A_1205 : vector<16xf32>
      %add3A_1207 = arith.addf %add3A_1197, %mul3A_1206 : vector<16xf32>
      %get3A_1208 = arith.constant 57 : i32
      %get3A_1209 = arith.index_cast %get3A_1208 : i32 to index
      %get3A_1210 = arith.index_cast %mul3A_635 : i32 to index
      %get3A_1211 = tpu.vector_load %arg7[%get3A_1209, %get3A_1210] {strides = array<i32>} : memref<64x512xf32, #tpu.memory_space<vmem>>, vector<16xf32>,
      %slice3A_1212 = vector.extract_strided_slice %get3A_352 {offsets = [9], sizes = [1], strides = [1]} : vector<16xf32> to vector<1xf32>
      %squeeze3A_1213 = vector.extract %slice3A_1212[0] : f32 from vector<1xf32>
      %sub3A_1214 = vector.broadcast %squeeze3A_1213 : f32 to vector<16xf32>
      %sub3A_1215 = arith.subf %get3A_1211, %sub3A_1214 : vector<16xf32>
      %mul3A_1216 = arith.mulf %sub3A_1215, %sub3A_1215 : vector<16xf32>
      %add3A_1217 = arith.addf %add3A_1207, %mul3A_1216 : vector<16xf32>
      %get3A_1218 = arith.constant 58 : i32
      %get3A_1219 = arith.index_cast %get3A_1218 : i32 to index
      %get3A_1220 = arith.index_cast %mul3A_635 : i32 to index
      %get3A_1221 = tpu.vector_load %arg7[%get3A_1219, %get3A_1220] {strides = array<i32>} : memref<64x512xf32, #tpu.memory_space<vmem>>, vector<16xf32>,
      %slice3A_1222 = vector.extract_strided_slice %get3A_352 {offsets = [10], sizes = [1], strides = [1]} : vector<16xf32> to vector<1xf32>
      %squeeze3A_1223 = vector.extract %slice3A_1222[0] : f32 from vector<1xf32>
      %sub3A_1224 = vector.broadcast %squeeze3A_1223 : f32 to vector<16xf32>
      %sub3A_1225 = arith.subf %get3A_1221, %sub3A_1224 : vector<16xf32>
      %mul3A_1226 = arith.mulf %sub3A_1225, %sub3A_1225 : vector<16xf32>
      %add3A_1227 = arith.addf %add3A_1217, %mul3A_1226 : vector<16xf32>
      %get3A_1228 = arith.constant 59 : i32
      %get3A_1229 = arith.index_cast %get3A_1228 : i32 to index
      %get3A_1230 = arith.index_cast %mul3A_635 : i32 to index
      %get3A_1231 = tpu.vector_load %arg7[%get3A_1229, %get3A_1230] {strides = array<i32>} : memref<64x512xf32, #tpu.memory_space<vmem>>, vector<16xf32>,
      %slice3A_1232 = vector.extract_strided_slice %get3A_352 {offsets = [11], sizes = [1], strides = [1]} : vector<16xf32> to vector<1xf32>
      %squeeze3A_1233 = vector.extract %slice3A_1232[0] : f32 from vector<1xf32>
      %sub3A_1234 = vector.broadcast %squeeze3A_1233 : f32 to vector<16xf32>
      %sub3A_1235 = arith.subf %get3A_1231, %sub3A_1234 : vector<16xf32>
      %mul3A_1236 = arith.mulf %sub3A_1235, %sub3A_1235 : vector<16xf32>
      %add3A_1237 = arith.addf %add3A_1227, %mul3A_1236 : vector<16xf32>
      %get3A_1238 = arith.constant 60 : i32
      %get3A_1239 = arith.index_cast %get3A_1238 : i32 to index
      %get3A_1240 = arith.index_cast %mul3A_635 : i32 to index
      %get3A_1241 = tpu.vector_load %arg7[%get3A_1239, %get3A_1240] {strides = array<i32>} : memref<64x512xf32, #tpu.memory_space<vmem>>, vector<16xf32>,
      %slice3A_1242 = vector.extract_strided_slice %get3A_352 {offsets = [12], sizes = [1], strides = [1]} : vector<16xf32> to vector<1xf32>
      %squeeze3A_1243 = vector.extract %slice3A_1242[0] : f32 from vector<1xf32>
      %sub3A_1244 = vector.broadcast %squeeze3A_1243 : f32 to vector<16xf32>
      %sub3A_1245 = arith.subf %get3A_1241, %sub3A_1244 : vector<16xf32>
      %mul3A_1246 = arith.mulf %sub3A_1245, %sub3A_1245 : vector<16xf32>
      %add3A_1247 = arith.addf %add3A_1237, %mul3A_1246 : vector<16xf32>
      %get3A_1248 = arith.constant 61 : i32
      %get3A_1249 = arith.index_cast %get3A_1248 : i32 to index
      %get3A_1250 = arith.index_cast %mul3A_635 : i32 to index
      %get3A_1251 = tpu.vector_load %arg7[%get3A_1249, %get3A_1250] {strides = array<i32>} : memref<64x512xf32, #tpu.memory_space<vmem>>, vector<16xf32>,
      %slice3A_1252 = vector.extract_strided_slice %get3A_352 {offsets = [13], sizes = [1], strides = [1]} : vector<16xf32> to vector<1xf32>
      %squeeze3A_1253 = vector.extract %slice3A_1252[0] : f32 from vector<1xf32>
      %sub3A_1254 = vector.broadcast %squeeze3A_1253 : f32 to vector<16xf32>
      %sub3A_1255 = arith.subf %get3A_1251, %sub3A_1254 : vector<16xf32>
      %mul3A_1256 = arith.mulf %sub3A_1255, %sub3A_1255 : vector<16xf32>
      %add3A_1257 = arith.addf %add3A_1247, %mul3A_1256 : vector<16xf32>
      %get3A_1258 = arith.constant 62 : i32
      %get3A_1259 = arith.index_cast %get3A_1258 : i32 to index
      %get3A_1260 = arith.index_cast %mul3A_635 : i32 to index
      %get3A_1261 = tpu.vector_load %arg7[%get3A_1259, %get3A_1260] {strides = array<i32>} : memref<64x512xf32, #tpu.memory_space<vmem>>, vector<16xf32>,
      %slice3A_1262 = vector.extract_strided_slice %get3A_352 {offsets = [14], sizes = [1], strides = [1]} : vector<16xf32> to vector<1xf32>
      %squeeze3A_1263 = vector.extract %slice3A_1262[0] : f32 from vector<1xf32>
      %sub3A_1264 = vector.broadcast %squeeze3A_1263 : f32 to vector<16xf32>
      %sub3A_1265 = arith.subf %get3A_1261, %sub3A_1264 : vector<16xf32>
      %mul3A_1266 = arith.mulf %sub3A_1265, %sub3A_1265 : vector<16xf32>
      %add3A_1267 = arith.addf %add3A_1257, %mul3A_1266 : vector<16xf32>
      %get3A_1268 = arith.constant 63 : i32
      %get3A_1269 = arith.index_cast %get3A_1268 : i32 to index
      %get3A_1270 = arith.index_cast %mul3A_635 : i32 to index
      %get3A_1271 = tpu.vector_load %arg7[%get3A_1269, %get3A_1270] {strides = array<i32>} : memref<64x512xf32, #tpu.memory_space<vmem>>, vector<16xf32>,
      %slice3A_1272 = vector.extract_strided_slice %get3A_352 {offsets = [15], sizes = [1], strides = [1]} : vector<16xf32> to vector<1xf32>
      %squeeze3A_1273 = vector.extract %slice3A_1272[0] : f32 from vector<1xf32>
      %sub3A_1274 = vector.broadcast %squeeze3A_1273 : f32 to vector<16xf32>
      %sub3A_1275 = arith.subf %get3A_1271, %sub3A_1274 : vector<16xf32>
      %mul3A_1276 = arith.mulf %sub3A_1275, %sub3A_1275 : vector<16xf32>
      %add3A_1277 = arith.addf %add3A_1267, %mul3A_1276 : vector<16xf32>
      %swap3A_1278 = arith.index_cast %mul3A_635 : i32 to index
      %swap3A_1279 = tpu.vector_load %arg12[%swap3A_1278] {strides = array<i32>} : memref<512xf32, #tpu.memory_space<vmem>>, vector<16xf32>,
      tpu.vector_store %arg12[%swap3A_1278], %add3A_1277 {strides = array<i32>} : memref<512xf32, #tpu.memory_space<vmem>>, vector<16xf32>,
      %get3A_1280 = arith.index_cast %mul3A_635 : i32 to index
      %get3A_1281 = tpu.vector_load %arg11[%get3A_1280] {strides = array<i32>} : memref<512xi32, #tpu.memory_space<vmem>>, vector<16xi32>,
      %slice3A_1282 = vector.extract_strided_slice %get3A_1281 {offsets = [0], sizes = [1], strides = [1]} : vector<16xi32> to vector<1xi32>
      %squeeze3A_1283 = vector.extract %slice3A_1282[0] : i32 from vector<1xi32>
      %eq3A_1284 = vector.broadcast %squeeze3A_1283 : i32 to vector<16xi32>
      %eq3A_1285 = arith.cmpi eq, %iota3A, %eq3A_1284 : vector<16xi32>
      %convert_element_type3A_1286 = arith.extui %eq3A_1285 : vector<16xi1> to vector<16xi32>
      %add3A_1287 = arith.addi %scan3A_631, %convert_element_type3A_1286 : vector<16xi32>
      %le3A_1288 = arith.constant 15 : i32
      %le3A_1289 = vector.broadcast %le3A_1288 : i32 to vector<16xi32>
      %le3A_1290 = arith.cmpi sle, %add3A_1287, %le3A_1289 : vector<16xi32>
      %and3A_1291 = arith.andi %eq3A_1285, %le3A_1290 : vector<16xi1>
      %slice3A_1292 = vector.extract_strided_slice %add3A_1277 {offsets = [0], sizes = [1], strides = [1]} : vector<16xf32> to vector<1xf32>
      %squeeze3A_1293 = vector.extract %slice3A_1292[0] : f32 from vector<1xf32>
      %max3A_1294 = vector.broadcast %squeeze3A_1293 : f32 to vector<16xf32>
      %max3A_1295 = arith.maximumf %scan3A_632, %max3A_1294 : vector<16xf32>
      %select_n3A_1296 = arith.select %and3A_1291, %max3A_1295, %scan3A_632 : vector<16xi1>, vector<16xf32>
      %slice3A_1297 = vector.extract_strided_slice %get3A_1281 {offsets = [1], sizes = [1], strides = [1]} : vector<16xi32> to vector<1xi32>
      %squeeze3A_1298 = vector.extract %slice3A_1297[0] : i32 from vector<1xi32>
      %eq3A_1299 = vector.broadcast %squeeze3A_1298 : i32 to vector<16xi32>
      %eq3A_1300 = arith.cmpi eq, %iota3A, %eq3A_1299 : vector<16xi32>
      %convert_element_type3A_1301 = arith.extui %eq3A_1300 : vector<16xi1> to vector<16xi32>
      %add3A_1302 = arith.addi %add3A_1287, %convert_element_type3A_1301 : vector<16xi32>
      %le3A_1303 = arith.constant 15 : i32
      %le3A_1304 = vector.broadcast %le3A_1303 : i32 to vector<16xi32>
      %le3A_1305 = arith.cmpi sle, %add3A_1302, %le3A_1304 : vector<16xi32>
      %and3A_1306 = arith.andi %eq3A_1300, %le3A_1305 : vector<16xi1>
      %slice3A_1307 = vector.extract_strided_slice %add3A_1277 {offsets = [1], sizes = [1], strides = [1]} : vector<16xf32> to vector<1xf32>
      %squeeze3A_1308 = vector.extract %slice3A_1307[0] : f32 from vector<1xf32>
      %max3A_1309 = vector.broadcast %squeeze3A_1308 : f32 to vector<16xf32>
      %max3A_1310 = arith.maximumf %select_n3A_1296, %max3A_1309 : vector<16xf32>
      %select_n3A_1311 = arith.select %and3A_1306, %max3A_1310, %select_n3A_1296 : vector<16xi1>, vector<16xf32>
      %slice3A_1312 = vector.extract_strided_slice %get3A_1281 {offsets = [2], sizes = [1], strides = [1]} : vector<16xi32> to vector<1xi32>
      %squeeze3A_1313 = vector.extract %slice3A_1312[0] : i32 from vector<1xi32>
      %eq3A_1314 = vector.broadcast %squeeze3A_1313 : i32 to vector<16xi32>
      %eq3A_1315 = arith.cmpi eq, %iota3A, %eq3A_1314 : vector<16xi32>
      %convert_element_type3A_1316 = arith.extui %eq3A_1315 : vector<16xi1> to vector<16xi32>
      %add3A_1317 = arith.addi %add3A_1302, %convert_element_type3A_1316 : vector<16xi32>
      %le3A_1318 = arith.constant 15 : i32
      %le3A_1319 = vector.broadcast %le3A_1318 : i32 to vector<16xi32>
      %le3A_1320 = arith.cmpi sle, %add3A_1317, %le3A_1319 : vector<16xi32>
      %and3A_1321 = arith.andi %eq3A_1315, %le3A_1320 : vector<16xi1>
      %slice3A_1322 = vector.extract_strided_slice %add3A_1277 {offsets = [2], sizes = [1], strides = [1]} : vector<16xf32> to vector<1xf32>
      %squeeze3A_1323 = vector.extract %slice3A_1322[0] : f32 from vector<1xf32>
      %max3A_1324 = vector.broadcast %squeeze3A_1323 : f32 to vector<16xf32>
      %max3A_1325 = arith.maximumf %select_n3A_1311, %max3A_1324 : vector<16xf32>
      %select_n3A_1326 = arith.select %and3A_1321, %max3A_1325, %select_n3A_1311 : vector<16xi1>, vector<16xf32>
      %slice3A_1327 = vector.extract_strided_slice %get3A_1281 {offsets = [3], sizes = [1], strides = [1]} : vector<16xi32> to vector<1xi32>
      %squeeze3A_1328 = vector.extract %slice3A_1327[0] : i32 from vector<1xi32>
      %eq3A_1329 = vector.broadcast %squeeze3A_1328 : i32 to vector<16xi32>
      %eq3A_1330 = arith.cmpi eq, %iota3A, %eq3A_1329 : vector<16xi32>
      %convert_element_type3A_1331 = arith.extui %eq3A_1330 : vector<16xi1> to vector<16xi32>
      %add3A_1332 = arith.addi %add3A_1317, %convert_element_type3A_1331 : vector<16xi32>
      %le3A_1333 = arith.constant 15 : i32
      %le3A_1334 = vector.broadcast %le3A_1333 : i32 to vector<16xi32>
      %le3A_1335 = arith.cmpi sle, %add3A_1332, %le3A_1334 : vector<16xi32>
      %and3A_1336 = arith.andi %eq3A_1330, %le3A_1335 : vector<16xi1>
      %slice3A_1337 = vector.extract_strided_slice %add3A_1277 {offsets = [3], sizes = [1], strides = [1]} : vector<16xf32> to vector<1xf32>
      %squeeze3A_1338 = vector.extract %slice3A_1337[0] : f32 from vector<1xf32>
      %max3A_1339 = vector.broadcast %squeeze3A_1338 : f32 to vector<16xf32>
      %max3A_1340 = arith.maximumf %select_n3A_1326, %max3A_1339 : vector<16xf32>
      %select_n3A_1341 = arith.select %and3A_1336, %max3A_1340, %select_n3A_1326 : vector<16xi1>, vector<16xf32>
      %slice3A_1342 = vector.extract_strided_slice %get3A_1281 {offsets = [4], sizes = [1], strides = [1]} : vector<16xi32> to vector<1xi32>
      %squeeze3A_1343 = vector.extract %slice3A_1342[0] : i32 from vector<1xi32>
      %eq3A_1344 = vector.broadcast %squeeze3A_1343 : i32 to vector<16xi32>
      %eq3A_1345 = arith.cmpi eq, %iota3A, %eq3A_1344 : vector<16xi32>
      %convert_element_type3A_1346 = arith.extui %eq3A_1345 : vector<16xi1> to vector<16xi32>
      %add3A_1347 = arith.addi %add3A_1332, %convert_element_type3A_1346 : vector<16xi32>
      %le3A_1348 = arith.constant 15 : i32
      %le3A_1349 = vector.broadcast %le3A_1348 : i32 to vector<16xi32>
      %le3A_1350 = arith.cmpi sle, %add3A_1347, %le3A_1349 : vector<16xi32>
      %and3A_1351 = arith.andi %eq3A_1345, %le3A_1350 : vector<16xi1>
      %slice3A_1352 = vector.extract_strided_slice %add3A_1277 {offsets = [4], sizes = [1], strides = [1]} : vector<16xf32> to vector<1xf32>
      %squeeze3A_1353 = vector.extract %slice3A_1352[0] : f32 from vector<1xf32>
      %max3A_1354 = vector.broadcast %squeeze3A_1353 : f32 to vector<16xf32>
      %max3A_1355 = arith.maximumf %select_n3A_1341, %max3A_1354 : vector<16xf32>
      %select_n3A_1356 = arith.select %and3A_1351, %max3A_1355, %select_n3A_1341 : vector<16xi1>, vector<16xf32>
      %slice3A_1357 = vector.extract_strided_slice %get3A_1281 {offsets = [5], sizes = [1], strides = [1]} : vector<16xi32> to vector<1xi32>
      %squeeze3A_1358 = vector.extract %slice3A_1357[0] : i32 from vector<1xi32>
      %eq3A_1359 = vector.broadcast %squeeze3A_1358 : i32 to vector<16xi32>
      %eq3A_1360 = arith.cmpi eq, %iota3A, %eq3A_1359 : vector<16xi32>
      %convert_element_type3A_1361 = arith.extui %eq3A_1360 : vector<16xi1> to vector<16xi32>
      %add3A_1362 = arith.addi %add3A_1347, %convert_element_type3A_1361 : vector<16xi32>
      %le3A_1363 = arith.constant 15 : i32
      %le3A_1364 = vector.broadcast %le3A_1363 : i32 to vector<16xi32>
      %le3A_1365 = arith.cmpi sle, %add3A_1362, %le3A_1364 : vector<16xi32>
      %and3A_1366 = arith.andi %eq3A_1360, %le3A_1365 : vector<16xi1>
      %slice3A_1367 = vector.extract_strided_slice %add3A_1277 {offsets = [5], sizes = [1], strides = [1]} : vector<16xf32> to vector<1xf32>
      %squeeze3A_1368 = vector.extract %slice3A_1367[0] : f32 from vector<1xf32>
      %max3A_1369 = vector.broadcast %squeeze3A_1368 : f32 to vector<16xf32>
      %max3A_1370 = arith.maximumf %select_n3A_1356, %max3A_1369 : vector<16xf32>
      %select_n3A_1371 = arith.select %and3A_1366, %max3A_1370, %select_n3A_1356 : vector<16xi1>, vector<16xf32>
      %slice3A_1372 = vector.extract_strided_slice %get3A_1281 {offsets = [6], sizes = [1], strides = [1]} : vector<16xi32> to vector<1xi32>
      %squeeze3A_1373 = vector.extract %slice3A_1372[0] : i32 from vector<1xi32>
      %eq3A_1374 = vector.broadcast %squeeze3A_1373 : i32 to vector<16xi32>
      %eq3A_1375 = arith.cmpi eq, %iota3A, %eq3A_1374 : vector<16xi32>
      %convert_element_type3A_1376 = arith.extui %eq3A_1375 : vector<16xi1> to vector<16xi32>
      %add3A_1377 = arith.addi %add3A_1362, %convert_element_type3A_1376 : vector<16xi32>
      %le3A_1378 = arith.constant 15 : i32
      %le3A_1379 = vector.broadcast %le3A_1378 : i32 to vector<16xi32>
      %le3A_1380 = arith.cmpi sle, %add3A_1377, %le3A_1379 : vector<16xi32>
      %and3A_1381 = arith.andi %eq3A_1375, %le3A_1380 : vector<16xi1>
      %slice3A_1382 = vector.extract_strided_slice %add3A_1277 {offsets = [6], sizes = [1], strides = [1]} : vector<16xf32> to vector<1xf32>
      %squeeze3A_1383 = vector.extract %slice3A_1382[0] : f32 from vector<1xf32>
      %max3A_1384 = vector.broadcast %squeeze3A_1383 : f32 to vector<16xf32>
      %max3A_1385 = arith.maximumf %select_n3A_1371, %max3A_1384 : vector<16xf32>
      %select_n3A_1386 = arith.select %and3A_1381, %max3A_1385, %select_n3A_1371 : vector<16xi1>, vector<16xf32>
      %slice3A_1387 = vector.extract_strided_slice %get3A_1281 {offsets = [7], sizes = [1], strides = [1]} : vector<16xi32> to vector<1xi32>
      %squeeze3A_1388 = vector.extract %slice3A_1387[0] : i32 from vector<1xi32>
      %eq3A_1389 = vector.broadcast %squeeze3A_1388 : i32 to vector<16xi32>
      %eq3A_1390 = arith.cmpi eq, %iota3A, %eq3A_1389 : vector<16xi32>
      %convert_element_type3A_1391 = arith.extui %eq3A_1390 : vector<16xi1> to vector<16xi32>
      %add3A_1392 = arith.addi %add3A_1377, %convert_element_type3A_1391 : vector<16xi32>
      %le3A_1393 = arith.constant 15 : i32
      %le3A_1394 = vector.broadcast %le3A_1393 : i32 to vector<16xi32>
      %le3A_1395 = arith.cmpi sle, %add3A_1392, %le3A_1394 : vector<16xi32>
      %and3A_1396 = arith.andi %eq3A_1390, %le3A_1395 : vector<16xi1>
      %slice3A_1397 = vector.extract_strided_slice %add3A_1277 {offsets = [7], sizes = [1], strides = [1]} : vector<16xf32> to vector<1xf32>
      %squeeze3A_1398 = vector.extract %slice3A_1397[0] : f32 from vector<1xf32>
      %max3A_1399 = vector.broadcast %squeeze3A_1398 : f32 to vector<16xf32>
      %max3A_1400 = arith.maximumf %select_n3A_1386, %max3A_1399 : vector<16xf32>
      %select_n3A_1401 = arith.select %and3A_1396, %max3A_1400, %select_n3A_1386 : vector<16xi1>, vector<16xf32>
      %slice3A_1402 = vector.extract_strided_slice %get3A_1281 {offsets = [8], sizes = [1], strides = [1]} : vector<16xi32> to vector<1xi32>
      %squeeze3A_1403 = vector.extract %slice3A_1402[0] : i32 from vector<1xi32>
      %eq3A_1404 = vector.broadcast %squeeze3A_1403 : i32 to vector<16xi32>
      %eq3A_1405 = arith.cmpi eq, %iota3A, %eq3A_1404 : vector<16xi32>
      %convert_element_type3A_1406 = arith.extui %eq3A_1405 : vector<16xi1> to vector<16xi32>
      %add3A_1407 = arith.addi %add3A_1392, %convert_element_type3A_1406 : vector<16xi32>
      %le3A_1408 = arith.constant 15 : i32
      %le3A_1409 = vector.broadcast %le3A_1408 : i32 to vector<16xi32>
      %le3A_1410 = arith.cmpi sle, %add3A_1407, %le3A_1409 : vector<16xi32>
      %and3A_1411 = arith.andi %eq3A_1405, %le3A_1410 : vector<16xi1>
      %slice3A_1412 = vector.extract_strided_slice %add3A_1277 {offsets = [8], sizes = [1], strides = [1]} : vector<16xf32> to vector<1xf32>
      %squeeze3A_1413 = vector.extract %slice3A_1412[0] : f32 from vector<1xf32>
      %max3A_1414 = vector.broadcast %squeeze3A_1413 : f32 to vector<16xf32>
      %max3A_1415 = arith.maximumf %select_n3A_1401, %max3A_1414 : vector<16xf32>
      %select_n3A_1416 = arith.select %and3A_1411, %max3A_1415, %select_n3A_1401 : vector<16xi1>, vector<16xf32>
      %slice3A_1417 = vector.extract_strided_slice %get3A_1281 {offsets = [9], sizes = [1], strides = [1]} : vector<16xi32> to vector<1xi32>
      %squeeze3A_1418 = vector.extract %slice3A_1417[0] : i32 from vector<1xi32>
      %eq3A_1419 = vector.broadcast %squeeze3A_1418 : i32 to vector<16xi32>
      %eq3A_1420 = arith.cmpi eq, %iota3A, %eq3A_1419 : vector<16xi32>
      %convert_element_type3A_1421 = arith.extui %eq3A_1420 : vector<16xi1> to vector<16xi32>
      %add3A_1422 = arith.addi %add3A_1407, %convert_element_type3A_1421 : vector<16xi32>
      %le3A_1423 = arith.constant 15 : i32
      %le3A_1424 = vector.broadcast %le3A_1423 : i32 to vector<16xi32>
      %le3A_1425 = arith.cmpi sle, %add3A_1422, %le3A_1424 : vector<16xi32>
      %and3A_1426 = arith.andi %eq3A_1420, %le3A_1425 : vector<16xi1>
      %slice3A_1427 = vector.extract_strided_slice %add3A_1277 {offsets = [9], sizes = [1], strides = [1]} : vector<16xf32> to vector<1xf32>
      %squeeze3A_1428 = vector.extract %slice3A_1427[0] : f32 from vector<1xf32>
      %max3A_1429 = vector.broadcast %squeeze3A_1428 : f32 to vector<16xf32>
      %max3A_1430 = arith.maximumf %select_n3A_1416, %max3A_1429 : vector<16xf32>
      %select_n3A_1431 = arith.select %and3A_1426, %max3A_1430, %select_n3A_1416 : vector<16xi1>, vector<16xf32>
      %slice3A_1432 = vector.extract_strided_slice %get3A_1281 {offsets = [10], sizes = [1], strides = [1]} : vector<16xi32> to vector<1xi32>
      %squeeze3A_1433 = vector.extract %slice3A_1432[0] : i32 from vector<1xi32>
      %eq3A_1434 = vector.broadcast %squeeze3A_1433 : i32 to vector<16xi32>
      %eq3A_1435 = arith.cmpi eq, %iota3A, %eq3A_1434 : vector<16xi32>
      %convert_element_type3A_1436 = arith.extui %eq3A_1435 : vector<16xi1> to vector<16xi32>
      %add3A_1437 = arith.addi %add3A_1422, %convert_element_type3A_1436 : vector<16xi32>
      %le3A_1438 = arith.constant 15 : i32
      %le3A_1439 = vector.broadcast %le3A_1438 : i32 to vector<16xi32>
      %le3A_1440 = arith.cmpi sle, %add3A_1437, %le3A_1439 : vector<16xi32>
      %and3A_1441 = arith.andi %eq3A_1435, %le3A_1440 : vector<16xi1>
      %slice3A_1442 = vector.extract_strided_slice %add3A_1277 {offsets = [10], sizes = [1], strides = [1]} : vector<16xf32> to vector<1xf32>
      %squeeze3A_1443 = vector.extract %slice3A_1442[0] : f32 from vector<1xf32>
      %max3A_1444 = vector.broadcast %squeeze3A_1443 : f32 to vector<16xf32>
      %max3A_1445 = arith.maximumf %select_n3A_1431, %max3A_1444 : vector<16xf32>
      %select_n3A_1446 = arith.select %and3A_1441, %max3A_1445, %select_n3A_1431 : vector<16xi1>, vector<16xf32>
      %slice3A_1447 = vector.extract_strided_slice %get3A_1281 {offsets = [11], sizes = [1], strides = [1]} : vector<16xi32> to vector<1xi32>
      %squeeze3A_1448 = vector.extract %slice3A_1447[0] : i32 from vector<1xi32>
      %eq3A_1449 = vector.broadcast %squeeze3A_1448 : i32 to vector<16xi32>
      %eq3A_1450 = arith.cmpi eq, %iota3A, %eq3A_1449 : vector<16xi32>
      %convert_element_type3A_1451 = arith.extui %eq3A_1450 : vector<16xi1> to vector<16xi32>
      %add3A_1452 = arith.addi %add3A_1437, %convert_element_type3A_1451 : vector<16xi32>
      %le3A_1453 = arith.constant 15 : i32
      %le3A_1454 = vector.broadcast %le3A_1453 : i32 to vector<16xi32>
      %le3A_1455 = arith.cmpi sle, %add3A_1452, %le3A_1454 : vector<16xi32>
      %and3A_1456 = arith.andi %eq3A_1450, %le3A_1455 : vector<16xi1>
      %slice3A_1457 = vector.extract_strided_slice %add3A_1277 {offsets = [11], sizes = [1], strides = [1]} : vector<16xf32> to vector<1xf32>
      %squeeze3A_1458 = vector.extract %slice3A_1457[0] : f32 from vector<1xf32>
      %max3A_1459 = vector.broadcast %squeeze3A_1458 : f32 to vector<16xf32>
      %max3A_1460 = arith.maximumf %select_n3A_1446, %max3A_1459 : vector<16xf32>
      %select_n3A_1461 = arith.select %and3A_1456, %max3A_1460, %select_n3A_1446 : vector<16xi1>, vector<16xf32>
      %slice3A_1462 = vector.extract_strided_slice %get3A_1281 {offsets = [12], sizes = [1], strides = [1]} : vector<16xi32> to vector<1xi32>
      %squeeze3A_1463 = vector.extract %slice3A_1462[0] : i32 from vector<1xi32>
      %eq3A_1464 = vector.broadcast %squeeze3A_1463 : i32 to vector<16xi32>
      %eq3A_1465 = arith.cmpi eq, %iota3A, %eq3A_1464 : vector<16xi32>
      %convert_element_type3A_1466 = arith.extui %eq3A_1465 : vector<16xi1> to vector<16xi32>
      %add3A_1467 = arith.addi %add3A_1452, %convert_element_type3A_1466 : vector<16xi32>
      %le3A_1468 = arith.constant 15 : i32
      %le3A_1469 = vector.broadcast %le3A_1468 : i32 to vector<16xi32>
      %le3A_1470 = arith.cmpi sle, %add3A_1467, %le3A_1469 : vector<16xi32>
      %and3A_1471 = arith.andi %eq3A_1465, %le3A_1470 : vector<16xi1>
      %slice3A_1472 = vector.extract_strided_slice %add3A_1277 {offsets = [12], sizes = [1], strides = [1]} : vector<16xf32> to vector<1xf32>
      %squeeze3A_1473 = vector.extract %slice3A_1472[0] : f32 from vector<1xf32>
      %max3A_1474 = vector.broadcast %squeeze3A_1473 : f32 to vector<16xf32>
      %max3A_1475 = arith.maximumf %select_n3A_1461, %max3A_1474 : vector<16xf32>
      %select_n3A_1476 = arith.select %and3A_1471, %max3A_1475, %select_n3A_1461 : vector<16xi1>, vector<16xf32>
      %slice3A_1477 = vector.extract_strided_slice %get3A_1281 {offsets = [13], sizes = [1], strides = [1]} : vector<16xi32> to vector<1xi32>
      %squeeze3A_1478 = vector.extract %slice3A_1477[0] : i32 from vector<1xi32>
      %eq3A_1479 = vector.broadcast %squeeze3A_1478 : i32 to vector<16xi32>
      %eq3A_1480 = arith.cmpi eq, %iota3A, %eq3A_1479 : vector<16xi32>
      %convert_element_type3A_1481 = arith.extui %eq3A_1480 : vector<16xi1> to vector<16xi32>
      %add3A_1482 = arith.addi %add3A_1467, %convert_element_type3A_1481 : vector<16xi32>
      %le3A_1483 = arith.constant 15 : i32
      %le3A_1484 = vector.broadcast %le3A_1483 : i32 to vector<16xi32>
      %le3A_1485 = arith.cmpi sle, %add3A_1482, %le3A_1484 : vector<16xi32>
      %and3A_1486 = arith.andi %eq3A_1480, %le3A_1485 : vector<16xi1>
      %slice3A_1487 = vector.extract_strided_slice %add3A_1277 {offsets = [13], sizes = [1], strides = [1]} : vector<16xf32> to vector<1xf32>
      %squeeze3A_1488 = vector.extract %slice3A_1487[0] : f32 from vector<1xf32>
      %max3A_1489 = vector.broadcast %squeeze3A_1488 : f32 to vector<16xf32>
      %max3A_1490 = arith.maximumf %select_n3A_1476, %max3A_1489 : vector<16xf32>
      %select_n3A_1491 = arith.select %and3A_1486, %max3A_1490, %select_n3A_1476 : vector<16xi1>, vector<16xf32>
      %slice3A_1492 = vector.extract_strided_slice %get3A_1281 {offsets = [14], sizes = [1], strides = [1]} : vector<16xi32> to vector<1xi32>
      %squeeze3A_1493 = vector.extract %slice3A_1492[0] : i32 from vector<1xi32>
      %eq3A_1494 = vector.broadcast %squeeze3A_1493 : i32 to vector<16xi32>
      %eq3A_1495 = arith.cmpi eq, %iota3A, %eq3A_1494 : vector<16xi32>
      %convert_element_type3A_1496 = arith.extui %eq3A_1495 : vector<16xi1> to vector<16xi32>
      %add3A_1497 = arith.addi %add3A_1482, %convert_element_type3A_1496 : vector<16xi32>
      %le3A_1498 = arith.constant 15 : i32
      %le3A_1499 = vector.broadcast %le3A_1498 : i32 to vector<16xi32>
      %le3A_1500 = arith.cmpi sle, %add3A_1497, %le3A_1499 : vector<16xi32>
      %and3A_1501 = arith.andi %eq3A_1495, %le3A_1500 : vector<16xi1>
      %slice3A_1502 = vector.extract_strided_slice %add3A_1277 {offsets = [14], sizes = [1], strides = [1]} : vector<16xf32> to vector<1xf32>
      %squeeze3A_1503 = vector.extract %slice3A_1502[0] : f32 from vector<1xf32>
      %max3A_1504 = vector.broadcast %squeeze3A_1503 : f32 to vector<16xf32>
      %max3A_1505 = arith.maximumf %select_n3A_1491, %max3A_1504 : vector<16xf32>
      %select_n3A_1506 = arith.select %and3A_1501, %max3A_1505, %select_n3A_1491 : vector<16xi1>, vector<16xf32>
      %slice3A_1507 = vector.extract_strided_slice %get3A_1281 {offsets = [15], sizes = [1], strides = [1]} : vector<16xi32> to vector<1xi32>
      %squeeze3A_1508 = vector.extract %slice3A_1507[0] : i32 from vector<1xi32>
      %eq3A_1509 = vector.broadcast %squeeze3A_1508 : i32 to vector<16xi32>
      %eq3A_1510 = arith.cmpi eq, %iota3A, %eq3A_1509 : vector<16xi32>
      %convert_element_type3A_1511 = arith.extui %eq3A_1510 : vector<16xi1> to vector<16xi32>
      %add3A_1512 = arith.addi %add3A_1497, %convert_element_type3A_1511 : vector<16xi32>
      %le3A_1513 = arith.constant 15 : i32
      %le3A_1514 = vector.broadcast %le3A_1513 : i32 to vector<16xi32>
      %le3A_1515 = arith.cmpi sle, %add3A_1512, %le3A_1514 : vector<16xi32>
      %and3A_1516 = arith.andi %eq3A_1510, %le3A_1515 : vector<16xi1>
      %slice3A_1517 = vector.extract_strided_slice %add3A_1277 {offsets = [15], sizes = [1], strides = [1]} : vector<16xf32> to vector<1xf32>
      %squeeze3A_1518 = vector.extract %slice3A_1517[0] : f32 from vector<1xf32>
      %max3A_1519 = vector.broadcast %squeeze3A_1518 : f32 to vector<16xf32>
      %max3A_1520 = arith.maximumf %select_n3A_1506, %max3A_1519 : vector<16xf32>
      %select_n3A_1521 = arith.select %and3A_1516, %max3A_1520, %select_n3A_1506 : vector<16xi1>, vector<16xf32>
      %add3A_1522 = arith.addf %scan3A_633, %add3A_1277 : vector<16xf32>
      %add3A_1523 = arith.constant 16 : i32
      %add3A_1524 = arith.addi %mul3A_635, %add3A_1523 : i32
      %broadcast_in_dim3A_1525 = arith.constant 0.000000e+00 : f32
      %broadcast_in_dim3A_1526 = vector.broadcast %broadcast_in_dim3A_1525 : f32 to vector<16xf32>
      %get3A_1527 = arith.constant 0 : i32
      %get3A_1528 = arith.index_cast %get3A_1527 : i32 to index
      %get3A_1529 = arith.index_cast %add3A_1524 : i32 to index
      %get3A_1530 = tpu.vector_load %arg7[%get3A_1528, %get3A_1529] {strides = array<i32>} : memref<64x512xf32, #tpu.memory_space<vmem>>, vector<16xf32>,
      %slice3A_1531 = vector.extract_strided_slice %get3A_346 {offsets = [0], sizes = [1], strides = [1]} : vector<16xf32> to vector<1xf32>
      %squeeze3A_1532 = vector.extract %slice3A_1531[0] : f32 from vector<1xf32>
      %sub3A_1533 = vector.broadcast %squeeze3A_1532 : f32 to vector<16xf32>
      %sub3A_1534 = arith.subf %get3A_1530, %sub3A_1533 : vector<16xf32>
      %mul3A_1535 = arith.mulf %sub3A_1534, %sub3A_1534 : vector<16xf32>
      %add3A_1536 = arith.addf %broadcast_in_dim3A_1526, %mul3A_1535 : vector<16xf32>
      %get3A_1537 = arith.constant 1 : i32
      %get3A_1538 = arith.index_cast %get3A_1537 : i32 to index
      %get3A_1539 = arith.index_cast %add3A_1524 : i32 to index
      %get3A_1540 = tpu.vector_load %arg7[%get3A_1538, %get3A_1539] {strides = array<i32>} : memref<64x512xf32, #tpu.memory_space<vmem>>, vector<16xf32>,
      %slice3A_1541 = vector.extract_strided_slice %get3A_346 {offsets = [1], sizes = [1], strides = [1]} : vector<16xf32> to vector<1xf32>
      %squeeze3A_1542 = vector.extract %slice3A_1541[0] : f32 from vector<1xf32>
      %sub3A_1543 = vector.broadcast %squeeze3A_1542 : f32 to vector<16xf32>
      %sub3A_1544 = arith.subf %get3A_1540, %sub3A_1543 : vector<16xf32>
      %mul3A_1545 = arith.mulf %sub3A_1544, %sub3A_1544 : vector<16xf32>
      %add3A_1546 = arith.addf %add3A_1536, %mul3A_1545 : vector<16xf32>
      %get3A_1547 = arith.constant 2 : i32
      %get3A_1548 = arith.index_cast %get3A_1547 : i32 to index
      %get3A_1549 = arith.index_cast %add3A_1524 : i32 to index
      %get3A_1550 = tpu.vector_load %arg7[%get3A_1548, %get3A_1549] {strides = array<i32>} : memref<64x512xf32, #tpu.memory_space<vmem>>, vector<16xf32>,
      %slice3A_1551 = vector.extract_strided_slice %get3A_346 {offsets = [2], sizes = [1], strides = [1]} : vector<16xf32> to vector<1xf32>
      %squeeze3A_1552 = vector.extract %slice3A_1551[0] : f32 from vector<1xf32>
      %sub3A_1553 = vector.broadcast %squeeze3A_1552 : f32 to vector<16xf32>
      %sub3A_1554 = arith.subf %get3A_1550, %sub3A_1553 : vector<16xf32>
      %mul3A_1555 = arith.mulf %sub3A_1554, %sub3A_1554 : vector<16xf32>
      %add3A_1556 = arith.addf %add3A_1546, %mul3A_1555 : vector<16xf32>
      %get3A_1557 = arith.constant 3 : i32
      %get3A_1558 = arith.index_cast %get3A_1557 : i32 to index
      %get3A_1559 = arith.index_cast %add3A_1524 : i32 to index
      %get3A_1560 = tpu.vector_load %arg7[%get3A_1558, %get3A_1559] {strides = array<i32>} : memref<64x512xf32, #tpu.memory_space<vmem>>, vector<16xf32>,
      %slice3A_1561 = vector.extract_strided_slice %get3A_346 {offsets = [3], sizes = [1], strides = [1]} : vector<16xf32> to vector<1xf32>
      %squeeze3A_1562 = vector.extract %slice3A_1561[0] : f32 from vector<1xf32>
      %sub3A_1563 = vector.broadcast %squeeze3A_1562 : f32 to vector<16xf32>
      %sub3A_1564 = arith.subf %get3A_1560, %sub3A_1563 : vector<16xf32>
      %mul3A_1565 = arith.mulf %sub3A_1564, %sub3A_1564 : vector<16xf32>
      %add3A_1566 = arith.addf %add3A_1556, %mul3A_1565 : vector<16xf32>
      %get3A_1567 = arith.constant 4 : i32
      %get3A_1568 = arith.index_cast %get3A_1567 : i32 to index
      %get3A_1569 = arith.index_cast %add3A_1524 : i32 to index
      %get3A_1570 = tpu.vector_load %arg7[%get3A_1568, %get3A_1569] {strides = array<i32>} : memref<64x512xf32, #tpu.memory_space<vmem>>, vector<16xf32>,
      %slice3A_1571 = vector.extract_strided_slice %get3A_346 {offsets = [4], sizes = [1], strides = [1]} : vector<16xf32> to vector<1xf32>
      %squeeze3A_1572 = vector.extract %slice3A_1571[0] : f32 from vector<1xf32>
      %sub3A_1573 = vector.broadcast %squeeze3A_1572 : f32 to vector<16xf32>
      %sub3A_1574 = arith.subf %get3A_1570, %sub3A_1573 : vector<16xf32>
      %mul3A_1575 = arith.mulf %sub3A_1574, %sub3A_1574 : vector<16xf32>
      %add3A_1576 = arith.addf %add3A_1566, %mul3A_1575 : vector<16xf32>
      %get3A_1577 = arith.constant 5 : i32
      %get3A_1578 = arith.index_cast %get3A_1577 : i32 to index
      %get3A_1579 = arith.index_cast %add3A_1524 : i32 to index
      %get3A_1580 = tpu.vector_load %arg7[%get3A_1578, %get3A_1579] {strides = array<i32>} : memref<64x512xf32, #tpu.memory_space<vmem>>, vector<16xf32>,
      %slice3A_1581 = vector.extract_strided_slice %get3A_346 {offsets = [5], sizes = [1], strides = [1]} : vector<16xf32> to vector<1xf32>
      %squeeze3A_1582 = vector.extract %slice3A_1581[0] : f32 from vector<1xf32>
      %sub3A_1583 = vector.broadcast %squeeze3A_1582 : f32 to vector<16xf32>
      %sub3A_1584 = arith.subf %get3A_1580, %sub3A_1583 : vector<16xf32>
      %mul3A_1585 = arith.mulf %sub3A_1584, %sub3A_1584 : vector<16xf32>
      %add3A_1586 = arith.addf %add3A_1576, %mul3A_1585 : vector<16xf32>
      %get3A_1587 = arith.constant 6 : i32
      %get3A_1588 = arith.index_cast %get3A_1587 : i32 to index
      %get3A_1589 = arith.index_cast %add3A_1524 : i32 to index
      %get3A_1590 = tpu.vector_load %arg7[%get3A_1588, %get3A_1589] {strides = array<i32>} : memref<64x512xf32, #tpu.memory_space<vmem>>, vector<16xf32>,
      %slice3A_1591 = vector.extract_strided_slice %get3A_346 {offsets = [6], sizes = [1], strides = [1]} : vector<16xf32> to vector<1xf32>
      %squeeze3A_1592 = vector.extract %slice3A_1591[0] : f32 from vector<1xf32>
      %sub3A_1593 = vector.broadcast %squeeze3A_1592 : f32 to vector<16xf32>
      %sub3A_1594 = arith.subf %get3A_1590, %sub3A_1593 : vector<16xf32>
      %mul3A_1595 = arith.mulf %sub3A_1594, %sub3A_1594 : vector<16xf32>
      %add3A_1596 = arith.addf %add3A_1586, %mul3A_1595 : vector<16xf32>
      %get3A_1597 = arith.constant 7 : i32
      %get3A_1598 = arith.index_cast %get3A_1597 : i32 to index
      %get3A_1599 = arith.index_cast %add3A_1524 : i32 to index
      %get3A_1600 = tpu.vector_load %arg7[%get3A_1598, %get3A_1599] {strides = array<i32>} : memref<64x512xf32, #tpu.memory_space<vmem>>, vector<16xf32>,
      %slice3A_1601 = vector.extract_strided_slice %get3A_346 {offsets = [7], sizes = [1], strides = [1]} : vector<16xf32> to vector<1xf32>
      %squeeze3A_1602 = vector.extract %slice3A_1601[0] : f32 from vector<1xf32>
      %sub3A_1603 = vector.broadcast %squeeze3A_1602 : f32 to vector<16xf32>
      %sub3A_1604 = arith.subf %get3A_1600, %sub3A_1603 : vector<16xf32>
      %mul3A_1605 = arith.mulf %sub3A_1604, %sub3A_1604 : vector<16xf32>
      %add3A_1606 = arith.addf %add3A_1596, %mul3A_1605 : vector<16xf32>
      %get3A_1607 = arith.constant 8 : i32
      %get3A_1608 = arith.index_cast %get3A_1607 : i32 to index
      %get3A_1609 = arith.index_cast %add3A_1524 : i32 to index
      %get3A_1610 = tpu.vector_load %arg7[%get3A_1608, %get3A_1609] {strides = array<i32>} : memref<64x512xf32, #tpu.memory_space<vmem>>, vector<16xf32>,
      %slice3A_1611 = vector.extract_strided_slice %get3A_346 {offsets = [8], sizes = [1], strides = [1]} : vector<16xf32> to vector<1xf32>
      %squeeze3A_1612 = vector.extract %slice3A_1611[0] : f32 from vector<1xf32>
      %sub3A_1613 = vector.broadcast %squeeze3A_1612 : f32 to vector<16xf32>
      %sub3A_1614 = arith.subf %get3A_1610, %sub3A_1613 : vector<16xf32>
      %mul3A_1615 = arith.mulf %sub3A_1614, %sub3A_1614 : vector<16xf32>
      %add3A_1616 = arith.addf %add3A_1606, %mul3A_1615 : vector<16xf32>
      %get3A_1617 = arith.constant 9 : i32
      %get3A_1618 = arith.index_cast %get3A_1617 : i32 to index
      %get3A_1619 = arith.index_cast %add3A_1524 : i32 to index
      %get3A_1620 = tpu.vector_load %arg7[%get3A_1618, %get3A_1619] {strides = array<i32>} : memref<64x512xf32, #tpu.memory_space<vmem>>, vector<16xf32>,
      %slice3A_1621 = vector.extract_strided_slice %get3A_346 {offsets = [9], sizes = [1], strides = [1]} : vector<16xf32> to vector<1xf32>
      %squeeze3A_1622 = vector.extract %slice3A_1621[0] : f32 from vector<1xf32>
      %sub3A_1623 = vector.broadcast %squeeze3A_1622 : f32 to vector<16xf32>
      %sub3A_1624 = arith.subf %get3A_1620, %sub3A_1623 : vector<16xf32>
      %mul3A_1625 = arith.mulf %sub3A_1624, %sub3A_1624 : vector<16xf32>
      %add3A_1626 = arith.addf %add3A_1616, %mul3A_1625 : vector<16xf32>
      %get3A_1627 = arith.constant 10 : i32
      %get3A_1628 = arith.index_cast %get3A_1627 : i32 to index
      %get3A_1629 = arith.index_cast %add3A_1524 : i32 to index
      %get3A_1630 = tpu.vector_load %arg7[%get3A_1628, %get3A_1629] {strides = array<i32>} : memref<64x512xf32, #tpu.memory_space<vmem>>, vector<16xf32>,
      %slice3A_1631 = vector.extract_strided_slice %get3A_346 {offsets = [10], sizes = [1], strides = [1]} : vector<16xf32> to vector<1xf32>
      %squeeze3A_1632 = vector.extract %slice3A_1631[0] : f32 from vector<1xf32>
      %sub3A_1633 = vector.broadcast %squeeze3A_1632 : f32 to vector<16xf32>
      %sub3A_1634 = arith.subf %get3A_1630, %sub3A_1633 : vector<16xf32>
      %mul3A_1635 = arith.mulf %sub3A_1634, %sub3A_1634 : vector<16xf32>
      %add3A_1636 = arith.addf %add3A_1626, %mul3A_1635 : vector<16xf32>
      %get3A_1637 = arith.constant 11 : i32
      %get3A_1638 = arith.index_cast %get3A_1637 : i32 to index
      %get3A_1639 = arith.index_cast %add3A_1524 : i32 to index
      %get3A_1640 = tpu.vector_load %arg7[%get3A_1638, %get3A_1639] {strides = array<i32>} : memref<64x512xf32, #tpu.memory_space<vmem>>, vector<16xf32>,
      %slice3A_1641 = vector.extract_strided_slice %get3A_346 {offsets = [11], sizes = [1], strides = [1]} : vector<16xf32> to vector<1xf32>
      %squeeze3A_1642 = vector.extract %slice3A_1641[0] : f32 from vector<1xf32>
      %sub3A_1643 = vector.broadcast %squeeze3A_1642 : f32 to vector<16xf32>
      %sub3A_1644 = arith.subf %get3A_1640, %sub3A_1643 : vector<16xf32>
      %mul3A_1645 = arith.mulf %sub3A_1644, %sub3A_1644 : vector<16xf32>
      %add3A_1646 = arith.addf %add3A_1636, %mul3A_1645 : vector<16xf32>
      %get3A_1647 = arith.constant 12 : i32
      %get3A_1648 = arith.index_cast %get3A_1647 : i32 to index
      %get3A_1649 = arith.index_cast %add3A_1524 : i32 to index
      %get3A_1650 = tpu.vector_load %arg7[%get3A_1648, %get3A_1649] {strides = array<i32>} : memref<64x512xf32, #tpu.memory_space<vmem>>, vector<16xf32>,
      %slice3A_1651 = vector.extract_strided_slice %get3A_346 {offsets = [12], sizes = [1], strides = [1]} : vector<16xf32> to vector<1xf32>
      %squeeze3A_1652 = vector.extract %slice3A_1651[0] : f32 from vector<1xf32>
      %sub3A_1653 = vector.broadcast %squeeze3A_1652 : f32 to vector<16xf32>
      %sub3A_1654 = arith.subf %get3A_1650, %sub3A_1653 : vector<16xf32>
      %mul3A_1655 = arith.mulf %sub3A_1654, %sub3A_1654 : vector<16xf32>
      %add3A_1656 = arith.addf %add3A_1646, %mul3A_1655 : vector<16xf32>
      %get3A_1657 = arith.constant 13 : i32
      %get3A_1658 = arith.index_cast %get3A_1657 : i32 to index
      %get3A_1659 = arith.index_cast %add3A_1524 : i32 to index
      %get3A_1660 = tpu.vector_load %arg7[%get3A_1658, %get3A_1659] {strides = array<i32>} : memref<64x512xf32, #tpu.memory_space<vmem>>, vector<16xf32>,
      %slice3A_1661 = vector.extract_strided_slice %get3A_346 {offsets = [13], sizes = [1], strides = [1]} : vector<16xf32> to vector<1xf32>
      %squeeze3A_1662 = vector.extract %slice3A_1661[0] : f32 from vector<1xf32>
      %sub3A_1663 = vector.broadcast %squeeze3A_1662 : f32 to vector<16xf32>
      %sub3A_1664 = arith.subf %get3A_1660, %sub3A_1663 : vector<16xf32>
      %mul3A_1665 = arith.mulf %sub3A_1664, %sub3A_1664 : vector<16xf32>
      %add3A_1666 = arith.addf %add3A_1656, %mul3A_1665 : vector<16xf32>
      %get3A_1667 = arith.constant 14 : i32
      %get3A_1668 = arith.index_cast %get3A_1667 : i32 to index
      %get3A_1669 = arith.index_cast %add3A_1524 : i32 to index
      %get3A_1670 = tpu.vector_load %arg7[%get3A_1668, %get3A_1669] {strides = array<i32>} : memref<64x512xf32, #tpu.memory_space<vmem>>, vector<16xf32>,
      %slice3A_1671 = vector.extract_strided_slice %get3A_346 {offsets = [14], sizes = [1], strides = [1]} : vector<16xf32> to vector<1xf32>
      %squeeze3A_1672 = vector.extract %slice3A_1671[0] : f32 from vector<1xf32>
      %sub3A_1673 = vector.broadcast %squeeze3A_1672 : f32 to vector<16xf32>
      %sub3A_1674 = arith.subf %get3A_1670, %sub3A_1673 : vector<16xf32>
      %mul3A_1675 = arith.mulf %sub3A_1674, %sub3A_1674 : vector<16xf32>
      %add3A_1676 = arith.addf %add3A_1666, %mul3A_1675 : vector<16xf32>
      %get3A_1677 = arith.constant 15 : i32
      %get3A_1678 = arith.index_cast %get3A_1677 : i32 to index
      %get3A_1679 = arith.index_cast %add3A_1524 : i32 to index
      %get3A_1680 = tpu.vector_load %arg7[%get3A_1678, %get3A_1679] {strides = array<i32>} : memref<64x512xf32, #tpu.memory_space<vmem>>, vector<16xf32>,
      %slice3A_1681 = vector.extract_strided_slice %get3A_346 {offsets = [15], sizes = [1], strides = [1]} : vector<16xf32> to vector<1xf32>
      %squeeze3A_1682 = vector.extract %slice3A_1681[0] : f32 from vector<1xf32>
      %sub3A_1683 = vector.broadcast %squeeze3A_1682 : f32 to vector<16xf32>
      %sub3A_1684 = arith.subf %get3A_1680, %sub3A_1683 : vector<16xf32>
      %mul3A_1685 = arith.mulf %sub3A_1684, %sub3A_1684 : vector<16xf32>
      %add3A_1686 = arith.addf %add3A_1676, %mul3A_1685 : vector<16xf32>
      %get3A_1687 = arith.constant 16 : i32
      %get3A_1688 = arith.index_cast %get3A_1687 : i32 to index
      %get3A_1689 = arith.index_cast %add3A_1524 : i32 to index
      %get3A_1690 = tpu.vector_load %arg7[%get3A_1688, %get3A_1689] {strides = array<i32>} : memref<64x512xf32, #tpu.memory_space<vmem>>, vector<16xf32>,
      %slice3A_1691 = vector.extract_strided_slice %get3A_348 {offsets = [0], sizes = [1], strides = [1]} : vector<16xf32> to vector<1xf32>
      %squeeze3A_1692 = vector.extract %slice3A_1691[0] : f32 from vector<1xf32>
      %sub3A_1693 = vector.broadcast %squeeze3A_1692 : f32 to vector<16xf32>
      %sub3A_1694 = arith.subf %get3A_1690, %sub3A_1693 : vector<16xf32>
      %mul3A_1695 = arith.mulf %sub3A_1694, %sub3A_1694 : vector<16xf32>
      %add3A_1696 = arith.addf %add3A_1686, %mul3A_1695 : vector<16xf32>
      %get3A_1697 = arith.constant 17 : i32
      %get3A_1698 = arith.index_cast %get3A_1697 : i32 to index
      %get3A_1699 = arith.index_cast %add3A_1524 : i32 to index
      %get3A_1700 = tpu.vector_load %arg7[%get3A_1698, %get3A_1699] {strides = array<i32>} : memref<64x512xf32, #tpu.memory_space<vmem>>, vector<16xf32>,
      %slice3A_1701 = vector.extract_strided_slice %get3A_348 {offsets = [1], sizes = [1], strides = [1]} : vector<16xf32> to vector<1xf32>
      %squeeze3A_1702 = vector.extract %slice3A_1701[0] : f32 from vector<1xf32>
      %sub3A_1703 = vector.broadcast %squeeze3A_1702 : f32 to vector<16xf32>
      %sub3A_1704 = arith.subf %get3A_1700, %sub3A_1703 : vector<16xf32>
      %mul3A_1705 = arith.mulf %sub3A_1704, %sub3A_1704 : vector<16xf32>
      %add3A_1706 = arith.addf %add3A_1696, %mul3A_1705 : vector<16xf32>
      %get3A_1707 = arith.constant 18 : i32
      %get3A_1708 = arith.index_cast %get3A_1707 : i32 to index
      %get3A_1709 = arith.index_cast %add3A_1524 : i32 to index
      %get3A_1710 = tpu.vector_load %arg7[%get3A_1708, %get3A_1709] {strides = array<i32>} : memref<64x512xf32, #tpu.memory_space<vmem>>, vector<16xf32>,
      %slice3A_1711 = vector.extract_strided_slice %get3A_348 {offsets = [2], sizes = [1], strides = [1]} : vector<16xf32> to vector<1xf32>
      %squeeze3A_1712 = vector.extract %slice3A_1711[0] : f32 from vector<1xf32>
      %sub3A_1713 = vector.broadcast %squeeze3A_1712 : f32 to vector<16xf32>
      %sub3A_1714 = arith.subf %get3A_1710, %sub3A_1713 : vector<16xf32>
      %mul3A_1715 = arith.mulf %sub3A_1714, %sub3A_1714 : vector<16xf32>
      %add3A_1716 = arith.addf %add3A_1706, %mul3A_1715 : vector<16xf32>
      %get3A_1717 = arith.constant 19 : i32
      %get3A_1718 = arith.index_cast %get3A_1717 : i32 to index
      %get3A_1719 = arith.index_cast %add3A_1524 : i32 to index
      %get3A_1720 = tpu.vector_load %arg7[%get3A_1718, %get3A_1719] {strides = array<i32>} : memref<64x512xf32, #tpu.memory_space<vmem>>, vector<16xf32>,
      %slice3A_1721 = vector.extract_strided_slice %get3A_348 {offsets = [3], sizes = [1], strides = [1]} : vector<16xf32> to vector<1xf32>
      %squeeze3A_1722 = vector.extract %slice3A_1721[0] : f32 from vector<1xf32>
      %sub3A_1723 = vector.broadcast %squeeze3A_1722 : f32 to vector<16xf32>
      %sub3A_1724 = arith.subf %get3A_1720, %sub3A_1723 : vector<16xf32>
      %mul3A_1725 = arith.mulf %sub3A_1724, %sub3A_1724 : vector<16xf32>
      %add3A_1726 = arith.addf %add3A_1716, %mul3A_1725 : vector<16xf32>
      %get3A_1727 = arith.constant 20 : i32
      %get3A_1728 = arith.index_cast %get3A_1727 : i32 to index
      %get3A_1729 = arith.index_cast %add3A_1524 : i32 to index
      %get3A_1730 = tpu.vector_load %arg7[%get3A_1728, %get3A_1729] {strides = array<i32>} : memref<64x512xf32, #tpu.memory_space<vmem>>, vector<16xf32>,
      %slice3A_1731 = vector.extract_strided_slice %get3A_348 {offsets = [4], sizes = [1], strides = [1]} : vector<16xf32> to vector<1xf32>
      %squeeze3A_1732 = vector.extract %slice3A_1731[0] : f32 from vector<1xf32>
      %sub3A_1733 = vector.broadcast %squeeze3A_1732 : f32 to vector<16xf32>
      %sub3A_1734 = arith.subf %get3A_1730, %sub3A_1733 : vector<16xf32>
      %mul3A_1735 = arith.mulf %sub3A_1734, %sub3A_1734 : vector<16xf32>
      %add3A_1736 = arith.addf %add3A_1726, %mul3A_1735 : vector<16xf32>
      %get3A_1737 = arith.constant 21 : i32
      %get3A_1738 = arith.index_cast %get3A_1737 : i32 to index
      %get3A_1739 = arith.index_cast %add3A_1524 : i32 to index
      %get3A_1740 = tpu.vector_load %arg7[%get3A_1738, %get3A_1739] {strides = array<i32>} : memref<64x512xf32, #tpu.memory_space<vmem>>, vector<16xf32>,
      %slice3A_1741 = vector.extract_strided_slice %get3A_348 {offsets = [5], sizes = [1], strides = [1]} : vector<16xf32> to vector<1xf32>
      %squeeze3A_1742 = vector.extract %slice3A_1741[0] : f32 from vector<1xf32>
      %sub3A_1743 = vector.broadcast %squeeze3A_1742 : f32 to vector<16xf32>
      %sub3A_1744 = arith.subf %get3A_1740, %sub3A_1743 : vector<16xf32>
      %mul3A_1745 = arith.mulf %sub3A_1744, %sub3A_1744 : vector<16xf32>
      %add3A_1746 = arith.addf %add3A_1736, %mul3A_1745 : vector<16xf32>
      %get3A_1747 = arith.constant 22 : i32
      %get3A_1748 = arith.index_cast %get3A_1747 : i32 to index
      %get3A_1749 = arith.index_cast %add3A_1524 : i32 to index
      %get3A_1750 = tpu.vector_load %arg7[%get3A_1748, %get3A_1749] {strides = array<i32>} : memref<64x512xf32, #tpu.memory_space<vmem>>, vector<16xf32>,
      %slice3A_1751 = vector.extract_strided_slice %get3A_348 {offsets = [6], sizes = [1], strides = [1]} : vector<16xf32> to vector<1xf32>
      %squeeze3A_1752 = vector.extract %slice3A_1751[0] : f32 from vector<1xf32>
      %sub3A_1753 = vector.broadcast %squeeze3A_1752 : f32 to vector<16xf32>
      %sub3A_1754 = arith.subf %get3A_1750, %sub3A_1753 : vector<16xf32>
      %mul3A_1755 = arith.mulf %sub3A_1754, %sub3A_1754 : vector<16xf32>
      %add3A_1756 = arith.addf %add3A_1746, %mul3A_1755 : vector<16xf32>
      %get3A_1757 = arith.constant 23 : i32
      %get3A_1758 = arith.index_cast %get3A_1757 : i32 to index
      %get3A_1759 = arith.index_cast %add3A_1524 : i32 to index
      %get3A_1760 = tpu.vector_load %arg7[%get3A_1758, %get3A_1759] {strides = array<i32>} : memref<64x512xf32, #tpu.memory_space<vmem>>, vector<16xf32>,
      %slice3A_1761 = vector.extract_strided_slice %get3A_348 {offsets = [7], sizes = [1], strides = [1]} : vector<16xf32> to vector<1xf32>
      %squeeze3A_1762 = vector.extract %slice3A_1761[0] : f32 from vector<1xf32>
      %sub3A_1763 = vector.broadcast %squeeze3A_1762 : f32 to vector<16xf32>
      %sub3A_1764 = arith.subf %get3A_1760, %sub3A_1763 : vector<16xf32>
      %mul3A_1765 = arith.mulf %sub3A_1764, %sub3A_1764 : vector<16xf32>
      %add3A_1766 = arith.addf %add3A_1756, %mul3A_1765 : vector<16xf32>
      %get3A_1767 = arith.constant 24 : i32
      %get3A_1768 = arith.index_cast %get3A_1767 : i32 to index
      %get3A_1769 = arith.index_cast %add3A_1524 : i32 to index
      %get3A_1770 = tpu.vector_load %arg7[%get3A_1768, %get3A_1769] {strides = array<i32>} : memref<64x512xf32, #tpu.memory_space<vmem>>, vector<16xf32>,
      %slice3A_1771 = vector.extract_strided_slice %get3A_348 {offsets = [8], sizes = [1], strides = [1]} : vector<16xf32> to vector<1xf32>
      %squeeze3A_1772 = vector.extract %slice3A_1771[0] : f32 from vector<1xf32>
      %sub3A_1773 = vector.broadcast %squeeze3A_1772 : f32 to vector<16xf32>
      %sub3A_1774 = arith.subf %get3A_1770, %sub3A_1773 : vector<16xf32>
      %mul3A_1775 = arith.mulf %sub3A_1774, %sub3A_1774 : vector<16xf32>
      %add3A_1776 = arith.addf %add3A_1766, %mul3A_1775 : vector<16xf32>
      %get3A_1777 = arith.constant 25 : i32
      %get3A_1778 = arith.index_cast %get3A_1777 : i32 to index
      %get3A_1779 = arith.index_cast %add3A_1524 : i32 to index
      %get3A_1780 = tpu.vector_load %arg7[%get3A_1778, %get3A_1779] {strides = array<i32>} : memref<64x512xf32, #tpu.memory_space<vmem>>, vector<16xf32>,
      %slice3A_1781 = vector.extract_strided_slice %get3A_348 {offsets = [9], sizes = [1], strides = [1]} : vector<16xf32> to vector<1xf32>
      %squeeze3A_1782 = vector.extract %slice3A_1781[0] : f32 from vector<1xf32>
      %sub3A_1783 = vector.broadcast %squeeze3A_1782 : f32 to vector<16xf32>
      %sub3A_1784 = arith.subf %get3A_1780, %sub3A_1783 : vector<16xf32>
      %mul3A_1785 = arith.mulf %sub3A_1784, %sub3A_1784 : vector<16xf32>
      %add3A_1786 = arith.addf %add3A_1776, %mul3A_1785 : vector<16xf32>
      %get3A_1787 = arith.constant 26 : i32
      %get3A_1788 = arith.index_cast %get3A_1787 : i32 to index
      %get3A_1789 = arith.index_cast %add3A_1524 : i32 to index
      %get3A_1790 = tpu.vector_load %arg7[%get3A_1788, %get3A_1789] {strides = array<i32>} : memref<64x512xf32, #tpu.memory_space<vmem>>, vector<16xf32>,
      %slice3A_1791 = vector.extract_strided_slice %get3A_348 {offsets = [10], sizes = [1], strides = [1]} : vector<16xf32> to vector<1xf32>
      %squeeze3A_1792 = vector.extract %slice3A_1791[0] : f32 from vector<1xf32>
      %sub3A_1793 = vector.broadcast %squeeze3A_1792 : f32 to vector<16xf32>
      %sub3A_1794 = arith.subf %get3A_1790, %sub3A_1793 : vector<16xf32>
      %mul3A_1795 = arith.mulf %sub3A_1794, %sub3A_1794 : vector<16xf32>
      %add3A_1796 = arith.addf %add3A_1786, %mul3A_1795 : vector<16xf32>
      %get3A_1797 = arith.constant 27 : i32
      %get3A_1798 = arith.index_cast %get3A_1797 : i32 to index
      %get3A_1799 = arith.index_cast %add3A_1524 : i32 to index
      %get3A_1800 = tpu.vector_load %arg7[%get3A_1798, %get3A_1799] {strides = array<i32>} : memref<64x512xf32, #tpu.memory_space<vmem>>, vector<16xf32>,
      %slice3A_1801 = vector.extract_strided_slice %get3A_348 {offsets = [11], sizes = [1], strides = [1]} : vector<16xf32> to vector<1xf32>
      %squeeze3A_1802 = vector.extract %slice3A_1801[0] : f32 from vector<1xf32>
      %sub3A_1803 = vector.broadcast %squeeze3A_1802 : f32 to vector<16xf32>
      %sub3A_1804 = arith.subf %get3A_1800, %sub3A_1803 : vector<16xf32>
      %mul3A_1805 = arith.mulf %sub3A_1804, %sub3A_1804 : vector<16xf32>
      %add3A_1806 = arith.addf %add3A_1796, %mul3A_1805 : vector<16xf32>
      %get3A_1807 = arith.constant 28 : i32
      %get3A_1808 = arith.index_cast %get3A_1807 : i32 to index
      %get3A_1809 = arith.index_cast %add3A_1524 : i32 to index
      %get3A_1810 = tpu.vector_load %arg7[%get3A_1808, %get3A_1809] {strides = array<i32>} : memref<64x512xf32, #tpu.memory_space<vmem>>, vector<16xf32>,
      %slice3A_1811 = vector.extract_strided_slice %get3A_348 {offsets = [12], sizes = [1], strides = [1]} : vector<16xf32> to vector<1xf32>
      %squeeze3A_1812 = vector.extract %slice3A_1811[0] : f32 from vector<1xf32>
      %sub3A_1813 = vector.broadcast %squeeze3A_1812 : f32 to vector<16xf32>
      %sub3A_1814 = arith.subf %get3A_1810, %sub3A_1813 : vector<16xf32>
      %mul3A_1815 = arith.mulf %sub3A_1814, %sub3A_1814 : vector<16xf32>
      %add3A_1816 = arith.addf %add3A_1806, %mul3A_1815 : vector<16xf32>
      %get3A_1817 = arith.constant 29 : i32
      %get3A_1818 = arith.index_cast %get3A_1817 : i32 to index
      %get3A_1819 = arith.index_cast %add3A_1524 : i32 to index
      %get3A_1820 = tpu.vector_load %arg7[%get3A_1818, %get3A_1819] {strides = array<i32>} : memref<64x512xf32, #tpu.memory_space<vmem>>, vector<16xf32>,
      %slice3A_1821 = vector.extract_strided_slice %get3A_348 {offsets = [13], sizes = [1], strides = [1]} : vector<16xf32> to vector<1xf32>
      %squeeze3A_1822 = vector.extract %slice3A_1821[0] : f32 from vector<1xf32>
      %sub3A_1823 = vector.broadcast %squeeze3A_1822 : f32 to vector<16xf32>
      %sub3A_1824 = arith.subf %get3A_1820, %sub3A_1823 : vector<16xf32>
      %mul3A_1825 = arith.mulf %sub3A_1824, %sub3A_1824 : vector<16xf32>
      %add3A_1826 = arith.addf %add3A_1816, %mul3A_1825 : vector<16xf32>
      %get3A_1827 = arith.constant 30 : i32
      %get3A_1828 = arith.index_cast %get3A_1827 : i32 to index
      %get3A_1829 = arith.index_cast %add3A_1524 : i32 to index
      %get3A_1830 = tpu.vector_load %arg7[%get3A_1828, %get3A_1829] {strides = array<i32>} : memref<64x512xf32, #tpu.memory_space<vmem>>, vector<16xf32>,
      %slice3A_1831 = vector.extract_strided_slice %get3A_348 {offsets = [14], sizes = [1], strides = [1]} : vector<16xf32> to vector<1xf32>
      %squeeze3A_1832 = vector.extract %slice3A_1831[0] : f32 from vector<1xf32>
      %sub3A_1833 = vector.broadcast %squeeze3A_1832 : f32 to vector<16xf32>
      %sub3A_1834 = arith.subf %get3A_1830, %sub3A_1833 : vector<16xf32>
      %mul3A_1835 = arith.mulf %sub3A_1834, %sub3A_1834 : vector<16xf32>
      %add3A_1836 = arith.addf %add3A_1826, %mul3A_1835 : vector<16xf32>
      %get3A_1837 = arith.constant 31 : i32
      %get3A_1838 = arith.index_cast %get3A_1837 : i32 to index
      %get3A_1839 = arith.index_cast %add3A_1524 : i32 to index
      %get3A_1840 = tpu.vector_load %arg7[%get3A_1838, %get3A_1839] {strides = array<i32>} : memref<64x512xf32, #tpu.memory_space<vmem>>, vector<16xf32>,
      %slice3A_1841 = vector.extract_strided_slice %get3A_348 {offsets = [15], sizes = [1], strides = [1]} : vector<16xf32> to vector<1xf32>
      %squeeze3A_1842 = vector.extract %slice3A_1841[0] : f32 from vector<1xf32>
      %sub3A_1843 = vector.broadcast %squeeze3A_1842 : f32 to vector<16xf32>
      %sub3A_1844 = arith.subf %get3A_1840, %sub3A_1843 : vector<16xf32>
      %mul3A_1845 = arith.mulf %sub3A_1844, %sub3A_1844 : vector<16xf32>
      %add3A_1846 = arith.addf %add3A_1836, %mul3A_1845 : vector<16xf32>
      %get3A_1847 = arith.constant 32 : i32
      %get3A_1848 = arith.index_cast %get3A_1847 : i32 to index
      %get3A_1849 = arith.index_cast %add3A_1524 : i32 to index
      %get3A_1850 = tpu.vector_load %arg7[%get3A_1848, %get3A_1849] {strides = array<i32>} : memref<64x512xf32, #tpu.memory_space<vmem>>, vector<16xf32>,
      %slice3A_1851 = vector.extract_strided_slice %get3A_350 {offsets = [0], sizes = [1], strides = [1]} : vector<16xf32> to vector<1xf32>
      %squeeze3A_1852 = vector.extract %slice3A_1851[0] : f32 from vector<1xf32>
      %sub3A_1853 = vector.broadcast %squeeze3A_1852 : f32 to vector<16xf32>
      %sub3A_1854 = arith.subf %get3A_1850, %sub3A_1853 : vector<16xf32>
      %mul3A_1855 = arith.mulf %sub3A_1854, %sub3A_1854 : vector<16xf32>
      %add3A_1856 = arith.addf %add3A_1846, %mul3A_1855 : vector<16xf32>
      %get3A_1857 = arith.constant 33 : i32
      %get3A_1858 = arith.index_cast %get3A_1857 : i32 to index
      %get3A_1859 = arith.index_cast %add3A_1524 : i32 to index
      %get3A_1860 = tpu.vector_load %arg7[%get3A_1858, %get3A_1859] {strides = array<i32>} : memref<64x512xf32, #tpu.memory_space<vmem>>, vector<16xf32>,
      %slice3A_1861 = vector.extract_strided_slice %get3A_350 {offsets = [1], sizes = [1], strides = [1]} : vector<16xf32> to vector<1xf32>
      %squeeze3A_1862 = vector.extract %slice3A_1861[0] : f32 from vector<1xf32>
      %sub3A_1863 = vector.broadcast %squeeze3A_1862 : f32 to vector<16xf32>
      %sub3A_1864 = arith.subf %get3A_1860, %sub3A_1863 : vector<16xf32>
      %mul3A_1865 = arith.mulf %sub3A_1864, %sub3A_1864 : vector<16xf32>
      %add3A_1866 = arith.addf %add3A_1856, %mul3A_1865 : vector<16xf32>
      %get3A_1867 = arith.constant 34 : i32
      %get3A_1868 = arith.index_cast %get3A_1867 : i32 to index
      %get3A_1869 = arith.index_cast %add3A_1524 : i32 to index
      %get3A_1870 = tpu.vector_load %arg7[%get3A_1868, %get3A_1869] {strides = array<i32>} : memref<64x512xf32, #tpu.memory_space<vmem>>, vector<16xf32>,
      %slice3A_1871 = vector.extract_strided_slice %get3A_350 {offsets = [2], sizes = [1], strides = [1]} : vector<16xf32> to vector<1xf32>
      %squeeze3A_1872 = vector.extract %slice3A_1871[0] : f32 from vector<1xf32>
      %sub3A_1873 = vector.broadcast %squeeze3A_1872 : f32 to vector<16xf32>
      %sub3A_1874 = arith.subf %get3A_1870, %sub3A_1873 : vector<16xf32>
      %mul3A_1875 = arith.mulf %sub3A_1874, %sub3A_1874 : vector<16xf32>
      %add3A_1876 = arith.addf %add3A_1866, %mul3A_1875 : vector<16xf32>
      %get3A_1877 = arith.constant 35 : i32
      %get3A_1878 = arith.index_cast %get3A_1877 : i32 to index
      %get3A_1879 = arith.index_cast %add3A_1524 : i32 to index
      %get3A_1880 = tpu.vector_load %arg7[%get3A_1878, %get3A_1879] {strides = array<i32>} : memref<64x512xf32, #tpu.memory_space<vmem>>, vector<16xf32>,
      %slice3A_1881 = vector.extract_strided_slice %get3A_350 {offsets = [3], sizes = [1], strides = [1]} : vector<16xf32> to vector<1xf32>
      %squeeze3A_1882 = vector.extract %slice3A_1881[0] : f32 from vector<1xf32>
      %sub3A_1883 = vector.broadcast %squeeze3A_1882 : f32 to vector<16xf32>
      %sub3A_1884 = arith.subf %get3A_1880, %sub3A_1883 : vector<16xf32>
      %mul3A_1885 = arith.mulf %sub3A_1884, %sub3A_1884 : vector<16xf32>
      %add3A_1886 = arith.addf %add3A_1876, %mul3A_1885 : vector<16xf32>
      %get3A_1887 = arith.constant 36 : i32
      %get3A_1888 = arith.index_cast %get3A_1887 : i32 to index
      %get3A_1889 = arith.index_cast %add3A_1524 : i32 to index
      %get3A_1890 = tpu.vector_load %arg7[%get3A_1888, %get3A_1889] {strides = array<i32>} : memref<64x512xf32, #tpu.memory_space<vmem>>, vector<16xf32>,
      %slice3A_1891 = vector.extract_strided_slice %get3A_350 {offsets = [4], sizes = [1], strides = [1]} : vector<16xf32> to vector<1xf32>
      %squeeze3A_1892 = vector.extract %slice3A_1891[0] : f32 from vector<1xf32>
      %sub3A_1893 = vector.broadcast %squeeze3A_1892 : f32 to vector<16xf32>
      %sub3A_1894 = arith.subf %get3A_1890, %sub3A_1893 : vector<16xf32>
      %mul3A_1895 = arith.mulf %sub3A_1894, %sub3A_1894 : vector<16xf32>
      %add3A_1896 = arith.addf %add3A_1886, %mul3A_1895 : vector<16xf32>
      %get3A_1897 = arith.constant 37 : i32
      %get3A_1898 = arith.index_cast %get3A_1897 : i32 to index
      %get3A_1899 = arith.index_cast %add3A_1524 : i32 to index
      %get3A_1900 = tpu.vector_load %arg7[%get3A_1898, %get3A_1899] {strides = array<i32>} : memref<64x512xf32, #tpu.memory_space<vmem>>, vector<16xf32>,
      %slice3A_1901 = vector.extract_strided_slice %get3A_350 {offsets = [5], sizes = [1], strides = [1]} : vector<16xf32> to vector<1xf32>
      %squeeze3A_1902 = vector.extract %slice3A_1901[0] : f32 from vector<1xf32>
      %sub3A_1903 = vector.broadcast %squeeze3A_1902 : f32 to vector<16xf32>
      %sub3A_1904 = arith.subf %get3A_1900, %sub3A_1903 : vector<16xf32>
      %mul3A_1905 = arith.mulf %sub3A_1904, %sub3A_1904 : vector<16xf32>
      %add3A_1906 = arith.addf %add3A_1896, %mul3A_1905 : vector<16xf32>
      %get3A_1907 = arith.constant 38 : i32
      %get3A_1908 = arith.index_cast %get3A_1907 : i32 to index
      %get3A_1909 = arith.index_cast %add3A_1524 : i32 to index
      %get3A_1910 = tpu.vector_load %arg7[%get3A_1908, %get3A_1909] {strides = array<i32>} : memref<64x512xf32, #tpu.memory_space<vmem>>, vector<16xf32>,
      %slice3A_1911 = vector.extract_strided_slice %get3A_350 {offsets = [6], sizes = [1], strides = [1]} : vector<16xf32> to vector<1xf32>
      %squeeze3A_1912 = vector.extract %slice3A_1911[0] : f32 from vector<1xf32>
      %sub3A_1913 = vector.broadcast %squeeze3A_1912 : f32 to vector<16xf32>
      %sub3A_1914 = arith.subf %get3A_1910, %sub3A_1913 : vector<16xf32>
      %mul3A_1915 = arith.mulf %sub3A_1914, %sub3A_1914 : vector<16xf32>
      %add3A_1916 = arith.addf %add3A_1906, %mul3A_1915 : vector<16xf32>
      %get3A_1917 = arith.constant 39 : i32
      %get3A_1918 = arith.index_cast %get3A_1917 : i32 to index
      %get3A_1919 = arith.index_cast %add3A_1524 : i32 to index
      %get3A_1920 = tpu.vector_load %arg7[%get3A_1918, %get3A_1919] {strides = array<i32>} : memref<64x512xf32, #tpu.memory_space<vmem>>, vector<16xf32>,
      %slice3A_1921 = vector.extract_strided_slice %get3A_350 {offsets = [7], sizes = [1], strides = [1]} : vector<16xf32> to vector<1xf32>
      %squeeze3A_1922 = vector.extract %slice3A_1921[0] : f32 from vector<1xf32>
      %sub3A_1923 = vector.broadcast %squeeze3A_1922 : f32 to vector<16xf32>
      %sub3A_1924 = arith.subf %get3A_1920, %sub3A_1923 : vector<16xf32>
      %mul3A_1925 = arith.mulf %sub3A_1924, %sub3A_1924 : vector<16xf32>
      %add3A_1926 = arith.addf %add3A_1916, %mul3A_1925 : vector<16xf32>
      %get3A_1927 = arith.constant 40 : i32
      %get3A_1928 = arith.index_cast %get3A_1927 : i32 to index
      %get3A_1929 = arith.index_cast %add3A_1524 : i32 to index
      %get3A_1930 = tpu.vector_load %arg7[%get3A_1928, %get3A_1929] {strides = array<i32>} : memref<64x512xf32, #tpu.memory_space<vmem>>, vector<16xf32>,
      %slice3A_1931 = vector.extract_strided_slice %get3A_350 {offsets = [8], sizes = [1], strides = [1]} : vector<16xf32> to vector<1xf32>
      %squeeze3A_1932 = vector.extract %slice3A_1931[0] : f32 from vector<1xf32>
      %sub3A_1933 = vector.broadcast %squeeze3A_1932 : f32 to vector<16xf32>
      %sub3A_1934 = arith.subf %get3A_1930, %sub3A_1933 : vector<16xf32>
      %mul3A_1935 = arith.mulf %sub3A_1934, %sub3A_1934 : vector<16xf32>
      %add3A_1936 = arith.addf %add3A_1926, %mul3A_1935 : vector<16xf32>
      %get3A_1937 = arith.constant 41 : i32
      %get3A_1938 = arith.index_cast %get3A_1937 : i32 to index
      %get3A_1939 = arith.index_cast %add3A_1524 : i32 to index
      %get3A_1940 = tpu.vector_load %arg7[%get3A_1938, %get3A_1939] {strides = array<i32>} : memref<64x512xf32, #tpu.memory_space<vmem>>, vector<16xf32>,
      %slice3A_1941 = vector.extract_strided_slice %get3A_350 {offsets = [9], sizes = [1], strides = [1]} : vector<16xf32> to vector<1xf32>
      %squeeze3A_1942 = vector.extract %slice3A_1941[0] : f32 from vector<1xf32>
      %sub3A_1943 = vector.broadcast %squeeze3A_1942 : f32 to vector<16xf32>
      %sub3A_1944 = arith.subf %get3A_1940, %sub3A_1943 : vector<16xf32>
      %mul3A_1945 = arith.mulf %sub3A_1944, %sub3A_1944 : vector<16xf32>
      %add3A_1946 = arith.addf %add3A_1936, %mul3A_1945 : vector<16xf32>
      %get3A_1947 = arith.constant 42 : i32
      %get3A_1948 = arith.index_cast %get3A_1947 : i32 to index
      %get3A_1949 = arith.index_cast %add3A_1524 : i32 to index
      %get3A_1950 = tpu.vector_load %arg7[%get3A_1948, %get3A_1949] {strides = array<i32>} : memref<64x512xf32, #tpu.memory_space<vmem>>, vector<16xf32>,
      %slice3A_1951 = vector.extract_strided_slice %get3A_350 {offsets = [10], sizes = [1], strides = [1]} : vector<16xf32> to vector<1xf32>
      %squeeze3A_1952 = vector.extract %slice3A_1951[0] : f32 from vector<1xf32>
      %sub3A_1953 = vector.broadcast %squeeze3A_1952 : f32 to vector<16xf32>
      %sub3A_1954 = arith.subf %get3A_1950, %sub3A_1953 : vector<16xf32>
      %mul3A_1955 = arith.mulf %sub3A_1954, %sub3A_1954 : vector<16xf32>
      %add3A_1956 = arith.addf %add3A_1946, %mul3A_1955 : vector<16xf32>
      %get3A_1957 = arith.constant 43 : i32
      %get3A_1958 = arith.index_cast %get3A_1957 : i32 to index
      %get3A_1959 = arith.index_cast %add3A_1524 : i32 to index
      %get3A_1960 = tpu.vector_load %arg7[%get3A_1958, %get3A_1959] {strides = array<i32>} : memref<64x512xf32, #tpu.memory_space<vmem>>, vector<16xf32>,
      %slice3A_1961 = vector.extract_strided_slice %get3A_350 {offsets = [11], sizes = [1], strides = [1]} : vector<16xf32> to vector<1xf32>
      %squeeze3A_1962 = vector.extract %slice3A_1961[0] : f32 from vector<1xf32>
      %sub3A_1963 = vector.broadcast %squeeze3A_1962 : f32 to vector<16xf32>
      %sub3A_1964 = arith.subf %get3A_1960, %sub3A_1963 : vector<16xf32>
      %mul3A_1965 = arith.mulf %sub3A_1964, %sub3A_1964 : vector<16xf32>
      %add3A_1966 = arith.addf %add3A_1956, %mul3A_1965 : vector<16xf32>
      %get3A_1967 = arith.constant 44 : i32
      %get3A_1968 = arith.index_cast %get3A_1967 : i32 to index
      %get3A_1969 = arith.index_cast %add3A_1524 : i32 to index
      %get3A_1970 = tpu.vector_load %arg7[%get3A_1968, %get3A_1969] {strides = array<i32>} : memref<64x512xf32, #tpu.memory_space<vmem>>, vector<16xf32>,
      %slice3A_1971 = vector.extract_strided_slice %get3A_350 {offsets = [12], sizes = [1], strides = [1]} : vector<16xf32> to vector<1xf32>
      %squeeze3A_1972 = vector.extract %slice3A_1971[0] : f32 from vector<1xf32>
      %sub3A_1973 = vector.broadcast %squeeze3A_1972 : f32 to vector<16xf32>
      %sub3A_1974 = arith.subf %get3A_1970, %sub3A_1973 : vector<16xf32>
      %mul3A_1975 = arith.mulf %sub3A_1974, %sub3A_1974 : vector<16xf32>
      %add3A_1976 = arith.addf %add3A_1966, %mul3A_1975 : vector<16xf32>
      %get3A_1977 = arith.constant 45 : i32
      %get3A_1978 = arith.index_cast %get3A_1977 : i32 to index
      %get3A_1979 = arith.index_cast %add3A_1524 : i32 to index
      %get3A_1980 = tpu.vector_load %arg7[%get3A_1978, %get3A_1979] {strides = array<i32>} : memref<64x512xf32, #tpu.memory_space<vmem>>, vector<16xf32>,
      %slice3A_1981 = vector.extract_strided_slice %get3A_350 {offsets = [13], sizes = [1], strides = [1]} : vector<16xf32> to vector<1xf32>
      %squeeze3A_1982 = vector.extract %slice3A_1981[0] : f32 from vector<1xf32>
      %sub3A_1983 = vector.broadcast %squeeze3A_1982 : f32 to vector<16xf32>
      %sub3A_1984 = arith.subf %get3A_1980, %sub3A_1983 : vector<16xf32>
      %mul3A_1985 = arith.mulf %sub3A_1984, %sub3A_1984 : vector<16xf32>
      %add3A_1986 = arith.addf %add3A_1976, %mul3A_1985 : vector<16xf32>
      %get3A_1987 = arith.constant 46 : i32
      %get3A_1988 = arith.index_cast %get3A_1987 : i32 to index
      %get3A_1989 = arith.index_cast %add3A_1524 : i32 to index
      %get3A_1990 = tpu.vector_load %arg7[%get3A_1988, %get3A_1989] {strides = array<i32>} : memref<64x512xf32, #tpu.memory_space<vmem>>, vector<16xf32>,
      %slice3A_1991 = vector.extract_strided_slice %get3A_350 {offsets = [14], sizes = [1], strides = [1]} : vector<16xf32> to vector<1xf32>
      %squeeze3A_1992 = vector.extract %slice3A_1991[0] : f32 from vector<1xf32>
      %sub3A_1993 = vector.broadcast %squeeze3A_1992 : f32 to vector<16xf32>
      %sub3A_1994 = arith.subf %get3A_1990, %sub3A_1993 : vector<16xf32>
      %mul3A_1995 = arith.mulf %sub3A_1994, %sub3A_1994 : vector<16xf32>
      %add3A_1996 = arith.addf %add3A_1986, %mul3A_1995 : vector<16xf32>
      %get3A_1997 = arith.constant 47 : i32
      %get3A_1998 = arith.index_cast %get3A_1997 : i32 to index
      %get3A_1999 = arith.index_cast %add3A_1524 : i32 to index
      %get3A_2000 = tpu.vector_load %arg7[%get3A_1998, %get3A_1999] {strides = array<i32>} : memref<64x512xf32, #tpu.memory_space<vmem>>, vector<16xf32>,
      %slice3A_2001 = vector.extract_strided_slice %get3A_350 {offsets = [15], sizes = [1], strides = [1]} : vector<16xf32> to vector<1xf32>
      %squeeze3A_2002 = vector.extract %slice3A_2001[0] : f32 from vector<1xf32>
      %sub3A_2003 = vector.broadcast %squeeze3A_2002 : f32 to vector<16xf32>
      %sub3A_2004 = arith.subf %get3A_2000, %sub3A_2003 : vector<16xf32>
      %mul3A_2005 = arith.mulf %sub3A_2004, %sub3A_2004 : vector<16xf32>
      %add3A_2006 = arith.addf %add3A_1996, %mul3A_2005 : vector<16xf32>
      %get3A_2007 = arith.constant 48 : i32
      %get3A_2008 = arith.index_cast %get3A_2007 : i32 to index
      %get3A_2009 = arith.index_cast %add3A_1524 : i32 to index
      %get3A_2010 = tpu.vector_load %arg7[%get3A_2008, %get3A_2009] {strides = array<i32>} : memref<64x512xf32, #tpu.memory_space<vmem>>, vector<16xf32>,
      %slice3A_2011 = vector.extract_strided_slice %get3A_352 {offsets = [0], sizes = [1], strides = [1]} : vector<16xf32> to vector<1xf32>
      %squeeze3A_2012 = vector.extract %slice3A_2011[0] : f32 from vector<1xf32>
      %sub3A_2013 = vector.broadcast %squeeze3A_2012 : f32 to vector<16xf32>
      %sub3A_2014 = arith.subf %get3A_2010, %sub3A_2013 : vector<16xf32>
      %mul3A_2015 = arith.mulf %sub3A_2014, %sub3A_2014 : vector<16xf32>
      %add3A_2016 = arith.addf %add3A_2006, %mul3A_2015 : vector<16xf32>
      %get3A_2017 = arith.constant 49 : i32
      %get3A_2018 = arith.index_cast %get3A_2017 : i32 to index
      %get3A_2019 = arith.index_cast %add3A_1524 : i32 to index
      %get3A_2020 = tpu.vector_load %arg7[%get3A_2018, %get3A_2019] {strides = array<i32>} : memref<64x512xf32, #tpu.memory_space<vmem>>, vector<16xf32>,
      %slice3A_2021 = vector.extract_strided_slice %get3A_352 {offsets = [1], sizes = [1], strides = [1]} : vector<16xf32> to vector<1xf32>
      %squeeze3A_2022 = vector.extract %slice3A_2021[0] : f32 from vector<1xf32>
      %sub3A_2023 = vector.broadcast %squeeze3A_2022 : f32 to vector<16xf32>
      %sub3A_2024 = arith.subf %get3A_2020, %sub3A_2023 : vector<16xf32>
      %mul3A_2025 = arith.mulf %sub3A_2024, %sub3A_2024 : vector<16xf32>
      %add3A_2026 = arith.addf %add3A_2016, %mul3A_2025 : vector<16xf32>
      %get3A_2027 = arith.constant 50 : i32
      %get3A_2028 = arith.index_cast %get3A_2027 : i32 to index
      %get3A_2029 = arith.index_cast %add3A_1524 : i32 to index
      %get3A_2030 = tpu.vector_load %arg7[%get3A_2028, %get3A_2029] {strides = array<i32>} : memref<64x512xf32, #tpu.memory_space<vmem>>, vector<16xf32>,
      %slice3A_2031 = vector.extract_strided_slice %get3A_352 {offsets = [2], sizes = [1], strides = [1]} : vector<16xf32> to vector<1xf32>
      %squeeze3A_2032 = vector.extract %slice3A_2031[0] : f32 from vector<1xf32>
      %sub3A_2033 = vector.broadcast %squeeze3A_2032 : f32 to vector<16xf32>
      %sub3A_2034 = arith.subf %get3A_2030, %sub3A_2033 : vector<16xf32>
      %mul3A_2035 = arith.mulf %sub3A_2034, %sub3A_2034 : vector<16xf32>
      %add3A_2036 = arith.addf %add3A_2026, %mul3A_2035 : vector<16xf32>
      %get3A_2037 = arith.constant 51 : i32
      %get3A_2038 = arith.index_cast %get3A_2037 : i32 to index
      %get3A_2039 = arith.index_cast %add3A_1524 : i32 to index
      %get3A_2040 = tpu.vector_load %arg7[%get3A_2038, %get3A_2039] {strides = array<i32>} : memref<64x512xf32, #tpu.memory_space<vmem>>, vector<16xf32>,
      %slice3A_2041 = vector.extract_strided_slice %get3A_352 {offsets = [3], sizes = [1], strides = [1]} : vector<16xf32> to vector<1xf32>
      %squeeze3A_2042 = vector.extract %slice3A_2041[0] : f32 from vector<1xf32>
      %sub3A_2043 = vector.broadcast %squeeze3A_2042 : f32 to vector<16xf32>
      %sub3A_2044 = arith.subf %get3A_2040, %sub3A_2043 : vector<16xf32>
      %mul3A_2045 = arith.mulf %sub3A_2044, %sub3A_2044 : vector<16xf32>
      %add3A_2046 = arith.addf %add3A_2036, %mul3A_2045 : vector<16xf32>
      %get3A_2047 = arith.constant 52 : i32
      %get3A_2048 = arith.index_cast %get3A_2047 : i32 to index
      %get3A_2049 = arith.index_cast %add3A_1524 : i32 to index
      %get3A_2050 = tpu.vector_load %arg7[%get3A_2048, %get3A_2049] {strides = array<i32>} : memref<64x512xf32, #tpu.memory_space<vmem>>, vector<16xf32>,
      %slice3A_2051 = vector.extract_strided_slice %get3A_352 {offsets = [4], sizes = [1], strides = [1]} : vector<16xf32> to vector<1xf32>
      %squeeze3A_2052 = vector.extract %slice3A_2051[0] : f32 from vector<1xf32>
      %sub3A_2053 = vector.broadcast %squeeze3A_2052 : f32 to vector<16xf32>
      %sub3A_2054 = arith.subf %get3A_2050, %sub3A_2053 : vector<16xf32>
      %mul3A_2055 = arith.mulf %sub3A_2054, %sub3A_2054 : vector<16xf32>
      %add3A_2056 = arith.addf %add3A_2046, %mul3A_2055 : vector<16xf32>
      %get3A_2057 = arith.constant 53 : i32
      %get3A_2058 = arith.index_cast %get3A_2057 : i32 to index
      %get3A_2059 = arith.index_cast %add3A_1524 : i32 to index
      %get3A_2060 = tpu.vector_load %arg7[%get3A_2058, %get3A_2059] {strides = array<i32>} : memref<64x512xf32, #tpu.memory_space<vmem>>, vector<16xf32>,
      %slice3A_2061 = vector.extract_strided_slice %get3A_352 {offsets = [5], sizes = [1], strides = [1]} : vector<16xf32> to vector<1xf32>
      %squeeze3A_2062 = vector.extract %slice3A_2061[0] : f32 from vector<1xf32>
      %sub3A_2063 = vector.broadcast %squeeze3A_2062 : f32 to vector<16xf32>
      %sub3A_2064 = arith.subf %get3A_2060, %sub3A_2063 : vector<16xf32>
      %mul3A_2065 = arith.mulf %sub3A_2064, %sub3A_2064 : vector<16xf32>
      %add3A_2066 = arith.addf %add3A_2056, %mul3A_2065 : vector<16xf32>
      %get3A_2067 = arith.constant 54 : i32
      %get3A_2068 = arith.index_cast %get3A_2067 : i32 to index
      %get3A_2069 = arith.index_cast %add3A_1524 : i32 to index
      %get3A_2070 = tpu.vector_load %arg7[%get3A_2068, %get3A_2069] {strides = array<i32>} : memref<64x512xf32, #tpu.memory_space<vmem>>, vector<16xf32>,
      %slice3A_2071 = vector.extract_strided_slice %get3A_352 {offsets = [6], sizes = [1], strides = [1]} : vector<16xf32> to vector<1xf32>
      %squeeze3A_2072 = vector.extract %slice3A_2071[0] : f32 from vector<1xf32>
      %sub3A_2073 = vector.broadcast %squeeze3A_2072 : f32 to vector<16xf32>
      %sub3A_2074 = arith.subf %get3A_2070, %sub3A_2073 : vector<16xf32>
      %mul3A_2075 = arith.mulf %sub3A_2074, %sub3A_2074 : vector<16xf32>
      %add3A_2076 = arith.addf %add3A_2066, %mul3A_2075 : vector<16xf32>
      %get3A_2077 = arith.constant 55 : i32
      %get3A_2078 = arith.index_cast %get3A_2077 : i32 to index
      %get3A_2079 = arith.index_cast %add3A_1524 : i32 to index
      %get3A_2080 = tpu.vector_load %arg7[%get3A_2078, %get3A_2079] {strides = array<i32>} : memref<64x512xf32, #tpu.memory_space<vmem>>, vector<16xf32>,
      %slice3A_2081 = vector.extract_strided_slice %get3A_352 {offsets = [7], sizes = [1], strides = [1]} : vector<16xf32> to vector<1xf32>
      %squeeze3A_2082 = vector.extract %slice3A_2081[0] : f32 from vector<1xf32>
      %sub3A_2083 = vector.broadcast %squeeze3A_2082 : f32 to vector<16xf32>
      %sub3A_2084 = arith.subf %get3A_2080, %sub3A_2083 : vector<16xf32>
      %mul3A_2085 = arith.mulf %sub3A_2084, %sub3A_2084 : vector<16xf32>
      %add3A_2086 = arith.addf %add3A_2076, %mul3A_2085 : vector<16xf32>
      %get3A_2087 = arith.constant 56 : i32
      %get3A_2088 = arith.index_cast %get3A_2087 : i32 to index
      %get3A_2089 = arith.index_cast %add3A_1524 : i32 to index
      %get3A_2090 = tpu.vector_load %arg7[%get3A_2088, %get3A_2089] {strides = array<i32>} : memref<64x512xf32, #tpu.memory_space<vmem>>, vector<16xf32>,
      %slice3A_2091 = vector.extract_strided_slice %get3A_352 {offsets = [8], sizes = [1], strides = [1]} : vector<16xf32> to vector<1xf32>
      %squeeze3A_2092 = vector.extract %slice3A_2091[0] : f32 from vector<1xf32>
      %sub3A_2093 = vector.broadcast %squeeze3A_2092 : f32 to vector<16xf32>
      %sub3A_2094 = arith.subf %get3A_2090, %sub3A_2093 : vector<16xf32>
      %mul3A_2095 = arith.mulf %sub3A_2094, %sub3A_2094 : vector<16xf32>
      %add3A_2096 = arith.addf %add3A_2086, %mul3A_2095 : vector<16xf32>
      %get3A_2097 = arith.constant 57 : i32
      %get3A_2098 = arith.index_cast %get3A_2097 : i32 to index
      %get3A_2099 = arith.index_cast %add3A_1524 : i32 to index
      %get3A_2100 = tpu.vector_load %arg7[%get3A_2098, %get3A_2099] {strides = array<i32>} : memref<64x512xf32, #tpu.memory_space<vmem>>, vector<16xf32>,
      %slice3A_2101 = vector.extract_strided_slice %get3A_352 {offsets = [9], sizes = [1], strides = [1]} : vector<16xf32> to vector<1xf32>
      %squeeze3A_2102 = vector.extract %slice3A_2101[0] : f32 from vector<1xf32>
      %sub3A_2103 = vector.broadcast %squeeze3A_2102 : f32 to vector<16xf32>
      %sub3A_2104 = arith.subf %get3A_2100, %sub3A_2103 : vector<16xf32>
      %mul3A_2105 = arith.mulf %sub3A_2104, %sub3A_2104 : vector<16xf32>
      %add3A_2106 = arith.addf %add3A_2096, %mul3A_2105 : vector<16xf32>
      %get3A_2107 = arith.constant 58 : i32
      %get3A_2108 = arith.index_cast %get3A_2107 : i32 to index
      %get3A_2109 = arith.index_cast %add3A_1524 : i32 to index
      %get3A_2110 = tpu.vector_load %arg7[%get3A_2108, %get3A_2109] {strides = array<i32>} : memref<64x512xf32, #tpu.memory_space<vmem>>, vector<16xf32>,
      %slice3A_2111 = vector.extract_strided_slice %get3A_352 {offsets = [10], sizes = [1], strides = [1]} : vector<16xf32> to vector<1xf32>
      %squeeze3A_2112 = vector.extract %slice3A_2111[0] : f32 from vector<1xf32>
      %sub3A_2113 = vector.broadcast %squeeze3A_2112 : f32 to vector<16xf32>
      %sub3A_2114 = arith.subf %get3A_2110, %sub3A_2113 : vector<16xf32>
      %mul3A_2115 = arith.mulf %sub3A_2114, %sub3A_2114 : vector<16xf32>
      %add3A_2116 = arith.addf %add3A_2106, %mul3A_2115 : vector<16xf32>
      %get3A_2117 = arith.constant 59 : i32
      %get3A_2118 = arith.index_cast %get3A_2117 : i32 to index
      %get3A_2119 = arith.index_cast %add3A_1524 : i32 to index
      %get3A_2120 = tpu.vector_load %arg7[%get3A_2118, %get3A_2119] {strides = array<i32>} : memref<64x512xf32, #tpu.memory_space<vmem>>, vector<16xf32>,
      %slice3A_2121 = vector.extract_strided_slice %get3A_352 {offsets = [11], sizes = [1], strides = [1]} : vector<16xf32> to vector<1xf32>
      %squeeze3A_2122 = vector.extract %slice3A_2121[0] : f32 from vector<1xf32>
      %sub3A_2123 = vector.broadcast %squeeze3A_2122 : f32 to vector<16xf32>
      %sub3A_2124 = arith.subf %get3A_2120, %sub3A_2123 : vector<16xf32>
      %mul3A_2125 = arith.mulf %sub3A_2124, %sub3A_2124 : vector<16xf32>
      %add3A_2126 = arith.addf %add3A_2116, %mul3A_2125 : vector<16xf32>
      %get3A_2127 = arith.constant 60 : i32
      %get3A_2128 = arith.index_cast %get3A_2127 : i32 to index
      %get3A_2129 = arith.index_cast %add3A_1524 : i32 to index
      %get3A_2130 = tpu.vector_load %arg7[%get3A_2128, %get3A_2129] {strides = array<i32>} : memref<64x512xf32, #tpu.memory_space<vmem>>, vector<16xf32>,
      %slice3A_2131 = vector.extract_strided_slice %get3A_352 {offsets = [12], sizes = [1], strides = [1]} : vector<16xf32> to vector<1xf32>
      %squeeze3A_2132 = vector.extract %slice3A_2131[0] : f32 from vector<1xf32>
      %sub3A_2133 = vector.broadcast %squeeze3A_2132 : f32 to vector<16xf32>
      %sub3A_2134 = arith.subf %get3A_2130, %sub3A_2133 : vector<16xf32>
      %mul3A_2135 = arith.mulf %sub3A_2134, %sub3A_2134 : vector<16xf32>
      %add3A_2136 = arith.addf %add3A_2126, %mul3A_2135 : vector<16xf32>
      %get3A_2137 = arith.constant 61 : i32
      %get3A_2138 = arith.index_cast %get3A_2137 : i32 to index
      %get3A_2139 = arith.index_cast %add3A_1524 : i32 to index
      %get3A_2140 = tpu.vector_load %arg7[%get3A_2138, %get3A_2139] {strides = array<i32>} : memref<64x512xf32, #tpu.memory_space<vmem>>, vector<16xf32>,
      %slice3A_2141 = vector.extract_strided_slice %get3A_352 {offsets = [13], sizes = [1], strides = [1]} : vector<16xf32> to vector<1xf32>
      %squeeze3A_2142 = vector.extract %slice3A_2141[0] : f32 from vector<1xf32>
      %sub3A_2143 = vector.broadcast %squeeze3A_2142 : f32 to vector<16xf32>
      %sub3A_2144 = arith.subf %get3A_2140, %sub3A_2143 : vector<16xf32>
      %mul3A_2145 = arith.mulf %sub3A_2144, %sub3A_2144 : vector<16xf32>
      %add3A_2146 = arith.addf %add3A_2136, %mul3A_2145 : vector<16xf32>
      %get3A_2147 = arith.constant 62 : i32
      %get3A_2148 = arith.index_cast %get3A_2147 : i32 to index
      %get3A_2149 = arith.index_cast %add3A_1524 : i32 to index
      %get3A_2150 = tpu.vector_load %arg7[%get3A_2148, %get3A_2149] {strides = array<i32>} : memref<64x512xf32, #tpu.memory_space<vmem>>, vector<16xf32>,
      %slice3A_2151 = vector.extract_strided_slice %get3A_352 {offsets = [14], sizes = [1], strides = [1]} : vector<16xf32> to vector<1xf32>
      %squeeze3A_2152 = vector.extract %slice3A_2151[0] : f32 from vector<1xf32>
      %sub3A_2153 = vector.broadcast %squeeze3A_2152 : f32 to vector<16xf32>
      %sub3A_2154 = arith.subf %get3A_2150, %sub3A_2153 : vector<16xf32>
      %mul3A_2155 = arith.mulf %sub3A_2154, %sub3A_2154 : vector<16xf32>
      %add3A_2156 = arith.addf %add3A_2146, %mul3A_2155 : vector<16xf32>
      %get3A_2157 = arith.constant 63 : i32
      %get3A_2158 = arith.index_cast %get3A_2157 : i32 to index
      %get3A_2159 = arith.index_cast %add3A_1524 : i32 to index
      %get3A_2160 = tpu.vector_load %arg7[%get3A_2158, %get3A_2159] {strides = array<i32>} : memref<64x512xf32, #tpu.memory_space<vmem>>, vector<16xf32>,
      %slice3A_2161 = vector.extract_strided_slice %get3A_352 {offsets = [15], sizes = [1], strides = [1]} : vector<16xf32> to vector<1xf32>
      %squeeze3A_2162 = vector.extract %slice3A_2161[0] : f32 from vector<1xf32>
      %sub3A_2163 = vector.broadcast %squeeze3A_2162 : f32 to vector<16xf32>
      %sub3A_2164 = arith.subf %get3A_2160, %sub3A_2163 : vector<16xf32>
      %mul3A_2165 = arith.mulf %sub3A_2164, %sub3A_2164 : vector<16xf32>
      %add3A_2166 = arith.addf %add3A_2156, %mul3A_2165 : vector<16xf32>
      %swap3A_2167 = arith.index_cast %add3A_1524 : i32 to index
      %swap3A_2168 = tpu.vector_load %arg12[%swap3A_2167] {strides = array<i32>} : memref<512xf32, #tpu.memory_space<vmem>>, vector<16xf32>,
      tpu.vector_store %arg12[%swap3A_2167], %add3A_2166 {strides = array<i32>} : memref<512xf32, #tpu.memory_space<vmem>>, vector<16xf32>,
      %get3A_2169 = arith.index_cast %add3A_1524 : i32 to index
      %get3A_2170 = tpu.vector_load %arg11[%get3A_2169] {strides = array<i32>} : memref<512xi32, #tpu.memory_space<vmem>>, vector<16xi32>,
      %slice3A_2171 = vector.extract_strided_slice %get3A_2170 {offsets = [0], sizes = [1], strides = [1]} : vector<16xi32> to vector<1xi32>
      %squeeze3A_2172 = vector.extract %slice3A_2171[0] : i32 from vector<1xi32>
      %eq3A_2173 = vector.broadcast %squeeze3A_2172 : i32 to vector<16xi32>
      %eq3A_2174 = arith.cmpi eq, %iota3A, %eq3A_2173 : vector<16xi32>
      %convert_element_type3A_2175 = arith.extui %eq3A_2174 : vector<16xi1> to vector<16xi32>
      %add3A_2176 = arith.addi %add3A_1512, %convert_element_type3A_2175 : vector<16xi32>
      %le3A_2177 = arith.constant 15 : i32
      %le3A_2178 = vector.broadcast %le3A_2177 : i32 to vector<16xi32>
      %le3A_2179 = arith.cmpi sle, %add3A_2176, %le3A_2178 : vector<16xi32>
      %and3A_2180 = arith.andi %eq3A_2174, %le3A_2179 : vector<16xi1>
      %slice3A_2181 = vector.extract_strided_slice %add3A_2166 {offsets = [0], sizes = [1], strides = [1]} : vector<16xf32> to vector<1xf32>
      %squeeze3A_2182 = vector.extract %slice3A_2181[0] : f32 from vector<1xf32>
      %max3A_2183 = vector.broadcast %squeeze3A_2182 : f32 to vector<16xf32>
      %max3A_2184 = arith.maximumf %select_n3A_1521, %max3A_2183 : vector<16xf32>
      %select_n3A_2185 = arith.select %and3A_2180, %max3A_2184, %select_n3A_1521 : vector<16xi1>, vector<16xf32>
      %slice3A_2186 = vector.extract_strided_slice %get3A_2170 {offsets = [1], sizes = [1], strides = [1]} : vector<16xi32> to vector<1xi32>
      %squeeze3A_2187 = vector.extract %slice3A_2186[0] : i32 from vector<1xi32>
      %eq3A_2188 = vector.broadcast %squeeze3A_2187 : i32 to vector<16xi32>
      %eq3A_2189 = arith.cmpi eq, %iota3A, %eq3A_2188 : vector<16xi32>
      %convert_element_type3A_2190 = arith.extui %eq3A_2189 : vector<16xi1> to vector<16xi32>
      %add3A_2191 = arith.addi %add3A_2176, %convert_element_type3A_2190 : vector<16xi32>
      %le3A_2192 = arith.constant 15 : i32
      %le3A_2193 = vector.broadcast %le3A_2192 : i32 to vector<16xi32>
      %le3A_2194 = arith.cmpi sle, %add3A_2191, %le3A_2193 : vector<16xi32>
      %and3A_2195 = arith.andi %eq3A_2189, %le3A_2194 : vector<16xi1>
      %slice3A_2196 = vector.extract_strided_slice %add3A_2166 {offsets = [1], sizes = [1], strides = [1]} : vector<16xf32> to vector<1xf32>
      %squeeze3A_2197 = vector.extract %slice3A_2196[0] : f32 from vector<1xf32>
      %max3A_2198 = vector.broadcast %squeeze3A_2197 : f32 to vector<16xf32>
      %max3A_2199 = arith.maximumf %select_n3A_2185, %max3A_2198 : vector<16xf32>
      %select_n3A_2200 = arith.select %and3A_2195, %max3A_2199, %select_n3A_2185 : vector<16xi1>, vector<16xf32>
      %slice3A_2201 = vector.extract_strided_slice %get3A_2170 {offsets = [2], sizes = [1], strides = [1]} : vector<16xi32> to vector<1xi32>
      %squeeze3A_2202 = vector.extract %slice3A_2201[0] : i32 from vector<1xi32>
      %eq3A_2203 = vector.broadcast %squeeze3A_2202 : i32 to vector<16xi32>
      %eq3A_2204 = arith.cmpi eq, %iota3A, %eq3A_2203 : vector<16xi32>
      %convert_element_type3A_2205 = arith.extui %eq3A_2204 : vector<16xi1> to vector<16xi32>
      %add3A_2206 = arith.addi %add3A_2191, %convert_element_type3A_2205 : vector<16xi32>
      %le3A_2207 = arith.constant 15 : i32
      %le3A_2208 = vector.broadcast %le3A_2207 : i32 to vector<16xi32>
      %le3A_2209 = arith.cmpi sle, %add3A_2206, %le3A_2208 : vector<16xi32>
      %and3A_2210 = arith.andi %eq3A_2204, %le3A_2209 : vector<16xi1>
      %slice3A_2211 = vector.extract_strided_slice %add3A_2166 {offsets = [2], sizes = [1], strides = [1]} : vector<16xf32> to vector<1xf32>
      %squeeze3A_2212 = vector.extract %slice3A_2211[0] : f32 from vector<1xf32>
      %max3A_2213 = vector.broadcast %squeeze3A_2212 : f32 to vector<16xf32>
      %max3A_2214 = arith.maximumf %select_n3A_2200, %max3A_2213 : vector<16xf32>
      %select_n3A_2215 = arith.select %and3A_2210, %max3A_2214, %select_n3A_2200 : vector<16xi1>, vector<16xf32>
      %slice3A_2216 = vector.extract_strided_slice %get3A_2170 {offsets = [3], sizes = [1], strides = [1]} : vector<16xi32> to vector<1xi32>
      %squeeze3A_2217 = vector.extract %slice3A_2216[0] : i32 from vector<1xi32>
      %eq3A_2218 = vector.broadcast %squeeze3A_2217 : i32 to vector<16xi32>
      %eq3A_2219 = arith.cmpi eq, %iota3A, %eq3A_2218 : vector<16xi32>
      %convert_element_type3A_2220 = arith.extui %eq3A_2219 : vector<16xi1> to vector<16xi32>
      %add3A_2221 = arith.addi %add3A_2206, %convert_element_type3A_2220 : vector<16xi32>
      %le3A_2222 = arith.constant 15 : i32
      %le3A_2223 = vector.broadcast %le3A_2222 : i32 to vector<16xi32>
      %le3A_2224 = arith.cmpi sle, %add3A_2221, %le3A_2223 : vector<16xi32>
      %and3A_2225 = arith.andi %eq3A_2219, %le3A_2224 : vector<16xi1>
      %slice3A_2226 = vector.extract_strided_slice %add3A_2166 {offsets = [3], sizes = [1], strides = [1]} : vector<16xf32> to vector<1xf32>
      %squeeze3A_2227 = vector.extract %slice3A_2226[0] : f32 from vector<1xf32>
      %max3A_2228 = vector.broadcast %squeeze3A_2227 : f32 to vector<16xf32>
      %max3A_2229 = arith.maximumf %select_n3A_2215, %max3A_2228 : vector<16xf32>
      %select_n3A_2230 = arith.select %and3A_2225, %max3A_2229, %select_n3A_2215 : vector<16xi1>, vector<16xf32>
      %slice3A_2231 = vector.extract_strided_slice %get3A_2170 {offsets = [4], sizes = [1], strides = [1]} : vector<16xi32> to vector<1xi32>
      %squeeze3A_2232 = vector.extract %slice3A_2231[0] : i32 from vector<1xi32>
      %eq3A_2233 = vector.broadcast %squeeze3A_2232 : i32 to vector<16xi32>
      %eq3A_2234 = arith.cmpi eq, %iota3A, %eq3A_2233 : vector<16xi32>
      %convert_element_type3A_2235 = arith.extui %eq3A_2234 : vector<16xi1> to vector<16xi32>
      %add3A_2236 = arith.addi %add3A_2221, %convert_element_type3A_2235 : vector<16xi32>
      %le3A_2237 = arith.constant 15 : i32
      %le3A_2238 = vector.broadcast %le3A_2237 : i32 to vector<16xi32>
      %le3A_2239 = arith.cmpi sle, %add3A_2236, %le3A_2238 : vector<16xi32>
      %and3A_2240 = arith.andi %eq3A_2234, %le3A_2239 : vector<16xi1>
      %slice3A_2241 = vector.extract_strided_slice %add3A_2166 {offsets = [4], sizes = [1], strides = [1]} : vector<16xf32> to vector<1xf32>
      %squeeze3A_2242 = vector.extract %slice3A_2241[0] : f32 from vector<1xf32>
      %max3A_2243 = vector.broadcast %squeeze3A_2242 : f32 to vector<16xf32>
      %max3A_2244 = arith.maximumf %select_n3A_2230, %max3A_2243 : vector<16xf32>
      %select_n3A_2245 = arith.select %and3A_2240, %max3A_2244, %select_n3A_2230 : vector<16xi1>, vector<16xf32>
      %slice3A_2246 = vector.extract_strided_slice %get3A_2170 {offsets = [5], sizes = [1], strides = [1]} : vector<16xi32> to vector<1xi32>
      %squeeze3A_2247 = vector.extract %slice3A_2246[0] : i32 from vector<1xi32>
      %eq3A_2248 = vector.broadcast %squeeze3A_2247 : i32 to vector<16xi32>
      %eq3A_2249 = arith.cmpi eq, %iota3A, %eq3A_2248 : vector<16xi32>
      %convert_element_type3A_2250 = arith.extui %eq3A_2249 : vector<16xi1> to vector<16xi32>
      %add3A_2251 = arith.addi %add3A_2236, %convert_element_type3A_2250 : vector<16xi32>
      %le3A_2252 = arith.constant 15 : i32
      %le3A_2253 = vector.broadcast %le3A_2252 : i32 to vector<16xi32>
      %le3A_2254 = arith.cmpi sle, %add3A_2251, %le3A_2253 : vector<16xi32>
      %and3A_2255 = arith.andi %eq3A_2249, %le3A_2254 : vector<16xi1>
      %slice3A_2256 = vector.extract_strided_slice %add3A_2166 {offsets = [5], sizes = [1], strides = [1]} : vector<16xf32> to vector<1xf32>
      %squeeze3A_2257 = vector.extract %slice3A_2256[0] : f32 from vector<1xf32>
      %max3A_2258 = vector.broadcast %squeeze3A_2257 : f32 to vector<16xf32>
      %max3A_2259 = arith.maximumf %select_n3A_2245, %max3A_2258 : vector<16xf32>
      %select_n3A_2260 = arith.select %and3A_2255, %max3A_2259, %select_n3A_2245 : vector<16xi1>, vector<16xf32>
      %slice3A_2261 = vector.extract_strided_slice %get3A_2170 {offsets = [6], sizes = [1], strides = [1]} : vector<16xi32> to vector<1xi32>
      %squeeze3A_2262 = vector.extract %slice3A_2261[0] : i32 from vector<1xi32>
      %eq3A_2263 = vector.broadcast %squeeze3A_2262 : i32 to vector<16xi32>
      %eq3A_2264 = arith.cmpi eq, %iota3A, %eq3A_2263 : vector<16xi32>
      %convert_element_type3A_2265 = arith.extui %eq3A_2264 : vector<16xi1> to vector<16xi32>
      %add3A_2266 = arith.addi %add3A_2251, %convert_element_type3A_2265 : vector<16xi32>
      %le3A_2267 = arith.constant 15 : i32
      %le3A_2268 = vector.broadcast %le3A_2267 : i32 to vector<16xi32>
      %le3A_2269 = arith.cmpi sle, %add3A_2266, %le3A_2268 : vector<16xi32>
      %and3A_2270 = arith.andi %eq3A_2264, %le3A_2269 : vector<16xi1>
      %slice3A_2271 = vector.extract_strided_slice %add3A_2166 {offsets = [6], sizes = [1], strides = [1]} : vector<16xf32> to vector<1xf32>
      %squeeze3A_2272 = vector.extract %slice3A_2271[0] : f32 from vector<1xf32>
      %max3A_2273 = vector.broadcast %squeeze3A_2272 : f32 to vector<16xf32>
      %max3A_2274 = arith.maximumf %select_n3A_2260, %max3A_2273 : vector<16xf32>
      %select_n3A_2275 = arith.select %and3A_2270, %max3A_2274, %select_n3A_2260 : vector<16xi1>, vector<16xf32>
      %slice3A_2276 = vector.extract_strided_slice %get3A_2170 {offsets = [7], sizes = [1], strides = [1]} : vector<16xi32> to vector<1xi32>
      %squeeze3A_2277 = vector.extract %slice3A_2276[0] : i32 from vector<1xi32>
      %eq3A_2278 = vector.broadcast %squeeze3A_2277 : i32 to vector<16xi32>
      %eq3A_2279 = arith.cmpi eq, %iota3A, %eq3A_2278 : vector<16xi32>
      %convert_element_type3A_2280 = arith.extui %eq3A_2279 : vector<16xi1> to vector<16xi32>
      %add3A_2281 = arith.addi %add3A_2266, %convert_element_type3A_2280 : vector<16xi32>
      %le3A_2282 = arith.constant 15 : i32
      %le3A_2283 = vector.broadcast %le3A_2282 : i32 to vector<16xi32>
      %le3A_2284 = arith.cmpi sle, %add3A_2281, %le3A_2283 : vector<16xi32>
      %and3A_2285 = arith.andi %eq3A_2279, %le3A_2284 : vector<16xi1>
      %slice3A_2286 = vector.extract_strided_slice %add3A_2166 {offsets = [7], sizes = [1], strides = [1]} : vector<16xf32> to vector<1xf32>
      %squeeze3A_2287 = vector.extract %slice3A_2286[0] : f32 from vector<1xf32>
      %max3A_2288 = vector.broadcast %squeeze3A_2287 : f32 to vector<16xf32>
      %max3A_2289 = arith.maximumf %select_n3A_2275, %max3A_2288 : vector<16xf32>
      %select_n3A_2290 = arith.select %and3A_2285, %max3A_2289, %select_n3A_2275 : vector<16xi1>, vector<16xf32>
      %slice3A_2291 = vector.extract_strided_slice %get3A_2170 {offsets = [8], sizes = [1], strides = [1]} : vector<16xi32> to vector<1xi32>
      %squeeze3A_2292 = vector.extract %slice3A_2291[0] : i32 from vector<1xi32>
      %eq3A_2293 = vector.broadcast %squeeze3A_2292 : i32 to vector<16xi32>
      %eq3A_2294 = arith.cmpi eq, %iota3A, %eq3A_2293 : vector<16xi32>
      %convert_element_type3A_2295 = arith.extui %eq3A_2294 : vector<16xi1> to vector<16xi32>
      %add3A_2296 = arith.addi %add3A_2281, %convert_element_type3A_2295 : vector<16xi32>
      %le3A_2297 = arith.constant 15 : i32
      %le3A_2298 = vector.broadcast %le3A_2297 : i32 to vector<16xi32>
      %le3A_2299 = arith.cmpi sle, %add3A_2296, %le3A_2298 : vector<16xi32>
      %and3A_2300 = arith.andi %eq3A_2294, %le3A_2299 : vector<16xi1>
      %slice3A_2301 = vector.extract_strided_slice %add3A_2166 {offsets = [8], sizes = [1], strides = [1]} : vector<16xf32> to vector<1xf32>
      %squeeze3A_2302 = vector.extract %slice3A_2301[0] : f32 from vector<1xf32>
      %max3A_2303 = vector.broadcast %squeeze3A_2302 : f32 to vector<16xf32>
      %max3A_2304 = arith.maximumf %select_n3A_2290, %max3A_2303 : vector<16xf32>
      %select_n3A_2305 = arith.select %and3A_2300, %max3A_2304, %select_n3A_2290 : vector<16xi1>, vector<16xf32>
      %slice3A_2306 = vector.extract_strided_slice %get3A_2170 {offsets = [9], sizes = [1], strides = [1]} : vector<16xi32> to vector<1xi32>
      %squeeze3A_2307 = vector.extract %slice3A_2306[0] : i32 from vector<1xi32>
      %eq3A_2308 = vector.broadcast %squeeze3A_2307 : i32 to vector<16xi32>
      %eq3A_2309 = arith.cmpi eq, %iota3A, %eq3A_2308 : vector<16xi32>
      %convert_element_type3A_2310 = arith.extui %eq3A_2309 : vector<16xi1> to vector<16xi32>
      %add3A_2311 = arith.addi %add3A_2296, %convert_element_type3A_2310 : vector<16xi32>
      %le3A_2312 = arith.constant 15 : i32
      %le3A_2313 = vector.broadcast %le3A_2312 : i32 to vector<16xi32>
      %le3A_2314 = arith.cmpi sle, %add3A_2311, %le3A_2313 : vector<16xi32>
      %and3A_2315 = arith.andi %eq3A_2309, %le3A_2314 : vector<16xi1>
      %slice3A_2316 = vector.extract_strided_slice %add3A_2166 {offsets = [9], sizes = [1], strides = [1]} : vector<16xf32> to vector<1xf32>
      %squeeze3A_2317 = vector.extract %slice3A_2316[0] : f32 from vector<1xf32>
      %max3A_2318 = vector.broadcast %squeeze3A_2317 : f32 to vector<16xf32>
      %max3A_2319 = arith.maximumf %select_n3A_2305, %max3A_2318 : vector<16xf32>
      %select_n3A_2320 = arith.select %and3A_2315, %max3A_2319, %select_n3A_2305 : vector<16xi1>, vector<16xf32>
      %slice3A_2321 = vector.extract_strided_slice %get3A_2170 {offsets = [10], sizes = [1], strides = [1]} : vector<16xi32> to vector<1xi32>
      %squeeze3A_2322 = vector.extract %slice3A_2321[0] : i32 from vector<1xi32>
      %eq3A_2323 = vector.broadcast %squeeze3A_2322 : i32 to vector<16xi32>
      %eq3A_2324 = arith.cmpi eq, %iota3A, %eq3A_2323 : vector<16xi32>
      %convert_element_type3A_2325 = arith.extui %eq3A_2324 : vector<16xi1> to vector<16xi32>
      %add3A_2326 = arith.addi %add3A_2311, %convert_element_type3A_2325 : vector<16xi32>
      %le3A_2327 = arith.constant 15 : i32
      %le3A_2328 = vector.broadcast %le3A_2327 : i32 to vector<16xi32>
      %le3A_2329 = arith.cmpi sle, %add3A_2326, %le3A_2328 : vector<16xi32>
      %and3A_2330 = arith.andi %eq3A_2324, %le3A_2329 : vector<16xi1>
      %slice3A_2331 = vector.extract_strided_slice %add3A_2166 {offsets = [10], sizes = [1], strides = [1]} : vector<16xf32> to vector<1xf32>
      %squeeze3A_2332 = vector.extract %slice3A_2331[0] : f32 from vector<1xf32>
      %max3A_2333 = vector.broadcast %squeeze3A_2332 : f32 to vector<16xf32>
      %max3A_2334 = arith.maximumf %select_n3A_2320, %max3A_2333 : vector<16xf32>
      %select_n3A_2335 = arith.select %and3A_2330, %max3A_2334, %select_n3A_2320 : vector<16xi1>, vector<16xf32>
      %slice3A_2336 = vector.extract_strided_slice %get3A_2170 {offsets = [11], sizes = [1], strides = [1]} : vector<16xi32> to vector<1xi32>
      %squeeze3A_2337 = vector.extract %slice3A_2336[0] : i32 from vector<1xi32>
      %eq3A_2338 = vector.broadcast %squeeze3A_2337 : i32 to vector<16xi32>
      %eq3A_2339 = arith.cmpi eq, %iota3A, %eq3A_2338 : vector<16xi32>
      %convert_element_type3A_2340 = arith.extui %eq3A_2339 : vector<16xi1> to vector<16xi32>
      %add3A_2341 = arith.addi %add3A_2326, %convert_element_type3A_2340 : vector<16xi32>
      %le3A_2342 = arith.constant 15 : i32
      %le3A_2343 = vector.broadcast %le3A_2342 : i32 to vector<16xi32>
      %le3A_2344 = arith.cmpi sle, %add3A_2341, %le3A_2343 : vector<16xi32>
      %and3A_2345 = arith.andi %eq3A_2339, %le3A_2344 : vector<16xi1>
      %slice3A_2346 = vector.extract_strided_slice %add3A_2166 {offsets = [11], sizes = [1], strides = [1]} : vector<16xf32> to vector<1xf32>
      %squeeze3A_2347 = vector.extract %slice3A_2346[0] : f32 from vector<1xf32>
      %max3A_2348 = vector.broadcast %squeeze3A_2347 : f32 to vector<16xf32>
      %max3A_2349 = arith.maximumf %select_n3A_2335, %max3A_2348 : vector<16xf32>
      %select_n3A_2350 = arith.select %and3A_2345, %max3A_2349, %select_n3A_2335 : vector<16xi1>, vector<16xf32>
      %slice3A_2351 = vector.extract_strided_slice %get3A_2170 {offsets = [12], sizes = [1], strides = [1]} : vector<16xi32> to vector<1xi32>
      %squeeze3A_2352 = vector.extract %slice3A_2351[0] : i32 from vector<1xi32>
      %eq3A_2353 = vector.broadcast %squeeze3A_2352 : i32 to vector<16xi32>
      %eq3A_2354 = arith.cmpi eq, %iota3A, %eq3A_2353 : vector<16xi32>
      %convert_element_type3A_2355 = arith.extui %eq3A_2354 : vector<16xi1> to vector<16xi32>
      %add3A_2356 = arith.addi %add3A_2341, %convert_element_type3A_2355 : vector<16xi32>
      %le3A_2357 = arith.constant 15 : i32
      %le3A_2358 = vector.broadcast %le3A_2357 : i32 to vector<16xi32>
      %le3A_2359 = arith.cmpi sle, %add3A_2356, %le3A_2358 : vector<16xi32>
      %and3A_2360 = arith.andi %eq3A_2354, %le3A_2359 : vector<16xi1>
      %slice3A_2361 = vector.extract_strided_slice %add3A_2166 {offsets = [12], sizes = [1], strides = [1]} : vector<16xf32> to vector<1xf32>
      %squeeze3A_2362 = vector.extract %slice3A_2361[0] : f32 from vector<1xf32>
      %max3A_2363 = vector.broadcast %squeeze3A_2362 : f32 to vector<16xf32>
      %max3A_2364 = arith.maximumf %select_n3A_2350, %max3A_2363 : vector<16xf32>
      %select_n3A_2365 = arith.select %and3A_2360, %max3A_2364, %select_n3A_2350 : vector<16xi1>, vector<16xf32>
      %slice3A_2366 = vector.extract_strided_slice %get3A_2170 {offsets = [13], sizes = [1], strides = [1]} : vector<16xi32> to vector<1xi32>
      %squeeze3A_2367 = vector.extract %slice3A_2366[0] : i32 from vector<1xi32>
      %eq3A_2368 = vector.broadcast %squeeze3A_2367 : i32 to vector<16xi32>
      %eq3A_2369 = arith.cmpi eq, %iota3A, %eq3A_2368 : vector<16xi32>
      %convert_element_type3A_2370 = arith.extui %eq3A_2369 : vector<16xi1> to vector<16xi32>
      %add3A_2371 = arith.addi %add3A_2356, %convert_element_type3A_2370 : vector<16xi32>
      %le3A_2372 = arith.constant 15 : i32
      %le3A_2373 = vector.broadcast %le3A_2372 : i32 to vector<16xi32>
      %le3A_2374 = arith.cmpi sle, %add3A_2371, %le3A_2373 : vector<16xi32>
      %and3A_2375 = arith.andi %eq3A_2369, %le3A_2374 : vector<16xi1>
      %slice3A_2376 = vector.extract_strided_slice %add3A_2166 {offsets = [13], sizes = [1], strides = [1]} : vector<16xf32> to vector<1xf32>
      %squeeze3A_2377 = vector.extract %slice3A_2376[0] : f32 from vector<1xf32>
      %max3A_2378 = vector.broadcast %squeeze3A_2377 : f32 to vector<16xf32>
      %max3A_2379 = arith.maximumf %select_n3A_2365, %max3A_2378 : vector<16xf32>
      %select_n3A_2380 = arith.select %and3A_2375, %max3A_2379, %select_n3A_2365 : vector<16xi1>, vector<16xf32>
      %slice3A_2381 = vector.extract_strided_slice %get3A_2170 {offsets = [14], sizes = [1], strides = [1]} : vector<16xi32> to vector<1xi32>
      %squeeze3A_2382 = vector.extract %slice3A_2381[0] : i32 from vector<1xi32>
      %eq3A_2383 = vector.broadcast %squeeze3A_2382 : i32 to vector<16xi32>
      %eq3A_2384 = arith.cmpi eq, %iota3A, %eq3A_2383 : vector<16xi32>
      %convert_element_type3A_2385 = arith.extui %eq3A_2384 : vector<16xi1> to vector<16xi32>
      %add3A_2386 = arith.addi %add3A_2371, %convert_element_type3A_2385 : vector<16xi32>
      %le3A_2387 = arith.constant 15 : i32
      %le3A_2388 = vector.broadcast %le3A_2387 : i32 to vector<16xi32>
      %le3A_2389 = arith.cmpi sle, %add3A_2386, %le3A_2388 : vector<16xi32>
      %and3A_2390 = arith.andi %eq3A_2384, %le3A_2389 : vector<16xi1>
      %slice3A_2391 = vector.extract_strided_slice %add3A_2166 {offsets = [14], sizes = [1], strides = [1]} : vector<16xf32> to vector<1xf32>
      %squeeze3A_2392 = vector.extract %slice3A_2391[0] : f32 from vector<1xf32>
      %max3A_2393 = vector.broadcast %squeeze3A_2392 : f32 to vector<16xf32>
      %max3A_2394 = arith.maximumf %select_n3A_2380, %max3A_2393 : vector<16xf32>
      %select_n3A_2395 = arith.select %and3A_2390, %max3A_2394, %select_n3A_2380 : vector<16xi1>, vector<16xf32>
      %slice3A_2396 = vector.extract_strided_slice %get3A_2170 {offsets = [15], sizes = [1], strides = [1]} : vector<16xi32> to vector<1xi32>
      %squeeze3A_2397 = vector.extract %slice3A_2396[0] : i32 from vector<1xi32>
      %eq3A_2398 = vector.broadcast %squeeze3A_2397 : i32 to vector<16xi32>
      %eq3A_2399 = arith.cmpi eq, %iota3A, %eq3A_2398 : vector<16xi32>
      %convert_element_type3A_2400 = arith.extui %eq3A_2399 : vector<16xi1> to vector<16xi32>
      %add3A_2401 = arith.addi %add3A_2386, %convert_element_type3A_2400 : vector<16xi32>
      %le3A_2402 = arith.constant 15 : i32
      %le3A_2403 = vector.broadcast %le3A_2402 : i32 to vector<16xi32>
      %le3A_2404 = arith.cmpi sle, %add3A_2401, %le3A_2403 : vector<16xi32>
      %and3A_2405 = arith.andi %eq3A_2399, %le3A_2404 : vector<16xi1>
      %slice3A_2406 = vector.extract_strided_slice %add3A_2166 {offsets = [15], sizes = [1], strides = [1]} : vector<16xf32> to vector<1xf32>
      %squeeze3A_2407 = vector.extract %slice3A_2406[0] : f32 from vector<1xf32>
      %max3A_2408 = vector.broadcast %squeeze3A_2407 : f32 to vector<16xf32>
      %max3A_2409 = arith.maximumf %select_n3A_2395, %max3A_2408 : vector<16xf32>
      %select_n3A_2410 = arith.select %and3A_2405, %max3A_2409, %select_n3A_2395 : vector<16xi1>, vector<16xf32>
      %add3A_2411 = arith.addf %add3A_1522, %add3A_2166 : vector<16xf32>
      scf.yield %add3A_2401, %select_n3A_2410, %add3A_2411 : vector<16xi32>, vector<16xf32>, vector<16xf32>
    }
    %scan3A_364 = arith.constant 16 : i32
    %reduce_sum3A_365 = arith.constant true
    %reduce_sum3A_366 = vector.broadcast %reduce_sum3A_365 : i1 to vector<16xi1>
    %reduce_sum3A_367 = tpu.scan <sum>, %scan3A_363#2 masked %reduce_sum3A_366 : vector<16xf32>, vector<16xi1> -> vector<16xf32>
    %reduce_sum3A_368 = vector.extract %reduce_sum3A_367[15] : f32 from vector<16xf32>
    %add3A_369 = arith.addf %add3A_88, %reduce_sum3A_368 : f32
    %get3A_370 = arith.constant 0 : index
    %get3A_371 = tpu.vector_load %arg11[%get3A_370] {strides = array<i32>} : memref<512xi32, #tpu.memory_space<vmem>>, vector<16xi32>,
    %get3A_372 = arith.constant 0 : index
    %get3A_373 = tpu.vector_load %arg12[%get3A_372] {strides = array<i32>} : memref<512xf32, #tpu.memory_space<vmem>>, vector<16xf32>,
    %sub3A_374 = arith.constant 15 : i32
    %sub3A_375 = vector.broadcast %sub3A_374 : i32 to vector<16xi32>
    %sub3A_376 = arith.subi %sub3A_375, %scan3A_363#0 : vector<16xi32>
    %gt3A_377 = arith.constant 0 : i32
    %gt3A_378 = vector.broadcast %gt3A_377 : i32 to vector<16xi32>
    %gt3A_379 = arith.cmpi sgt, %scan3A_363#0, %gt3A_378 : vector<16xi32>
    %gt3A_380 = arith.constant 0 : i32
    %gt3A_381 = vector.broadcast %gt3A_380 : i32 to vector<16xi32>
    %gt3A_382 = arith.cmpi sgt, %sub3A_376, %gt3A_381 : vector<16xi32>
    %and3A_383 = arith.andi %gt3A_379, %gt3A_382 : vector<16xi1>
    %broadcast_in_dim3A_384 = arith.constant 0 : i32
    %broadcast_in_dim3A_385 = vector.broadcast %broadcast_in_dim3A_384 : i32 to vector<16xi32>
    %slice3A_386 = vector.extract_strided_slice %get3A_371 {offsets = [0], sizes = [1], strides = [1]} : vector<16xi32> to vector<1xi32>
    %squeeze3A_387 = vector.extract %slice3A_386[0] : i32 from vector<1xi32>
    %ne3A_388 = vector.broadcast %squeeze3A_387 : i32 to vector<16xi32>
    %ne3A_389 = arith.cmpi ne, %iota3A, %ne3A_388 : vector<16xi32>
    %convert_element_type3A_390 = arith.extui %ne3A_389 : vector<16xi1> to vector<16xi32>
    %add3A_391 = arith.addi %broadcast_in_dim3A_385, %convert_element_type3A_390 : vector<16xi32>
    %le3A_392 = arith.cmpi sle, %add3A_391, %sub3A_376 : vector<16xi32>
    %and3A_393 = arith.andi %ne3A_389, %le3A_392 : vector<16xi1>
    %and3A_394 = arith.andi %and3A_383, %and3A_393 : vector<16xi1>
    %slice3A_395 = vector.extract_strided_slice %get3A_373 {offsets = [0], sizes = [1], strides = [1]} : vector<16xf32> to vector<1xf32>
    %squeeze3A_396 = vector.extract %slice3A_395[0] : f32 from vector<1xf32>
    %max3A_397 = vector.broadcast %squeeze3A_396 : f32 to vector<16xf32>
    %max3A_398 = arith.maximumf %scan3A_363#1, %max3A_397 : vector<16xf32>
    %select_n3A_399 = arith.select %and3A_394, %max3A_398, %scan3A_363#1 : vector<16xi1>, vector<16xf32>
    %slice3A_400 = vector.extract_strided_slice %get3A_371 {offsets = [1], sizes = [1], strides = [1]} : vector<16xi32> to vector<1xi32>
    %squeeze3A_401 = vector.extract %slice3A_400[0] : i32 from vector<1xi32>
    %ne3A_402 = vector.broadcast %squeeze3A_401 : i32 to vector<16xi32>
    %ne3A_403 = arith.cmpi ne, %iota3A, %ne3A_402 : vector<16xi32>
    %convert_element_type3A_404 = arith.extui %ne3A_403 : vector<16xi1> to vector<16xi32>
    %add3A_405 = arith.addi %add3A_391, %convert_element_type3A_404 : vector<16xi32>
    %le3A_406 = arith.cmpi sle, %add3A_405, %sub3A_376 : vector<16xi32>
    %and3A_407 = arith.andi %ne3A_403, %le3A_406 : vector<16xi1>
    %and3A_408 = arith.andi %and3A_383, %and3A_407 : vector<16xi1>
    %slice3A_409 = vector.extract_strided_slice %get3A_373 {offsets = [1], sizes = [1], strides = [1]} : vector<16xf32> to vector<1xf32>
    %squeeze3A_410 = vector.extract %slice3A_409[0] : f32 from vector<1xf32>
    %max3A_411 = vector.broadcast %squeeze3A_410 : f32 to vector<16xf32>
    %max3A_412 = arith.maximumf %select_n3A_399, %max3A_411 : vector<16xf32>
    %select_n3A_413 = arith.select %and3A_408, %max3A_412, %select_n3A_399 : vector<16xi1>, vector<16xf32>
    %slice3A_414 = vector.extract_strided_slice %get3A_371 {offsets = [2], sizes = [1], strides = [1]} : vector<16xi32> to vector<1xi32>
    %squeeze3A_415 = vector.extract %slice3A_414[0] : i32 from vector<1xi32>
    %ne3A_416 = vector.broadcast %squeeze3A_415 : i32 to vector<16xi32>
    %ne3A_417 = arith.cmpi ne, %iota3A, %ne3A_416 : vector<16xi32>
    %convert_element_type3A_418 = arith.extui %ne3A_417 : vector<16xi1> to vector<16xi32>
    %add3A_419 = arith.addi %add3A_405, %convert_element_type3A_418 : vector<16xi32>
    %le3A_420 = arith.cmpi sle, %add3A_419, %sub3A_376 : vector<16xi32>
    %and3A_421 = arith.andi %ne3A_417, %le3A_420 : vector<16xi1>
    %and3A_422 = arith.andi %and3A_383, %and3A_421 : vector<16xi1>
    %slice3A_423 = vector.extract_strided_slice %get3A_373 {offsets = [2], sizes = [1], strides = [1]} : vector<16xf32> to vector<1xf32>
    %squeeze3A_424 = vector.extract %slice3A_423[0] : f32 from vector<1xf32>
    %max3A_425 = vector.broadcast %squeeze3A_424 : f32 to vector<16xf32>
    %max3A_426 = arith.maximumf %select_n3A_413, %max3A_425 : vector<16xf32>
    %select_n3A_427 = arith.select %and3A_422, %max3A_426, %select_n3A_413 : vector<16xi1>, vector<16xf32>
    %slice3A_428 = vector.extract_strided_slice %get3A_371 {offsets = [3], sizes = [1], strides = [1]} : vector<16xi32> to vector<1xi32>
    %squeeze3A_429 = vector.extract %slice3A_428[0] : i32 from vector<1xi32>
    %ne3A_430 = vector.broadcast %squeeze3A_429 : i32 to vector<16xi32>
    %ne3A_431 = arith.cmpi ne, %iota3A, %ne3A_430 : vector<16xi32>
    %convert_element_type3A_432 = arith.extui %ne3A_431 : vector<16xi1> to vector<16xi32>
    %add3A_433 = arith.addi %add3A_419, %convert_element_type3A_432 : vector<16xi32>
    %le3A_434 = arith.cmpi sle, %add3A_433, %sub3A_376 : vector<16xi32>
    %and3A_435 = arith.andi %ne3A_431, %le3A_434 : vector<16xi1>
    %and3A_436 = arith.andi %and3A_383, %and3A_435 : vector<16xi1>
    %slice3A_437 = vector.extract_strided_slice %get3A_373 {offsets = [3], sizes = [1], strides = [1]} : vector<16xf32> to vector<1xf32>
    %squeeze3A_438 = vector.extract %slice3A_437[0] : f32 from vector<1xf32>
    %max3A_439 = vector.broadcast %squeeze3A_438 : f32 to vector<16xf32>
    %max3A_440 = arith.maximumf %select_n3A_427, %max3A_439 : vector<16xf32>
    %select_n3A_441 = arith.select %and3A_436, %max3A_440, %select_n3A_427 : vector<16xi1>, vector<16xf32>
    %slice3A_442 = vector.extract_strided_slice %get3A_371 {offsets = [4], sizes = [1], strides = [1]} : vector<16xi32> to vector<1xi32>
    %squeeze3A_443 = vector.extract %slice3A_442[0] : i32 from vector<1xi32>
    %ne3A_444 = vector.broadcast %squeeze3A_443 : i32 to vector<16xi32>
    %ne3A_445 = arith.cmpi ne, %iota3A, %ne3A_444 : vector<16xi32>
    %convert_element_type3A_446 = arith.extui %ne3A_445 : vector<16xi1> to vector<16xi32>
    %add3A_447 = arith.addi %add3A_433, %convert_element_type3A_446 : vector<16xi32>
    %le3A_448 = arith.cmpi sle, %add3A_447, %sub3A_376 : vector<16xi32>
    %and3A_449 = arith.andi %ne3A_445, %le3A_448 : vector<16xi1>
    %and3A_450 = arith.andi %and3A_383, %and3A_449 : vector<16xi1>
    %slice3A_451 = vector.extract_strided_slice %get3A_373 {offsets = [4], sizes = [1], strides = [1]} : vector<16xf32> to vector<1xf32>
    %squeeze3A_452 = vector.extract %slice3A_451[0] : f32 from vector<1xf32>
    %max3A_453 = vector.broadcast %squeeze3A_452 : f32 to vector<16xf32>
    %max3A_454 = arith.maximumf %select_n3A_441, %max3A_453 : vector<16xf32>
    %select_n3A_455 = arith.select %and3A_450, %max3A_454, %select_n3A_441 : vector<16xi1>, vector<16xf32>
    %slice3A_456 = vector.extract_strided_slice %get3A_371 {offsets = [5], sizes = [1], strides = [1]} : vector<16xi32> to vector<1xi32>
    %squeeze3A_457 = vector.extract %slice3A_456[0] : i32 from vector<1xi32>
    %ne3A_458 = vector.broadcast %squeeze3A_457 : i32 to vector<16xi32>
    %ne3A_459 = arith.cmpi ne, %iota3A, %ne3A_458 : vector<16xi32>
    %convert_element_type3A_460 = arith.extui %ne3A_459 : vector<16xi1> to vector<16xi32>
    %add3A_461 = arith.addi %add3A_447, %convert_element_type3A_460 : vector<16xi32>
    %le3A_462 = arith.cmpi sle, %add3A_461, %sub3A_376 : vector<16xi32>
    %and3A_463 = arith.andi %ne3A_459, %le3A_462 : vector<16xi1>
    %and3A_464 = arith.andi %and3A_383, %and3A_463 : vector<16xi1>
    %slice3A_465 = vector.extract_strided_slice %get3A_373 {offsets = [5], sizes = [1], strides = [1]} : vector<16xf32> to vector<1xf32>
    %squeeze3A_466 = vector.extract %slice3A_465[0] : f32 from vector<1xf32>
    %max3A_467 = vector.broadcast %squeeze3A_466 : f32 to vector<16xf32>
    %max3A_468 = arith.maximumf %select_n3A_455, %max3A_467 : vector<16xf32>
    %select_n3A_469 = arith.select %and3A_464, %max3A_468, %select_n3A_455 : vector<16xi1>, vector<16xf32>
    %slice3A_470 = vector.extract_strided_slice %get3A_371 {offsets = [6], sizes = [1], strides = [1]} : vector<16xi32> to vector<1xi32>
    %squeeze3A_471 = vector.extract %slice3A_470[0] : i32 from vector<1xi32>
    %ne3A_472 = vector.broadcast %squeeze3A_471 : i32 to vector<16xi32>
    %ne3A_473 = arith.cmpi ne, %iota3A, %ne3A_472 : vector<16xi32>
    %convert_element_type3A_474 = arith.extui %ne3A_473 : vector<16xi1> to vector<16xi32>
    %add3A_475 = arith.addi %add3A_461, %convert_element_type3A_474 : vector<16xi32>
    %le3A_476 = arith.cmpi sle, %add3A_475, %sub3A_376 : vector<16xi32>
    %and3A_477 = arith.andi %ne3A_473, %le3A_476 : vector<16xi1>
    %and3A_478 = arith.andi %and3A_383, %and3A_477 : vector<16xi1>
    %slice3A_479 = vector.extract_strided_slice %get3A_373 {offsets = [6], sizes = [1], strides = [1]} : vector<16xf32> to vector<1xf32>
    %squeeze3A_480 = vector.extract %slice3A_479[0] : f32 from vector<1xf32>
    %max3A_481 = vector.broadcast %squeeze3A_480 : f32 to vector<16xf32>
    %max3A_482 = arith.maximumf %select_n3A_469, %max3A_481 : vector<16xf32>
    %select_n3A_483 = arith.select %and3A_478, %max3A_482, %select_n3A_469 : vector<16xi1>, vector<16xf32>
    %slice3A_484 = vector.extract_strided_slice %get3A_371 {offsets = [7], sizes = [1], strides = [1]} : vector<16xi32> to vector<1xi32>
    %squeeze3A_485 = vector.extract %slice3A_484[0] : i32 from vector<1xi32>
    %ne3A_486 = vector.broadcast %squeeze3A_485 : i32 to vector<16xi32>
    %ne3A_487 = arith.cmpi ne, %iota3A, %ne3A_486 : vector<16xi32>
    %convert_element_type3A_488 = arith.extui %ne3A_487 : vector<16xi1> to vector<16xi32>
    %add3A_489 = arith.addi %add3A_475, %convert_element_type3A_488 : vector<16xi32>
    %le3A_490 = arith.cmpi sle, %add3A_489, %sub3A_376 : vector<16xi32>
    %and3A_491 = arith.andi %ne3A_487, %le3A_490 : vector<16xi1>
    %and3A_492 = arith.andi %and3A_383, %and3A_491 : vector<16xi1>
    %slice3A_493 = vector.extract_strided_slice %get3A_373 {offsets = [7], sizes = [1], strides = [1]} : vector<16xf32> to vector<1xf32>
    %squeeze3A_494 = vector.extract %slice3A_493[0] : f32 from vector<1xf32>
    %max3A_495 = vector.broadcast %squeeze3A_494 : f32 to vector<16xf32>
    %max3A_496 = arith.maximumf %select_n3A_483, %max3A_495 : vector<16xf32>
    %select_n3A_497 = arith.select %and3A_492, %max3A_496, %select_n3A_483 : vector<16xi1>, vector<16xf32>
    %slice3A_498 = vector.extract_strided_slice %get3A_371 {offsets = [8], sizes = [1], strides = [1]} : vector<16xi32> to vector<1xi32>
    %squeeze3A_499 = vector.extract %slice3A_498[0] : i32 from vector<1xi32>
    %ne3A_500 = vector.broadcast %squeeze3A_499 : i32 to vector<16xi32>
    %ne3A_501 = arith.cmpi ne, %iota3A, %ne3A_500 : vector<16xi32>
    %convert_element_type3A_502 = arith.extui %ne3A_501 : vector<16xi1> to vector<16xi32>
    %add3A_503 = arith.addi %add3A_489, %convert_element_type3A_502 : vector<16xi32>
    %le3A_504 = arith.cmpi sle, %add3A_503, %sub3A_376 : vector<16xi32>
    %and3A_505 = arith.andi %ne3A_501, %le3A_504 : vector<16xi1>
    %and3A_506 = arith.andi %and3A_383, %and3A_505 : vector<16xi1>
    %slice3A_507 = vector.extract_strided_slice %get3A_373 {offsets = [8], sizes = [1], strides = [1]} : vector<16xf32> to vector<1xf32>
    %squeeze3A_508 = vector.extract %slice3A_507[0] : f32 from vector<1xf32>
    %max3A_509 = vector.broadcast %squeeze3A_508 : f32 to vector<16xf32>
    %max3A_510 = arith.maximumf %select_n3A_497, %max3A_509 : vector<16xf32>
    %select_n3A_511 = arith.select %and3A_506, %max3A_510, %select_n3A_497 : vector<16xi1>, vector<16xf32>
    %slice3A_512 = vector.extract_strided_slice %get3A_371 {offsets = [9], sizes = [1], strides = [1]} : vector<16xi32> to vector<1xi32>
    %squeeze3A_513 = vector.extract %slice3A_512[0] : i32 from vector<1xi32>
    %ne3A_514 = vector.broadcast %squeeze3A_513 : i32 to vector<16xi32>
    %ne3A_515 = arith.cmpi ne, %iota3A, %ne3A_514 : vector<16xi32>
    %convert_element_type3A_516 = arith.extui %ne3A_515 : vector<16xi1> to vector<16xi32>
    %add3A_517 = arith.addi %add3A_503, %convert_element_type3A_516 : vector<16xi32>
    %le3A_518 = arith.cmpi sle, %add3A_517, %sub3A_376 : vector<16xi32>
    %and3A_519 = arith.andi %ne3A_515, %le3A_518 : vector<16xi1>
    %and3A_520 = arith.andi %and3A_383, %and3A_519 : vector<16xi1>
    %slice3A_521 = vector.extract_strided_slice %get3A_373 {offsets = [9], sizes = [1], strides = [1]} : vector<16xf32> to vector<1xf32>
    %squeeze3A_522 = vector.extract %slice3A_521[0] : f32 from vector<1xf32>
    %max3A_523 = vector.broadcast %squeeze3A_522 : f32 to vector<16xf32>
    %max3A_524 = arith.maximumf %select_n3A_511, %max3A_523 : vector<16xf32>
    %select_n3A_525 = arith.select %and3A_520, %max3A_524, %select_n3A_511 : vector<16xi1>, vector<16xf32>
    %slice3A_526 = vector.extract_strided_slice %get3A_371 {offsets = [10], sizes = [1], strides = [1]} : vector<16xi32> to vector<1xi32>
    %squeeze3A_527 = vector.extract %slice3A_526[0] : i32 from vector<1xi32>
    %ne3A_528 = vector.broadcast %squeeze3A_527 : i32 to vector<16xi32>
    %ne3A_529 = arith.cmpi ne, %iota3A, %ne3A_528 : vector<16xi32>
    %convert_element_type3A_530 = arith.extui %ne3A_529 : vector<16xi1> to vector<16xi32>
    %add3A_531 = arith.addi %add3A_517, %convert_element_type3A_530 : vector<16xi32>
    %le3A_532 = arith.cmpi sle, %add3A_531, %sub3A_376 : vector<16xi32>
    %and3A_533 = arith.andi %ne3A_529, %le3A_532 : vector<16xi1>
    %and3A_534 = arith.andi %and3A_383, %and3A_533 : vector<16xi1>
    %slice3A_535 = vector.extract_strided_slice %get3A_373 {offsets = [10], sizes = [1], strides = [1]} : vector<16xf32> to vector<1xf32>
    %squeeze3A_536 = vector.extract %slice3A_535[0] : f32 from vector<1xf32>
    %max3A_537 = vector.broadcast %squeeze3A_536 : f32 to vector<16xf32>
    %max3A_538 = arith.maximumf %select_n3A_525, %max3A_537 : vector<16xf32>
    %select_n3A_539 = arith.select %and3A_534, %max3A_538, %select_n3A_525 : vector<16xi1>, vector<16xf32>
    %slice3A_540 = vector.extract_strided_slice %get3A_371 {offsets = [11], sizes = [1], strides = [1]} : vector<16xi32> to vector<1xi32>
    %squeeze3A_541 = vector.extract %slice3A_540[0] : i32 from vector<1xi32>
    %ne3A_542 = vector.broadcast %squeeze3A_541 : i32 to vector<16xi32>
    %ne3A_543 = arith.cmpi ne, %iota3A, %ne3A_542 : vector<16xi32>
    %convert_element_type3A_544 = arith.extui %ne3A_543 : vector<16xi1> to vector<16xi32>
    %add3A_545 = arith.addi %add3A_531, %convert_element_type3A_544 : vector<16xi32>
    %le3A_546 = arith.cmpi sle, %add3A_545, %sub3A_376 : vector<16xi32>
    %and3A_547 = arith.andi %ne3A_543, %le3A_546 : vector<16xi1>
    %and3A_548 = arith.andi %and3A_383, %and3A_547 : vector<16xi1>
    %slice3A_549 = vector.extract_strided_slice %get3A_373 {offsets = [11], sizes = [1], strides = [1]} : vector<16xf32> to vector<1xf32>
    %squeeze3A_550 = vector.extract %slice3A_549[0] : f32 from vector<1xf32>
    %max3A_551 = vector.broadcast %squeeze3A_550 : f32 to vector<16xf32>
    %max3A_552 = arith.maximumf %select_n3A_539, %max3A_551 : vector<16xf32>
    %select_n3A_553 = arith.select %and3A_548, %max3A_552, %select_n3A_539 : vector<16xi1>, vector<16xf32>
    %slice3A_554 = vector.extract_strided_slice %get3A_371 {offsets = [12], sizes = [1], strides = [1]} : vector<16xi32> to vector<1xi32>
    %squeeze3A_555 = vector.extract %slice3A_554[0] : i32 from vector<1xi32>
    %ne3A_556 = vector.broadcast %squeeze3A_555 : i32 to vector<16xi32>
    %ne3A_557 = arith.cmpi ne, %iota3A, %ne3A_556 : vector<16xi32>
    %convert_element_type3A_558 = arith.extui %ne3A_557 : vector<16xi1> to vector<16xi32>
    %add3A_559 = arith.addi %add3A_545, %convert_element_type3A_558 : vector<16xi32>
    %le3A_560 = arith.cmpi sle, %add3A_559, %sub3A_376 : vector<16xi32>
    %and3A_561 = arith.andi %ne3A_557, %le3A_560 : vector<16xi1>
    %and3A_562 = arith.andi %and3A_383, %and3A_561 : vector<16xi1>
    %slice3A_563 = vector.extract_strided_slice %get3A_373 {offsets = [12], sizes = [1], strides = [1]} : vector<16xf32> to vector<1xf32>
    %squeeze3A_564 = vector.extract %slice3A_563[0] : f32 from vector<1xf32>
    %max3A_565 = vector.broadcast %squeeze3A_564 : f32 to vector<16xf32>
    %max3A_566 = arith.maximumf %select_n3A_553, %max3A_565 : vector<16xf32>
    %select_n3A_567 = arith.select %and3A_562, %max3A_566, %select_n3A_553 : vector<16xi1>, vector<16xf32>
    %slice3A_568 = vector.extract_strided_slice %get3A_371 {offsets = [13], sizes = [1], strides = [1]} : vector<16xi32> to vector<1xi32>
    %squeeze3A_569 = vector.extract %slice3A_568[0] : i32 from vector<1xi32>
    %ne3A_570 = vector.broadcast %squeeze3A_569 : i32 to vector<16xi32>
    %ne3A_571 = arith.cmpi ne, %iota3A, %ne3A_570 : vector<16xi32>
    %convert_element_type3A_572 = arith.extui %ne3A_571 : vector<16xi1> to vector<16xi32>
    %add3A_573 = arith.addi %add3A_559, %convert_element_type3A_572 : vector<16xi32>
    %le3A_574 = arith.cmpi sle, %add3A_573, %sub3A_376 : vector<16xi32>
    %and3A_575 = arith.andi %ne3A_571, %le3A_574 : vector<16xi1>
    %and3A_576 = arith.andi %and3A_383, %and3A_575 : vector<16xi1>
    %slice3A_577 = vector.extract_strided_slice %get3A_373 {offsets = [13], sizes = [1], strides = [1]} : vector<16xf32> to vector<1xf32>
    %squeeze3A_578 = vector.extract %slice3A_577[0] : f32 from vector<1xf32>
    %max3A_579 = vector.broadcast %squeeze3A_578 : f32 to vector<16xf32>
    %max3A_580 = arith.maximumf %select_n3A_567, %max3A_579 : vector<16xf32>
    %select_n3A_581 = arith.select %and3A_576, %max3A_580, %select_n3A_567 : vector<16xi1>, vector<16xf32>
    %slice3A_582 = vector.extract_strided_slice %get3A_371 {offsets = [14], sizes = [1], strides = [1]} : vector<16xi32> to vector<1xi32>
    %squeeze3A_583 = vector.extract %slice3A_582[0] : i32 from vector<1xi32>
    %ne3A_584 = vector.broadcast %squeeze3A_583 : i32 to vector<16xi32>
    %ne3A_585 = arith.cmpi ne, %iota3A, %ne3A_584 : vector<16xi32>
    %convert_element_type3A_586 = arith.extui %ne3A_585 : vector<16xi1> to vector<16xi32>
    %add3A_587 = arith.addi %add3A_573, %convert_element_type3A_586 : vector<16xi32>
    %le3A_588 = arith.cmpi sle, %add3A_587, %sub3A_376 : vector<16xi32>
    %and3A_589 = arith.andi %ne3A_585, %le3A_588 : vector<16xi1>
    %and3A_590 = arith.andi %and3A_383, %and3A_589 : vector<16xi1>
    %slice3A_591 = vector.extract_strided_slice %get3A_373 {offsets = [14], sizes = [1], strides = [1]} : vector<16xf32> to vector<1xf32>
    %squeeze3A_592 = vector.extract %slice3A_591[0] : f32 from vector<1xf32>
    %max3A_593 = vector.broadcast %squeeze3A_592 : f32 to vector<16xf32>
    %max3A_594 = arith.maximumf %select_n3A_581, %max3A_593 : vector<16xf32>
    %select_n3A_595 = arith.select %and3A_590, %max3A_594, %select_n3A_581 : vector<16xi1>, vector<16xf32>
    %reduce_max3A_596 = arith.constant true
    %reduce_max3A_597 = vector.broadcast %reduce_max3A_596 : i1 to vector<16xi1>
    %reduce_max3A_598 = tpu.scan <max>, %select_n3A_595 masked %reduce_max3A_597 : vector<16xf32>, vector<16xi1> -> vector<16xf32>
    %reduce_max3A_599 = vector.extract %reduce_max3A_598[15] : f32 from vector<16xf32>
    %add3A_600 = arith.constant 1.000000e+00 : f32
    %add3A_601 = arith.addf %add3A_600, %reduce_max3A_599 : f32
    %swap3A_602 = arith.constant 0 : index
    %swap3A_603 = tpu.vector_load %arg13[%swap3A_602] {strides = array<i32>} : memref<16xi32, #tpu.memory_space<vmem>>, vector<16xi32>,
    tpu.vector_store %arg13[%swap3A_602], %scan3A_363#0 {strides = array<i32>} : memref<16xi32, #tpu.memory_space<vmem>>, vector<16xi32>,
    %broadcast_in_dim3A_604 = arith.constant 0 : i32
    %broadcast_in_dim3A_605 = vector.broadcast %broadcast_in_dim3A_604 : i32 to vector<16xi32>
    %scan3A_606 = arith.constant 0 : i32
    %scan3A_607 = arith.constant 8 : i32
    %scan3A_608 = arith.addi %scan3A_606, %scan3A_607 : i32
    %scan3A_609 = arith.constant 1 : i32
    %scan3A_610 = scf.for %scan3A_630 = %scan3A_606 to %scan3A_608 step %scan3A_609 iter_args(%scan3A_631 = %broadcast_in_dim3A_605) -> (vector<16xi32>)  : i32 {
      %mul3A_632 = arith.constant 64 : i32
      %mul3A_633 = arith.muli %scan3A_630, %mul3A_632 : i32
      %add3A_634 = arith.constant 0 : i32
      %add3A_635 = arith.addi %mul3A_633, %add3A_634 : i32
      %get3A_636 = arith.index_cast %add3A_635 : i32 to index
      %get3A_637 = tpu.vector_load %arg12[%get3A_636] {strides = array<i32>} : memref<512xf32, #tpu.memory_space<vmem>>, vector<16xf32>,
      %get3A_638 = arith.index_cast %add3A_635 : i32 to index
      %get3A_639 = tpu.vector_load %arg11[%get3A_638] {strides = array<i32>} : memref<512xi32, #tpu.memory_space<vmem>>, vector<16xi32>,
      %gather3A = tpu.vector_load_idx %arg13[%get3A_639] : memref<16xi32, #tpu.memory_space<vmem>>[vector<16xi32>], vector<16xi32>,
      %lt3A = vector.broadcast %add3A_601 : f32 to vector<16xf32>
      %lt3A_640 = arith.cmpf olt, %get3A_637, %lt3A : vector<16xf32>
      %sub3A_641 = arith.constant 512 : i32
      %sub3A_642 = vector.broadcast %sub3A_641 : i32 to vector<16xi32>
      %sub3A_643 = arith.subi %sub3A_642, %gather3A : vector<16xi32>
      %broadcast_in_dim3A_644 = arith.constant 0 : i32
      %broadcast_in_dim3A_645 = vector.broadcast %broadcast_in_dim3A_644 : i32 to vector<16xi32>
      %select_n3A_646 = arith.select %lt3A_640, %sub3A_643, %broadcast_in_dim3A_645 : vector<16xi1>, vector<16xi32>
      %add3A_647 = arith.addi %scan3A_631, %select_n3A_646 : vector<16xi32>
      %mul3A_648 = arith.constant 64 : i32
      %mul3A_649 = arith.muli %scan3A_630, %mul3A_648 : i32
      %add3A_650 = arith.constant 16 : i32
      %add3A_651 = arith.addi %mul3A_649, %add3A_650 : i32
      %get3A_652 = arith.index_cast %add3A_651 : i32 to index
      %get3A_653 = tpu.vector_load %arg12[%get3A_652] {strides = array<i32>} : memref<512xf32, #tpu.memory_space<vmem>>, vector<16xf32>,
      %get3A_654 = arith.index_cast %add3A_651 : i32 to index
      %get3A_655 = tpu.vector_load %arg11[%get3A_654] {strides = array<i32>} : memref<512xi32, #tpu.memory_space<vmem>>, vector<16xi32>,
      %gather3A_656 = tpu.vector_load_idx %arg13[%get3A_655] : memref<16xi32, #tpu.memory_space<vmem>>[vector<16xi32>], vector<16xi32>,
      %lt3A_657 = vector.broadcast %add3A_601 : f32 to vector<16xf32>
      %lt3A_658 = arith.cmpf olt, %get3A_653, %lt3A_657 : vector<16xf32>
      %sub3A_659 = arith.constant 512 : i32
      %sub3A_660 = vector.broadcast %sub3A_659 : i32 to vector<16xi32>
      %sub3A_661 = arith.subi %sub3A_660, %gather3A_656 : vector<16xi32>
      %broadcast_in_dim3A_662 = arith.constant 0 : i32
      %broadcast_in_dim3A_663 = vector.broadcast %broadcast_in_dim3A_662 : i32 to vector<16xi32>
      %select_n3A_664 = arith.select %lt3A_658, %sub3A_661, %broadcast_in_dim3A_663 : vector<16xi1>, vector<16xi32>
      %add3A_665 = arith.addi %add3A_647, %select_n3A_664 : vector<16xi32>
      %mul3A_666 = arith.constant 64 : i32
      %mul3A_667 = arith.muli %scan3A_630, %mul3A_666 : i32
      %add3A_668 = arith.constant 32 : i32
      %add3A_669 = arith.addi %mul3A_667, %add3A_668 : i32
      %get3A_670 = arith.index_cast %add3A_669 : i32 to index
      %get3A_671 = tpu.vector_load %arg12[%get3A_670] {strides = array<i32>} : memref<512xf32, #tpu.memory_space<vmem>>, vector<16xf32>,
      %get3A_672 = arith.index_cast %add3A_669 : i32 to index
      %get3A_673 = tpu.vector_load %arg11[%get3A_672] {strides = array<i32>} : memref<512xi32, #tpu.memory_space<vmem>>, vector<16xi32>,
      %gather3A_674 = tpu.vector_load_idx %arg13[%get3A_673] : memref<16xi32, #tpu.memory_space<vmem>>[vector<16xi32>], vector<16xi32>,
      %lt3A_675 = vector.broadcast %add3A_601 : f32 to vector<16xf32>
      %lt3A_676 = arith.cmpf olt, %get3A_671, %lt3A_675 : vector<16xf32>
      %sub3A_677 = arith.constant 512 : i32
      %sub3A_678 = vector.broadcast %sub3A_677 : i32 to vector<16xi32>
      %sub3A_679 = arith.subi %sub3A_678, %gather3A_674 : vector<16xi32>
      %broadcast_in_dim3A_680 = arith.constant 0 : i32
      %broadcast_in_dim3A_681 = vector.broadcast %broadcast_in_dim3A_680 : i32 to vector<16xi32>
      %select_n3A_682 = arith.select %lt3A_676, %sub3A_679, %broadcast_in_dim3A_681 : vector<16xi1>, vector<16xi32>
      %add3A_683 = arith.addi %add3A_665, %select_n3A_682 : vector<16xi32>
      %mul3A_684 = arith.constant 64 : i32
      %mul3A_685 = arith.muli %scan3A_630, %mul3A_684 : i32
      %add3A_686 = arith.constant 48 : i32
      %add3A_687 = arith.addi %mul3A_685, %add3A_686 : i32
      %get3A_688 = arith.index_cast %add3A_687 : i32 to index
      %get3A_689 = tpu.vector_load %arg12[%get3A_688] {strides = array<i32>} : memref<512xf32, #tpu.memory_space<vmem>>, vector<16xf32>,
      %get3A_690 = arith.index_cast %add3A_687 : i32 to index
      %get3A_691 = tpu.vector_load %arg11[%get3A_690] {strides = array<i32>} : memref<512xi32, #tpu.memory_space<vmem>>, vector<16xi32>,
      %gather3A_692 = tpu.vector_load_idx %arg13[%get3A_691] : memref<16xi32, #tpu.memory_space<vmem>>[vector<16xi32>], vector<16xi32>,
      %lt3A_693 = vector.broadcast %add3A_601 : f32 to vector<16xf32>
      %lt3A_694 = arith.cmpf olt, %get3A_689, %lt3A_693 : vector<16xf32>
      %sub3A_695 = arith.constant 512 : i32
      %sub3A_696 = vector.broadcast %sub3A_695 : i32 to vector<16xi32>
      %sub3A_697 = arith.subi %sub3A_696, %gather3A_692 : vector<16xi32>
      %broadcast_in_dim3A_698 = arith.constant 0 : i32
      %broadcast_in_dim3A_699 = vector.broadcast %broadcast_in_dim3A_698 : i32 to vector<16xi32>
      %select_n3A_700 = arith.select %lt3A_694, %sub3A_697, %broadcast_in_dim3A_699 : vector<16xi1>, vector<16xi32>
      %add3A_701 = arith.addi %add3A_683, %select_n3A_700 : vector<16xi32>
      scf.yield %add3A_701 : vector<16xi32>
    }
    %scan3A_611 = arith.constant 8 : i32
    %reduce_sum3A_612 = arith.constant true
    %reduce_sum3A_613 = vector.broadcast %reduce_sum3A_612 : i1 to vector<16xi1>
    %reduce_sum3A_614 = tpu.scan <sum>, %scan3A_610 masked %reduce_sum3A_613 : vector<16xi32>, vector<16xi1> -> vector<16xi32>
    %reduce_sum3A_615 = vector.extract %reduce_sum3A_614[15] : i32 from vector<16xi32>
    %add3A_616 = arith.addi %add3A_324, %reduce_sum3A_615 : i32
    %eq3A = arith.constant 0 : i32
    %eq3A_617 = vector.broadcast %eq3A : i32 to vector<16xi32>
    %eq3A_618 = arith.cmpi eq, %iota3A, %eq3A_617 : vector<16xi32>
    %eq3A_619 = arith.constant 1 : i32
    %eq3A_620 = vector.broadcast %eq3A_619 : i32 to vector<16xi32>
    %eq3A_621 = arith.cmpi eq, %iota3A, %eq3A_620 : vector<16xi32>
    %convert_element_type3A_622 = arith.sitofp %add3A_616 : i32 to f32
    %jit3A = arith.constant 0.000000e+00 : f32
    %broadcast_in_dim3A_623 = vector.broadcast %convert_element_type3A_622 : f32 to vector<16xf32>
    %broadcast_in_dim3A_624 = vector.broadcast %jit3A : f32 to vector<16xf32>
    %select_n3A_625 = arith.select %eq3A_621, %broadcast_in_dim3A_623, %broadcast_in_dim3A_624 : vector<16xi1>, vector<16xf32>
    %broadcast_in_dim3A_626 = vector.broadcast %add3A_369 : f32 to vector<16xf32>
    %select_n3A_627 = arith.select %eq3A_618, %broadcast_in_dim3A_626, %select_n3A_625 : vector<16xi1>, vector<16xf32>
    %swap3A_628 = arith.constant 0 : index
    %swap3A_629 = tpu.vector_load %arg14[%swap3A_628] {strides = array<i32>} : memref<16xf32, #tpu.memory_space<vmem>>, vector<16xf32>,
    tpu.vector_store %arg14[%swap3A_628], %select_n3A_627 {strides = array<i32>} : memref<16xf32, #tpu.memory_space<vmem>>, vector<16xf32>,
    "tpu.region"() ({
      %run_scoped3A = tpu.sem_alloc : memref<!tpu.dma_semaphore, #tpu.memory_space<semaphore_mem>>
      %dma_start3A_630 = arith.constant 0 : i32
      %dma_start3A_631 = tpu.memref_slice %arg5[%add3A, %dma_start3A_630] : memref<32x16xf32, #tpu.memory_space<hbm>> -> memref<1x16xf32, #tpu.memory_space<hbm>>
      %dma_start3A_632 = tpu.memref_squeeze %dma_start3A_631 : memref<1x16xf32, #tpu.memory_space<hbm>> -> memref<16xf32, #tpu.memory_space<hbm>>
      %dma_start3A_633 = arith.constant 0 : i32
      %dma_start3A_634 = tpu.memref_slice %arg5[%add3A, %dma_start3A_633] : memref<32x16xf32, #tpu.memory_space<hbm>> -> memref<1x16xf32, #tpu.memory_space<hbm>>
      %dma_start3A_635 = tpu.memref_squeeze %dma_start3A_634 : memref<1x16xf32, #tpu.memory_space<hbm>> -> memref<16xf32, #tpu.memory_space<hbm>>
      tpu.enqueue_dma source(%arg14 : memref<16xf32, #tpu.memory_space<vmem>>) target(%dma_start3A_635 : memref<16xf32, #tpu.memory_space<hbm>>) target_semaphore(%run_scoped3A : memref<!tpu.dma_semaphore, #tpu.memory_space<semaphore_mem>>)
      %dma_wait3A_636 = arith.constant 0 : i32
      %dma_wait3A_637 = tpu.memref_slice %arg5[%add3A, %dma_wait3A_636] : memref<32x16xf32, #tpu.memory_space<hbm>> -> memref<1x16xf32, #tpu.memory_space<hbm>>
      %dma_wait3A_638 = tpu.memref_squeeze %dma_wait3A_637 : memref<1x16xf32, #tpu.memory_space<hbm>> -> memref<16xf32, #tpu.memory_space<hbm>>
      %dma_wait3A_639 = arith.constant 0 : i32
      %dma_wait3A_640 = tpu.memref_slice %arg5[%add3A, %dma_wait3A_639] : memref<32x16xf32, #tpu.memory_space<hbm>> -> memref<1x16xf32, #tpu.memory_space<hbm>>
      %dma_wait3A_641 = tpu.memref_squeeze %dma_wait3A_640 : memref<1x16xf32, #tpu.memory_space<hbm>> -> memref<16xf32, #tpu.memory_space<hbm>>
      tpu.wait_dma2 semaphore(%run_scoped3A : memref<!tpu.dma_semaphore, #tpu.memory_space<semaphore_mem>>) src(%arg14 : memref<16xf32, #tpu.memory_space<vmem>>) dst(%dma_wait3A_641 : memref<16xf32, #tpu.memory_space<hbm>>)
      tpu.yield
    }) : () -> ()
    return
  }
}

</mosaic_0001>

<sc_bundles>
// kernel: _lmnn_sc.3.cloned.1.call-start
scs
__scs_entry_jumppad:
0x0: {  	(pc) =	sbr.rel $0x88, $3  }
0x1: {  	(tag) =	ssettag $0x0;
	lr =	simm.s32 $0x1  }
0x2: {  	[smem:$0x3F9E] =	sst lr;
	_ =	strace $0xD0000000  }
0x3: {  	_ = 	snop  }
0x4: {  	_ = 	snop  }
0x5: {  	_ = 	snop  }
0x6: {  	_ = 	snop  }
0x7: {  	_ = 	snop  }
__scs_overlays_trampoline_lowered:
0x8: {  	[smem:$0x3FAD] =	sst s0  }
0x9: {  	[smem:$0x3FAE] =	sst s1  }
0xa: {  	[smem:$0x3FAF] =	sst s2  }
0xb: {  	[smem:$0x3FB0] =	sst s3  }
0xc: {  	[smem:$0x3FB1] =	sst s4  }
0xd: {  	[smem:$0x3FB2] =	sst s5  }
0xe: {  	[smem:$0x3FB3] =	sst s6  }
0xf: {  	[smem:$0x3FB4] =	sst s7  }
0x10: {  	[smem:$0x3FB5] =	sst s8  }
0x11: {  	[smem:$0x3FB6] =	sst s9;
	s0 =	simm.s32 @!p0 $0x0  }
0x12: {  	s1 =	sld [smem:$0x3F9C];
	s0 =	simm.s32 @p0 $0x1  }
0x13: {  	[smem:$0x3FB7] =	sst s0;
	s0 =	simm.s32 @!p1 $0x0  }
0x14: {  	s2 =	sld [smem:$0x3F9B];
	s0 =	simm.s32 @p1 $0x1  }
0x15: {  	[smem:$0x3FB8] =	sst s0;
	s0 =	simm.s32 @!p2 $0x0  }
0x16: {  	s3 =	sld [smem:$0x3FDB];
	s0 =	simm.s32 @p2 $0x1  }
0x17: {  	s4 =	simm.s32 $0x1BF5;
	[smem:$0x3FBA] =	sst s0  }
0x18: {  	s0 =	sld [smem:$0x3F9D];
	_ =	swait.ge [sflag:s4], $0x0  }
0x19: {  	s7 =	sld [smem:$0x3F9E]  }
0x1a: {  	s8 =	sadd.s32 $0xFFFFE003, lr  }
0x1b: {  	s9 =	sadd.s32 $0xFFFFFEF7, lr;
	s5 =	simm.s32 $0xFFFFFFFF;
	p2 =	slt.u32 s8, $0xFFFFF086  }
0x1c: {  	p1 =	slt.u32 s9, $0xF7A;
	s5 =	simm.s32 @!p2 $0x0  }
0x1d: {  	s5 =	simm.s32 @p1 $0x1;
	p0 =	seq.s32 s7, s2  }
0x1e: {  	s7 =	smul.u32 @!p0 $0xF7A, s2;
	p2 =	seq.s32 @!p0 s5, $0x0  }
0x1f: {  	s9 =	smul.u32 $0xF7A, s1;
	s8 =	simm.s32 @!p0 $0x1BF5;
	p2 =	por !p2, p0  }
0x20: {  	[sflag:s8] =	ssyncset.s32 @!p0 $0xFFFFF086;
	s6 =	sadd.s32 @!p0 s3, s7;
	s7 =	simm.s32 @!p0 $0x108  }
0x21: {  	s3 =	sadd.s32 s3, s9;
	s6 =	sadd.s32 @!p0 $0x88, s6;
	s7 =	simm.s32 @p2 $0x1082  }
0x22: {  	[simem:s7], [sflag:s8] =	dma.local @!p0 [hbm:s6], $0xF7A  }
0x23: {  	s9 =	sor.u32 $0xD0000000, s2;
	s6 =	simm.s32 $0x108;
	_ =	swait.ge @!p0 [sflag:s8], $0x0  }
0x24: {  	s3 =	sadd.s32 $0x88, s3;
	s6 =	simm.s32 @!p1 $0x1082;
	[sflag:s4] =	ssyncset.s32 $0xFFFFF086  }
0x25: {  	[simem:s6], [sflag:s4] =	dma.local [hbm:s3], $0xF7A  }
0x26: {  	[smem:$0x3F9E] =	sst s1;
	(tag) =	ssettag s2;
	_ =	strace s9  }
0x27: {  	s1 =	sld [smem:$0x3FAE]  }
0x28: {  	s2 =	sld [smem:$0x3FAF]  }
0x29: {  	s4 =	sld [smem:$0x3FB1]  }
0x2a: {  	p0 =	seq.s32 s5, $0x0;
	s5 =	sld [smem:$0x3FB2]  }
0x2b: {  	s6 =	sld [smem:$0x3FB3]  }
0x2c: {  	s7 =	sld [smem:$0x3FB4]  }
0x2d: {  	s3 =	simm.s32 $0x108;
	s8 =	sld [smem:$0x3FB5]  }
0x2e: {  	s3 =	simm.s32 @!p0 $0x1082;
	s9 =	sld [smem:$0x3FB6]  }
0x2f: {  	lr =	sadd.s32 s0, s3;
	s0 =	sld [smem:$0x3FAD]  }
0x30: {  	s3 =	sld [smem:$0x3FB0]  }
0x31: {  	[smem:$0x3FB9] =	sst s10  }
0x32: {  	s10 =	sld [smem:$0x3FB7];
	_ =	sdelay $0x3  }
0x33: {  	p0 =	seq.s32 s10, $0x1;
	s10 =	sld [smem:$0x3FB9];
	_ =	sdelay $0x3  }
0x34: {  	[smem:$0x3FB9] =	sst s10  }
0x35: {  	s10 =	sld [smem:$0x3FB8];
	_ =	sdelay $0x3  }
0x36: {  	p1 =	seq.s32 s10, $0x1;
	s10 =	sld [smem:$0x3FB9];
	_ =	sdelay $0x3  }
0x37: {  	[smem:$0x3FB9] =	sst s10  }
0x38: {  	s10 =	sld [smem:$0x3FBA]  }
0x39: {  	_ = 	snop;
	(pc) =	sbr.ind lr, $3  }
0x3a: {  	_ = 	snop  }
0x3b: {  	_ = 	snop  }
0x3c: {  	p2 =	seq.s32 s10, $0x1;
	s10 =	sld [smem:$0x3FB9]  }
0x3d: {  	_ =	shalt  }
0x3e: {  	_ =	shalt  }
0x3f: {  	_ =	shalt  }
0x40: {  	_ =	shalt  }
0x41: {  	_ =	shalt  }
0x42: {  	_ =	shalt  }
0x43: {  	_ =	shalt  }
0x44: {  	_ =	shalt  }
0x45: {  	_ =	shalt  }
0x46: {  	_ =	shalt  }
0x47: {  	_ =	shalt  }
0x48: {  	_ =	shalt  }
0x49: {  	_ =	shalt  }
0x4a: {  	_ =	shalt  }
0x4b: {  	_ =	shalt  }
0x4c: {  	_ =	shalt  }
0x4d: {  	_ =	shalt  }
0x4e: {  	_ =	shalt  }
0x4f: {  	_ =	shalt  }
0x50: {  	_ =	shalt  }
0x51: {  	_ =	shalt  }
0x52: {  	_ =	shalt  }
0x53: {  	_ =	shalt  }
0x54: {  	_ =	shalt  }
0x55: {  	_ =	shalt  }
0x56: {  	_ =	shalt  }
0x57: {  	_ =	shalt  }
0x58: {  	_ =	shalt  }
0x59: {  	_ =	shalt  }
0x5a: {  	_ =	shalt  }
0x5b: {  	_ =	shalt  }
0x5c: {  	_ =	shalt  }
0x5d: {  	_ =	shalt  }
0x5e: {  	_ =	shalt  }
0x5f: {  	_ =	shalt  }
0x60: {  	_ =	shalt  }
0x61: {  	_ =	shalt  }
0x62: {  	_ =	shalt  }
0x63: {  	_ =	shalt  }
0x64: {  	_ =	shalt  }
0x65: {  	_ =	shalt  }
0x66: {  	_ =	shalt  }
0x67: {  	_ =	shalt  }
0x68: {  	_ =	shalt  }
0x69: {  	_ =	shalt  }
0x6a: {  	_ =	shalt  }
0x6b: {  	_ =	shalt  }
0x6c: {  	_ =	shalt  }
0x6d: {  	_ =	shalt  }
0x6e: {  	_ =	shalt  }
0x6f: {  	_ =	shalt  }
0x70: {  	_ =	shalt  }
0x71: {  	_ =	shalt  }
0x72: {  	_ =	shalt  }
0x73: {  	_ =	shalt  }
0x74: {  	_ =	shalt  }
0x75: {  	_ =	shalt  }
0x76: {  	_ =	shalt  }
0x77: {  	_ =	shalt  }
0x78: {  	_ =	shalt  }
0x79: {  	_ =	shalt  }
0x7a: {  	_ =	shalt  }
0x7b: {  	_ =	shalt  }
0x7c: {  	_ =	shalt  }
0x7d: {  	_ =	shalt  }
0x7e: {  	_ =	shalt  }
0x7f: {  	_ =	shalt  }
0x80: {  	_ =	shalt  }
0x81: {  	_ =	shalt  }
0x82: {  	_ =	shalt  }
0x83: {  	_ =	shalt  }
0x84: {  	_ =	shalt  }
0x85: {  	_ =	shalt  }
0x86: {  	_ =	shalt  }
0x87: {  	_ =	shalt  }
.Lfunc_end0:
.L_simem_size_0:
called_computation_lowered:
.L_overlay_start_0:
0x88: {  	s2 =	sld [smem:$0x3FD9]  }
0x89: {  	s3 =	sld [smem:$0x3FFE];
	_ =	sdelay $0x1  }
0x8a: {  	s1 =	srdreg.scid  }
0x8b: {  	s0 =	sand.u32 $0x1, s1  }
0x8c: {  	s17 =	sshll.u32 s0, $0xA;
	s2 =	sadd.s32 s3, s2  }
0x8d: {  	s2 =	sadd.s32 s2, s17  }
0x8e: {  	[smem:$0x3FC5] =	sst s2  }
0x8f: {  	_ = 	snop  }
0x90: {  	s2 =	sld [smem:$0x3FC9]  }
0x91: {  	s18 =	sld [smem:$0x3FC8]  }
0x92: {  	s4 =	sld [smem:$0x3FC7];
	(tm) =	ssettm $0x1  }
0x93: {  	s5 =	sld [smem:$0x3FFB];
	_ =	sdelay $0x3  }
0x94: {  	_ =	strace s5  }
0x95: {  	s5 =	sld [smem:$0x3FFC];
	_ =	sdelay $0x3  }
0x96: {  	_ =	strace s5  }
0x97: {  	s5 =	sld [smem:$0x3FFD];
	_ =	sdelay $0x3  }
0x98: {  	_ =	strace s5  }
0x99: {  	_ =	strace $0x8FFFFFFF  }
0x9a: {  	s19 =	sld [smem:$0x3FDB];
	_ =	sdelay $0x1  }
0x9b: {  	s6 =	simm.s32 $_scs_section_size  }
0x9c: {  	s7 =	simm.s32 $_size__tile_overlayer_lowered;
	s8 =	simm.s32 $_tile_overlayer_lowered  }
0x9d: {  	s22 =	simm.s32 $0x1BFF;
	s21 =	sshll.u32 s8, $0x1;
	s5 =	sadd.s32 s6, s19  }
0x9e: {  	s9 =	simm.s32 $0x0;
	s20 =	sshll.u32 s7, $0x1;
	s7 =	sadd.s32 s21, s5  }
0x9f: {  	[timem:s9], [sflag:s22] =	dma.local [hbm:s7], s20  }
0xa0: {  	_ =	swait.ge [sflag:s22], s20  }
0xa1: {  	s6 =	ssub.s32 $0x0, s20;
	[sflag:s22] =	ssyncset.done $0x0  }
0xa2: {  	[sflag:s22] =	ssyncadd.s32 s6;
	_ =	sdelay $0x1  }
0xa3: {  	s23 =	simm.s32 $0x1B8B  }
0xa4: {  	_ =	swait.ge [sflag:s23], $0x1  }
0xa5: {  	[sflag:s23] =	ssyncset.done $0x0  }
0xa6: {  	s25 =	simm.s32 $0x1B8E;
	s24 =	sld [smem:$0x3FFE];
	[sflag:s23] =	ssyncadd.s32 $0xFFFFFFFF  }
0xa7: {  	s26 =	simm.s32 $execute0_lowered;
	[smem:$0x3FD2] =	sst s25  }
0xa8: {  	s7 =	sshll.u32 s26, $0x1;
	_ =	strace $0x80000046;
	[dreg:$0x1] =	wrdreg $0xFFFFFFFF  }
0xa9: {  	s28 =	simm.s32 $_size_execute0_lowered;
	s5 =	sadd.s32 s5, s7;
	[dreg:$0x0] =	wrdreg $0x0  }
0xaa: {  	s7 =	sshll.u32 s28, $0x1;
	[dreg:$0x2] =	wrdreg s5  }
0xab: {  	[dreg:$0x3] =	wrdreg s7  }
0xac: {  	[dreg:$0x4] =	wrdreg $0xC0  }
0xad: {  	_ =	task [dreg:s9], $0x5FFFF  }
0xae: {  	[dreg:$0x1] =	wrdreg $0xFFFFFFFF  }
0xaf: {  	[dreg:$0x0] =	wrdreg $0x60  }
0xb0: {  	[dreg:$0x2] =	wrdreg s2  }
0xb1: {  	[dreg:$0x3] =	wrdreg s18  }
0xb2: {  	[dreg:$0x4] =	wrdreg s4  }
0xb3: {  	[dreg:$0x5] =	wrdreg s24  }
0xb4: {  	[dreg:$0x6] =	wrdreg $0x9  }
0xb5: {  	_ =	task.clear_ibuf [dreg:s9], $0x7FFFF;
	_ =	strace $0x90000046  }
0xb6: {  	s29 =	simm.s32 $0x9;
	_ =	strace $0x80000048  }
0xb7: {  	_ =	swait.ge [sflag:s29], $0x1  }
0xb8: {  	[sflag:s29] =	ssyncadd.s32 $0xFFFFFFFF  }
0xb9: {  	_ =	strace $0x90000048  }
0xba: {  	_ =	sfence  }
0xbb: {  	s30 =	sld [smem:$0x0];
	_ =	sdelay $0x2  }
0xbc: {  	s31 =	sshll.u32 s1, $0xD;
	s1 =	sshrl.u32 s1, $0x2  }
0xbd: {  	s3 =	sand.u32 $0x4000, s31;
	s1 =	sadd.s32 s1, s30  }
0xbe: {  	s0 =	sor.u32 s3, s0;
	s1 =	sshll.u32 s1, $0x11  }
0xbf: {  	s0 =	sor.u32 s1, s0  }
0xc0: {  	s0 =	sadd.s32 $0x8F2B, s0  }
0xc1: {  	[sflag:s0] =	ssyncadd.remote.s32 $0x1  }
0xc2: {  	_ =	sfence.sel $0xFFFF  }
0xc3: {  	[dreg:$0x0] =	wrdreg $0xFFFFFFFF;
	(pc) =	sbr.abs _section_cstart, $3  }
0xc4: {  	[dreg:$0x1] =	wrdreg $0xFFFFFFFF  }
0xc5: {  	_ =	task.clear_ibuf [dreg:s9], $0x2FFFF;
	_ =	strace $0x9FFFFFFF  }
0xc6: {  	(tm) =	ssettm $0x7FFFFFFF  }
0xc7: {  	_ =	shalt  }
tec
execute0_lowered:
.L_overlay_start_1:
0x0: {  	(tag) =	ssettag $0x1  }
0x1: {  	s0 =	rddreg [dreg:$0x0]  }
0x2: {  	s1 =	rddreg [dreg:$0x1]  }
0x3: {  	s2 =	rddreg [dreg:$0x2]  }
0x4: {  	s3 =	rddreg [dreg:$0x3];
	s4 =	srdreg.scid  }
0x5: {  	s8 =	stileid.u32;
	s12 =	simm.s32 $0x0;
	s4 =	sand.u32 $0x1, s4  }
0x6: {  	s6 =	sshll.u32 s8, $0x1;
	[smem:$0x7FF] =	sst s12;
	s21 =	sshrl.u32 s8, $0x1  }
0x7: {  	s5 =	ssub.s32 $0x2, s4;
	s4 =	sor.u32 s4, s6;
	_ =	strace $0x80000047  }
0x8: {  	s9 =	sshll.u32 s21, $0xA;
	s7 =	sshrl.u32 s5, $0x1;
	s6 =	sshll.u32 s4, $0xD  }
0x9: {  	s22 =	sshll.u32 s4, $0x8;
	s23 =	sshllo.u32 s4, $0x1;
	s5 =	ssub.s32 s5, s7  }
0xa: {  	s6 =	sadd.s32 s1, s6;
	s7 =	sand.u32 $0x300, s22;
	s10 =	sshll.u32 s23, $0xC  }
0xb: {  	s8 =	sshll.u32 s23, $0x7;
	[dreg:$0x5] =	wrdreg s6;
	s11 =	sor.u32 s9, s7  }
0xc: {  	s1 =	sadd.s32 s1, s10;
	s8 =	sand.u32 $0x380, s8;
	s6 =	sshll.u32 s21, $0xC  }
0xd: {  	s31 =	smax.u32 s5, $0x1;
	[dreg:$0x6] =	wrdreg s1;
	s24 =	sshrl.u32 s11, $0x3  }
0xe: {  	s25 =	sor.u32 s9, s8;
	s7 =	sor.u32 s6, s7;
	s6 =	sor.u32 s6, s8  }
0xf: {  	[dreg:$0xc] =	wrdreg s31;
	s1 =	sadd.s32 s0, s24;
	s28 =	sshrl.u32 s6, $0x3  }
0x10: {  	[dreg:$0x7] =	wrdreg s1;
	s1 =	sshrl.u32 s25, $0x3;
	s29 =	sadd.s32 s2, s28  }
0x11: {  	s26 =	sshrl.u32 s7, $0x3;
	s0 =	sadd.s32 s0, s1;
	[dreg:$0xa] =	wrdreg s29  }
0x12: {  	s30 =	sshll.u32 s4, $0x4;
	[dreg:$0x8] =	wrdreg s0;
	s0 =	sadd.s32 s2, s26  }
0x13: {  	[dreg:$0x9] =	wrdreg s0;
	s0 =	sadd.s32 s3, s30  }
0x14: {  	v0 =	vlaneseq.u32;
	v1 =	vimm.s32 $0x0;
	s2 =	simm.s32 $0x0;
	[dreg:$0xb] =	wrdreg s0  }
.LBB2_1:
0x15: {  	[dreg:$0xd] =	wrdreg s2  }
0x16: {  	s0 =	rddreg [dreg:$0x5]  }
0x17: {  	[tilespmem:s12], [sflag:$0x1] =	stream.linear.gather [hbm4b:s0+s12], $0x8000, $0x38;
	[tilespmem:$0x10800] =	vst v63  }
0x18: {  	s17 =	rddreg [dreg:$0x6];
	s1 =	simm.s32 $0x8000  }
0x19: {  	[tilespmem:s1], [sflag:$0x2] =	stream.linear.gather [hbm4b:s17+s12], $0x8000, $0x38;
	[tilespmem:$0x10800] =	vst v63  }
0x1a: {  	s18 =	rddreg [dreg:$0x7];
	s19 =	simm.s32 $0x10000  }
0x1b: {  	[tilespmem:s19], [sflag:$0x3] =	stream.linear.gather [hbm4b:s18+s12], $0x80, $0x38;
	[tilespmem:$0x10800] =	vst v63  }
0x1c: {  	s20 =	rddreg [dreg:$0x8];
	s21 =	simm.s32 $0x10080;
	s4 =	simm.s32 $0x10100  }
0x1d: {  	[tilespmem:s21], [sflag:$0x4] =	stream.linear.gather [hbm4b:s20+s12], $0x80, $0x38;
	[tilespmem:$0x10800] =	vst v63  }
0x1e: {  	s22 =	rddreg [dreg:$0x9];
	s23 =	simm.s32 $0x80;
	s24 =	simm.s32 $0x400  }
0x1f: {  	[tilespmem:s4], [sflag:$0x5] =	stream.strided.gather [hbm4b:s22+s23], $0x200, s24, s23, $0x38;
	[tilespmem:$0x10800] =	vst v63  }
0x20: {  	s25 =	rddreg [dreg:$0xa];
	s3 =	simm.s32 $0x10300;
	s26 =	simm.s32 $0x1  }
0x21: {  	[tilespmem:s3], [sflag:$0x6] =	stream.strided.gather [hbm4b:s25+s23], $0x200, s24, s23, $0x38;
	[tilespmem:$0x10800] =	vst v63  }
0x22: {  	_ =	swait.ge [sflag:s26], $0x8000  }
0x23: {  	[sflag:s26] =	ssyncset.done $0x0  }
0x24: {  	s30 =	simm.s32 $0x3;
	[sflag:s26] =	ssyncadd.s32 $0xFFFF8000  }
0x25: {  	_ =	swait.ge [sflag:s30], $0x80  }
0x26: {  	[sflag:s30] =	ssyncset.done $0x0  }
0x27: {  	s31 =	simm.s32 $0x5;
	[sflag:s30] =	ssyncadd.s32 $0xFFFFFF80  }
0x28: {  	_ =	swait.ge [sflag:s31], $0x200  }
0x29: {  	[sflag:s31] =	ssyncset.done $0x0  }
0x2a: {  	[sflag:s31] =	ssyncadd.s32 $0xFFFFFE00  }
0x2b: {  	v2 =	vld [tilespmem:$0x10000];
	_ =	sdelay $0x4  }
0x2c: {  	v4 =	vbroadcast v2, $0x6  }
0x2d: {  	v3 =	vbroadcast v2, $0x0  }
0x2e: {  	[tilespmem:$0x1FC60] =	vst v4;
	v4 =	vbroadcast v2, $0x7  }
0x2f: {  	[tilespmem:$0x1FC00] =	vst v3;
	v3 =	vbroadcast v2, $0x1  }
0x30: {  	[tilespmem:$0x1FC70] =	vst v4;
	v4 =	vbroadcast v2, $0x8  }
0x31: {  	[tilespmem:$0x1FC10] =	vst v3;
	v3 =	vbroadcast v2, $0x2  }
0x32: {  	[tilespmem:$0x1FC80] =	vst v4;
	v4 =	vbroadcast v2, $0x9  }
0x33: {  	[tilespmem:$0x1FC20] =	vst v3;
	v3 =	vbroadcast v2, $0x3  }
0x34: {  	[tilespmem:$0x1FC90] =	vst v4;
	v4 =	vbroadcast v2, $0xA  }
0x35: {  	[tilespmem:$0x1FC30] =	vst v3;
	v3 =	vbroadcast v2, $0x4  }
0x36: {  	[tilespmem:$0x1FCA0] =	vst v4;
	v4 =	vbroadcast v2, $0xB  }
0x37: {  	[tilespmem:$0x1FC40] =	vst v3;
	v3 =	vbroadcast v2, $0x5  }
0x38: {  	[tilespmem:$0x1FCB0] =	vst v4;
	v4 =	vbroadcast v2, $0xC  }
0x39: {  	[tilespmem:$0x1FC50] =	vst v3;
	v3 =	vld [tilespmem:$0x10010]  }
0x3a: {  	[tilespmem:$0x1FCC0] =	vst v4;
	v4 =	vbroadcast v2, $0xD;
	_ =	sdelay $0x1  }
0x3b: {  	[tilespmem:$0x1FCD0] =	vst v4;
	v4 =	vbroadcast v2, $0xE  }
0x3c: {  	v2 =	vbroadcast v2, $0xF  }
0x3d: {  	[tilespmem:$0x1FCE0] =	vst v4;
	v4 =	vbroadcast v3, $0x6  }
0x3e: {  	[tilespmem:$0x1FCF0] =	vst v2;
	v2 =	vbroadcast v3, $0x0  }
0x3f: {  	[tilespmem:$0x1FD60] =	vst v4;
	v4 =	vbroadcast v3, $0x7  }
0x40: {  	[tilespmem:$0x1FD00] =	vst v2;
	v2 =	vbroadcast v3, $0x1  }
0x41: {  	[tilespmem:$0x1FD70] =	vst v4;
	v4 =	vbroadcast v3, $0x8  }
0x42: {  	[tilespmem:$0x1FD10] =	vst v2;
	v2 =	vbroadcast v3, $0x2  }
0x43: {  	[tilespmem:$0x1FD80] =	vst v4;
	v4 =	vbroadcast v3, $0x9  }
0x44: {  	[tilespmem:$0x1FD20] =	vst v2;
	v2 =	vbroadcast v3, $0x3  }
0x45: {  	[tilespmem:$0x1FD90] =	vst v4;
	v4 =	vbroadcast v3, $0xA  }
0x46: {  	[tilespmem:$0x1FD30] =	vst v2;
	v2 =	vbroadcast v3, $0x4  }
0x47: {  	[tilespmem:$0x1FDA0] =	vst v4;
	v4 =	vbroadcast v3, $0xB  }
0x48: {  	[tilespmem:$0x1FD40] =	vst v2;
	v2 =	vbroadcast v3, $0x5  }
0x49: {  	[tilespmem:$0x1FDB0] =	vst v4;
	v4 =	vbroadcast v3, $0xC  }
0x4a: {  	[tilespmem:$0x1FD50] =	vst v2;
	v2 =	vld [tilespmem:$0x10020]  }
0x4b: {  	[tilespmem:$0x1FDC0] =	vst v4;
	v4 =	vbroadcast v3, $0xD;
	_ =	sdelay $0x1  }
0x4c: {  	[tilespmem:$0x1FDD0] =	vst v4;
	v4 =	vbroadcast v3, $0xE;
	v3 =	vbroadcast v3, $0xF;
	_ =	sdelay $0x1  }
0x4d: {  	[tilespmem:$0x1FDF0] =	vst v3;
	v3 =	vbroadcast v2, $0x0;
	_ =	sdelay $0x1  }
0x4e: {  	[tilespmem:$0x1FE00] =	vst v3;
	v3 =	vbroadcast v2, $0x1;
	_ =	sdelay $0x1  }
0x4f: {  	[tilespmem:$0x1FE10] =	vst v3;
	v3 =	vbroadcast v2, $0x2;
	_ =	sdelay $0x1  }
0x50: {  	[tilespmem:$0x1FE20] =	vst v3;
	v3 =	vbroadcast v2, $0x3;
	_ =	sdelay $0x1  }
0x51: {  	[tilespmem:$0x1FE30] =	vst v3;
	v3 =	vbroadcast v2, $0x4;
	_ =	sdelay $0x1  }
0x52: {  	[tilespmem:$0x1FE40] =	vst v3;
	v3 =	vbroadcast v2, $0x5;
	_ =	sdelay $0x1  }
0x53: {  	[tilespmem:$0x1FE50] =	vst v3;
	v3 =	vbroadcast v2, $0x6;
	_ =	sdelay $0x1  }
0x54: {  	[tilespmem:$0x1FE60] =	vst v3;
	v3 =	vbroadcast v2, $0x7;
	_ =	sdelay $0x1  }
0x55: {  	[tilespmem:$0x1FE70] =	vst v3;
	v3 =	vbroadcast v2, $0x8;
	_ =	sdelay $0x1  }
0x56: {  	[tilespmem:$0x1FE80] =	vst v3;
	v3 =	vbroadcast v2, $0x9;
	_ =	sdelay $0x1  }
0x57: {  	[tilespmem:$0x1FE90] =	vst v3;
	v3 =	vbroadcast v2, $0xA;
	_ =	sdelay $0x1  }
0x58: {  	[tilespmem:$0x1FEA0] =	vst v3;
	v3 =	vbroadcast v2, $0xB;
	_ =	sdelay $0x1  }
0x59: {  	[tilespmem:$0x1FEB0] =	vst v3;
	v3 =	vbroadcast v2, $0xC  }
0x5a: {  	[tilespmem:$0x1FDE0] =	vst v4;
	v4 =	vld [tilespmem:$0x10030]  }
0x5b: {  	[tilespmem:$0x1FEC0] =	vst v3;
	v3 =	vbroadcast v2, $0xD;
	_ =	sdelay $0x1  }
0x5c: {  	[tilespmem:$0x1FED0] =	vst v3;
	v3 =	vbroadcast v2, $0xE;
	v2 =	vbroadcast v2, $0xF;
	_ =	sdelay $0x1  }
0x5d: {  	[tilespmem:$0x1FEF0] =	vst v2;
	v2 =	vbroadcast v4, $0x0;
	_ =	sdelay $0x1  }
0x5e: {  	[tilespmem:$0x1FF00] =	vst v2;
	v2 =	vbroadcast v4, $0x1;
	_ =	sdelay $0x1  }
0x5f: {  	[tilespmem:$0x1FF10] =	vst v2;
	v2 =	vbroadcast v4, $0x2;
	_ =	sdelay $0x1  }
0x60: {  	[tilespmem:$0x1FF20] =	vst v2;
	v2 =	vbroadcast v4, $0x3;
	_ =	sdelay $0x1  }
0x61: {  	[tilespmem:$0x1FF30] =	vst v2;
	v2 =	vbroadcast v4, $0x4;
	_ =	sdelay $0x1  }
0x62: {  	[tilespmem:$0x1FF40] =	vst v2;
	v2 =	vbroadcast v4, $0x5;
	_ =	sdelay $0x1  }
0x63: {  	[tilespmem:$0x1FF50] =	vst v2;
	v2 =	vbroadcast v4, $0x6;
	_ =	sdelay $0x1  }
0x64: {  	[tilespmem:$0x1FF60] =	vst v2;
	v2 =	vbroadcast v4, $0x7;
	_ =	sdelay $0x1  }
0x65: {  	[tilespmem:$0x1FF70] =	vst v2;
	v2 =	vbroadcast v4, $0x8;
	_ =	sdelay $0x1  }
0x66: {  	[tilespmem:$0x1FF80] =	vst v2;
	v2 =	vbroadcast v4, $0x9;
	_ =	sdelay $0x1  }
0x67: {  	[tilespmem:$0x1FF90] =	vst v2;
	v2 =	vbroadcast v4, $0xA;
	_ =	sdelay $0x1  }
0x68: {  	[tilespmem:$0x1FFA0] =	vst v2;
	v2 =	vbroadcast v4, $0xB;
	_ =	sdelay $0x1  }
0x69: {  	[tilespmem:$0x1FFB0] =	vst v2;
	v2 =	vbroadcast v4, $0xC;
	_ =	sdelay $0x1  }
0x6a: {  	[tilespmem:$0x1FFC0] =	vst v2;
	v2 =	vbroadcast v4, $0xD;
	_ =	sdelay $0x1  }
0x6b: {  	[tilespmem:$0x1FFD0] =	vst v2;
	v2 =	vbroadcast v4, $0xE;
	_ =	sdelay $0x1  }
0x6c: {  	[tilespmem:$0x1FFE0] =	vst v2;
	v2 =	vbroadcast v4, $0xF  }
0x6d: {  	[tilespmem:$0x1FEE0] =	vst v3  }
0x6e: {  	s29 =	simm.s32 $0x10500;
	s28 =	simm.s32 $0x0;
	v5 =	vimm.f32 $-Inf;
	v7 =	vimm.s32 $0x0;
	s1 =	simm.s32 $0x0;
	v4 =	vimm.f32 $0.0e+00;
	[tilespmem:$0x1FFF0] =	vst v2  }
.LBB2_2:
0x6f: {  	s16 =	sand.u32 $0x60, s28;
	s20 =	sand.u32 $0xC00, s1;
	v13 =	vld [tilespmem:$0x1FC00]  }
0x70: {  	v15 =	vld [tilespmem:$0x1FC10];
	s0 =	sor.u32 s16, s20  }
0x71: {  	v6 =	vld [tilespmem:s0+$0x0]  }
0x72: {  	v8 =	vld [tilespmem:s0+$0x80]  }
0x73: {  	v16 =	vld [tilespmem:$0x1FC20]  }
0x74: {  	v9 =	vld [tilespmem:s0+$0x100]  }
0x75: {  	v17 =	vld [tilespmem:$0x1FC30]  }
0x76: {  	v10 =	vld [tilespmem:s0+$0x180]  }
0x77: {  	v18 =	vld [tilespmem:$0x1FC40];
	v6 =	vsub.f32 v6, v13;
	v8 =	vsub.f32 v8, v15  }
0x78: {  	v11 =	vld [tilespmem:s0+$0x200]  }
0x79: {  	v19 =	vld [tilespmem:$0x1FC50];
	v9 =	vsub.f32 v9, v16;
	v6 =	vmul.f32 v6, v6;
	v8 =	vmul.f32 v8, v8  }
0x7a: {  	v12 =	vld [tilespmem:s0+$0x280]  }
0x7b: {  	v20 =	vld [tilespmem:$0x1FC60];
	v30 =	vsub.f32 v10, v17;
	v6 =	vadd.f32 v8, v6;
	v8 =	vmul.f32 v9, v9  }
0x7c: {  	v31 =	vld [tilespmem:s0+$0x300]  }
0x7d: {  	v21 =	vld [tilespmem:$0x1FC70];
	v32 =	vsub.f32 v11, v18;
	v6 =	vadd.f32 v8, v6;
	v8 =	vmul.f32 v30, v30  }
0x7e: {  	s3 =	sor.u32 $0x1000, s20;
	v33 =	vld [tilespmem:s0+$0x380]  }
0x7f: {  	v22 =	vld [tilespmem:$0x1FC80];
	s0 =	sor.u32 s16, s3;
	v34 =	vsub.f32 v12, v19;
	v6 =	vadd.f32 v8, v6;
	v8 =	vmul.f32 v32, v32  }
0x80: {  	[dreg:$0xe] =	wrdreg s4;
	s4 =	sor.u32 $0x1080, s20;
	v35 =	vld [tilespmem:s0+$0x0]  }
0x81: {  	v23 =	vld [tilespmem:$0x1FC90];
	s0 =	sor.u32 s16, s4;
	v36 =	vsub.f32 v31, v20;
	v6 =	vadd.f32 v8, v6;
	v8 =	vmul.f32 v34, v34  }
0x82: {  	s5 =	sor.u32 $0x1100, s20;
	v37 =	vld [tilespmem:s0+$0x0]  }
0x83: {  	v24 =	vld [tilespmem:$0x1FCA0];
	s0 =	sor.u32 s16, s5;
	v38 =	vsub.f32 v33, v21;
	v6 =	vadd.f32 v8, v6;
	v8 =	vmul.f32 v36, v36  }
0x84: {  	s6 =	sor.u32 $0x1180, s20;
	v39 =	vld [tilespmem:s0+$0x0]  }
0x85: {  	v25 =	vld [tilespmem:$0x1FCB0];
	s0 =	sor.u32 s16, s6;
	v40 =	vsub.f32 v35, v22;
	v6 =	vadd.f32 v8, v6;
	v8 =	vmul.f32 v38, v38  }
0x86: {  	s7 =	sor.u32 $0x1200, s20;
	v41 =	vld [tilespmem:s0+$0x0]  }
0x87: {  	v26 =	vld [tilespmem:$0x1FCC0];
	s0 =	sor.u32 s16, s7;
	v42 =	vsub.f32 v37, v23;
	v6 =	vadd.f32 v8, v6;
	v8 =	vmul.f32 v40, v40  }
0x88: {  	s8 =	sor.u32 $0x1280, s20;
	v43 =	vld [tilespmem:s0+$0x0]  }
0x89: {  	v27 =	vld [tilespmem:$0x1FCD0];
	s0 =	sor.u32 s16, s8;
	v44 =	vsub.f32 v39, v24;
	v6 =	vadd.f32 v8, v6;
	v8 =	vmul.f32 v42, v42  }
0x8a: {  	s9 =	sor.u32 $0x1300, s20;
	v45 =	vld [tilespmem:s0+$0x0]  }
0x8b: {  	v28 =	vld [tilespmem:$0x1FCE0];
	s0 =	sor.u32 s16, s9;
	v46 =	vsub.f32 v41, v25;
	v6 =	vadd.f32 v8, v6;
	v8 =	vmul.f32 v44, v44  }
0x8c: {  	s10 =	sor.u32 $0x1380, s20;
	v47 =	vld [tilespmem:s0+$0x0]  }
0x8d: {  	v29 =	vld [tilespmem:$0x1FCF0];
	s25 =	sor.u32 $0x2000, s20;
	s0 =	sor.u32 s16, s10;
	v48 =	vsub.f32 v43, v26;
	v6 =	vadd.f32 v8, v6;
	v8 =	vmul.f32 v46, v46  }
0x8e: {  	s11 =	sor.u32 s16, s25;
	v49 =	vld [tilespmem:s0+$0x0]  }
0x8f: {  	s24 =	sor.u32 $0x2080, s20;
	v51 =	vld [tilespmem:s11+$0x0];
	v50 =	vsub.f32 v45, v27;
	v6 =	vadd.f32 v8, v6;
	v8 =	vmul.f32 v48, v48  }
0x90: {  	s12 =	sor.u32 s16, s24;
	v30 =	vld [tilespmem:$0x1FD00]  }
0x91: {  	s22 =	sor.u32 $0x2100, s20;
	v53 =	vld [tilespmem:s12+$0x0];
	v52 =	vsub.f32 v47, v28;
	v6 =	vadd.f32 v8, v6;
	v8 =	vmul.f32 v50, v50  }
0x92: {  	s13 =	sor.u32 s16, s22;
	v31 =	vld [tilespmem:$0x1FD10]  }
0x93: {  	s19 =	sor.u32 $0x2180, s20;
	v55 =	vld [tilespmem:s13+$0x0];
	v54 =	vsub.f32 v49, v29;
	v6 =	vadd.f32 v8, v6;
	v8 =	vmul.f32 v52, v52  }
0x94: {  	s14 =	sor.u32 s16, s19;
	v32 =	vld [tilespmem:$0x1FD20]  }
0x95: {  	s18 =	sor.u32 $0x2200, s20;
	v57 =	vld [tilespmem:s14+$0x0];
	v56 =	vsub.f32 v51, v30;
	v6 =	vadd.f32 v8, v6;
	v8 =	vmul.f32 v54, v54  }
0x96: {  	s15 =	sor.u32 s16, s18;
	v33 =	vld [tilespmem:$0x1FD30]  }
0x97: {  	s30 =	sor.u32 $0x2280, s20;
	v59 =	vld [tilespmem:s15+$0x0];
	v58 =	vsub.f32 v53, v31;
	v6 =	vadd.f32 v8, v6;
	v8 =	vmul.f32 v56, v56  }
0x98: {  	s17 =	sor.u32 s16, s30;
	v34 =	vld [tilespmem:$0x1FD40]  }
0x99: {  	v61 =	vld [tilespmem:s17+$0x0];
	s15 =	sor.u32 $0x2300, s20;
	v60 =	vsub.f32 v55, v32;
	v6 =	vadd.f32 v8, v6;
	v8 =	vmul.f32 v58, v58  }
0x9a: {  	s21 =	sor.u32 s16, s15;
	v35 =	vld [tilespmem:$0x1FD50]  }
0x9b: {  	v63 =	vld [tilespmem:s21+$0x0];
	v62 =	vsub.f32 v57, v33;
	v6 =	vadd.f32 v8, v6;
	v8 =	vmul.f32 v60, v60  }
0x9c: {  	s14 =	sor.u32 $0x2380, s20;
	v36 =	vld [tilespmem:$0x1FD60]  }
0x9d: {  	s12 =	sor.u32 $0x3000, s20;
	s23 =	sor.u32 s16, s14;
	v37 =	vld [tilespmem:$0x1FD70];
	v40 =	vsub.f32 v59, v34;
	v6 =	vadd.f32 v8, v6;
	v8 =	vmul.f32 v62, v62  }
0x9e: {  	s26 =	sor.u32 s16, s12;
	v41 =	vld [tilespmem:s23+$0x0]  }
0x9f: {  	v43 =	vld [tilespmem:s26+$0x0];
	v42 =	vsub.f32 v61, v35;
	v6 =	vadd.f32 v8, v6;
	v8 =	vmul.f32 v40, v40  }
0xa0: {  	s11 =	sor.u32 $0x3080, s20;
	v38 =	vld [tilespmem:$0x1FD80]  }
0xa1: {  	[smem:$0x7EF] =	sst s10;
	s31 =	sor.u32 s16, s11;
	s10 =	sor.u32 $0x3100, s20;
	v39 =	vld [tilespmem:$0x1FD90];
	v44 =	vsub.f32 v63, v36;
	v6 =	vadd.f32 v8, v6;
	v8 =	vmul.f32 v42, v42  }
0xa2: {  	[dreg:$0x11] =	wrdreg s1;
	s1 =	sor.u32 s16, s10;
	v45 =	vld [tilespmem:s31+$0x0]  }
0xa3: {  	[smem:$0x7EE] =	sst s9;
	s9 =	sor.u32 $0x3180, s20;
	v47 =	vld [tilespmem:s1+$0x0];
	v46 =	vsub.f32 v41, v37;
	v6 =	vadd.f32 v8, v6;
	v8 =	vmul.f32 v44, v44  }
0xa4: {  	s2 =	sor.u32 s16, s9;
	v40 =	vld [tilespmem:$0x1FDA0]  }
0xa5: {  	[smem:$0x7ED] =	sst s8;
	s8 =	sor.u32 $0x3200, s20;
	v49 =	vld [tilespmem:s2+$0x0];
	v48 =	vsub.f32 v43, v38;
	v6 =	vadd.f32 v8, v6;
	v8 =	vmul.f32 v46, v46  }
0xa6: {  	[smem:$0x7E8] =	sst s3;
	s3 =	sor.u32 s16, s8;
	v41 =	vld [tilespmem:$0x1FDB0]  }
0xa7: {  	[smem:$0x7EB] =	sst s6;
	s6 =	sor.u32 $0x3280, s20;
	v51 =	vld [tilespmem:s3+$0x0];
	v50 =	vsub.f32 v45, v39;
	v6 =	vadd.f32 v8, v6;
	v8 =	vmul.f32 v48, v48  }
0xa8: {  	[smem:$0x7E9] =	sst s4;
	s4 =	sor.u32 s16, s6;
	v42 =	vld [tilespmem:$0x1FDC0]  }
0xa9: {  	v53 =	vld [tilespmem:s4+$0x0];
	s4 =	sor.u32 $0x3300, s20;
	v52 =	vsub.f32 v47, v40;
	v6 =	vadd.f32 v8, v6;
	v8 =	vmul.f32 v50, v50  }
0xaa: {  	[smem:$0x7EA] =	sst s5;
	s5 =	sor.u32 s16, s4;
	v43 =	vld [tilespmem:$0x1FDD0]  }
0xab: {  	s2 =	sor.u32 $0x3380, s20;
	v55 =	vld [tilespmem:s5+$0x0];
	v54 =	vsub.f32 v49, v41;
	v6 =	vadd.f32 v8, v6;
	v8 =	vmul.f32 v52, v52  }
0xac: {  	[smem:$0x7EC] =	sst s7;
	s7 =	sor.u32 s16, s2;
	v44 =	vld [tilespmem:$0x1FDE0]  }
0xad: {  	s21 =	sor.u32 $0x4000, s20;
	v57 =	vld [tilespmem:s7+$0x0];
	v56 =	vsub.f32 v51, v42;
	v6 =	vadd.f32 v8, v6;
	v8 =	vmul.f32 v54, v54  }
0xae: {  	s13 =	sor.u32 s16, s21;
	v45 =	vld [tilespmem:$0x1FDF0]  }
0xaf: {  	s3 =	sor.u32 $0x4080, s20;
	v59 =	vld [tilespmem:s13+$0x0];
	v58 =	vsub.f32 v53, v43;
	v6 =	vadd.f32 v8, v6;
	v8 =	vmul.f32 v56, v56  }
0xb0: {  	s17 =	sor.u32 s16, s3;
	v46 =	vld [tilespmem:$0x1FE00]  }
0xb1: {  	s1 =	sor.u32 $0x4100, s20;
	v61 =	vld [tilespmem:s17+$0x0];
	v60 =	vsub.f32 v55, v44;
	v6 =	vadd.f32 v8, v6;
	v8 =	vmul.f32 v58, v58  }
0xb2: {  	s5 =	sor.u32 s16, s1;
	v47 =	vld [tilespmem:$0x1FE10]  }
0xb3: {  	v63 =	vld [tilespmem:s5+$0x0];
	s5 =	sor.u32 $0x4180, s20;
	v62 =	vsub.f32 v57, v45;
	v6 =	vadd.f32 v8, v6;
	v8 =	vmul.f32 v60, v60  }
0xb4: {  	s7 =	sor.u32 s16, s5;
	v48 =	vld [tilespmem:$0x1FE20]  }
0xb5: {  	v53 =	vld [tilespmem:s7+$0x0];
	s7 =	sor.u32 $0x4200, s20;
	v52 =	vsub.f32 v59, v46;
	v6 =	vadd.f32 v8, v6;
	v8 =	vmul.f32 v62, v62  }
0xb6: {  	v49 =	vld [tilespmem:$0x1FE30];
	s13 =	sor.u32 s16, s7  }
0xb7: {  	v55 =	vld [tilespmem:s13+$0x0];
	s13 =	sor.u32 $0x4280, s20;
	v54 =	vsub.f32 v61, v47;
	v6 =	vadd.f32 v8, v6;
	v8 =	vmul.f32 v52, v52  }
0xb8: {  	s17 =	sor.u32 s16, s13;
	v50 =	vld [tilespmem:$0x1FE40]  }
0xb9: {  	v57 =	vld [tilespmem:s17+$0x0];
	s17 =	sor.u32 $0x4300, s20;
	v56 =	vsub.f32 v63, v48;
	v6 =	vadd.f32 v8, v6;
	v8 =	vmul.f32 v54, v54  }
0xba: {  	v51 =	vld [tilespmem:$0x1FE50];
	s23 =	sor.u32 s16, s17  }
0xbb: {  	v59 =	vld [tilespmem:s23+$0x0];
	s23 =	sor.u32 $0x4380, s20;
	v58 =	vsub.f32 v53, v49;
	v6 =	vadd.f32 v8, v6;
	v8 =	vmul.f32 v56, v56  }
0xbc: {  	s26 =	sor.u32 s16, s23;
	v52 =	vld [tilespmem:$0x1FE60]  }
0xbd: {  	v61 =	vld [tilespmem:s26+$0x0];
	s26 =	sor.u32 $0x5000, s20;
	v60 =	vsub.f32 v55, v50;
	v6 =	vadd.f32 v8, v6;
	v8 =	vmul.f32 v58, v58  }
0xbe: {  	s0 =	smov.u32 s29;
	s29 =	sor.u32 s16, s26;
	v53 =	vld [tilespmem:$0x1FE70]  }
0xbf: {  	v63 =	vld [tilespmem:s29+$0x0];
	v62 =	vsub.f32 v57, v51;
	v6 =	vadd.f32 v8, v6;
	v8 =	vmul.f32 v60, v60  }
0xc0: {  	s29 =	sor.u32 $0x5080, s20;
	v54 =	vld [tilespmem:$0x1FE80]  }
0xc1: {  	[smem:$0x7F0] =	sst s29;
	s29 =	sor.u32 s16, s29;
	v55 =	vld [tilespmem:$0x1FE90];
	v57 =	vsub.f32 v59, v52;
	v6 =	vadd.f32 v8, v6;
	v8 =	vmul.f32 v62, v62  }
0xc2: {  	v58 =	vld [tilespmem:s29+$0x0];
	s29 =	sor.u32 $0x5100, s20  }
0xc3: {  	v56 =	vld [tilespmem:$0x1FEA0];
	v59 =	vsub.f32 v61, v53;
	[smem:$0x7F1] =	sst s29;
	s29 =	sor.u32 s16, s29;
	v6 =	vadd.f32 v8, v6;
	v8 =	vmul.f32 v57, v57  }
0xc4: {  	v10 =	vld [tilespmem:s29+$0x0];
	s29 =	sor.u32 $0x5180, s20  }
0xc5: {  	v60 =	vsub.f32 v63, v54;
	[smem:$0x7F2] =	sst s29;
	s29 =	sor.u32 s16, s29;
	v6 =	vadd.f32 v8, v6;
	v8 =	vmul.f32 v59, v59  }
0xc6: {  	v61 =	vld [tilespmem:s29+$0x0];
	s29 =	sor.u32 $0x5200, s20  }
0xc7: {  	[smem:$0x7F3] =	sst s29;
	v62 =	vsub.f32 v58, v55;
	s29 =	sor.u32 s16, s29;
	v58 =	vld [tilespmem:$0x1FEC0];
	v6 =	vadd.f32 v8, v6;
	v8 =	vmul.f32 v60, v60  }
0xc8: {  	v63 =	vld [tilespmem:s29+$0x0];
	s29 =	sor.u32 $0x5280, s20  }
0xc9: {  	v57 =	vld [tilespmem:$0x1FEB0];
	[smem:$0x7F4] =	sst s29;
	s29 =	sor.u32 s16, s29;
	v59 =	vsub.f32 v10, v56;
	v6 =	vadd.f32 v8, v6;
	v8 =	vmul.f32 v62, v62  }
0xca: {  	v60 =	vld [tilespmem:s29+$0x0]  }
0xcb: {  	v6 =	vadd.f32 v8, v6;
	v8 =	vmul.f32 v59, v59;
	v59 =	vld [tilespmem:$0x1FED0];
	_ =	sdelay $0x1  }
0xcc: {  	s29 =	sor.u32 $0x5300, s20  }
0xcd: {  	[smem:$0x7F5] =	sst s29;
	s29 =	sor.u32 s16, s29  }
0xce: {  	v61 =	vsub.f32 v61, v57;
	v11 =	vld [tilespmem:s29+$0x0]  }
0xcf: {  	s29 =	sor.u32 $0x5380, s20;
	v62 =	vsub.f32 v63, v58;
	v63 =	vsub.f32 v60, v59;
	v60 =	vld [tilespmem:$0x1FEE0]  }
0xd0: {  	v2 =	vld [tilespmem:$0x1FEF0];
	[smem:$0x7F6] =	sst s29;
	s29 =	sor.u32 s16, s29;
	v6 =	vadd.f32 v8, v6;
	v8 =	vmul.f32 v61, v61  }
0xd1: {  	v12 =	vld [tilespmem:s29+$0x0]  }
0xd2: {  	v6 =	vadd.f32 v8, v6;
	v8 =	vmul.f32 v62, v62;
	_ =	sdelay $0x1  }
0xd3: {  	v6 =	vadd.f32 v8, v6;
	v8 =	vmul.f32 v63, v63;
	v14 =	vsub.f32 v11, v60  }
0xd4: {  	s29 =	sor.u32 $0x6000, s20  }
0xd5: {  	[smem:$0x7F7] =	sst s29;
	s29 =	sor.u32 s16, s29;
	v61 =	vsub.f32 v12, v2;
	v6 =	vadd.f32 v8, v6;
	v8 =	vmul.f32 v14, v14  }
0xd6: {  	v10 =	vld [tilespmem:s29+$0x0]  }
0xd7: {  	v6 =	vadd.f32 v8, v6;
	v8 =	vmul.f32 v61, v61;
	v61 =	vld [tilespmem:$0x1FF00];
	_ =	sdelay $0x3  }
0xd8: {  	s29 =	sor.u32 $0x6080, s20  }
0xd9: {  	[smem:$0x7F8] =	sst s29;
	s29 =	sor.u32 s16, s29;
	v62 =	vsub.f32 v10, v61  }
0xda: {  	v11 =	vld [tilespmem:s29+$0x0]  }
0xdb: {  	v6 =	vadd.f32 v8, v6;
	v8 =	vmul.f32 v62, v62;
	v62 =	vld [tilespmem:$0x1FF10];
	_ =	sdelay $0x3  }
0xdc: {  	s29 =	sor.u32 $0x6100, s20  }
0xdd: {  	[smem:$0x7F9] =	sst s29;
	s29 =	sor.u32 s16, s29;
	v63 =	vsub.f32 v11, v62  }
0xde: {  	v12 =	vld [tilespmem:s29+$0x0]  }
0xdf: {  	s29 =	sor.u32 $0x6180, s20;
	v6 =	vadd.f32 v8, v6;
	v8 =	vmul.f32 v63, v63;
	v63 =	vld [tilespmem:$0x1FF20]  }
0xe0: {  	v3 =	vld [tilespmem:$0x1FF30];
	[smem:$0x7FA] =	sst s29;
	s29 =	sor.u32 s16, s29  }
0xe1: {  	v10 =	vld [tilespmem:s29+$0x0];
	_ =	sdelay $0x2  }
0xe2: {  	v9 =	vsub.f32 v12, v63  }
0xe3: {  	s29 =	sor.u32 $0x6200, s20  }
0xe4: {  	[smem:$0x7FB] =	sst s29;
	s29 =	sor.u32 s16, s29;
	v14 =	vsub.f32 v10, v3;
	v6 =	vadd.f32 v8, v6;
	v8 =	vmul.f32 v9, v9  }
0xe5: {  	v11 =	vld [tilespmem:s29+$0x0]  }
0xe6: {  	v6 =	vadd.f32 v8, v6;
	v8 =	vmul.f32 v14, v14;
	v14 =	vld [tilespmem:$0x1FF40];
	_ =	sdelay $0x1  }
0xe7: {  	s29 =	sor.u32 $0x6280, s20  }
0xe8: {  	[smem:$0x7FC] =	sst s29;
	s29 =	sor.u32 s16, s29  }
0xe9: {  	v12 =	vld [tilespmem:s29+$0x0]  }
0xea: {  	v9 =	vsub.f32 v11, v14;
	v14 =	vld [tilespmem:$0x1FF50];
	_ =	sdelay $0x1  }
0xeb: {  	s29 =	sor.u32 $0x6300, s20  }
0xec: {  	[smem:$0x7FD] =	sst s29;
	s29 =	sor.u32 s16, s29  }
0xed: {  	v10 =	vld [tilespmem:s29+$0x0]  }
0xee: {  	v6 =	vadd.f32 v8, v6;
	v8 =	vmul.f32 v9, v9;
	v9 =	vsub.f32 v12, v14;
	v14 =	vld [tilespmem:$0x1FF60];
	_ =	sdelay $0x1  }
0xef: {  	s29 =	sor.u32 $0x6380, s20  }
0xf0: {  	[dreg:$0x1f] =	wrdreg s29;
	s29 =	sor.u32 s16, s29  }
0xf1: {  	v11 =	vld [tilespmem:s29+$0x0]  }
0xf2: {  	v6 =	vadd.f32 v8, v6;
	v8 =	vmul.f32 v9, v9;
	v9 =	vsub.f32 v10, v14;
	v14 =	vld [tilespmem:$0x1FF70];
	_ =	sdelay $0x1  }
0xf3: {  	s29 =	sor.u32 $0x7000, s20  }
0xf4: {  	[dreg:$0x1d] =	wrdreg s29;
	s29 =	sor.u32 s16, s29  }
0xf5: {  	v12 =	vld [tilespmem:s29+$0x0]  }
0xf6: {  	v6 =	vadd.f32 v8, v6;
	v8 =	vmul.f32 v9, v9;
	v9 =	vsub.f32 v11, v14;
	v14 =	vld [tilespmem:$0x1FF80];
	_ =	sdelay $0x1  }
0xf7: {  	s29 =	sor.u32 $0x7080, s20  }
0xf8: {  	[dreg:$0x1b] =	wrdreg s29;
	s29 =	sor.u32 s16, s29  }
0xf9: {  	v10 =	vld [tilespmem:s29+$0x0]  }
0xfa: {  	v6 =	vadd.f32 v8, v6;
	v8 =	vmul.f32 v9, v9;
	v9 =	vsub.f32 v12, v14;
	v14 =	vld [tilespmem:$0x1FF90];
	_ =	sdelay $0x1  }
0xfb: {  	s29 =	sor.u32 $0x7100, s20  }
0xfc: {  	[dreg:$0x19] =	wrdreg s29;
	s29 =	sor.u32 s16, s29  }
0xfd: {  	v11 =	vld [tilespmem:s29+$0x0]  }
0xfe: {  	v6 =	vadd.f32 v8, v6;
	v8 =	vmul.f32 v9, v9;
	v9 =	vsub.f32 v10, v14;
	v14 =	vld [tilespmem:$0x1FFA0];
	_ =	sdelay $0x1  }
0xff: {  	s29 =	sor.u32 $0x7180, s20  }
0x100: {  	[dreg:$0x17] =	wrdreg s29;
	s29 =	sor.u32 s16, s29  }
0x101: {  	v12 =	vld [tilespmem:s29+$0x0]  }
0x102: {  	v6 =	vadd.f32 v8, v6;
	v8 =	vmul.f32 v9, v9;
	v9 =	vsub.f32 v11, v14;
	v14 =	vld [tilespmem:$0x1FFB0];
	_ =	sdelay $0x1  }
0x103: {  	s29 =	sor.u32 $0x7200, s20  }
0x104: {  	[dreg:$0x15] =	wrdreg s29;
	s29 =	sor.u32 s16, s29  }
0x105: {  	v10 =	vld [tilespmem:s29+$0x0]  }
0x106: {  	v6 =	vadd.f32 v8, v6;
	v8 =	vmul.f32 v9, v9;
	v9 =	vsub.f32 v12, v14;
	v14 =	vld [tilespmem:$0x1FFC0];
	_ =	sdelay $0x1  }
0x107: {  	s29 =	sor.u32 $0x7280, s20  }
0x108: {  	[dreg:$0x13] =	wrdreg s29;
	s29 =	sor.u32 s16, s29  }
0x109: {  	v11 =	vld [tilespmem:s29+$0x0]  }
0x10a: {  	v6 =	vadd.f32 v8, v6;
	v8 =	vmul.f32 v9, v9;
	v9 =	vsub.f32 v10, v14;
	v14 =	vld [tilespmem:$0x1FFD0];
	_ =	sdelay $0x1  }
0x10b: {  	s29 =	sor.u32 $0x7300, s20  }
0x10c: {  	[dreg:$0x12] =	wrdreg s29;
	s29 =	sor.u32 s16, s29  }
0x10d: {  	v12 =	vld [tilespmem:s29+$0x0]  }
0x10e: {  	v6 =	vadd.f32 v8, v6;
	v8 =	vmul.f32 v9, v9;
	v9 =	vsub.f32 v11, v14;
	v14 =	vld [tilespmem:$0x1FFE0];
	_ =	sdelay $0x1  }
0x10f: {  	s31 =	sor.u32 $0x7380, s20  }
0x110: {  	s29 =	sor.u32 s16, s31  }
0x111: {  	v10 =	vld [tilespmem:s29+$0x0]  }
0x112: {  	v6 =	vadd.f32 v8, v6;
	v8 =	vmul.f32 v9, v9;
	v9 =	vsub.f32 v12, v14;
	v14 =	vld [tilespmem:$0x1FFF0];
	_ =	sdelay $0x4  }
0x113: {  	v6 =	vadd.f32 v8, v6;
	v8 =	vmul.f32 v9, v9;
	v9 =	vsub.f32 v10, v14;
	_ =	sdelay $0x1  }
0x114: {  	v6 =	vadd.f32 v8, v6;
	v8 =	vmul.f32 v9, v9;
	_ =	sdelay $0x1  }
0x115: {  	v6 =	vadd.f32 v8, v6  }
0x116: {  	s16 =	sor.u32 $0x10, s16  }
0x117: {  	s20 =	sor.u32 s16, s20;
	[tilespmem:s0+$0x0] =	vst v6  }
0x118: {  	v12 =	vld [tilespmem:s20+$0x80];
	_ =	sdelay $0x1  }
0x119: {  	v8 =	vld [tilespmem:s20+$0x0]  }
0x11a: {  	v10 =	vld [tilespmem:s20+$0x100]  }
0x11b: {  	v11 =	vld [tilespmem:s20+$0x180]  }
0x11c: {  	v9 =	vsub.f32 v12, v15;
	v12 =	vld [tilespmem:s20+$0x200];
	_ =	sdelay $0x2  }
0x11d: {  	v8 =	vsub.f32 v8, v13;
	v13 =	vld [tilespmem:s20+$0x280]  }
0x11e: {  	v10 =	vsub.f32 v10, v16;
	v15 =	vsub.f32 v11, v17;
	v11 =	vld [tilespmem:s20+$0x300]  }
0x11f: {  	v8 =	vmul.f32 v8, v8;
	v9 =	vmul.f32 v9, v9;
	v17 =	vsub.f32 v12, v18;
	v12 =	vld [tilespmem:s20+$0x380];
	s20 =	sld [smem:$0x7E8];
	_ =	sdelay $0x1  }
0x120: {  	v14 =	vmul.f32 v10, v10;
	v8 =	vadd.f32 v9, v8  }
0x121: {  	s29 =	smov.u32 s0;
	s0 =	sor.u32 s16, s20;
	s20 =	sld [smem:$0x7E9]  }
0x122: {  	v16 =	vmul.f32 v15, v15;
	v8 =	vadd.f32 v14, v8;
	_ =	sdelay $0x1  }
0x123: {  	v8 =	vadd.f32 v16, v8;
	v16 =	vld [tilespmem:s0+$0x0];
	s0 =	sor.u32 s16, s20;
	s20 =	sld [smem:$0x7EA]  }
0x124: {  	v18 =	vmul.f32 v17, v17;
	_ =	sdelay $0x1  }
0x125: {  	v8 =	vadd.f32 v18, v8;
	v18 =	vsub.f32 v11, v20;
	v11 =	vld [tilespmem:s0+$0x0];
	s0 =	sor.u32 s16, s20;
	s20 =	sld [smem:$0x7EB]  }
0x126: {  	v19 =	vsub.f32 v13, v19;
	_ =	sdelay $0x1  }
0x127: {  	v17 =	vmul.f32 v19, v19;
	v20 =	vsub.f32 v12, v21;
	v12 =	vld [tilespmem:s0+$0x0];
	s0 =	sor.u32 s16, s20;
	s20 =	sld [smem:$0x7EC];
	_ =	sdelay $0x1  }
0x128: {  	v8 =	vadd.f32 v17, v8;
	v19 =	vmul.f32 v18, v18  }
0x129: {  	v17 =	vld [tilespmem:s0+$0x0];
	s0 =	sor.u32 s16, s20;
	s20 =	sld [smem:$0x7ED]  }
0x12a: {  	v21 =	vmul.f32 v20, v20;
	v8 =	vadd.f32 v19, v8;
	v16 =	vsub.f32 v16, v22;
	_ =	sdelay $0x1  }
0x12b: {  	v8 =	vadd.f32 v21, v8;
	v18 =	vmul.f32 v16, v16;
	v19 =	vsub.f32 v11, v23;
	v20 =	vld [tilespmem:s0+$0x0];
	s0 =	sor.u32 s16, s20;
	s20 =	sld [smem:$0x7EE];
	_ =	sdelay $0x1  }
0x12c: {  	v8 =	vadd.f32 v18, v8;
	v21 =	vmul.f32 v19, v19;
	v22 =	vsub.f32 v12, v24  }
0x12d: {  	v23 =	vld [tilespmem:s0+$0x0];
	s0 =	sor.u32 s16, s20;
	s20 =	sld [smem:$0x7EF]  }
0x12e: {  	v8 =	vadd.f32 v21, v8;
	v24 =	vmul.f32 v22, v22;
	v25 =	vsub.f32 v17, v25  }
0x12f: {  	v16 =	vld [tilespmem:s0+$0x0]  }
0x130: {  	v8 =	vadd.f32 v24, v8;
	v17 =	vmul.f32 v25, v25;
	v18 =	vsub.f32 v20, v26;
	s0 =	sor.u32 s16, s20  }
0x131: {  	v19 =	vld [tilespmem:s0+$0x0]  }
0x132: {  	v8 =	vadd.f32 v17, v8;
	v20 =	vmul.f32 v18, v18;
	v21 =	vsub.f32 v23, v27;
	s0 =	sor.u32 s16, s25  }
0x133: {  	v22 =	vld [tilespmem:s0+$0x0]  }
0x134: {  	s24 =	sor.u32 s16, s24;
	v8 =	vadd.f32 v20, v8;
	v23 =	vmul.f32 v21, v21;
	v24 =	vsub.f32 v16, v28  }
0x135: {  	v25 =	vld [tilespmem:s24+$0x0]  }
0x136: {  	s25 =	sor.u32 s16, s22;
	v8 =	vadd.f32 v23, v8;
	v26 =	vmul.f32 v24, v24;
	v27 =	vsub.f32 v19, v29  }
0x137: {  	v28 =	vld [tilespmem:s25+$0x0]  }
0x138: {  	s19 =	sor.u32 s16, s19;
	v8 =	vadd.f32 v26, v8;
	v30 =	vsub.f32 v22, v30;
	v29 =	vmul.f32 v27, v27  }
0x139: {  	v16 =	vld [tilespmem:s19+$0x0]  }
0x13a: {  	s18 =	sor.u32 s16, s18;
	v18 =	vsub.f32 v25, v31;
	v17 =	vmul.f32 v30, v30;
	v8 =	vadd.f32 v29, v8  }
0x13b: {  	v19 =	vld [tilespmem:s18+$0x0]  }
0x13c: {  	s0 =	sor.u32 s16, s30;
	v20 =	vmul.f32 v18, v18;
	v21 =	vsub.f32 v28, v32;
	v8 =	vadd.f32 v17, v8  }
0x13d: {  	v22 =	vld [tilespmem:s0+$0x0]  }
0x13e: {  	s15 =	sor.u32 s16, s15;
	v24 =	vsub.f32 v16, v33;
	v23 =	vmul.f32 v21, v21;
	v8 =	vadd.f32 v20, v8  }
0x13f: {  	v25 =	vld [tilespmem:s15+$0x0]  }
0x140: {  	s14 =	sor.u32 s16, s14;
	v26 =	vmul.f32 v24, v24;
	v27 =	vsub.f32 v19, v34;
	v8 =	vadd.f32 v23, v8  }
0x141: {  	v28 =	vld [tilespmem:s14+$0x0]  }
0x142: {  	s12 =	sor.u32 s16, s12;
	v30 =	vsub.f32 v22, v35;
	v29 =	vmul.f32 v27, v27;
	v8 =	vadd.f32 v26, v8  }
0x143: {  	v31 =	vld [tilespmem:s12+$0x0]  }
0x144: {  	s11 =	sor.u32 s16, s11;
	v33 =	vsub.f32 v25, v36;
	v32 =	vmul.f32 v30, v30;
	v8 =	vadd.f32 v29, v8  }
0x145: {  	v34 =	vld [tilespmem:s11+$0x0]  }
0x146: {  	s10 =	sor.u32 s16, s10;
	v35 =	vmul.f32 v33, v33;
	v36 =	vsub.f32 v28, v37;
	v8 =	vadd.f32 v32, v8  }
0x147: {  	v37 =	vld [tilespmem:s10+$0x0]  }
0x148: {  	s9 =	sor.u32 s16, s9;
	v16 =	vsub.f32 v31, v38;
	v15 =	vmul.f32 v36, v36;
	v8 =	vadd.f32 v35, v8  }
0x149: {  	v17 =	vld [tilespmem:s9+$0x0]  }
0x14a: {  	s8 =	sor.u32 s16, s8;
	v18 =	vmul.f32 v16, v16;
	v19 =	vsub.f32 v34, v39;
	v8 =	vadd.f32 v15, v8  }
0x14b: {  	v20 =	vld [tilespmem:s8+$0x0]  }
0x14c: {  	s6 =	sor.u32 s16, s6;
	v21 =	vmul.f32 v19, v19;
	v22 =	vsub.f32 v37, v40;
	v8 =	vadd.f32 v18, v8  }
0x14d: {  	v23 =	vld [tilespmem:s6+$0x0]  }
0x14e: {  	s4 =	sor.u32 s16, s4;
	v25 =	vsub.f32 v17, v41;
	v24 =	vmul.f32 v22, v22;
	v8 =	vadd.f32 v21, v8  }
0x14f: {  	v26 =	vld [tilespmem:s4+$0x0]  }
0x150: {  	s2 =	sor.u32 s16, s2;
	v10 =	vmul.f32 v25, v25;
	v12 =	vsub.f32 v20, v42;
	v9 =	vadd.f32 v24, v8  }
0x151: {  	v14 =	vld [tilespmem:s2+$0x0];
	s18 =	sor.u32 s16, s3  }
0x152: {  	s15 =	sor.u32 s16, s21;
	v31 =	vld [tilespmem:s18+$0x0];
	v27 =	vmul.f32 v12, v12;
	v28 =	vsub.f32 v23, v43;
	v9 =	vadd.f32 v10, v9  }
0x153: {  	s20 =	sor.u32 s16, s5;
	v29 =	vld [tilespmem:s15+$0x0]  }
0x154: {  	s4 =	rddreg [dreg:$0xe];
	v40 =	vld [tilespmem:s20+$0x0];
	v30 =	vmul.f32 v28, v28;
	v11 =	vsub.f32 v26, v44;
	v9 =	vadd.f32 v27, v9  }
0x155: {  	s19 =	sor.u32 s16, s1;
	v8 =	vld [tilespmem:s4+$0x0]  }
0x156: {  	v33 =	vsub.f32 v14, v45;
	v35 =	vld [tilespmem:s19+$0x0];
	v32 =	vmul.f32 v11, v11;
	v9 =	vadd.f32 v30, v9  }
0x157: {  	s21 =	sor.u32 s16, s7;
	v41 =	vbroadcast v6, $0x0;
	v12 =	vsub.f32 v31, v47  }
0x158: {  	v36 =	vmul.f32 v33, v33;
	v43 =	vld [tilespmem:s21+$0x0];
	v37 =	vsub.f32 v29, v46;
	v9 =	vadd.f32 v32, v9  }
0x159: {  	s22 =	sor.u32 s16, s13;
	v13 =	vmax.f32 v5, v41;
	v12 =	vmul.f32 v12, v12;
	v11 =	vsub.f32 v40, v49  }
0x15a: {  	v45 =	vld [tilespmem:s22+$0x0];
	v39 =	vmul.f32 v37, v37;
	v34 =	vbroadcast v8, $0x0;
	v9 =	vadd.f32 v36, v9  }
0x15b: {  	v46 =	vbroadcast v6, $0x1;
	v11 =	vmul.f32 v11, v11;
	v15 =	vsub.f32 v35, v48  }
0x15c: {  	v42 =	vbroadcast v8, $0x1;
	vm0 =	veq.s32 v34, v0;
	v9 =	vadd.f32 v39, v9  }
0x15d: {  	v44 =	vmul.f32 v15, v15;
	v10 =	vsub.f32 v43, v50;
	v38 =	vsel vm0, $0x1, v1  }
0x15e: {  	s24 =	sor.u32 s16, s17;
	vm14 =	veq.s32 v42, v0;
	v7 =	vadd.s32 v38, v7;
	v9 =	vadd.f32 v12, v9  }
0x15f: {  	v48 =	vld [tilespmem:s24+$0x0];
	v50 =	vsub.f32 v45, v51;
	v14 =	vsel vm14, $0x1, v1;
	vm1 =	vlt.s32 v7, $0x10  }
0x160: {  	s25 =	sor.u32 s16, s23;
	v7 =	vadd.s32 v14, v7;
	vm0 =	vmand vm0, vm1;
	v9 =	vadd.f32 v44, v9  }
0x161: {  	s1 =	sld [smem:$0x7F0];
	v49 =	vld [tilespmem:s25+$0x0];
	v10 =	vmul.f32 v10, v10;
	vm15 =	vlt.s32 v7, $0x10;
	v5 =	vsel vm0, v13, v5  }
0x162: {  	s30 =	sor.u32 s16, s26;
	vm0 =	vmand vm14, vm15;
	v13 =	vmax.f32 v5, v46;
	v9 =	vadd.f32 v11, v9  }
0x163: {  	s2 =	sld [smem:$0x7F1];
	v19 =	vld [tilespmem:s30+$0x0];
	v5 =	vsel vm0, v13, v5  }
0x164: {  	s0 =	sor.u32 s16, s1;
	v13 =	vmul.f32 v50, v50;
	v12 =	vsub.f32 v48, v52;
	v9 =	vadd.f32 v10, v9  }
0x165: {  	s3 =	sld [smem:$0x7F2];
	v20 =	vld [tilespmem:s0+$0x0]  }
0x166: {  	s0 =	sor.u32 s16, s2;
	v12 =	vmul.f32 v12, v12;
	v11 =	vsub.f32 v49, v53;
	v9 =	vadd.f32 v13, v9  }
0x167: {  	s5 =	sld [smem:$0x7F3];
	v23 =	vld [tilespmem:s0+$0x0]  }
0x168: {  	s0 =	sor.u32 s16, s3;
	v11 =	vmul.f32 v11, v11;
	v10 =	vsub.f32 v19, v54;
	v9 =	vadd.f32 v12, v9  }
0x169: {  	s6 =	sld [smem:$0x7F4];
	v24 =	vld [tilespmem:s0+$0x0]  }
0x16a: {  	s0 =	sor.u32 s16, s5;
	v10 =	vmul.f32 v10, v10;
	v13 =	vsub.f32 v20, v55;
	v9 =	vadd.f32 v11, v9  }
0x16b: {  	s7 =	sld [smem:$0x7F5];
	v33 =	vbroadcast v6, $0x6;
	v27 =	vld [tilespmem:s0+$0x0]  }
0x16c: {  	s0 =	sor.u32 s16, s6;
	v13 =	vmul.f32 v13, v13;
	v12 =	vsub.f32 v23, v56;
	v9 =	vadd.f32 v10, v9  }
0x16d: {  	s8 =	sld [smem:$0x7F6];
	v25 =	vbroadcast v6, $0x4;
	v41 =	vbroadcast v6, $0x8;
	v28 =	vld [tilespmem:s0+$0x0]  }
0x16e: {  	s9 =	sld [smem:$0x7F7];
	s0 =	sor.u32 s16, s7;
	v12 =	vmul.f32 v12, v12;
	v11 =	vsub.f32 v24, v57;
	v9 =	vadd.f32 v13, v9  }
0x16f: {  	s10 =	sld [smem:$0x7F8];
	v29 =	vbroadcast v6, $0x5;
	v37 =	vbroadcast v6, $0x7;
	v31 =	vld [tilespmem:s0+$0x0]  }
0x170: {  	s11 =	sld [smem:$0x7F9];
	s0 =	sor.u32 s16, s8;
	v11 =	vmul.f32 v11, v11;
	v10 =	vsub.f32 v27, v58;
	v9 =	vadd.f32 v12, v9  }
0x171: {  	s12 =	sld [smem:$0x7FA];
	v21 =	vbroadcast v6, $0x3;
	v51 =	vbroadcast v6, $0x2;
	v32 =	vld [tilespmem:s0+$0x0];
	s0 =	sor.u32 s16, s9  }
0x172: {  	s13 =	sld [smem:$0x7FB];
	v35 =	vld [tilespmem:s0+$0x0];
	s0 =	sor.u32 s16, s10;
	v10 =	vmul.f32 v10, v10;
	v13 =	vsub.f32 v28, v59;
	v9 =	vadd.f32 v11, v9  }
0x173: {  	v45 =	vbroadcast v6, $0x9;
	v47 =	vbroadcast v8, $0x2;
	v36 =	vld [tilespmem:s0+$0x0];
	s0 =	sor.u32 s16, s11  }
0x174: {  	v39 =	vld [tilespmem:s0+$0x0];
	s0 =	sor.u32 s16, s12;
	v13 =	vmul.f32 v13, v13;
	v12 =	vsub.f32 v31, v60;
	v9 =	vadd.f32 v10, v9  }
0x175: {  	v18 =	vbroadcast v8, $0x3;
	v22 =	vbroadcast v8, $0x4;
	v40 =	vld [tilespmem:s0+$0x0];
	s0 =	sor.u32 s16, s13  }
0x176: {  	v43 =	vld [tilespmem:s0+$0x0];
	v12 =	vmul.f32 v12, v12;
	v11 =	vsub.f32 v32, v2;
	v9 =	vadd.f32 v13, v9  }
0x177: {  	s14 =	sld [smem:$0x7FC];
	v26 =	vbroadcast v8, $0x5;
	v30 =	vbroadcast v8, $0x6;
	v2 =	vld [tilespmem:$0x1FF40]  }
0x178: {  	v11 =	vmul.f32 v11, v11;
	v10 =	vsub.f32 v35, v61;
	v9 =	vadd.f32 v12, v9  }
0x179: {  	vm4 =	veq.s32 v47, v0;
	vm6 =	veq.s32 v18, v0;
	vm8 =	veq.s32 v22, v0  }
0x17a: {  	vm10 =	veq.s32 v26, v0;
	s0 =	sor.u32 s16, s14;
	v10 =	vmul.f32 v10, v10;
	v9 =	vadd.f32 v11, v9  }
0x17b: {  	v34 =	vbroadcast v8, $0x7;
	v42 =	vbroadcast v8, $0x9;
	v15 =	vsel vm6, $0x1, v1;
	v44 =	vld [tilespmem:s0+$0x0]  }
0x17c: {  	s15 =	sld [smem:$0x7FD];
	v14 =	vsel vm4, $0x1, v1;
	v9 =	vadd.f32 v10, v9;
	v10 =	vsub.f32 v43, v2;
	v2 =	vld [tilespmem:$0x1FF50]  }
0x17d: {  	vm12 =	veq.s32 v30, v0;
	v7 =	vadd.s32 v14, v7;
	v13 =	vsub.f32 v36, v62  }
0x17e: {  	v38 =	vbroadcast v8, $0x8;
	vm5 =	vlt.s32 v7, $0x10;
	v7 =	vadd.s32 v15, v7  }
0x17f: {  	v15 =	vsel vm8, $0x1, v1;
	vm14 =	veq.s32 v34, v0;
	s0 =	sor.u32 s16, s15;
	v13 =	vmul.f32 v13, v13  }
0x180: {  	vm7 =	vlt.s32 v7, $0x10;
	v7 =	vadd.s32 v15, v7;
	v15 =	vsel vm10, $0x1, v1;
	v47 =	vld [tilespmem:s0+$0x0]  }
0x181: {  	v46 =	vbroadcast v8, $0xA;
	v9 =	vadd.f32 v13, v9;
	v13 =	vsub.f32 v44, v2;
	v2 =	vld [tilespmem:$0x1FF60]  }
0x182: {  	vm0 =	vmand vm4, vm5;
	vm9 =	vlt.s32 v7, $0x10;
	v12 =	vsub.f32 v39, v63  }
0x183: {  	s17 =	rddreg [dreg:$0x1f];
	v7 =	vadd.s32 v15, v7;
	v15 =	vsel vm12, $0x1, v1;
	vm4 =	veq.s32 v38, v0  }
0x184: {  	v50 =	vbroadcast v8, $0xB;
	v14 =	vmax.f32 v5, v51;
	s0 =	sor.u32 s16, s17;
	v12 =	vmul.f32 v12, v12  }
0x185: {  	vm11 =	vlt.s32 v7, $0x10;
	v7 =	vadd.s32 v15, v7;
	v15 =	vsel vm14, $0x1, v1;
	v48 =	vld [tilespmem:s0+$0x0]  }
0x186: {  	v5 =	vsel vm0, v14, v5;
	v9 =	vadd.f32 v12, v9;
	v12 =	vsub.f32 v47, v2;
	v2 =	vld [tilespmem:$0x1FF70]  }
0x187: {  	vm0 =	vmand vm6, vm7;
	vm13 =	vlt.s32 v7, $0x10;
	v11 =	vsub.f32 v40, v3  }
0x188: {  	s18 =	rddreg [dreg:$0x1d];
	v7 =	vadd.s32 v15, v7;
	v15 =	vsel vm4, $0x1, v1;
	vm6 =	veq.s32 v42, v0  }
0x189: {  	v14 =	vmax.f32 v5, v21;
	vm15 =	vlt.s32 v7, $0x10;
	s0 =	sor.u32 s16, s18;
	v11 =	vmul.f32 v11, v11  }
0x18a: {  	v7 =	vadd.s32 v15, v7;
	v15 =	vsel vm6, $0x1, v1;
	v5 =	vsel vm0, v14, v5;
	v51 =	vld [tilespmem:s0+$0x0]  }
0x18b: {  	vm0 =	vmand vm8, vm9;
	v9 =	vadd.f32 v11, v9;
	v11 =	vsub.f32 v48, v2;
	v2 =	vld [tilespmem:$0x1FF80]  }
0x18c: {  	vm5 =	vlt.s32 v7, $0x10;
	v7 =	vadd.s32 v15, v7;
	vm8 =	veq.s32 v46, v0  }
0x18d: {  	s19 =	rddreg [dreg:$0x1b];
	v49 =	vbroadcast v6, $0xA;
	v53 =	vbroadcast v6, $0xB;
	v14 =	vmax.f32 v5, v25  }
0x18e: {  	vm7 =	vlt.s32 v7, $0x10;
	v15 =	vsel vm8, $0x1, v1;
	s0 =	sor.u32 s16, s19;
	v10 =	vmul.f32 v10, v10  }
0x18f: {  	v5 =	vsel vm0, v14, v5;
	vm0 =	vmand vm10, vm11;
	v7 =	vadd.s32 v15, v7;
	v52 =	vld [tilespmem:s0+$0x0]  }
0x190: {  	v14 =	vmax.f32 v5, v29;
	v9 =	vadd.f32 v10, v9;
	v10 =	vsub.f32 v51, v2;
	v2 =	vld [tilespmem:$0x1FF90]  }
0x191: {  	vm10 =	veq.s32 v50, v0;
	v54 =	vbroadcast v8, $0xC;
	v5 =	vsel vm0, v14, v5  }
0x192: {  	s20 =	rddreg [dreg:$0x19];
	v19 =	vbroadcast v8, $0xE;
	vm0 =	vmand vm12, vm13;
	v14 =	vmax.f32 v5, v33  }
0x193: {  	s0 =	sor.u32 s16, s20;
	vm9 =	vlt.s32 v7, $0x10;
	v15 =	vsel vm10, $0x1, v1;
	v5 =	vsel vm0, v14, v5  }
0x194: {  	v7 =	vadd.s32 v15, v7;
	v55 =	vld [tilespmem:s0+$0x0];
	vm0 =	vmand vm14, vm15;
	v14 =	vmax.f32 v5, v37  }
0x195: {  	vm12 =	veq.s32 v54, v0;
	v5 =	vsel vm0, v14, v5;
	v58 =	vsub.f32 v52, v2;
	v2 =	vld [tilespmem:$0x1FFA0]  }
0x196: {  	vm0 =	vmand vm4, vm5;
	v14 =	vmax.f32 v5, v41;
	v13 =	vmul.f32 v13, v13  }
0x197: {  	s21 =	rddreg [dreg:$0x17];
	vm11 =	vlt.s32 v7, $0x10;
	v5 =	vsel vm0, v14, v5;
	vm0 =	vmand vm6, vm7  }
0x198: {  	s0 =	sor.u32 s16, s21;
	v14 =	vmax.f32 v5, v45;
	v9 =	vadd.f32 v13, v9;
	v12 =	vmul.f32 v12, v12  }
0x199: {  	v56 =	vld [tilespmem:s0+$0x0];
	v57 =	vsel vm12, $0x1, v1;
	v5 =	vsel vm0, v14, v5;
	vm0 =	vmand vm8, vm9  }
0x19a: {  	v14 =	vmax.f32 v5, v49;
	v9 =	vadd.f32 v12, v9;
	v12 =	vsub.f32 v55, v2;
	v2 =	vld [tilespmem:$0x1FFB0]  }
0x19b: {  	v7 =	vadd.s32 v57, v7;
	v5 =	vsel vm0, v14, v5;
	vm0 =	vmand vm10, vm11  }
0x19c: {  	s22 =	rddreg [dreg:$0x15];
	v60 =	vbroadcast v6, $0xC;
	v14 =	vmax.f32 v5, v53;
	v61 =	vbroadcast v8, $0xD  }
0x19d: {  	s0 =	sor.u32 s16, s22;
	vm15 =	veq.s32 v19, v0;
	vm13 =	vlt.s32 v7, $0x10;
	v5 =	vsel vm0, v14, v5  }
0x19e: {  	v59 =	vld [tilespmem:s0+$0x0];
	vm0 =	vmand vm12, vm13;
	v14 =	vmax.f32 v5, v60;
	vm14 =	veq.s32 v61, v0  }
0x19f: {  	s26 =	sand.u32 $0x180, s28;
	v14 =	vsel vm0, v14, v5;
	v5 =	vsel vm14, $0x1, v1;
	v18 =	vsub.f32 v56, v2;
	v2 =	vld [tilespmem:$0x1FFC0]  }
0x1a0: {  	s30 =	sor.u32 s26, s16;
	v15 =	vsel vm15, $0x1, v1;
	v5 =	vadd.s32 v5, v7  }
0x1a1: {  	s23 =	rddreg [dreg:$0x13];
	vm2 =	vlt.s32 v5, $0x10;
	v15 =	vadd.s32 v15, v5;
	v5 =	vld [tilespmem:s30+$0x10100]  }
0x1a2: {  	s0 =	sor.u32 s16, s23;
	v8 =	vbroadcast v8, $0xF  }
0x1a3: {  	v30 =	vbroadcast v6, $0xF;
	v62 =	vld [tilespmem:s0+$0x0]  }
0x1a4: {  	vm5 =	veq.s32 v8, v0;
	v7 =	vbroadcast v6, $0xD;
	v21 =	vsub.f32 v59, v2;
	v2 =	vld [tilespmem:$0x1FFD0]  }
0x1a5: {  	v27 =	vbroadcast v6, $0xE;
	v28 =	vsel vm5, $0x1, v1;
	v11 =	vmul.f32 v11, v11  }
0x1a6: {  	s24 =	rddreg [dreg:$0x12];
	vm1 =	vmand vm14, vm2;
	v7 =	vmax.f32 v14, v7;
	v29 =	vbroadcast v5, $0x0  }
0x1a7: {  	s0 =	sor.u32 s16, s24;
	v32 =	vbroadcast v5, $0x1;
	v9 =	vadd.f32 v11, v9;
	v10 =	vmul.f32 v10, v10  }
0x1a8: {  	v22 =	vld [tilespmem:s0+$0x0];
	vm4 =	vlt.s32 v15, $0x10;
	v33 =	vbroadcast v5, $0x2;
	v36 =	vbroadcast v5, $0x3  }
0x1a9: {  	v9 =	vadd.f32 v10, v9;
	v11 =	vmul.f32 v58, v58;
	v10 =	vsub.f32 v62, v2;
	v2 =	vld [tilespmem:$0x1FFE0]  }
0x1aa: {  	v7 =	vsel vm1, v7, v14;
	v38 =	vbroadcast v5, $0x4;
	v40 =	vbroadcast v5, $0x5  }
0x1ab: {  	v42 =	vbroadcast v5, $0x6;
	v9 =	vadd.f32 v11, v9;
	v63 =	vmul.f32 v12, v12  }
0x1ac: {  	s25 =	sor.u32 s16, s31;
	vm0 =	vmand vm15, vm4;
	v46 =	vbroadcast v5, $0x8;
	v50 =	vbroadcast v5, $0xA  }
0x1ad: {  	v24 =	vld [tilespmem:s25+$0x0];
	v54 =	vbroadcast v5, $0xC;
	v9 =	vadd.f32 v63, v9;
	v20 =	vmul.f32 v18, v18  }
0x1ae: {  	v60 =	vbroadcast v5, $0xE;
	vm7 =	veq.s32 v29, v0;
	v25 =	vsub.f32 v22, v2;
	v2 =	vld [tilespmem:$0x1FFF0]  }
0x1af: {  	vm10 =	veq.s32 v32, v0;
	v9 =	vadd.f32 v20, v9;
	v23 =	vmul.f32 v21, v21  }
0x1b0: {  	vm12 =	veq.s32 v33, v0;
	vm13 =	veq.s32 v36, v0;
	vm4 =	veq.s32 v38, v0  }
0x1b1: {  	v44 =	vbroadcast v5, $0x7;
	v9 =	vadd.f32 v23, v9;
	v10 =	vmul.f32 v10, v10  }
0x1b2: {  	v31 =	vsel vm7, $0x1, v1;
	v48 =	vbroadcast v5, $0x9;
	v52 =	vbroadcast v5, $0xB  }
0x1b3: {  	v8 =	vadd.f32 v10, v9;
	v26 =	vmul.f32 v25, v25;
	v12 =	vsub.f32 v24, v2  }
0x1b4: {  	v11 =	vadd.s32 v28, v15;
	v59 =	vbroadcast v5, $0xD;
	v5 =	vbroadcast v5, $0xF  }
0x1b5: {  	v10 =	vmax.f32 v7, v27;
	v8 =	vadd.f32 v26, v8;
	v12 =	vmul.f32 v12, v12  }
0x1b6: {  	vm6 =	vlt.s32 v11, $0x10;
	vm3 =	veq.s32 v5, v0;
	v7 =	vsel vm0, v10, v7  }
0x1b7: {  	vm0 =	vmand vm5, vm6;
	v10 =	vadd.s32 v31, v11;
	v8 =	vadd.f32 v12, v8  }
0x1b8: {  	v11 =	vsel vm10, $0x1, v1;
	vm6 =	veq.s32 v40, v0;
	v9 =	vmax.f32 v7, v30  }
0x1b9: {  	vm8 =	vlt.s32 v10, $0x10;
	v34 =	vadd.s32 v11, v10;
	v12 =	vbroadcast v8, $0x0  }
0x1ba: {  	v11 =	vsel vm13, $0x1, v1;
	v35 =	vbroadcast v8, $0x1;
	v37 =	vbroadcast v8, $0x2  }
0x1bb: {  	v7 =	vsel vm0, v9, v7;
	v39 =	vbroadcast v8, $0x3;
	v41 =	vbroadcast v8, $0x4  }
0x1bc: {  	vm9 =	vmand vm7, vm8;
	v43 =	vbroadcast v8, $0x5;
	v45 =	vbroadcast v8, $0x6  }
0x1bd: {  	vm11 =	vlt.s32 v34, $0x10;
	v47 =	vbroadcast v8, $0x7;
	v49 =	vbroadcast v8, $0x8  }
0x1be: {  	vm7 =	veq.s32 v42, v0;
	v51 =	vbroadcast v8, $0x9;
	v53 =	vbroadcast v8, $0xA  }
0x1bf: {  	vm0 =	vmand vm10, vm11;
	v55 =	vbroadcast v8, $0xB;
	v58 =	vbroadcast v8, $0xC  }
0x1c0: {  	vm10 =	veq.s32 v44, v0;
	v62 =	vbroadcast v8, $0xD;
	v5 =	vbroadcast v8, $0xE  }
0x1c1: {  	v63 =	vbroadcast v8, $0xF;
	v9 =	vmax.f32 v7, v12;
	v12 =	vsel vm12, $0x1, v1  }
0x1c2: {  	v7 =	vsel vm9, v9, v7;
	v9 =	vadd.s32 v12, v34;
	v12 =	vsel vm6, $0x1, v1  }
0x1c3: {  	v10 =	vmax.f32 v7, v35;
	vm14 =	vlt.s32 v9, $0x10;
	v9 =	vadd.s32 v11, v9  }
0x1c4: {  	v11 =	vsel vm4, $0x1, v1;
	v7 =	vsel vm0, v10, v7;
	vm1 =	vmand vm12, vm14  }
0x1c5: {  	vm15 =	vlt.s32 v9, $0x10;
	v9 =	vadd.s32 v11, v9;
	v11 =	vsel vm7, $0x1, v1  }
0x1c6: {  	vm12 =	veq.s32 v46, v0;
	v10 =	vmax.f32 v7, v37;
	vm0 =	vmand vm13, vm15  }
0x1c7: {  	vm5 =	vlt.s32 v9, $0x10;
	v9 =	vadd.s32 v12, v9;
	v7 =	vsel vm1, v10, v7  }
0x1c8: {  	v12 =	vsel vm12, $0x1, v1;
	vm13 =	veq.s32 v48, v0;
	v10 =	vmax.f32 v7, v39  }
0x1c9: {  	vm8 =	vlt.s32 v9, $0x10;
	v9 =	vadd.s32 v11, v9;
	v7 =	vsel vm0, v10, v7  }
0x1ca: {  	v11 =	vsel vm10, $0x1, v1;
	vm0 =	vmand vm4, vm5;
	v10 =	vmax.f32 v7, v41  }
0x1cb: {  	vm1 =	vmand vm6, vm8;
	vm9 =	vlt.s32 v9, $0x10;
	v7 =	vsel vm0, v10, v7  }
0x1cc: {  	v9 =	vadd.s32 v11, v9;
	v11 =	vsel vm13, $0x1, v1;
	v10 =	vmax.f32 v7, v43  }
0x1cd: {  	vm6 =	veq.s32 v52, v0;
	vm11 =	vlt.s32 v9, $0x10;
	v7 =	vsel vm1, v10, v7  }
0x1ce: {  	v9 =	vadd.s32 v12, v9;
	vm0 =	vmand vm7, vm9;
	v10 =	vmax.f32 v7, v45  }
0x1cf: {  	vm4 =	veq.s32 v50, v0;
	v12 =	vsel vm6, $0x1, v1;
	v7 =	vsel vm0, v10, v7  }
0x1d0: {  	vm14 =	vlt.s32 v9, $0x10;
	vm0 =	vmand vm10, vm11;
	v10 =	vmax.f32 v7, v47  }
0x1d1: {  	v9 =	vadd.s32 v11, v9;
	v11 =	vsel vm4, $0x1, v1;
	v7 =	vsel vm0, v10, v7  }
0x1d2: {  	vm15 =	vlt.s32 v9, $0x10;
	vm1 =	vmand vm12, vm14;
	v10 =	vmax.f32 v7, v49  }
0x1d3: {  	v9 =	vadd.s32 v11, v9;
	vm7 =	veq.s32 v54, v0;
	v7 =	vsel vm1, v10, v7  }
0x1d4: {  	vm5 =	vlt.s32 v9, $0x10;
	vm0 =	vmand vm13, vm15;
	v10 =	vmax.f32 v7, v51  }
0x1d5: {  	v9 =	vadd.s32 v12, v9;
	v56 =	vsel vm7, $0x1, v1;
	v7 =	vsel vm0, v10, v7  }
0x1d6: {  	vm8 =	vlt.s32 v9, $0x10;
	vm0 =	vmand vm4, vm5;
	v10 =	vmax.f32 v7, v53  }
0x1d7: {  	v9 =	vadd.s32 v56, v9;
	vm12 =	veq.s32 v60, v0;
	v7 =	vsel vm0, v10, v7  }
0x1d8: {  	vm11 =	veq.s32 v59, v0;
	vm0 =	vmand vm6, vm8;
	v57 =	vmax.f32 v7, v55  }
0x1d9: {  	vm9 =	vlt.s32 v9, $0x10;
	v61 =	vsel vm11, $0x1, v1;
	v7 =	vsel vm0, v57, v7  }
0x1da: {  	vm10 =	vmand vm7, vm9;
	v9 =	vadd.s32 v61, v9;
	v10 =	vmax.f32 v7, v58  }
0x1db: {  	v11 =	vsel vm12, $0x1, v1;
	vm13 =	vlt.s32 v9, $0x10;
	v7 =	vsel vm10, v10, v7  }
0x1dc: {  	p0 =	sne.s32 s28, $0x1E0;
	v9 =	vadd.s32 v11, v9;
	vm1 =	vmand vm11, vm13;
	v10 =	vmax.f32 v7, v62  }
.Ltmp0:
0x1dd: {  	vm14 =	vlt.s32 v9, $0x10;
	v10 =	vsel vm1, v10, v7;
	v7 =	vsel vm3, $0x1, v1;
	(pc) =	sbr.rel @p0 .LBB2_2-.Ltmp0, $4  }
0x1de: {  	vm0 =	vmand vm12, vm14;
	v5 =	vmax.f32 v10, v5;
	v7 =	vadd.s32 v7, v9  }
0x1df: {  	v6 =	vadd.f32 v6, v4;
	v5 =	vsel vm0, v5, v10;
	vm15 =	vlt.s32 v7, $0x10  }
0x1e0: {  	s29 =	sadd.s32 $0x20, s29;
	s31 =	rddreg [dreg:$0x11];
	vm0 =	vmand vm3, vm15;
	v9 =	vmax.f32 v5, v63  }
0x1e1: {  	s28 =	sadd.s32 $0x20, s28;
	s1 =	sadd.s32 $0x100, s31;
	s4 =	sadd.s32 $0x20, s4;
	[tilespmem:s30+$0x10500] =	vst v8;
	v4 =	vadd.f32 v8, v6;
	v5 =	vsel vm0, v9, v5  }
0x1e2: {  	_ = 	snop  }
0x1e3: {  	[tilespmem:$0x1F3E0] =	vst v4;
	v4 =	vld [tilespmem:$0x10100];
	_ =	sdelay $0x6  }
0x1e4: {  	[tilespmem:$0x10700] =	vst v7;
	s1 =	simm.s32 $0x10700  }
0x1e5: {  	v4 =	vld.idx.msk [tilespmem:v4+s1+$0x0], $0xffff;
	_ =	sdelay $0x1  }
0x1e6: {  	v6 =	vld [tilespmem:$0x10110];
	_ =	sdelay $0x2  }
0x1e7: {  	[tilespmem:$0x1F400] =	vst v4;
	v4 =	vld [tilespmem:$0x10130];
	_ =	sdelay $0x4  }
0x1e8: {  	v6 =	vld.idx.msk [tilespmem:v6+s1+$0x0], $0xffff;
	_ =	sdelay $0x1  }
0x1e9: {  	v8 =	vld [tilespmem:$0x10120]  }
0x1ea: {  	v4 =	vld.idx.msk [tilespmem:v4+s1+$0x0], $0xffff;
	_ =	sdelay $0x1  }
0x1eb: {  	[tilespmem:$0x1F420] =	vst v6;
	v6 =	vld [tilespmem:$0x10140];
	_ =	sdelay $0x2  }
0x1ec: {  	[tilespmem:$0x1F460] =	vst v4;
	v4 =	vld [tilespmem:$0x10540];
	_ =	sdelay $0x1  }
0x1ed: {  	v8 =	vld.idx.msk [tilespmem:v8+s1+$0x0], $0xffff;
	_ =	sdelay $0x2  }
0x1ee: {  	[tilespmem:$0x1F470] =	vst v4;
	v4 =	vld.idx.msk [tilespmem:v6+s1+$0x0], $0xffff;
	_ =	sdelay $0x1  }
0x1ef: {  	[tilespmem:$0x1F440] =	vst v8;
	v8 =	vld [tilespmem:$0x10150];
	_ =	sdelay $0x2  }
0x1f0: {  	[tilespmem:$0x1F480] =	vst v4;
	v4 =	vld [tilespmem:$0x10550];
	_ =	sdelay $0x4  }
0x1f1: {  	[tilespmem:$0x1F490] =	vst v4;
	v4 =	vld.idx.msk [tilespmem:v8+s1+$0x0], $0xffff;
	_ =	sdelay $0x1  }
0x1f2: {  	v29 =	vld [tilespmem:$0x10160];
	_ =	sdelay $0x2  }
0x1f3: {  	vm0 =	vgt.s32 v7, $0x0;
	[tilespmem:$0x1F4A0] =	vst v4;
	v4 =	vsub.s32 $0xF, v7;
	v7 =	vld [tilespmem:$0x10560]  }
0x1f4: {  	v3 =	vld [tilespmem:$0x10100]  }
0x1f5: {  	v6 =	vld [tilespmem:$0x10170];
	_ =	sdelay $0x1  }
0x1f6: {  	v2 =	vld [tilespmem:$0x10500]  }
0x1f7: {  	[tilespmem:$0x1F4B0] =	vst v7;
	v7 =	vld.idx.msk [tilespmem:v29+s1+$0x0], $0xffff  }
0x1f8: {  	v11 =	vld [tilespmem:$0x10180]  }
0x1f9: {  	v10 =	vbroadcast v3, $0x1;
	v8 =	vbroadcast v3, $0x0;
	_ =	sdelay $0x1  }
0x1fa: {  	v32 =	vbroadcast v2, $0x0;
	vm4 =	vne.s32 v10, v0;
	vm3 =	vne.s32 v8, v0  }
0x1fb: {  	v6 =	vld.idx.msk [tilespmem:v6+s1+$0x0], $0xffff;
	v8 =	vsel vm4, $0x1, v1;
	vm1 =	vgt.s32 v4, $0x0;
	[tilespmem:$0x1F4C0] =	vst v7;
	v7 =	vsel vm3, $0x1, v1  }
0x1fc: {  	vm10 =	vge.s32 v4, v7;
	v7 =	vadd.s32 v8, v7;
	v8 =	vbroadcast v3, $0x2  }
0x1fd: {  	v30 =	vld [tilespmem:$0x10190];
	vm2 =	vmand vm0, vm1;
	vm0 =	vmand vm3, vm10  }
0x1fe: {  	vm0 =	vmand vm2, vm0;
	vm12 =	vne.s32 v8, v0;
	v8 =	vmax.f32 v5, v32  }
0x1ff: {  	v5 =	vsel vm0, v8, v5;
	v8 =	vld.idx.msk [tilespmem:v11+s1+$0x0], $0xffff  }
0x200: {  	[tilespmem:$0x1F4E0] =	vst v6;
	v6 =	vld [tilespmem:$0x101A0];
	_ =	sdelay $0x1  }
0x201: {  	v13 =	vld [tilespmem:$0x10580];
	v33 =	vbroadcast v2, $0x1;
	vm11 =	vle.s32 v7, v4  }
0x202: {  	vm1 =	vmand vm4, vm11  }
0x203: {  	vm13 =	vmand vm2, vm1;
	[tilespmem:$0x1F500] =	vst v8;
	v8 =	vmax.f32 v5, v33  }
0x204: {  	v5 =	vsel vm13, v8, v5;
	v8 =	vld.idx.msk [tilespmem:v30+s1+$0x0], $0xffff  }
0x205: {  	v12 =	vsel vm12, $0x1, v1  }
0x206: {  	[tilespmem:$0x1F4F0] =	vst v13;
	v34 =	vbroadcast v3, $0x3;
	v13 =	vbroadcast v3, $0x4;
	v7 =	vadd.s32 v12, v7  }
0x207: {  	v6 =	vld.idx.msk [tilespmem:v6+s1+$0x0], $0xffff;
	v12 =	vbroadcast v2, $0x2;
	vm14 =	vle.s32 v7, v4  }
0x208: {  	vm6 =	vne.s32 v34, v0;
	vm7 =	vne.s32 v13, v0;
	vm1 =	vmand vm12, vm14  }
0x209: {  	v36 =	vsel vm6, $0x1, v1;
	vm15 =	vmand vm2, vm1;
	[tilespmem:$0x1F520] =	vst v8;
	v8 =	vmax.f32 v5, v12  }
0x20a: {  	v35 =	vld [tilespmem:$0x101B0];
	v7 =	vadd.s32 v36, v7;
	v5 =	vsel vm15, v8, v5;
	v8 =	vsel vm7, $0x1, v1  }
0x20b: {  	vm8 =	vle.s32 v7, v4;
	v7 =	vadd.s32 v8, v7;
	v8 =	vbroadcast v3, $0x5  }
0x20c: {  	[tilespmem:$0x1F540] =	vst v6;
	v6 =	vbroadcast v2, $0x3  }
0x20d: {  	vm0 =	vmand vm6, vm8;
	vm10 =	vne.s32 v8, v0  }
0x20e: {  	vm0 =	vmand vm2, vm0;
	v6 =	vmax.f32 v5, v6;
	v12 =	vsel vm10, $0x1, v1  }
0x20f: {  	vm9 =	vle.s32 v7, v4;
	v5 =	vsel vm0, v6, v5;
	v6 =	vadd.s32 v12, v7;
	v7 =	vld [tilespmem:$0x101E0];
	_ =	sdelay $0x1  }
0x210: {  	v8 =	vld [tilespmem:$0x105B0]  }
0x211: {  	v11 =	vld.idx.msk [tilespmem:v35+s1+$0x0], $0xffff  }
0x212: {  	v12 =	vld [tilespmem:$0x105C0]  }
0x213: {  	v40 =	vbroadcast v3, $0x6;
	_ =	sdelay $0x1  }
0x214: {  	vm14 =	vne.s32 v40, v0;
	vm1 =	vmand vm7, vm9;
	[tilespmem:$0x1F550] =	vst v8;
	v8 =	vbroadcast v2, $0x4  }
0x215: {  	v45 =	vbroadcast v2, $0x6;
	[tilespmem:$0x1F560] =	vst v11;
	v11 =	vsel vm14, $0x1, v1;
	vm11 =	vmand vm2, vm1;
	v7 =	vld.idx.msk [tilespmem:v7+s1+$0x0], $0xffff  }
0x216: {  	vm12 =	vle.s32 v6, v4;
	v8 =	vmax.f32 v5, v8;
	[tilespmem:$0x1F570] =	vst v12;
	v12 =	vbroadcast v2, $0x5  }
0x217: {  	v6 =	vadd.s32 v11, v6;
	vm1 =	vmand vm10, vm12;
	v5 =	vsel vm11, v8, v5;
	v8 =	vld [tilespmem:$0x101F0]  }
0x218: {  	vm5 =	vle.s32 v6, v4;
	vm13 =	vmand vm2, vm1;
	v41 =	vmax.f32 v5, v12  }
0x219: {  	v13 =	vbroadcast v3, $0x7;
	vm0 =	vmand vm14, vm5;
	v5 =	vsel vm13, v41, v5  }
0x21a: {  	vm0 =	vmand vm2, vm0;
	v12 =	vld [tilespmem:$0x105D0];
	[tilespmem:$0x1F5C0] =	vst v7;
	v7 =	vmax.f32 v5, v45  }
0x21b: {  	vm15 =	vne.s32 v13, v0;
	v5 =	vsel vm0, v7, v5;
	v7 =	vld [tilespmem:$0x105F0]  }
0x21c: {  	v42 =	vsel vm15, $0x1, v1  }
0x21d: {  	v6 =	vadd.s32 v42, v6  }
0x21e: {  	v39 =	vld [tilespmem:$0x101D0];
	v46 =	vbroadcast v2, $0x7;
	vm6 =	vle.s32 v6, v4  }
0x21f: {  	v43 =	vbroadcast v3, $0x8;
	vm1 =	vmand vm15, vm6;
	[tilespmem:$0x1F590] =	vst v12;
	v8 =	vld.idx.msk [tilespmem:v8+s1+$0x0], $0xffff  }
0x220: {  	vm8 =	vmand vm2, vm1;
	v12 =	vld [tilespmem:$0x105E0];
	[tilespmem:$0x1F5D0] =	vst v7;
	v7 =	vmax.f32 v5, v46  }
0x221: {  	vm7 =	vne.s32 v43, v0;
	v5 =	vsel vm8, v7, v5;
	v7 =	vld [tilespmem:$0x10600]  }
0x222: {  	v47 =	vsel vm7, $0x1, v1  }
0x223: {  	v9 =	vld [tilespmem:$0x10500];
	v48 =	vbroadcast v3, $0x9;
	v49 =	vbroadcast v3, $0xA;
	v6 =	vadd.s32 v47, v6  }
0x224: {  	v13 =	vld [tilespmem:$0x10220];
	vm9 =	vle.s32 v6, v4;
	[tilespmem:$0x1F5E0] =	vst v8;
	v8 =	vbroadcast v2, $0x8  }
0x225: {  	vm12 =	vne.s32 v49, v0;
	vm1 =	vmand vm7, vm9;
	vm11 =	vne.s32 v48, v0;
	[tilespmem:$0x1F5B0] =	vst v12;
	v12 =	vld [tilespmem:$0x10210]  }
0x226: {  	vm10 =	vmand vm2, vm1;
	[tilespmem:$0x1F5F0] =	vst v7;
	v7 =	vmax.f32 v5, v8;
	v8 =	vsel vm11, $0x1, v1  }
0x227: {  	v5 =	vsel vm10, v7, v5;
	v6 =	vadd.s32 v8, v6;
	v7 =	vsel vm12, $0x1, v1  }
0x228: {  	v8 =	vld [tilespmem:$0x10230];
	vm13 =	vle.s32 v6, v4;
	v6 =	vadd.s32 v7, v6;
	v7 =	vbroadcast v3, $0xB  }
0x229: {  	[tilespmem:$0x1F3F0] =	vst v9;
	v9 =	vld.idx.msk [tilespmem:v39+s1+$0x0], $0xffff  }
0x22a: {  	vm15 =	vne.s32 v7, v0;
	v7 =	vld [tilespmem:$0x10240];
	_ =	sdelay $0x1  }
0x22b: {  	v58 =	vbroadcast v3, $0xC;
	v56 =	vld.idx.msk [tilespmem:v13+s1+$0x0], $0xffff  }
0x22c: {  	v52 =	vbroadcast v2, $0x9;
	v13 =	vbroadcast v3, $0xD;
	v53 =	vld.idx.msk [tilespmem:v12+s1+$0x0], $0xffff  }
0x22d: {  	v54 =	vbroadcast v2, $0xA;
	vm8 =	vne.s32 v58, v0;
	v12 =	vld [tilespmem:$0x10620]  }
0x22e: {  	[tilespmem:$0x1F5A0] =	vst v9;
	vm9 =	vne.s32 v13, v0;
	v60 =	vsel vm8, $0x1, v1;
	v9 =	vmax.f32 v5, v52  }
0x22f: {  	v3 =	vbroadcast v3, $0xE;
	vm0 =	vmand vm11, vm13;
	vm14 =	vle.s32 v6, v4;
	v8 =	vld.idx.msk [tilespmem:v8+s1+$0x0], $0xffff  }
0x230: {  	vm0 =	vmand vm2, vm0;
	vm1 =	vmand vm12, vm14;
	v55 =	vsel vm15, $0x1, v1  }
0x231: {  	v5 =	vsel vm0, v9, v5;
	vm5 =	vmand vm2, vm1;
	v6 =	vadd.s32 v55, v6;
	v7 =	vld.idx.msk [tilespmem:v7+s1+$0x0], $0xffff  }
0x232: {  	[tilespmem:$0x1F630] =	vst v12;
	v12 =	vbroadcast v2, $0xB;
	v57 =	vmax.f32 v5, v54;
	vm6 =	vle.s32 v6, v4  }
0x233: {  	vm12 =	vne.s32 v3, v0;
	v3 =	vld [tilespmem:$0x10650];
	v5 =	vsel vm5, v57, v5;
	vm1 =	vmand vm15, vm6  }
0x234: {  	v6 =	vadd.s32 v60, v6;
	vm7 =	vmand vm2, vm1;
	[tilespmem:$0x1F660] =	vst v8;
	v8 =	vmax.f32 v5, v12  }
0x235: {  	vm10 =	vle.s32 v6, v4;
	v5 =	vsel vm7, v8, v5;
	v8 =	vsel vm9, $0x1, v1  }
0x236: {  	vm0 =	vmand vm8, vm10;
	v6 =	vadd.s32 v8, v6;
	v8 =	vld [tilespmem:$0x10270];
	[tilespmem:$0x1F680] =	vst v7;
	v7 =	vbroadcast v2, $0xC  }
0x237: {  	v63 =	vsel vm12, $0x1, v1;
	vm0 =	vmand vm2, vm0;
	vm11 =	vle.s32 v6, v4  }
0x238: {  	[tilespmem:$0x1F690] =	vst v3;
	vm1 =	vmand vm9, vm11;
	v3 =	vmax.f32 v5, v7;
	v7 =	vbroadcast v2, $0xD  }
0x239: {  	vm13 =	vmand vm2, vm1;
	v3 =	vsel vm0, v3, v5;
	v5 =	vadd.s32 v63, v6  }
0x23a: {  	v2 =	vbroadcast v2, $0xE;
	v7 =	vmax.f32 v3, v7;
	vm14 =	vle.s32 v5, v4  }
0x23b: {  	v3 =	vsel vm13, v7, v3;
	vm15 =	vmand vm12, vm14  }
0x23c: {  	vm0 =	vmand vm2, vm15;
	v2 =	vmax.f32 v3, v2  }
0x23d: {  	v2 =	vsel vm0, v2, v3  }
0x23e: {  	(xrf0) =	vmax.scan.msk.f32 $0xffff, v2;
	v2 =	vld.idx.msk [tilespmem:v8+s1+$0x0], $0xffff  }
0x23f: {  	v61 =	vld [tilespmem:$0x10260];
	_ =	sdelay $0x1  }
0x240: {  	v4 =	vld [tilespmem:$0x10660]  }
0x241: {  	v3 =	vld [tilespmem:$0x10670]  }
0x242: {  	[tilespmem:$0x1F6E0] =	vst v2;
	v2 =	vld [tilespmem:$0x102A0]  }
0x243: {  	v26 =	vld [tilespmem:$0x10510]  }
0x244: {  	v6 =	vld [tilespmem:$0x10280]  }
0x245: {  	v27 =	vld [tilespmem:$0x10520]  }
0x246: {  	[tilespmem:$0x1F6B0] =	vst v4;
	v4 =	vld.idx.msk [tilespmem:v61+s1+$0x0], $0xffff  }
0x247: {  	[tilespmem:$0x1F6D0] =	vst v3;
	v3 =	vld [tilespmem:$0x10680]  }
0x248: {  	v28 =	vld [tilespmem:$0x10530]  }
0x249: {  	v31 =	vld [tilespmem:$0x10570]  }
0x24a: {  	v2 =	vld.idx.msk [tilespmem:v2+s1+$0x0], $0xffff  }
0x24b: {  	[tilespmem:$0x1F6C0] =	vst v4;
	v4 =	vld [tilespmem:$0x10290]  }
0x24c: {  	[tilespmem:$0x1F6F0] =	vst v3;
	v3 =	vld.idx.msk [tilespmem:v6+s1+$0x0], $0xffff  }
0x24d: {  	v14 =	vld [tilespmem:$0x10590]  }
0x24e: {  	v37 =	vld [tilespmem:$0x101C0]  }
0x24f: {  	[tilespmem:$0x1F740] =	vst v2;
	v2 =	vld [tilespmem:$0x102D0]  }
0x250: {  	v38 =	vld [tilespmem:$0x105A0]  }
0x251: {  	[tilespmem:$0x1F700] =	vst v3;
	v3 =	vld [tilespmem:$0x10690]  }
0x252: {  	v44 =	vld [tilespmem:$0x10200]  }
0x253: {  	v5, _, _ =	vpop (xrf0);
	v4 =	vld.idx.msk [tilespmem:v4+s1+$0x0], $0xffff  }
0x254: {  	(v2sf) =	vpush v5, $0xF;
	v5 =	vld [tilespmem:$0x106B0]  }
0x255: {  	v51 =	vld [tilespmem:$0x10610]  }
0x256: {  	[tilespmem:$0x1F710] =	vst v3;
	v3 =	vld [tilespmem:$0x102B0]  }
0x257: {  	[tilespmem:$0x1F410] =	vst v26;
	v2 =	vld.idx.msk [tilespmem:v2+s1+$0x0], $0xffff  }
0x258: {  	[tilespmem:$0x1F720] =	vst v4;
	v4 =	vld [tilespmem:$0x106A0]  }
0x259: {  	[tilespmem:$0x1F750] =	vst v5;
	v5 =	vld [tilespmem:$0x102E0]  }
0x25a: {  	v59 =	vld [tilespmem:$0x10250];
	[tilespmem:$0x1F430] =	vst v27  }
0x25b: {  	v62 =	vld [tilespmem:$0x10640];
	[tilespmem:$0x1F450] =	vst v28  }
0x25c: {  	[tilespmem:$0x1F7A0] =	vst v2;
	v2 =	vld [tilespmem:$0x106E0]  }
0x25d: {  	[tilespmem:$0x1F730] =	vst v4;
	v4 =	vld [tilespmem:$0x102C0]  }
0x25e: {  	[tilespmem:$0x1F4D0] =	vst v31;
	v3 =	vld.idx.msk [tilespmem:v3+s1+$0x0], $0xffff  }
0x25f: {  	[tilespmem:$0x1F510] =	vst v14;
	v14 =	vld [tilespmem:$0x10630]  }
0x260: {  	[tilespmem:$0x1F530] =	vst v38;
	v10 =	vld.idx.msk [tilespmem:v37+s1+$0x0], $0xffff  }
0x261: {  	[tilespmem:$0x1F7B0] =	vst v2;
	v2 =	vld.idx.msk [tilespmem:v5+s1+$0x0], $0xffff  }
0x262: {  	[tilespmem:$0x1F610] =	vst v51;
	v50 =	vld.idx.msk [tilespmem:v44+s1+$0x0], $0xffff  }
0x263: {  	[tilespmem:$0x1F760] =	vst v3;
	v3 =	vld [tilespmem:$0x102F0]  }
0x264: {  	[tilespmem:$0x1F670] =	vst v62;
	v11 =	vld.idx.msk [tilespmem:v59+s1+$0x0], $0xffff  }
0x265: {  	[tilespmem:$0x1F650] =	vst v14;
	v4 =	vld.idx.msk [tilespmem:v4+s1+$0x0], $0xffff  }
0x266: {  	[tilespmem:$0x1F7C0] =	vst v2;
	v2 =	vld [tilespmem:$0x106F0]  }
0x267: {  	[tilespmem:$0x1F580] =	vst v10  }
0x268: {  	[tilespmem:$0x1F600] =	vst v50  }
0x269: {  	[tilespmem:$0x1F6A0] =	vst v11;
	v6 =	vld [tilespmem:$0x106C0]  }
0x26a: {  	[tilespmem:$0x1F780] =	vst v4;
	v4 =	vld [tilespmem:$0x106D0]  }
0x26b: {  	[tilespmem:$0x1F7D0] =	vst v2;
	v2 =	vld.idx.msk [tilespmem:v3+s1+$0x0], $0xffff  }
0x26c: {  	[tilespmem:$0x1F640] =	vst v56  }
0x26d: {  	[tilespmem:$0x1F620] =	vst v53  }
0x26e: {  	[tilespmem:$0x1F770] =	vst v6  }
0x26f: {  	[tilespmem:$0x1F790] =	vst v4  }
0x270: {  	s29 =	simm.s32 $0x2;
	s0 =	spop (v2sf);
	[tilespmem:$0x1F7E0] =	vst v2  }
0x271: {  	_ =	swait.ge [sflag:s29], $0x8000  }
0x272: {  	[sflag:s29] =	ssyncset.done $0x0  }
0x273: {  	s30 =	simm.s32 $0x4;
	[sflag:s29] =	ssyncadd.s32 $0xFFFF8000  }
0x274: {  	_ =	swait.ge [sflag:s30], $0x80  }
0x275: {  	[sflag:s30] =	ssyncset.done $0x0  }
0x276: {  	s31 =	simm.s32 $0x6;
	[sflag:s30] =	ssyncadd.s32 $0xFFFFFF80  }
0x277: {  	_ =	swait.ge [sflag:s31], $0x200  }
0x278: {  	[sflag:s31] =	ssyncset.done $0x0  }
0x279: {  	[sflag:s31] =	ssyncadd.s32 $0xFFFFFE00  }
0x27a: {  	v2 =	vld [tilespmem:$0x10080];
	_ =	sdelay $0x4  }
0x27b: {  	v4 =	vbroadcast v2, $0x6  }
0x27c: {  	v3 =	vbroadcast v2, $0x0  }
0x27d: {  	[tilespmem:$0x1F850] =	vst v4;
	v4 =	vbroadcast v2, $0x7  }
0x27e: {  	[tilespmem:$0x1F7F0] =	vst v3;
	v3 =	vbroadcast v2, $0x1  }
0x27f: {  	[tilespmem:$0x1F860] =	vst v4;
	v4 =	vbroadcast v2, $0x8  }
0x280: {  	[tilespmem:$0x1F800] =	vst v3;
	v3 =	vbroadcast v2, $0x2  }
0x281: {  	[tilespmem:$0x1F870] =	vst v4;
	v4 =	vbroadcast v2, $0x9  }
0x282: {  	[tilespmem:$0x1F810] =	vst v3;
	v3 =	vbroadcast v2, $0x3  }
0x283: {  	[tilespmem:$0x1F880] =	vst v4;
	v4 =	vbroadcast v2, $0xA  }
0x284: {  	[tilespmem:$0x1F820] =	vst v3;
	v3 =	vbroadcast v2, $0x4  }
0x285: {  	[tilespmem:$0x1F890] =	vst v4;
	v4 =	vbroadcast v2, $0xB  }
0x286: {  	[tilespmem:$0x1F830] =	vst v3;
	v3 =	vbroadcast v2, $0x5  }
0x287: {  	[tilespmem:$0x1F8A0] =	vst v4;
	v4 =	vbroadcast v2, $0xC  }
0x288: {  	[tilespmem:$0x1F840] =	vst v3;
	v3 =	vld [tilespmem:$0x10090]  }
0x289: {  	[tilespmem:$0x1F8B0] =	vst v4;
	v4 =	vbroadcast v2, $0xD;
	_ =	sdelay $0x1  }
0x28a: {  	[tilespmem:$0x1F8C0] =	vst v4;
	v4 =	vbroadcast v2, $0xE  }
0x28b: {  	v2 =	vbroadcast v2, $0xF  }
0x28c: {  	[tilespmem:$0x1F8D0] =	vst v4;
	v4 =	vbroadcast v3, $0x6  }
0x28d: {  	[tilespmem:$0x1F8E0] =	vst v2;
	v2 =	vbroadcast v3, $0x0  }
0x28e: {  	[tilespmem:$0x1F950] =	vst v4;
	v4 =	vbroadcast v3, $0x7  }
0x28f: {  	[tilespmem:$0x1F8F0] =	vst v2;
	v2 =	vbroadcast v3, $0x1  }
0x290: {  	[tilespmem:$0x1F960] =	vst v4;
	v4 =	vbroadcast v3, $0x8  }
0x291: {  	[tilespmem:$0x1F900] =	vst v2;
	v2 =	vbroadcast v3, $0x2  }
0x292: {  	[tilespmem:$0x1F970] =	vst v4;
	v4 =	vbroadcast v3, $0x9  }
0x293: {  	[tilespmem:$0x1F910] =	vst v2;
	v2 =	vbroadcast v3, $0x3  }
0x294: {  	[tilespmem:$0x1F980] =	vst v4;
	v4 =	vbroadcast v3, $0xA  }
0x295: {  	[tilespmem:$0x1F920] =	vst v2;
	v2 =	vbroadcast v3, $0x4  }
0x296: {  	[tilespmem:$0x1F990] =	vst v4;
	v4 =	vbroadcast v3, $0xB  }
0x297: {  	[tilespmem:$0x1F930] =	vst v2;
	v2 =	vbroadcast v3, $0x5  }
0x298: {  	[tilespmem:$0x1F9A0] =	vst v4;
	v4 =	vbroadcast v3, $0xC  }
0x299: {  	[tilespmem:$0x1F940] =	vst v2;
	v2 =	vld [tilespmem:$0x100A0]  }
0x29a: {  	[tilespmem:$0x1F9B0] =	vst v4;
	v4 =	vbroadcast v3, $0xD;
	_ =	sdelay $0x1  }
0x29b: {  	[tilespmem:$0x1F9C0] =	vst v4;
	v4 =	vbroadcast v3, $0xE;
	v3 =	vbroadcast v3, $0xF;
	_ =	sdelay $0x1  }
0x29c: {  	[tilespmem:$0x1F9E0] =	vst v3;
	v3 =	vbroadcast v2, $0x0;
	_ =	sdelay $0x1  }
0x29d: {  	[tilespmem:$0x1F9F0] =	vst v3;
	v3 =	vbroadcast v2, $0x1;
	_ =	sdelay $0x1  }
0x29e: {  	[tilespmem:$0x1FA00] =	vst v3;
	v3 =	vbroadcast v2, $0x2;
	_ =	sdelay $0x1  }
0x29f: {  	[tilespmem:$0x1FA10] =	vst v3;
	v3 =	vbroadcast v2, $0x3;
	_ =	sdelay $0x1  }
0x2a0: {  	[tilespmem:$0x1FA20] =	vst v3;
	v3 =	vbroadcast v2, $0x4;
	_ =	sdelay $0x1  }
0x2a1: {  	[tilespmem:$0x1FA30] =	vst v3;
	v3 =	vbroadcast v2, $0x5;
	_ =	sdelay $0x1  }
0x2a2: {  	[tilespmem:$0x1FA40] =	vst v3;
	v3 =	vbroadcast v2, $0x6;
	_ =	sdelay $0x1  }
0x2a3: {  	[tilespmem:$0x1FA50] =	vst v3;
	v3 =	vbroadcast v2, $0x7;
	_ =	sdelay $0x1  }
0x2a4: {  	[tilespmem:$0x1FA60] =	vst v3;
	v3 =	vbroadcast v2, $0x8;
	_ =	sdelay $0x1  }
0x2a5: {  	[tilespmem:$0x1FA70] =	vst v3;
	v3 =	vbroadcast v2, $0x9;
	_ =	sdelay $0x1  }
0x2a6: {  	[tilespmem:$0x1FA80] =	vst v3;
	v3 =	vbroadcast v2, $0xA;
	_ =	sdelay $0x1  }
0x2a7: {  	[tilespmem:$0x1FA90] =	vst v3;
	v3 =	vbroadcast v2, $0xB;
	_ =	sdelay $0x1  }
0x2a8: {  	[tilespmem:$0x1FAA0] =	vst v3;
	v3 =	vbroadcast v2, $0xC  }
0x2a9: {  	v6 =	vld [tilespmem:$0x100B0]  }
0x2aa: {  	[tilespmem:$0x1FAB0] =	vst v3;
	v3 =	vbroadcast v2, $0xD;
	_ =	sdelay $0x1  }
0x2ab: {  	[tilespmem:$0x1FAC0] =	vst v3;
	v3 =	vbroadcast v2, $0xE;
	v2 =	vbroadcast v2, $0xF;
	_ =	sdelay $0x1  }
0x2ac: {  	[tilespmem:$0x1FAE0] =	vst v2;
	v2 =	vbroadcast v6, $0x0;
	_ =	sdelay $0x1  }
0x2ad: {  	[tilespmem:$0x1FAF0] =	vst v2;
	v2 =	vbroadcast v6, $0x1;
	_ =	sdelay $0x1  }
0x2ae: {  	[tilespmem:$0x1FB00] =	vst v2;
	v2 =	vbroadcast v6, $0x2;
	_ =	sdelay $0x1  }
0x2af: {  	[tilespmem:$0x1FB10] =	vst v2;
	v2 =	vbroadcast v6, $0x3;
	_ =	sdelay $0x1  }
0x2b0: {  	[tilespmem:$0x1FB20] =	vst v2;
	v2 =	vbroadcast v6, $0x4;
	_ =	sdelay $0x1  }
0x2b1: {  	[tilespmem:$0x1FB30] =	vst v2;
	v2 =	vbroadcast v6, $0x5;
	_ =	sdelay $0x1  }
0x2b2: {  	[tilespmem:$0x1FB40] =	vst v2;
	v2 =	vbroadcast v6, $0x6;
	_ =	sdelay $0x1  }
0x2b3: {  	[tilespmem:$0x1FB50] =	vst v2;
	v2 =	vbroadcast v6, $0x7;
	_ =	sdelay $0x1  }
0x2b4: {  	[tilespmem:$0x1FB60] =	vst v2;
	v2 =	vbroadcast v6, $0x8;
	_ =	sdelay $0x1  }
0x2b5: {  	[tilespmem:$0x1FB70] =	vst v2;
	v2 =	vbroadcast v6, $0x9;
	_ =	sdelay $0x1  }
0x2b6: {  	[tilespmem:$0x1FB80] =	vst v2;
	v2 =	vbroadcast v6, $0xA;
	_ =	sdelay $0x1  }
0x2b7: {  	[tilespmem:$0x1FB90] =	vst v2;
	v2 =	vbroadcast v6, $0xB;
	_ =	sdelay $0x1  }
0x2b8: {  	[tilespmem:$0x1FBA0] =	vst v2;
	v2 =	vbroadcast v6, $0xC;
	_ =	sdelay $0x1  }
0x2b9: {  	[tilespmem:$0x1FBB0] =	vst v2;
	v2 =	vbroadcast v6, $0xD  }
0x2ba: {  	[tilespmem:$0x1F9D0] =	vst v4  }
0x2bb: {  	s0 =	sadd.f32 $1.000000000e+00, s0;
	[tilespmem:$0x1FBC0] =	vst v2;
	v2 =	vbroadcast v6, $0xE  }
0x2bc: {  	[tilespmem:$0x1FAD0] =	vst v3  }
0x2bd: {  	[tilespmem:$0x1FBD0] =	vst v2;
	v2 =	vbroadcast v6, $0xF;
	v6 =	vmov s0  }
0x2be: {  	s28 =	simm.s32 $0x10500;
	[tilespmem:$0x1FBF0] =	vst v6  }
0x2bf: {  	s5 =	simm.s32 $0x10300;
	s26 =	simm.s32 $0x0;
	v13 =	vimm.f32 $-Inf;
	s1 =	simm.s32 $0x0;
	v4 =	vimm.s32 $0x0;
	v6 =	vimm.f32 $0.0e+00;
	[tilespmem:$0x1FBE0] =	vst v2  }
.LBB2_4:
0x2c0: {  	s0 =	sand.u32 $0xC00, s1  }
0x2c1: {  	[dreg:$0xf] =	wrdreg s1;
	s16 =	sand.u32 $0x60, s26;
	v19 =	vld [tilespmem:$0x1F7F0];
	s1 =	sor.u32 $0x8000, s0  }
0x2c2: {  	v20 =	vld [tilespmem:$0x1F800];
	[smem:$0x7D0] =	sst s1;
	s1 =	sor.u32 s16, s1  }
0x2c3: {  	v12 =	vld [tilespmem:s1+$0x0]  }
0x2c4: {  	v14 =	vld [tilespmem:s1+$0x80]  }
0x2c5: {  	v21 =	vld [tilespmem:$0x1F810]  }
0x2c6: {  	v15 =	vld [tilespmem:s1+$0x100]  }
0x2c7: {  	v22 =	vld [tilespmem:$0x1F820]  }
0x2c8: {  	v16 =	vld [tilespmem:s1+$0x180]  }
0x2c9: {  	v23 =	vld [tilespmem:$0x1F830];
	v12 =	vsub.f32 v12, v19;
	v14 =	vsub.f32 v14, v20  }
0x2ca: {  	v17 =	vld [tilespmem:s1+$0x200]  }
0x2cb: {  	v24 =	vld [tilespmem:$0x1F840];
	v15 =	vsub.f32 v15, v21;
	v12 =	vmul.f32 v12, v12;
	v14 =	vmul.f32 v14, v14  }
0x2cc: {  	v18 =	vld [tilespmem:s1+$0x280]  }
0x2cd: {  	v25 =	vld [tilespmem:$0x1F850];
	v12 =	vadd.f32 v14, v12;
	v14 =	vmul.f32 v15, v15;
	v15 =	vsub.f32 v16, v22  }
0x2ce: {  	v31 =	vld [tilespmem:s1+$0x300]  }
0x2cf: {  	v26 =	vld [tilespmem:$0x1F860];
	v12 =	vadd.f32 v14, v12;
	v14 =	vmul.f32 v15, v15;
	v15 =	vsub.f32 v17, v23  }
0x2d0: {  	s7 =	sor.u32 $0x9000, s0;
	v32 =	vld [tilespmem:s1+$0x380]  }
0x2d1: {  	v27 =	vld [tilespmem:$0x1F870];
	s1 =	sor.u32 s16, s7;
	v12 =	vadd.f32 v14, v12;
	v14 =	vmul.f32 v15, v15;
	v15 =	vsub.f32 v18, v24  }
0x2d2: {  	s8 =	sor.u32 $0x9080, s0;
	v33 =	vld [tilespmem:s1+$0x0]  }
0x2d3: {  	v28 =	vld [tilespmem:$0x1F880];
	s1 =	sor.u32 s16, s8;
	v12 =	vadd.f32 v14, v12;
	v14 =	vmul.f32 v15, v15;
	v15 =	vsub.f32 v31, v25  }
0x2d4: {  	s9 =	sor.u32 $0x9100, s0;
	v34 =	vld [tilespmem:s1+$0x0]  }
0x2d5: {  	v29 =	vld [tilespmem:$0x1F890];
	s1 =	sor.u32 s16, s9;
	v12 =	vadd.f32 v14, v12;
	v14 =	vmul.f32 v15, v15;
	v15 =	vsub.f32 v32, v26  }
0x2d6: {  	s10 =	sor.u32 $0x9180, s0;
	v35 =	vld [tilespmem:s1+$0x0]  }
0x2d7: {  	v30 =	vld [tilespmem:$0x1F8A0];
	s11 =	sor.u32 $0x9200, s0;
	s1 =	sor.u32 s16, s10;
	v12 =	vadd.f32 v14, v12;
	v14 =	vmul.f32 v15, v15;
	v15 =	vsub.f32 v33, v27  }
0x2d8: {  	v36 =	vld [tilespmem:s1+$0x0];
	s1 =	sor.u32 s16, s11  }
0x2d9: {  	s12 =	sor.u32 $0x9280, s0;
	v37 =	vld [tilespmem:s1+$0x0];
	v12 =	vadd.f32 v14, v12;
	v14 =	vmul.f32 v15, v15;
	v15 =	vsub.f32 v34, v28  }
0x2da: {  	s1 =	sor.u32 s16, s12;
	v31 =	vld [tilespmem:$0x1F8B0]  }
0x2db: {  	s13 =	sor.u32 $0x9300, s0;
	v38 =	vld [tilespmem:s1+$0x0];
	v12 =	vadd.f32 v14, v12;
	v14 =	vmul.f32 v15, v15;
	v15 =	vsub.f32 v35, v29  }
0x2dc: {  	s1 =	sor.u32 s16, s13;
	v32 =	vld [tilespmem:$0x1F8C0]  }
0x2dd: {  	s14 =	sor.u32 $0x9380, s0;
	v39 =	vld [tilespmem:s1+$0x0];
	v12 =	vadd.f32 v14, v12;
	v14 =	vmul.f32 v15, v15;
	v15 =	vsub.f32 v36, v30  }
0x2de: {  	s1 =	sor.u32 s16, s14;
	v33 =	vld [tilespmem:$0x1F8D0]  }
0x2df: {  	s24 =	sor.u32 $0xA000, s0;
	v40 =	vld [tilespmem:s1+$0x0];
	v12 =	vadd.f32 v14, v12;
	v14 =	vmul.f32 v15, v15;
	v15 =	vsub.f32 v37, v31  }
0x2e0: {  	s15 =	sor.u32 s16, s24;
	v34 =	vld [tilespmem:$0x1F8E0]  }
0x2e1: {  	s23 =	sor.u32 $0xA080, s0;
	v41 =	vld [tilespmem:s15+$0x0];
	v12 =	vadd.f32 v14, v12;
	v14 =	vmul.f32 v15, v15;
	v15 =	vsub.f32 v38, v32  }
0x2e2: {  	s17 =	sor.u32 s16, s23;
	v35 =	vld [tilespmem:$0x1F8F0]  }
0x2e3: {  	s21 =	sor.u32 $0xA100, s0;
	v42 =	vld [tilespmem:s17+$0x0];
	v12 =	vadd.f32 v14, v12;
	v14 =	vmul.f32 v15, v15;
	v15 =	vsub.f32 v39, v33  }
0x2e4: {  	s18 =	sor.u32 s16, s21;
	v36 =	vld [tilespmem:$0x1F900]  }
0x2e5: {  	s20 =	sor.u32 $0xA180, s0;
	v43 =	vld [tilespmem:s18+$0x0];
	v12 =	vadd.f32 v14, v12;
	v14 =	vmul.f32 v15, v15;
	v15 =	vsub.f32 v40, v34  }
0x2e6: {  	s19 =	sor.u32 s16, s20;
	v37 =	vld [tilespmem:$0x1F910]  }
0x2e7: {  	s29 =	sor.u32 $0xA200, s0;
	v44 =	vld [tilespmem:s19+$0x0];
	v12 =	vadd.f32 v14, v12;
	v14 =	vmul.f32 v15, v15;
	v15 =	vsub.f32 v41, v35  }
0x2e8: {  	s22 =	sor.u32 s16, s29;
	v38 =	vld [tilespmem:$0x1F920]  }
0x2e9: {  	s30 =	sor.u32 $0xA280, s0;
	v45 =	vld [tilespmem:s22+$0x0];
	v12 =	vadd.f32 v14, v12;
	v14 =	vmul.f32 v15, v15;
	v15 =	vsub.f32 v42, v36  }
0x2ea: {  	s25 =	sor.u32 s16, s30;
	v39 =	vld [tilespmem:$0x1F930]  }
0x2eb: {  	v46 =	vld [tilespmem:s25+$0x0];
	s19 =	sor.u32 $0xA300, s0;
	v12 =	vadd.f32 v14, v12;
	v14 =	vmul.f32 v15, v15;
	v15 =	vsub.f32 v43, v37  }
0x2ec: {  	s31 =	sor.u32 s16, s19;
	v40 =	vld [tilespmem:$0x1F940]  }
0x2ed: {  	s17 =	sor.u32 $0xA380, s0;
	v47 =	vld [tilespmem:s31+$0x0];
	v12 =	vadd.f32 v14, v12;
	v14 =	vmul.f32 v15, v15;
	v15 =	vsub.f32 v44, v38  }
0x2ee: {  	s2 =	sor.u32 s16, s17;
	v41 =	vld [tilespmem:$0x1F950]  }
0x2ef: {  	[smem:$0x7D8] =	sst s14;
	v48 =	vld [tilespmem:s2+$0x0];
	s14 =	sor.u32 $0xB000, s0;
	v12 =	vadd.f32 v14, v12;
	v14 =	vmul.f32 v15, v15;
	v15 =	vsub.f32 v45, v39  }
0x2f0: {  	s3 =	sor.u32 s16, s14;
	v42 =	vld [tilespmem:$0x1F960]  }
0x2f1: {  	[smem:$0x7D7] =	sst s13;
	s13 =	sor.u32 $0xB080, s0;
	v49 =	vld [tilespmem:s3+$0x0];
	v12 =	vadd.f32 v14, v12;
	v14 =	vmul.f32 v15, v15;
	v15 =	vsub.f32 v46, v40  }
0x2f2: {  	s4 =	sor.u32 s16, s13;
	v43 =	vld [tilespmem:$0x1F970]  }
0x2f3: {  	[smem:$0x7D6] =	sst s12;
	s12 =	sor.u32 $0xB100, s0;
	v50 =	vld [tilespmem:s4+$0x0];
	v12 =	vadd.f32 v14, v12;
	v14 =	vmul.f32 v15, v15;
	v15 =	vsub.f32 v47, v41  }
0x2f4: {  	[dreg:$0x10] =	wrdreg s5;
	s5 =	sor.u32 s16, s12;
	v44 =	vld [tilespmem:$0x1F980]  }
0x2f5: {  	[smem:$0x7D5] =	sst s11;
	s11 =	sor.u32 $0xB180, s0;
	v51 =	vld [tilespmem:s5+$0x0];
	v12 =	vadd.f32 v14, v12;
	v14 =	vmul.f32 v15, v15;
	v15 =	vsub.f32 v48, v42  }
0x2f6: {  	s6 =	sor.u32 s16, s11;
	v45 =	vld [tilespmem:$0x1F990]  }
0x2f7: {  	[smem:$0x7D4] =	sst s10;
	s10 =	sor.u32 $0xB200, s0;
	v52 =	vld [tilespmem:s6+$0x0];
	v12 =	vadd.f32 v14, v12;
	v14 =	vmul.f32 v15, v15;
	v15 =	vsub.f32 v49, v43  }
0x2f8: {  	[smem:$0x7D1] =	sst s7;
	s7 =	sor.u32 s16, s10;
	v46 =	vld [tilespmem:$0x1F9A0]  }
0x2f9: {  	[smem:$0x7D3] =	sst s9;
	s9 =	sor.u32 $0xB280, s0;
	v53 =	vld [tilespmem:s7+$0x0];
	v12 =	vadd.f32 v14, v12;
	v14 =	vmul.f32 v15, v15;
	v15 =	vsub.f32 v50, v44  }
0x2fa: {  	[smem:$0x7D2] =	sst s8;
	s8 =	sor.u32 s16, s9;
	v47 =	vld [tilespmem:$0x1F9B0]  }
0x2fb: {  	v54 =	vld [tilespmem:s8+$0x0];
	s7 =	sor.u32 $0xB300, s0;
	v12 =	vadd.f32 v14, v12;
	v14 =	vmul.f32 v15, v15;
	v15 =	vsub.f32 v51, v45  }
0x2fc: {  	s15 =	sor.u32 s16, s7;
	v48 =	vld [tilespmem:$0x1F9C0]  }
0x2fd: {  	v55 =	vld [tilespmem:s15+$0x0];
	s5 =	sor.u32 $0xB380, s0;
	v12 =	vadd.f32 v14, v12;
	v14 =	vmul.f32 v15, v15;
	v15 =	vsub.f32 v52, v46  }
0x2fe: {  	s18 =	sor.u32 s16, s5;
	v49 =	vld [tilespmem:$0x1F9D0]  }
0x2ff: {  	s4 =	sor.u32 $0xC000, s0;
	v56 =	vld [tilespmem:s18+$0x0];
	v12 =	vadd.f32 v14, v12;
	v14 =	vmul.f32 v15, v15;
	v15 =	vsub.f32 v53, v47  }
0x300: {  	s22 =	sor.u32 s16, s4;
	v50 =	vld [tilespmem:$0x1F9E0]  }
0x301: {  	s3 =	sor.u32 $0xC080, s0;
	v57 =	vld [tilespmem:s22+$0x0];
	v12 =	vadd.f32 v14, v12;
	v14 =	vmul.f32 v15, v15;
	v15 =	vsub.f32 v54, v48  }
0x302: {  	s2 =	sor.u32 s16, s3;
	v51 =	vld [tilespmem:$0x1F9F0]  }
0x303: {  	v58 =	vld [tilespmem:s2+$0x0];
	s2 =	sor.u32 $0xC100, s0;
	v12 =	vadd.f32 v14, v12;
	v14 =	vmul.f32 v15, v15;
	v15 =	vsub.f32 v55, v49  }
0x304: {  	s6 =	sor.u32 s16, s2;
	v52 =	vld [tilespmem:$0x1FA00]  }
0x305: {  	v59 =	vld [tilespmem:s6+$0x0];
	s6 =	sor.u32 $0xC180, s0;
	v12 =	vadd.f32 v14, v12;
	v14 =	vmul.f32 v15, v15;
	v15 =	vsub.f32 v56, v50  }
0x306: {  	s8 =	sor.u32 s16, s6;
	v53 =	vld [tilespmem:$0x1FA10]  }
0x307: {  	v60 =	vld [tilespmem:s8+$0x0];
	s8 =	sor.u32 $0xC200, s0;
	v12 =	vadd.f32 v14, v12;
	v14 =	vmul.f32 v15, v15;
	v15 =	vsub.f32 v57, v51  }
0x308: {  	s15 =	sor.u32 s16, s8;
	v54 =	vld [tilespmem:$0x1FA20]  }
0x309: {  	v61 =	vld [tilespmem:s15+$0x0];
	s15 =	sor.u32 $0xC280, s0;
	v12 =	vadd.f32 v14, v12;
	v14 =	vmul.f32 v15, v15;
	v15 =	vsub.f32 v58, v52  }
0x30a: {  	s18 =	sor.u32 s16, s15;
	v55 =	vld [tilespmem:$0x1FA30]  }
0x30b: {  	v62 =	vld [tilespmem:s18+$0x0];
	s18 =	sor.u32 $0xC300, s0;
	v12 =	vadd.f32 v14, v12;
	v14 =	vmul.f32 v15, v15;
	v15 =	vsub.f32 v59, v53  }
0x30c: {  	s22 =	sor.u32 s16, s18;
	v56 =	vld [tilespmem:$0x1FA40]  }
0x30d: {  	v63 =	vld [tilespmem:s22+$0x0];
	s22 =	sor.u32 $0xC380, s0;
	v12 =	vadd.f32 v14, v12;
	v14 =	vmul.f32 v15, v15;
	v15 =	vsub.f32 v60, v54  }
0x30e: {  	s25 =	sor.u32 s16, s22;
	v57 =	vld [tilespmem:$0x1FA50]  }
0x30f: {  	v9 =	vld [tilespmem:s25+$0x0];
	s25 =	sor.u32 $0xD000, s0;
	v12 =	vadd.f32 v14, v12;
	v14 =	vmul.f32 v15, v15;
	v15 =	vsub.f32 v61, v55  }
0x310: {  	s1 =	smov.u32 s28;
	s28 =	sor.u32 s16, s25;
	v58 =	vld [tilespmem:$0x1FA60]  }
0x311: {  	v10 =	vld [tilespmem:s28+$0x0];
	s28 =	sor.u32 $0xD080, s0;
	v12 =	vadd.f32 v14, v12;
	v14 =	vmul.f32 v15, v15;
	v15 =	vsub.f32 v62, v56  }
0x312: {  	[smem:$0x7D9] =	sst s28;
	s28 =	sor.u32 s16, s28;
	v59 =	vld [tilespmem:$0x1FA70]  }
0x313: {  	v11 =	vld [tilespmem:s28+$0x0];
	s28 =	sor.u32 $0xD100, s0;
	v12 =	vadd.f32 v14, v12;
	v14 =	vmul.f32 v15, v15;
	v15 =	vsub.f32 v63, v57  }
0x314: {  	[smem:$0x7DA] =	sst s28;
	s28 =	sor.u32 s16, s28;
	v60 =	vld [tilespmem:$0x1FA80]  }
0x315: {  	v12 =	vadd.f32 v14, v12;
	v14 =	vmul.f32 v15, v15;
	v15 =	vsub.f32 v9, v58;
	v9 =	vld [tilespmem:s28+$0x0];
	s28 =	sor.u32 $0xD180, s0  }
0x316: {  	v61 =	vld [tilespmem:$0x1FA90];
	[smem:$0x7DB] =	sst s28;
	s28 =	sor.u32 s16, s28  }
0x317: {  	v12 =	vadd.f32 v14, v12;
	v14 =	vmul.f32 v15, v15;
	v15 =	vsub.f32 v10, v59;
	v10 =	vld [tilespmem:s28+$0x0];
	s28 =	sor.u32 $0xD200, s0  }
0x318: {  	v62 =	vld [tilespmem:$0x1FAA0];
	[smem:$0x7DC] =	sst s28;
	s28 =	sor.u32 s16, s28  }
0x319: {  	v12 =	vadd.f32 v14, v12;
	v14 =	vmul.f32 v15, v15;
	v15 =	vsub.f32 v11, v60;
	v11 =	vld [tilespmem:s28+$0x0];
	s28 =	sor.u32 $0xD280, s0  }
0x31a: {  	v63 =	vld [tilespmem:$0x1FAB0];
	[smem:$0x7DD] =	sst s28;
	s28 =	sor.u32 s16, s28  }
0x31b: {  	v12 =	vadd.f32 v14, v12;
	v14 =	vmul.f32 v15, v15;
	v15 =	vsub.f32 v9, v61;
	v9 =	vld [tilespmem:s28+$0x0];
	s28 =	sor.u32 $0xD300, s0  }
0x31c: {  	v3 =	vld [tilespmem:$0x1FAC0];
	[smem:$0x7DE] =	sst s28;
	s28 =	sor.u32 s16, s28  }
0x31d: {  	v12 =	vadd.f32 v14, v12;
	v14 =	vmul.f32 v15, v15;
	v15 =	vsub.f32 v10, v62;
	v10 =	vld [tilespmem:s28+$0x0];
	s28 =	sor.u32 $0xD380, s0  }
0x31e: {  	v2 =	vld [tilespmem:$0x1FAD0];
	[smem:$0x7DF] =	sst s28;
	s28 =	sor.u32 s16, s28  }
0x31f: {  	v12 =	vadd.f32 v14, v12;
	v14 =	vmul.f32 v15, v15;
	v15 =	vsub.f32 v11, v63;
	v11 =	vld [tilespmem:s28+$0x0];
	s28 =	sor.u32 $0xE000, s0  }
0x320: {  	v5 =	vld [tilespmem:$0x1FAE0];
	[smem:$0x7E0] =	sst s28;
	s28 =	sor.u32 s16, s28  }
0x321: {  	v12 =	vadd.f32 v14, v12;
	v14 =	vmul.f32 v15, v15;
	v15 =	vsub.f32 v9, v3;
	v9 =	vld [tilespmem:s28+$0x0];
	s28 =	sor.u32 $0xE080, s0  }
0x322: {  	v7 =	vld [tilespmem:$0x1FAF0];
	[smem:$0x7E1] =	sst s28;
	s28 =	sor.u32 s16, s28  }
0x323: {  	v12 =	vadd.f32 v14, v12;
	v14 =	vmul.f32 v15, v15;
	v15 =	vsub.f32 v10, v2;
	v10 =	vld [tilespmem:s28+$0x0];
	s28 =	sor.u32 $0xE100, s0  }
0x324: {  	[tilespmem:$0x1F3D0] =	vst v6;
	v6 =	vld [tilespmem:$0x1FB00];
	[smem:$0x7E2] =	sst s28;
	s28 =	sor.u32 s16, s28  }
0x325: {  	v12 =	vadd.f32 v14, v12;
	v14 =	vmul.f32 v15, v15;
	v15 =	vsub.f32 v11, v5;
	v18 =	vld [tilespmem:s28+$0x0];
	s28 =	sor.u32 $0xE180, s0  }
0x326: {  	v8 =	vld [tilespmem:$0x1FB10];
	[smem:$0x7E3] =	sst s28;
	s28 =	sor.u32 s16, s28  }
0x327: {  	v12 =	vadd.f32 v14, v12;
	v14 =	vmul.f32 v15, v15;
	v15 =	vsub.f32 v9, v7;
	v16 =	vld [tilespmem:s28+$0x0];
	s28 =	sor.u32 $0xE200, s0  }
0x328: {  	v9 =	vld [tilespmem:$0x1FB20];
	[smem:$0x7E4] =	sst s28;
	s28 =	sor.u32 s16, s28  }
0x329: {  	v12 =	vadd.f32 v14, v12;
	v14 =	vmul.f32 v15, v15;
	v15 =	vsub.f32 v10, v6;
	v17 =	vld [tilespmem:s28+$0x0]  }
0x32a: {  	s28 =	sor.u32 $0xE280, s0;
	v10 =	vld [tilespmem:$0x1FB30]  }
0x32b: {  	v11 =	vld [tilespmem:$0x1FB40];
	[smem:$0x7E5] =	sst s28;
	s28 =	sor.u32 s16, s28;
	v12 =	vadd.f32 v14, v12;
	v14 =	vmul.f32 v15, v15;
	v15 =	vsub.f32 v18, v8  }
0x32c: {  	v18 =	vld [tilespmem:s28+$0x0]  }
0x32d: {  	v12 =	vadd.f32 v14, v12;
	v14 =	vmul.f32 v15, v15;
	v15 =	vsub.f32 v16, v9  }
0x32e: {  	s28 =	sor.u32 $0xE300, s0  }
0x32f: {  	[smem:$0x7E6] =	sst s28;
	s28 =	sor.u32 s16, s28;
	v12 =	vadd.f32 v14, v12;
	v14 =	vmul.f32 v15, v15;
	v15 =	vsub.f32 v17, v10  }
0x330: {  	v16 =	vld [tilespmem:s28+$0x0]  }
0x331: {  	v12 =	vadd.f32 v14, v12;
	v14 =	vmul.f32 v15, v15;
	v15 =	vsub.f32 v18, v11;
	v11 =	vld [tilespmem:$0x1FB50];
	_ =	sdelay $0x1  }
0x332: {  	s28 =	sor.u32 $0xE380, s0  }
0x333: {  	[smem:$0x7E7] =	sst s28;
	s28 =	sor.u32 s16, s28  }
0x334: {  	v17 =	vld [tilespmem:s28+$0x0]  }
0x335: {  	v12 =	vadd.f32 v14, v12;
	v14 =	vmul.f32 v15, v15;
	v15 =	vsub.f32 v16, v11;
	v11 =	vld [tilespmem:$0x1FB60];
	_ =	sdelay $0x1  }
0x336: {  	s28 =	sor.u32 $0xF000, s0  }
0x337: {  	[dreg:$0x1e] =	wrdreg s28;
	s28 =	sor.u32 s16, s28  }
0x338: {  	v18 =	vld [tilespmem:s28+$0x0]  }
0x339: {  	v12 =	vadd.f32 v14, v12;
	v14 =	vmul.f32 v15, v15;
	v15 =	vsub.f32 v17, v11;
	v11 =	vld [tilespmem:$0x1FB70];
	_ =	sdelay $0x1  }
0x33a: {  	s28 =	sor.u32 $0xF080, s0  }
0x33b: {  	[dreg:$0x1c] =	wrdreg s28;
	s28 =	sor.u32 s16, s28  }
0x33c: {  	v16 =	vld [tilespmem:s28+$0x0]  }
0x33d: {  	v12 =	vadd.f32 v14, v12;
	v14 =	vmul.f32 v15, v15;
	v15 =	vsub.f32 v18, v11;
	v11 =	vld [tilespmem:$0x1FB80];
	_ =	sdelay $0x1  }
0x33e: {  	s28 =	sor.u32 $0xF100, s0  }
0x33f: {  	[dreg:$0x1a] =	wrdreg s28;
	s28 =	sor.u32 s16, s28  }
0x340: {  	v17 =	vld [tilespmem:s28+$0x0]  }
0x341: {  	v12 =	vadd.f32 v14, v12;
	v14 =	vmul.f32 v15, v15;
	v15 =	vsub.f32 v16, v11;
	v11 =	vld [tilespmem:$0x1FB90];
	_ =	sdelay $0x1  }
0x342: {  	s28 =	sor.u32 $0xF180, s0  }
0x343: {  	[dreg:$0x18] =	wrdreg s28;
	s28 =	sor.u32 s16, s28  }
0x344: {  	v18 =	vld [tilespmem:s28+$0x0]  }
0x345: {  	v12 =	vadd.f32 v14, v12;
	v14 =	vmul.f32 v15, v15;
	v15 =	vsub.f32 v17, v11;
	v11 =	vld [tilespmem:$0x1FBA0];
	_ =	sdelay $0x1  }
0x346: {  	s28 =	sor.u32 $0xF200, s0  }
0x347: {  	[dreg:$0x16] =	wrdreg s28;
	s28 =	sor.u32 s16, s28  }
0x348: {  	v16 =	vld [tilespmem:s28+$0x0]  }
0x349: {  	v12 =	vadd.f32 v14, v12;
	v14 =	vmul.f32 v15, v15;
	v15 =	vsub.f32 v18, v11;
	v11 =	vld [tilespmem:$0x1FBB0];
	_ =	sdelay $0x1  }
0x34a: {  	s28 =	sor.u32 $0xF280, s0  }
0x34b: {  	[dreg:$0x14] =	wrdreg s28;
	s28 =	sor.u32 s16, s28  }
0x34c: {  	v17 =	vld [tilespmem:s28+$0x0]  }
0x34d: {  	v12 =	vadd.f32 v14, v12;
	v14 =	vmul.f32 v15, v15;
	v15 =	vsub.f32 v16, v11;
	v11 =	vld [tilespmem:$0x1FBC0];
	_ =	sdelay $0x3  }
0x34e: {  	s31 =	sor.u32 $0xF300, s0  }
0x34f: {  	s28 =	sor.u32 s16, s31;
	v12 =	vadd.f32 v14, v12;
	v14 =	vmul.f32 v15, v15;
	v15 =	vsub.f32 v17, v11  }
0x350: {  	v18 =	vld [tilespmem:s28+$0x0]  }
0x351: {  	v12 =	vadd.f32 v14, v12;
	v14 =	vmul.f32 v15, v15;
	v15 =	vld [tilespmem:$0x1FBD0];
	_ =	sdelay $0x3  }
0x352: {  	s28 =	smov.u32 s1;
	s1 =	sor.u32 $0xF380, s0  }
0x353: {  	s0 =	sor.u32 s16, s1;
	v15 =	vsub.f32 v18, v15  }
0x354: {  	v16 =	vld [tilespmem:s0+$0x0]  }
0x355: {  	v12 =	vadd.f32 v14, v12;
	v14 =	vmul.f32 v15, v15;
	v15 =	vld [tilespmem:$0x1FBE0];
	_ =	sdelay $0x4  }
0x356: {  	v15 =	vsub.f32 v16, v15;
	_ =	sdelay $0x1  }
0x357: {  	v12 =	vadd.f32 v14, v12;
	v14 =	vmul.f32 v15, v15  }
0x358: {  	s0 =	sld [smem:$0x7D0]  }
0x359: {  	v12 =	vadd.f32 v14, v12  }
0x35a: {  	s16 =	sor.u32 $0x10, s16  }
0x35b: {  	s0 =	sor.u32 s16, s0;
	[tilespmem:s28+$0x0] =	vst v12  }
0x35c: {  	v14 =	vld [tilespmem:s0+$0x0]  }
0x35d: {  	v17 =	vld [tilespmem:s0+$0x180]  }
0x35e: {  	v16 =	vld [tilespmem:s0+$0x100]  }
0x35f: {  	v15 =	vld [tilespmem:s0+$0x80]  }
0x360: {  	v11 =	vld [tilespmem:s0+$0x200]  }
0x361: {  	v14 =	vsub.f32 v14, v19;
	v19 =	vld [tilespmem:s0+$0x280]  }
0x362: {  	v22 =	vsub.f32 v17, v22;
	v17 =	vld [tilespmem:s0+$0x300]  }
0x363: {  	v16 =	vsub.f32 v16, v21;
	v21 =	vld [tilespmem:s0+$0x380];
	s0 =	sld [smem:$0x7D1]  }
0x364: {  	v15 =	vsub.f32 v15, v20;
	_ =	sdelay $0x1  }
0x365: {  	v14 =	vmul.f32 v14, v14;
	v15 =	vmul.f32 v15, v15;
	s0 =	sor.u32 s16, s0  }
0x366: {  	v11 =	vsub.f32 v11, v23;
	v23 =	vld [tilespmem:s0+$0x0];
	s0 =	sld [smem:$0x7D2]  }
0x367: {  	v14 =	vadd.f32 v15, v14;
	v15 =	vmul.f32 v16, v16;
	_ =	sdelay $0x1  }
0x368: {  	v14 =	vadd.f32 v15, v14;
	s0 =	sor.u32 s16, s0  }
0x369: {  	v15 =	vmul.f32 v22, v22;
	v22 =	vsub.f32 v19, v24;
	v24 =	vsub.f32 v17, v25;
	v25 =	vld [tilespmem:s0+$0x0];
	s0 =	sld [smem:$0x7D3];
	_ =	sdelay $0x2  }
0x36a: {  	s0 =	sor.u32 s16, s0  }
0x36b: {  	v14 =	vadd.f32 v15, v14;
	v15 =	vmul.f32 v11, v11;
	v11 =	vld [tilespmem:s0+$0x0];
	s0 =	sld [smem:$0x7D4];
	_ =	sdelay $0x2  }
0x36c: {  	s0 =	sor.u32 s16, s0  }
0x36d: {  	v14 =	vadd.f32 v15, v14;
	v15 =	vmul.f32 v22, v22;
	v22 =	vld [tilespmem:s0+$0x0];
	s0 =	sld [smem:$0x7D5];
	_ =	sdelay $0x2  }
0x36e: {  	s0 =	sor.u32 s16, s0  }
0x36f: {  	v14 =	vadd.f32 v15, v14;
	v15 =	vmul.f32 v24, v24;
	v24 =	vld [tilespmem:s0+$0x0];
	s0 =	sld [smem:$0x7D6]  }
0x370: {  	v26 =	vsub.f32 v21, v26;
	_ =	sdelay $0x1  }
0x371: {  	v21 =	vsub.f32 v23, v27;
	v14 =	vadd.f32 v15, v14;
	v15 =	vmul.f32 v26, v26;
	s0 =	sor.u32 s16, s0  }
0x372: {  	v26 =	vld [tilespmem:s0+$0x0];
	s0 =	sld [smem:$0x7D7]  }
0x373: {  	v23 =	vsub.f32 v25, v28;
	v14 =	vadd.f32 v15, v14;
	v15 =	vmul.f32 v21, v21;
	_ =	sdelay $0x1  }
0x374: {  	v25 =	vsub.f32 v11, v29;
	v14 =	vadd.f32 v15, v14;
	v15 =	vmul.f32 v23, v23;
	s0 =	sor.u32 s16, s0  }
0x375: {  	v28 =	vld [tilespmem:s0+$0x0];
	s0 =	sld [smem:$0x7D8]  }
0x376: {  	v14 =	vadd.f32 v15, v14;
	v15 =	vmul.f32 v25, v25;
	v27 =	vsub.f32 v22, v30;
	_ =	sdelay $0x1  }
0x377: {  	v14 =	vadd.f32 v15, v14;
	v15 =	vmul.f32 v27, v27;
	v29 =	vsub.f32 v24, v31;
	s0 =	sor.u32 s16, s0  }
0x378: {  	v30 =	vld [tilespmem:s0+$0x0]  }
0x379: {  	s24 =	sor.u32 s16, s24;
	v14 =	vadd.f32 v15, v14;
	v15 =	vmul.f32 v29, v29;
	v31 =	vsub.f32 v26, v32  }
0x37a: {  	v32 =	vld [tilespmem:s24+$0x0]  }
0x37b: {  	v14 =	vadd.f32 v15, v14;
	s24 =	sor.u32 s16, s23;
	v15 =	vmul.f32 v31, v31;
	v11 =	vsub.f32 v28, v33  }
0x37c: {  	v21 =	vld [tilespmem:s24+$0x0]  }
0x37d: {  	s23 =	sor.u32 s16, s21;
	v14 =	vadd.f32 v15, v14;
	v15 =	vmul.f32 v11, v11;
	v22 =	vsub.f32 v30, v34  }
0x37e: {  	v23 =	vld [tilespmem:s23+$0x0]  }
0x37f: {  	s24 =	sor.u32 s16, s20;
	v24 =	vsub.f32 v32, v35;
	v14 =	vadd.f32 v15, v14;
	v15 =	vmul.f32 v22, v22  }
0x380: {  	v25 =	vld [tilespmem:s24+$0x0]  }
0x381: {  	s29 =	sor.u32 s16, s29;
	v26 =	vsub.f32 v21, v36;
	v14 =	vadd.f32 v15, v14;
	v15 =	vmul.f32 v24, v24  }
0x382: {  	v27 =	vld [tilespmem:s29+$0x0]  }
0x383: {  	s30 =	sor.u32 s16, s30;
	v28 =	vsub.f32 v23, v37;
	v14 =	vadd.f32 v15, v14;
	v15 =	vmul.f32 v26, v26  }
0x384: {  	v29 =	vld [tilespmem:s30+$0x0]  }
0x385: {  	s19 =	sor.u32 s16, s19;
	v30 =	vsub.f32 v25, v38;
	v14 =	vadd.f32 v15, v14;
	v15 =	vmul.f32 v28, v28  }
0x386: {  	v31 =	vld [tilespmem:s19+$0x0]  }
0x387: {  	s20 =	sor.u32 s16, s17;
	v32 =	vsub.f32 v27, v39;
	v14 =	vadd.f32 v15, v14;
	v15 =	vmul.f32 v30, v30  }
0x388: {  	v33 =	vld [tilespmem:s20+$0x0]  }
0x389: {  	s21 =	sor.u32 s16, s14;
	v34 =	vsub.f32 v29, v40;
	v14 =	vadd.f32 v15, v14;
	v15 =	vmul.f32 v32, v32  }
0x38a: {  	v35 =	vld [tilespmem:s21+$0x0]  }
0x38b: {  	s23 =	sor.u32 s16, s13;
	v36 =	vsub.f32 v31, v41;
	v14 =	vadd.f32 v15, v14;
	v15 =	vmul.f32 v34, v34  }
0x38c: {  	v37 =	vld [tilespmem:s23+$0x0]  }
0x38d: {  	s24 =	sor.u32 s16, s12;
	v38 =	vsub.f32 v33, v42;
	v14 =	vadd.f32 v15, v14;
	v15 =	vmul.f32 v36, v36  }
0x38e: {  	v39 =	vld [tilespmem:s24+$0x0]  }
0x38f: {  	s29 =	sor.u32 s16, s11;
	v40 =	vsub.f32 v35, v43;
	v14 =	vadd.f32 v15, v14;
	v15 =	vmul.f32 v38, v38  }
0x390: {  	v41 =	vld [tilespmem:s29+$0x0]  }
0x391: {  	s30 =	sor.u32 s16, s10;
	v42 =	vsub.f32 v37, v44;
	v14 =	vadd.f32 v15, v14;
	v15 =	vmul.f32 v40, v40  }
0x392: {  	v43 =	vld [tilespmem:s30+$0x0]  }
0x393: {  	s10 =	sor.u32 s16, s9;
	v44 =	vsub.f32 v39, v45;
	v14 =	vadd.f32 v15, v14;
	v15 =	vmul.f32 v42, v42  }
0x394: {  	v45 =	vld [tilespmem:s10+$0x0]  }
0x395: {  	s11 =	sor.u32 s16, s7;
	v46 =	vsub.f32 v41, v46;
	v14 =	vadd.f32 v15, v14;
	v15 =	vmul.f32 v44, v44  }
0x396: {  	s13 =	sor.u32 s16, s4;
	v11 =	vld [tilespmem:s11+$0x0]  }
0x397: {  	s12 =	sor.u32 s16, s5;
	v27 =	vld [tilespmem:s13+$0x0];
	v16 =	vmul.f32 v46, v46;
	v18 =	vsub.f32 v43, v47;
	v15 =	vadd.f32 v15, v14  }
0x398: {  	s17 =	sor.u32 s16, s2;
	v24 =	vld [tilespmem:s12+$0x0]  }
0x399: {  	v33 =	vld [tilespmem:s17+$0x0];
	v26 =	vsub.f32 v45, v48;
	v25 =	vmul.f32 v18, v18;
	v15 =	vadd.f32 v16, v15  }
0x39a: {  	s14 =	sor.u32 s16, s3  }
0x39b: {  	s5 =	rddreg [dreg:$0x10];
	v29 =	vld [tilespmem:s14+$0x0];
	v17 =	vsub.f32 v11, v49;
	v28 =	vmul.f32 v26, v26;
	v15 =	vadd.f32 v25, v15  }
0x39c: {  	s19 =	sor.u32 s16, s6;
	v35 =	vsub.f32 v27, v51;
	v14 =	vld [tilespmem:s5+$0x0]  }
0x39d: {  	v31 =	vsub.f32 v24, v50;
	v30 =	vmul.f32 v17, v17;
	v38 =	vld [tilespmem:s19+$0x0];
	v15 =	vadd.f32 v28, v15  }
0x39e: {  	s20 =	sor.u32 s16, s8;
	v21 =	vsub.f32 v33, v53  }
0x39f: {  	v37 =	vmul.f32 v35, v35;
	v34 =	vmul.f32 v31, v31;
	v42 =	vld [tilespmem:s20+$0x0];
	v15 =	vadd.f32 v30, v15  }
0x3a0: {  	s21 =	sor.u32 s16, s15;
	v43 =	vmul.f32 v21, v21;
	v18 =	vsub.f32 v29, v52;
	v40 =	vbroadcast v12, $0x0  }
0x3a1: {  	v45 =	vbroadcast v12, $0x1;
	v44 =	vld [tilespmem:s21+$0x0];
	v32 =	vbroadcast v14, $0x0;
	v15 =	vadd.f32 v34, v15  }
0x3a2: {  	v18 =	vmul.f32 v18, v18;
	v19 =	vmax.f32 v13, v40;
	v17 =	vsub.f32 v38, v54  }
0x3a3: {  	v41 =	vbroadcast v14, $0x1;
	vm0 =	veq.s32 v32, v0;
	v15 =	vadd.f32 v37, v15  }
0x3a4: {  	v17 =	vmul.f32 v17, v17;
	v16 =	vsub.f32 v42, v55;
	v36 =	vsel vm0, $0x1, v1  }
0x3a5: {  	s23 =	sor.u32 s16, s18;
	vm14 =	veq.s32 v41, v0;
	v39 =	vadd.s32 v36, v4;
	v15 =	vadd.f32 v18, v15  }
0x3a6: {  	v47 =	vld [tilespmem:s23+$0x0];
	v49 =	vsub.f32 v44, v56;
	v20 =	vsel vm14, $0x1, v1;
	vm1 =	vlt.s32 v39, $0x10  }
0x3a7: {  	s24 =	sor.u32 s16, s22;
	v11 =	vadd.s32 v20, v39;
	vm0 =	vmand vm0, vm1;
	v15 =	vadd.f32 v43, v15  }
0x3a8: {  	s30 =	sld [smem:$0x7D9];
	v48 =	vld [tilespmem:s24+$0x0];
	v16 =	vmul.f32 v16, v16;
	vm15 =	vlt.s32 v11, $0x10;
	v13 =	vsel vm0, v19, v13  }
0x3a9: {  	s29 =	sor.u32 s16, s25;
	vm0 =	vmand vm14, vm15;
	v19 =	vmax.f32 v13, v45;
	v15 =	vadd.f32 v17, v15  }
0x3aa: {  	s2 =	sld [smem:$0x7DA];
	v52 =	vld [tilespmem:s29+$0x0];
	v13 =	vsel vm0, v19, v13  }
0x3ab: {  	s0 =	sor.u32 s16, s30;
	v19 =	vmul.f32 v49, v49;
	v18 =	vsub.f32 v47, v57;
	v15 =	vadd.f32 v16, v15  }
0x3ac: {  	s3 =	sld [smem:$0x7DB];
	v53 =	vld [tilespmem:s0+$0x0]  }
0x3ad: {  	s0 =	sor.u32 s16, s2;
	v18 =	vmul.f32 v18, v18;
	v17 =	vsub.f32 v48, v58;
	v15 =	vadd.f32 v19, v15  }
0x3ae: {  	s4 =	sld [smem:$0x7DC];
	v56 =	vld [tilespmem:s0+$0x0]  }
0x3af: {  	s0 =	sor.u32 s16, s3;
	v17 =	vmul.f32 v17, v17;
	v16 =	vsub.f32 v52, v59;
	v15 =	vadd.f32 v18, v15  }
0x3b0: {  	s6 =	sld [smem:$0x7DD];
	v57 =	vld [tilespmem:s0+$0x0]  }
0x3b1: {  	s0 =	sor.u32 s16, s4;
	v16 =	vmul.f32 v16, v16;
	v19 =	vsub.f32 v53, v60;
	v15 =	vadd.f32 v17, v15  }
0x3b2: {  	s7 =	sld [smem:$0x7DE];
	v60 =	vld [tilespmem:s0+$0x0]  }
0x3b3: {  	s0 =	sor.u32 s16, s6;
	v19 =	vmul.f32 v19, v19;
	v18 =	vsub.f32 v56, v61;
	v15 =	vadd.f32 v16, v15  }
0x3b4: {  	s8 =	sld [smem:$0x7DF];
	v27 =	vbroadcast v12, $0x6;
	v35 =	vbroadcast v12, $0x8;
	v61 =	vld [tilespmem:s0+$0x0]  }
0x3b5: {  	s0 =	sor.u32 s16, s7;
	v18 =	vmul.f32 v18, v18;
	v17 =	vsub.f32 v57, v62;
	v15 =	vadd.f32 v19, v15  }
0x3b6: {  	s9 =	sld [smem:$0x7E0];
	v50 =	vbroadcast v12, $0x2;
	v31 =	vbroadcast v12, $0x7;
	v25 =	vld [tilespmem:s0+$0x0]  }
0x3b7: {  	s10 =	sld [smem:$0x7E1];
	s0 =	sor.u32 s16, s8;
	v17 =	vmul.f32 v17, v17;
	v16 =	vsub.f32 v60, v63;
	v15 =	vadd.f32 v18, v15  }
0x3b8: {  	s11 =	sld [smem:$0x7E2];
	v54 =	vbroadcast v12, $0x3;
	v46 =	vbroadcast v14, $0x2;
	v26 =	vld [tilespmem:s0+$0x0]  }
0x3b9: {  	s12 =	sld [smem:$0x7E3];
	s0 =	sor.u32 s16, s9;
	v16 =	vmul.f32 v16, v16;
	v19 =	vsub.f32 v61, v3;
	v15 =	vadd.f32 v17, v15  }
0x3ba: {  	s13 =	sld [smem:$0x7E4];
	v51 =	vbroadcast v14, $0x3;
	v55 =	vbroadcast v14, $0x4;
	v29 =	vld [tilespmem:s0+$0x0];
	s0 =	sor.u32 s16, s10  }
0x3bb: {  	s14 =	sld [smem:$0x7E5];
	v30 =	vld [tilespmem:s0+$0x0];
	s0 =	sor.u32 s16, s11;
	v19 =	vmul.f32 v19, v19;
	v18 =	vsub.f32 v25, v2;
	v15 =	vadd.f32 v16, v15  }
0x3bc: {  	v24 =	vbroadcast v14, $0x6;
	v40 =	vbroadcast v14, $0xA;
	v33 =	vld [tilespmem:s0+$0x0];
	s0 =	sor.u32 s16, s12  }
0x3bd: {  	v34 =	vld [tilespmem:s0+$0x0];
	s0 =	sor.u32 s16, s13;
	v18 =	vmul.f32 v18, v18;
	v17 =	vsub.f32 v26, v5;
	v15 =	vadd.f32 v19, v15  }
0x3be: {  	v44 =	vbroadcast v14, $0xB;
	v28 =	vbroadcast v14, $0x7;
	vm4 =	veq.s32 v46, v0;
	v37 =	vld [tilespmem:s0+$0x0];
	s0 =	sor.u32 s16, s14  }
0x3bf: {  	v38 =	vld [tilespmem:s0+$0x0];
	v17 =	vmul.f32 v17, v17;
	v16 =	vsub.f32 v29, v7;
	v15 =	vadd.f32 v18, v15  }
0x3c0: {  	s15 =	sld [smem:$0x7E6];
	vm6 =	veq.s32 v51, v0;
	vm8 =	veq.s32 v55, v0;
	vm12 =	veq.s32 v24, v0;
	v2 =	vld [tilespmem:$0x1FB40]  }
0x3c1: {  	v16 =	vmul.f32 v16, v16;
	v19 =	vsub.f32 v30, v6;
	v15 =	vadd.f32 v17, v15  }
0x3c2: {  	v32 =	vbroadcast v14, $0x8;
	v55 =	vbroadcast v14, $0xD;
	v21 =	vsel vm6, $0x1, v1  }
0x3c3: {  	v20 =	vsel vm4, $0x1, v1;
	s0 =	sor.u32 s16, s15;
	v19 =	vmul.f32 v19, v19;
	v15 =	vadd.f32 v16, v15  }
0x3c4: {  	v36 =	vbroadcast v14, $0x9;
	v39 =	vbroadcast v12, $0x9;
	v11 =	vadd.s32 v20, v11;
	v41 =	vld [tilespmem:s0+$0x0]  }
0x3c5: {  	s17 =	sld [smem:$0x7E7];
	vm5 =	vlt.s32 v11, $0x10;
	v15 =	vadd.f32 v19, v15;
	v19 =	vsub.f32 v38, v2;
	v2 =	vld [tilespmem:$0x1FB50]  }
0x3c6: {  	v11 =	vadd.s32 v21, v11;
	v21 =	vsel vm8, $0x1, v1;
	v18 =	vsub.f32 v33, v8  }
0x3c7: {  	vm14 =	veq.s32 v28, v0;
	v28 =	vbroadcast v12, $0xE;
	vm7 =	vlt.s32 v11, $0x10  }
0x3c8: {  	v11 =	vadd.s32 v21, v11;
	vm0 =	vmand vm4, vm5;
	s0 =	sor.u32 s16, s17;
	v18 =	vmul.f32 v18, v18  }
0x3c9: {  	vm9 =	vlt.s32 v11, $0x10;
	vm4 =	veq.s32 v32, v0;
	v47 =	vbroadcast v12, $0xB;
	v42 =	vld [tilespmem:s0+$0x0]  }
0x3ca: {  	v20 =	vmax.f32 v13, v50;
	v15 =	vadd.f32 v18, v15;
	v18 =	vsub.f32 v41, v2;
	v2 =	vld [tilespmem:$0x1FB60]  }
0x3cb: {  	v13 =	vsel vm0, v20, v13;
	vm0 =	vmand vm6, vm7;
	v17 =	vsub.f32 v34, v9  }
0x3cc: {  	s18 =	rddreg [dreg:$0x1e];
	vm6 =	veq.s32 v36, v0;
	v43 =	vbroadcast v12, $0xA;
	v20 =	vmax.f32 v13, v54  }
0x3cd: {  	v54 =	vbroadcast v12, $0xC;
	v13 =	vsel vm0, v20, v13;
	s0 =	sor.u32 s16, s18;
	v17 =	vmul.f32 v17, v17  }
0x3ce: {  	v58 =	vbroadcast v12, $0x4;
	vm0 =	vmand vm8, vm9;
	v59 =	vbroadcast v14, $0x5;
	v45 =	vld [tilespmem:s0+$0x0]  }
0x3cf: {  	vm8 =	veq.s32 v40, v0;
	v15 =	vadd.f32 v17, v15;
	v17 =	vsub.f32 v42, v2;
	v2 =	vld [tilespmem:$0x1FB70]  }
0x3d0: {  	v20 =	vmax.f32 v13, v58;
	vm10 =	veq.s32 v59, v0;
	v16 =	vsub.f32 v37, v10  }
0x3d1: {  	s19 =	rddreg [dreg:$0x1c];
	v48 =	vbroadcast v14, $0xC;
	v13 =	vsel vm0, v20, v13;
	v21 =	vsel vm10, $0x1, v1  }
0x3d2: {  	v11 =	vadd.s32 v21, v11;
	v21 =	vsel vm12, $0x1, v1;
	s0 =	sor.u32 s16, s19;
	v16 =	vmul.f32 v16, v16  }
0x3d3: {  	vm11 =	vlt.s32 v11, $0x10;
	v11 =	vadd.s32 v21, v11;
	v21 =	vsel vm14, $0x1, v1;
	v46 =	vld [tilespmem:s0+$0x0]  }
0x3d4: {  	v62 =	vbroadcast v12, $0x5;
	v15 =	vadd.f32 v16, v15;
	v16 =	vsub.f32 v45, v2;
	v2 =	vld [tilespmem:$0x1FB80]  }
0x3d5: {  	vm0 =	vmand vm10, vm11;
	vm13 =	vlt.s32 v11, $0x10;
	v11 =	vadd.s32 v21, v11  }
0x3d6: {  	s20 =	rddreg [dreg:$0x1a];
	v21 =	vsel vm4, $0x1, v1;
	vm10 =	veq.s32 v44, v0;
	vm15 =	vlt.s32 v11, $0x10  }
0x3d7: {  	v11 =	vadd.s32 v21, v11;
	v21 =	vsel vm6, $0x1, v1;
	v20 =	vmax.f32 v13, v62;
	s0 =	sor.u32 s16, s20  }
0x3d8: {  	vm5 =	vlt.s32 v11, $0x10;
	v11 =	vadd.s32 v21, v11;
	v21 =	vsel vm8, $0x1, v1;
	v49 =	vld [tilespmem:s0+$0x0]  }
0x3d9: {  	v60 =	vbroadcast v14, $0xE;
	v14 =	vbroadcast v14, $0xF;
	v52 =	vsub.f32 v46, v2;
	v2 =	vld [tilespmem:$0x1FB90]  }
0x3da: {  	v13 =	vsel vm0, v20, v13;
	vm0 =	vmand vm12, vm13;
	v19 =	vmul.f32 v19, v19  }
0x3db: {  	s21 =	rddreg [dreg:$0x18];
	vm7 =	vlt.s32 v11, $0x10;
	v11 =	vadd.s32 v21, v11;
	v21 =	vsel vm10, $0x1, v1  }
0x3dc: {  	vm12 =	veq.s32 v48, v0;
	s0 =	sor.u32 s16, s21;
	v18 =	vmul.f32 v18, v18;
	v15 =	vadd.f32 v19, v15  }
0x3dd: {  	v20 =	vmax.f32 v13, v27;
	vm9 =	vlt.s32 v11, $0x10;
	v11 =	vadd.s32 v21, v11;
	v50 =	vld [tilespmem:s0+$0x0]  }
0x3de: {  	v51 =	vsel vm12, $0x1, v1;
	v15 =	vadd.f32 v18, v15;
	v18 =	vsub.f32 v49, v2;
	v2 =	vld [tilespmem:$0x1FBA0]  }
0x3df: {  	s29 =	sand.u32 $0x180, s26;
	v13 =	vsel vm0, v20, v13;
	vm0 =	vmand vm14, vm15;
	vm11 =	vlt.s32 v11, $0x10  }
0x3e0: {  	s22 =	rddreg [dreg:$0x16];
	s30 =	sor.u32 s29, s16;
	v11 =	vadd.s32 v51, v11;
	vm14 =	veq.s32 v55, v0;
	vm15 =	veq.s32 v60, v0  }
0x3e1: {  	v20 =	vmax.f32 v13, v31;
	vm13 =	vlt.s32 v11, $0x10;
	v59 =	vsel vm14, $0x1, v1;
	v26 =	vld [tilespmem:s30+$0x10300];
	s0 =	sor.u32 s16, s22  }
0x3e2: {  	v21 =	vsel vm15, $0x1, v1;
	v13 =	vsel vm0, v20, v13;
	vm0 =	vmand vm4, vm5;
	v53 =	vld [tilespmem:s0+$0x0]  }
0x3e3: {  	v11 =	vadd.s32 v59, v11;
	v20 =	vmax.f32 v13, v35;
	v58 =	vsub.f32 v50, v2;
	v2 =	vld [tilespmem:$0x1FBB0]  }
0x3e4: {  	vm5 =	veq.s32 v14, v0;
	vm2 =	vlt.s32 v11, $0x10;
	v13 =	vsel vm0, v20, v13  }
0x3e5: {  	s23 =	rddreg [dreg:$0x14];
	v21 =	vadd.s32 v21, v11;
	vm0 =	vmand vm6, vm7;
	v20 =	vmax.f32 v13, v39  }
0x3e6: {  	vm1 =	vmand vm14, vm2;
	vm4 =	vlt.s32 v21, $0x10;
	v13 =	vsel vm0, v20, v13;
	s0 =	sor.u32 s16, s23  }
0x3e7: {  	v29 =	vsel vm5, $0x1, v1;
	vm0 =	vmand vm8, vm9;
	v20 =	vmax.f32 v13, v43;
	v56 =	vld [tilespmem:s0+$0x0]  }
0x3e8: {  	v31 =	vbroadcast v26, $0x1;
	v32 =	vbroadcast v26, $0x2;
	v62 =	vsub.f32 v53, v2;
	v2 =	vld [tilespmem:$0x1FBC0]  }
0x3e9: {  	v13 =	vsel vm0, v20, v13;
	v36 =	vbroadcast v26, $0x4;
	v17 =	vmul.f32 v17, v17  }
0x3ea: {  	vm0 =	vmand vm10, vm11;
	v40 =	vbroadcast v26, $0x6;
	v44 =	vbroadcast v26, $0x8  }
0x3eb: {  	s24 =	sor.u32 s16, s31;
	v20 =	vmax.f32 v13, v47;
	v15 =	vadd.f32 v17, v15;
	v16 =	vmul.f32 v16, v16  }
0x3ec: {  	v63 =	vld [tilespmem:s24+$0x0];
	v48 =	vbroadcast v26, $0xA;
	v11 =	vbroadcast v26, $0xF;
	v13 =	vsel vm0, v20, v13  }
0x3ed: {  	v15 =	vadd.f32 v16, v15;
	v17 =	vmul.f32 v52, v52;
	v16 =	vsub.f32 v56, v2;
	v2 =	vld [tilespmem:$0x1FBD0]  }
0x3ee: {  	vm0 =	vmand vm12, vm13;
	vm10 =	veq.s32 v31, v0;
	vm12 =	veq.s32 v32, v0  }
0x3ef: {  	v20 =	vmax.f32 v13, v54;
	v15 =	vadd.f32 v17, v15;
	v57 =	vmul.f32 v18, v18  }
0x3f0: {  	s25 =	sor.u32 s16, s1;
	vm3 =	veq.s32 v11, v0;
	v34 =	vbroadcast v26, $0x3;
	v13 =	vsel vm0, v20, v13  }
0x3f1: {  	v25 =	vld [tilespmem:s25+$0x0];
	v10 =	vbroadcast v12, $0xD;
	v15 =	vadd.f32 v57, v15;
	v61 =	vmul.f32 v58, v58  }
0x3f2: {  	vm0 =	vmand vm15, vm4;
	vm4 =	veq.s32 v36, v0;
	v27 =	vsub.f32 v63, v2;
	v2 =	vld [tilespmem:$0x1FBE0]  }
0x3f3: {  	v20 =	vmax.f32 v13, v10;
	v15 =	vadd.f32 v61, v15;
	v24 =	vmul.f32 v62, v62  }
0x3f4: {  	vm13 =	veq.s32 v34, v0;
	v38 =	vbroadcast v26, $0x5;
	v13 =	vsel vm1, v20, v13  }
0x3f5: {  	v42 =	vbroadcast v26, $0x7;
	v15 =	vadd.f32 v24, v15;
	v16 =	vmul.f32 v16, v16  }
0x3f6: {  	v46 =	vbroadcast v26, $0x9;
	v52 =	vbroadcast v26, $0xC;
	v17 =	vadd.s32 v29, v21  }
0x3f7: {  	v14 =	vadd.f32 v16, v15;
	v15 =	vmul.f32 v27, v27;
	v18 =	vsub.f32 v25, v2  }
0x3f8: {  	vm6 =	vlt.s32 v17, $0x10;
	v57 =	vbroadcast v26, $0xD;
	v50 =	vbroadcast v26, $0xB  }
0x3f9: {  	v14 =	vadd.f32 v15, v14;
	v15 =	vbroadcast v26, $0x0;
	v18 =	vmul.f32 v18, v18  }
0x3fa: {  	v58 =	vbroadcast v26, $0xE;
	v62 =	vsel vm3, $0x1, v1;
	v16 =	vmax.f32 v13, v28  }
0x3fb: {  	v13 =	vsel vm0, v16, v13;
	vm7 =	veq.s32 v15, v0;
	v14 =	vadd.f32 v18, v14  }
0x3fc: {  	vm0 =	vmand vm5, vm6;
	v15 =	vbroadcast v12, $0xF;
	v30 =	vsel vm7, $0x1, v1  }
0x3fd: {  	vm6 =	veq.s32 v38, v0;
	v16 =	vadd.s32 v30, v17;
	v18 =	vbroadcast v14, $0x0  }
0x3fe: {  	v15 =	vmax.f32 v13, v15;
	v33 =	vbroadcast v14, $0x1;
	v35 =	vbroadcast v14, $0x2  }
0x3ff: {  	v17 =	vsel vm10, $0x1, v1;
	v37 =	vbroadcast v14, $0x3;
	v39 =	vbroadcast v14, $0x4  }
0x400: {  	vm8 =	vlt.s32 v16, $0x10;
	v41 =	vbroadcast v14, $0x5;
	v43 =	vbroadcast v14, $0x6  }
0x401: {  	v13 =	vsel vm0, v15, v13;
	v45 =	vbroadcast v14, $0x7;
	v47 =	vbroadcast v14, $0x8  }
0x402: {  	vm9 =	vmand vm7, vm8;
	v49 =	vbroadcast v14, $0x9;
	v51 =	vbroadcast v14, $0xA  }
0x403: {  	vm7 =	veq.s32 v40, v0;
	v53 =	vbroadcast v14, $0xB;
	v56 =	vbroadcast v14, $0xC  }
0x404: {  	v60 =	vbroadcast v14, $0xD;
	v61 =	vbroadcast v14, $0xE;
	v15 =	vmax.f32 v13, v18  }
0x405: {  	v18 =	vsel vm12, $0x1, v1;
	v13 =	vsel vm9, v15, v13;
	v15 =	vadd.s32 v17, v16  }
0x406: {  	v17 =	vsel vm13, $0x1, v1;
	vm11 =	vlt.s32 v15, $0x10;
	v16 =	vmax.f32 v13, v33  }
0x407: {  	v15 =	vadd.s32 v18, v15;
	v18 =	vsel vm6, $0x1, v1;
	vm0 =	vmand vm10, vm11  }
0x408: {  	vm14 =	vlt.s32 v15, $0x10;
	v15 =	vadd.s32 v17, v15;
	v17 =	vsel vm4, $0x1, v1  }
0x409: {  	vm10 =	veq.s32 v42, v0;
	v13 =	vsel vm0, v16, v13;
	vm1 =	vmand vm12, vm14  }
0x40a: {  	vm15 =	vlt.s32 v15, $0x10;
	v15 =	vadd.s32 v17, v15;
	v17 =	vsel vm7, $0x1, v1  }
0x40b: {  	vm12 =	veq.s32 v44, v0;
	v16 =	vmax.f32 v13, v35;
	vm0 =	vmand vm13, vm15  }
0x40c: {  	vm5 =	vlt.s32 v15, $0x10;
	v15 =	vadd.s32 v18, v15;
	v13 =	vsel vm1, v16, v13  }
0x40d: {  	v18 =	vsel vm12, $0x1, v1;
	vm13 =	veq.s32 v46, v0;
	v16 =	vmax.f32 v13, v37  }
0x40e: {  	vm8 =	vlt.s32 v15, $0x10;
	v15 =	vadd.s32 v17, v15;
	v13 =	vsel vm0, v16, v13  }
0x40f: {  	v17 =	vsel vm10, $0x1, v1;
	vm0 =	vmand vm4, vm5;
	v16 =	vmax.f32 v13, v39  }
0x410: {  	vm1 =	vmand vm6, vm8;
	vm9 =	vlt.s32 v15, $0x10;
	v13 =	vsel vm0, v16, v13  }
0x411: {  	v15 =	vadd.s32 v17, v15;
	v17 =	vsel vm13, $0x1, v1;
	v16 =	vmax.f32 v13, v41  }
0x412: {  	vm6 =	veq.s32 v50, v0;
	vm11 =	vlt.s32 v15, $0x10;
	v13 =	vsel vm1, v16, v13  }
0x413: {  	v15 =	vadd.s32 v18, v15;
	vm0 =	vmand vm7, vm9;
	v16 =	vmax.f32 v13, v43  }
0x414: {  	vm4 =	veq.s32 v48, v0;
	v18 =	vsel vm6, $0x1, v1;
	v13 =	vsel vm0, v16, v13  }
0x415: {  	vm14 =	vlt.s32 v15, $0x10;
	vm0 =	vmand vm10, vm11;
	v16 =	vmax.f32 v13, v45  }
0x416: {  	v15 =	vadd.s32 v17, v15;
	v17 =	vsel vm4, $0x1, v1;
	v13 =	vsel vm0, v16, v13  }
0x417: {  	vm15 =	vlt.s32 v15, $0x10;
	vm1 =	vmand vm12, vm14;
	v16 =	vmax.f32 v13, v47  }
0x418: {  	v15 =	vadd.s32 v17, v15;
	vm7 =	veq.s32 v52, v0;
	v13 =	vsel vm1, v16, v13  }
0x419: {  	vm5 =	vlt.s32 v15, $0x10;
	vm0 =	vmand vm13, vm15;
	v16 =	vmax.f32 v13, v49  }
0x41a: {  	v15 =	vadd.s32 v18, v15;
	v54 =	vsel vm7, $0x1, v1;
	v13 =	vsel vm0, v16, v13  }
0x41b: {  	vm8 =	vlt.s32 v15, $0x10;
	vm0 =	vmand vm4, vm5;
	v16 =	vmax.f32 v13, v51  }
0x41c: {  	v15 =	vadd.s32 v54, v15;
	vm12 =	veq.s32 v58, v0;
	v13 =	vsel vm0, v16, v13  }
0x41d: {  	vm11 =	veq.s32 v57, v0;
	vm0 =	vmand vm6, vm8;
	v55 =	vmax.f32 v13, v53  }
0x41e: {  	vm9 =	vlt.s32 v15, $0x10;
	v59 =	vsel vm11, $0x1, v1;
	v13 =	vsel vm0, v55, v13  }
0x41f: {  	v2 =	vld [tilespmem:$0x1F3D0];
	vm10 =	vmand vm7, vm9;
	v15 =	vadd.s32 v59, v15;
	v16 =	vmax.f32 v13, v56  }
0x420: {  	v17 =	vsel vm12, $0x1, v1;
	vm13 =	vlt.s32 v15, $0x10;
	v13 =	vsel vm10, v16, v13  }
0x421: {  	p0 =	sne.s32 s26, $0x1E0;
	v15 =	vadd.s32 v17, v15;
	vm1 =	vmand vm11, vm13;
	v16 =	vmax.f32 v13, v60  }
.Ltmp1:
0x422: {  	vm14 =	vlt.s32 v15, $0x10;
	v4 =	vadd.s32 v62, v15;
	v13 =	vsel vm1, v16, v13;
	(pc) =	sbr.rel @p0 .LBB2_4-.Ltmp1, $4  }
0x423: {  	v15 =	vbroadcast v14, $0xF;
	vm0 =	vmand vm12, vm14;
	v63 =	vmax.f32 v13, v61  }
0x424: {  	v6 =	vadd.f32 v12, v2;
	vm15 =	vlt.s32 v4, $0x10;
	v13 =	vsel vm0, v63, v13  }
0x425: {  	s28 =	sadd.s32 $0x20, s28;
	s31 =	rddreg [dreg:$0xf];
	vm0 =	vmand vm3, vm15;
	v12 =	vmax.f32 v13, v15  }
0x426: {  	s1 =	sadd.s32 $0x100, s31;
	s26 =	sadd.s32 $0x20, s26;
	s5 =	sadd.s32 $0x20, s5;
	[tilespmem:s30+$0x10500] =	vst v14;
	v6 =	vadd.f32 v14, v6;
	v13 =	vsel vm0, v12, v13  }
0x427: {  	v16 =	vld [tilespmem:$0x10300]  }
0x428: {  	v2 =	vld [tilespmem:$0x10500];
	_ =	sdelay $0x3  }
0x429: {  	v3 =	vbroadcast v16, $0x0;
	v5 =	vbroadcast v16, $0x1  }
0x42a: {  	v53 =	vbroadcast v2, $0x0;
	v54 =	vbroadcast v16, $0x2  }
0x42b: {  	v9 =	vbroadcast v2, $0x1;
	v56 =	vbroadcast v16, $0x3  }
0x42c: {  	v58 =	vbroadcast v16, $0x4;
	v59 =	vbroadcast v2, $0x2  }
0x42d: {  	v61 =	vbroadcast v2, $0x3;
	v12 =	vbroadcast v16, $0x5  }
0x42e: {  	v14 =	vbroadcast v2, $0x5;
	v15 =	vbroadcast v16, $0x7  }
0x42f: {  	v24 =	vld [tilespmem:$0x10300];
	v17 =	vbroadcast v2, $0x6;
	v19 =	vbroadcast v16, $0x8  }
0x430: {  	v27 =	vld [tilespmem:$0x10310];
	v20 =	vbroadcast v2, $0x7;
	v22 =	vbroadcast v16, $0x9  }
0x431: {  	v32 =	vld [tilespmem:$0x10320];
	v23 =	vbroadcast v2, $0x8;
	v26 =	vbroadcast v16, $0xA  }
0x432: {  	v33 =	vld [tilespmem:$0x10330];
	v29 =	vbroadcast v16, $0xB;
	v30 =	vbroadcast v2, $0x9  }
0x433: {  	v37 =	vld [tilespmem:$0x10340];
	v11 =	vbroadcast v2, $0xA;
	v35 =	vbroadcast v16, $0xC  }
0x434: {  	v45 =	vld [tilespmem:$0x10370];
	v36 =	vbroadcast v2, $0xB;
	v38 =	vbroadcast v16, $0xD  }
0x435: {  	vm1 =	vgt.s32 v4, $0x0;
	v46 =	vld [tilespmem:$0x10380];
	v39 =	vbroadcast v16, $0xE;
	v43 =	vbroadcast v2, $0xC  }
0x436: {  	v52 =	vld [tilespmem:$0x103A0];
	v47 =	vbroadcast v2, $0xD;
	vm0 =	vne.s32 v3, v0;
	v3 =	vsub.s32 $0xF, v4  }
0x437: {  	vm3 =	vne.s32 v5, v0;
	v5 =	vmax.f32 v13, v53;
	vm8 =	vne.s32 v54, v0;
	v54 =	vld [tilespmem:$0x103C0]  }
0x438: {  	vm9 =	vne.s32 v56, v0;
	vm4 =	vne.s32 v58, v0;
	vm13 =	vne.s32 v12, v0;
	v56 =	vld [tilespmem:$0x103E0]  }
0x439: {  	[tilespmem:$0x10700] =	vst v4;
	s1 =	simm.s32 $0x10700;
	v12 =	vbroadcast v2, $0x4;
	v58 =	vld [tilespmem:$0x103F0];
	vm2 =	vgt.s32 v3, $0x0;
	v7 =	vsel vm0, $0x1, v1  }
0x43a: {  	v8 =	vsel vm3, $0x1, v1;
	v57 =	vsel vm8, $0x1, v1;
	v10 =	vsel vm9, $0x1, v1;
	v34 =	vld.idx.msk [tilespmem:v27+s1+$0x0], $0xffff  }
0x43b: {  	v62 =	vsel vm4, $0x1, v1;
	v63 =	vsel vm13, $0x1, v1;
	v41 =	vld.idx.msk [tilespmem:v33+s1+$0x0], $0xffff;
	vm6 =	vge.s32 v3, v7  }
0x43c: {  	v48 =	vld.idx.msk [tilespmem:v37+s1+$0x0], $0xffff;
	vm2 =	vmand vm1, vm2;
	v7 =	vadd.s32 v8, v7;
	vm0 =	vmand vm0, vm6  }
0x43d: {  	v27 =	vld [tilespmem:$0x10580];
	vm7 =	vle.s32 v7, v3;
	v7 =	vadd.s32 v57, v7;
	vm0 =	vmand vm2, vm0  }
0x43e: {  	v37 =	vld [tilespmem:$0x105C0];
	vm1 =	vmand vm3, vm7;
	vm10 =	vle.s32 v7, v3;
	v7 =	vadd.s32 v10, v7  }
0x43f: {  	vm7 =	vne.s32 v15, v0;
	v15 =	vld [tilespmem:$0x10350];
	v5 =	vsel vm0, v5, v13;
	vm1 =	vmand vm2, vm1  }
0x440: {  	vm0 =	vmand vm8, vm10;
	vm11 =	vle.s32 v7, v3;
	v7 =	vadd.s32 v62, v7;
	v62 =	vld [tilespmem:$0x10560]  }
0x441: {  	v13 =	vbroadcast v16, $0x6;
	vm12 =	vmand vm9, vm11;
	vm9 =	vne.s32 v19, v0;
	v19 =	vld [tilespmem:$0x10400]  }
0x442: {  	v18 =	vsel vm7, $0x1, v1;
	vm14 =	vle.s32 v7, v3;
	v7 =	vadd.s32 v63, v7;
	v63 =	vld [tilespmem:$0x10570]  }
0x443: {  	v55 =	vmax.f32 v5, v9;
	vm0 =	vmand vm2, vm0;
	v4 =	vsub.s32 $0x200, v41;
	v41 =	vld [tilespmem:$0x105D0]  }
0x444: {  	v5 =	vsel vm1, v55, v5;
	vm15 =	vle.s32 v7, v3;
	vm6 =	vne.s32 v13, v0;
	v55 =	vld [tilespmem:$0x103D0]  }
0x445: {  	v21 =	vsel vm9, $0x1, v1;
	v13 =	vld [tilespmem:$0x1F690];
	v60 =	vmax.f32 v5, v59;
	vm1 =	vmand vm13, vm15  }
0x446: {  	v9 =	vsel vm6, $0x1, v1;
	vm13 =	vne.s32 v26, v0;
	vm15 =	vne.s32 v29, v0;
	v26 =	vld [tilespmem:$0x10530]  }
0x447: {  	v59 =	vld [tilespmem:$0x10540];
	v5 =	vsel vm0, v60, v5;
	vm0 =	vmand vm2, vm12;
	vm1 =	vmand vm2, vm1  }
0x448: {  	v29 =	vld [tilespmem:$0x10590];
	v7 =	vadd.s32 v9, v7;
	vm12 =	vne.s32 v22, v0;
	v31 =	vsel vm13, $0x1, v1  }
0x449: {  	v9 =	vld.idx.msk [tilespmem:v32+s1+$0x0], $0xffff;
	v8 =	vmax.f32 v5, v61;
	vm8 =	vle.s32 v7, v3;
	v7 =	vadd.s32 v18, v7  }
0x44a: {  	v22 =	vld [tilespmem:$0x10430];
	v28 =	vsel vm12, $0x1, v1;
	v5 =	vsel vm0, v8, v5;
	vm0 =	vmand vm4, vm14  }
0x44b: {  	v60 =	vld [tilespmem:$0x10550];
	vm10 =	vle.s32 v7, v3;
	v7 =	vadd.s32 v21, v7;
	vm0 =	vmand vm2, vm0  }
0x44c: {  	v32 =	vld [tilespmem:$0x105A0];
	v8 =	vmax.f32 v5, v12;
	vm11 =	vle.s32 v7, v3;
	v7 =	vadd.s32 v28, v7  }
0x44d: {  	v18 =	vld [tilespmem:$0x10390];
	v5 =	vsel vm0, v8, v5;
	vm0 =	vmand vm6, vm8;
	vm14 =	vle.s32 v7, v3  }
0x44e: {  	v50 =	vld.idx.msk [tilespmem:v15+s1+$0x0], $0xffff;
	v7 =	vadd.s32 v31, v7;
	v8 =	vmax.f32 v5, v14;
	vm0 =	vmand vm2, vm0  }
0x44f: {  	v61 =	vld [tilespmem:$0x10440];
	vm8 =	vle.s32 v7, v3;
	v14 =	vsel vm15, $0x1, v1;
	v5 =	vsel vm1, v8, v5  }
0x450: {  	v21 =	vld [tilespmem:$0x10420];
	vm1 =	vmand vm7, vm10;
	v7 =	vadd.s32 v14, v7;
	v8 =	vmax.f32 v5, v17  }
0x451: {  	v12 =	vld.idx.msk [tilespmem:v46+s1+$0x0], $0xffff;
	vm1 =	vmand vm2, vm1;
	v5 =	vsel vm0, v8, v5;
	vm0 =	vmand vm9, vm11  }
0x452: {  	v15 =	vld.idx.msk [tilespmem:v54+s1+$0x0], $0xffff;
	vm9 =	vle.s32 v7, v3;
	vm11 =	vne.s32 v35, v0;
	v8 =	vmax.f32 v5, v20  }
0x453: {  	v46 =	vld [tilespmem:$0x105F0];
	v28 =	vsub.s32 $0x200, v50;
	vm0 =	vmand vm2, vm0;
	v5 =	vsel vm1, v8, v5  }
0x454: {  	v54 =	vld [tilespmem:$0x10640];
	vm10 =	vmand vm15, vm9;
	v40 =	vsel vm11, $0x1, v1;
	v25 =	vmax.f32 v5, v23  }
0x455: {  	v19 =	vld.idx.msk [tilespmem:v19+s1+$0x0], $0xffff;
	vm1 =	vmand vm12, vm14;
	v7 =	vadd.s32 v40, v7;
	v5 =	vsel vm0, v25, v5  }
0x456: {  	v14 =	vld.idx.msk [tilespmem:v52+s1+$0x0], $0xffff;
	vm12 =	vne.s32 v38, v0;
	vm1 =	vmand vm2, vm1;
	v10 =	vmax.f32 v5, v30  }
0x457: {  	v16 =	vld.idx.msk [tilespmem:v55+s1+$0x0], $0xffff;
	vm14 =	vle.s32 v7, v3;
	vm0 =	vmand vm13, vm8;
	v5 =	vsel vm1, v10, v5  }
0x458: {  	v52 =	vld [tilespmem:$0x10470];
	v42 =	vsel vm12, $0x1, v1;
	vm0 =	vmand vm2, vm0;
	v10 =	vmax.f32 v5, v11  }
0x459: {  	v55 =	vld [tilespmem:$0x10650];
	vm13 =	vne.s32 v39, v0;
	v7 =	vadd.s32 v42, v7;
	v5 =	vsel vm0, v10, v5  }
0x45a: {  	v17 =	vld [tilespmem:$0x10360];
	v44 =	vsel vm13, $0x1, v1;
	vm0 =	vmand vm2, vm10;
	v10 =	vmax.f32 v5, v36  }
0x45b: {  	v22 =	vld.idx.msk [tilespmem:v22+s1+$0x0], $0xffff;
	vm5 =	vle.s32 v7, v3;
	vm1 =	vmand vm11, vm14;
	v5 =	vsel vm0, v10, v5  }
0x45c: {  	v35 =	vld [tilespmem:$0x105B0];
	v7 =	vadd.s32 v44, v7;
	vm1 =	vmand vm2, vm1;
	v10 =	vmax.f32 v5, v43  }
0x45d: {  	v50 =	vld [tilespmem:$0x10620];
	vm15 =	vle.s32 v7, v3;
	vm0 =	vmand vm12, vm5;
	v3 =	vsel vm1, v10, v5  }
0x45e: {  	v2 =	vbroadcast v2, $0xE;
	v53 =	vld.idx.msk [tilespmem:v18+s1+$0x0], $0xffff;
	vm0 =	vmand vm2, vm0;
	v49 =	vmax.f32 v3, v47  }
0x45f: {  	v20 =	vld [tilespmem:$0x10410];
	vm7 =	vmand vm13, vm15;
	v3 =	vsel vm0, v49, v3  }
0x460: {  	v18 =	vld.idx.msk [tilespmem:v58+s1+$0x0], $0xffff;
	vm0 =	vmand vm2, vm7;
	v2 =	vmax.f32 v3, v2  }
0x461: {  	v33 =	vld.idx.msk [tilespmem:v61+s1+$0x0], $0xffff;
	v2 =	vsel vm0, v2, v3  }
0x462: {  	v58 =	vld [tilespmem:$0x10480];
	(xrf0) =	vmax.scan.msk.f32 $0xffff, v2  }
0x463: {  	v8 =	vld.idx.msk [tilespmem:v24+s1+$0x0], $0xffff  }
0x464: {  	v24 =	vld [tilespmem:$0x10510]  }
0x465: {  	v21 =	vld.idx.msk [tilespmem:v21+s1+$0x0], $0xffff  }
0x466: {  	v23 =	vld [tilespmem:$0x10500]  }
0x467: {  	v40 =	vsub.s32 $0x200, v14;
	v14 =	vld [tilespmem:$0x1FBF0]  }
0x468: {  	v25 =	vld [tilespmem:$0x10520];
	v57, _, _ =	vpop (xrf0)  }
0x469: {  	v30 =	vld [tilespmem:$0x10460];
	(v2sf) =	vpush v57, $0xF  }
0x46a: {  	v61 =	vld.idx.msk [tilespmem:v52+s1+$0x0], $0xffff  }
0x46b: {  	v38 =	vsub.s32 $0x200, v53;
	v53 =	vsub.s32 $0x200, v19;
	v19 =	vld [tilespmem:$0x10690]  }
0x46c: {  	v51 =	vld.idx.msk [tilespmem:v17+s1+$0x0], $0xffff  }
0x46d: {  	v17 =	vld.idx.msk [tilespmem:v56+s1+$0x0], $0xffff  }
0x46e: {  	v56 =	vld [tilespmem:$0x10660]  }
0x46f: {  	v11 =	vsub.s32 $0x200, v34;
	v34 =	vsub.s32 $0x200, v12;
	v12 =	vld [tilespmem:$0x1F670]  }
0x470: {  	v20 =	vld.idx.msk [tilespmem:v20+s1+$0x0], $0xffff  }
0x471: {  	v43 =	vld [tilespmem:$0x105E0]  }
0x472: {  	v3 =	vld [tilespmem:$0x103B0]  }
0x473: {  	v5 =	vsub.s32 $0x200, v48;
	v48 =	vld [tilespmem:$0x10610]  }
0x474: {  	v7 =	vsub.s32 $0x200, v51;
	v51 =	vld [tilespmem:$0x10630]  }
0x475: {  	v44 =	vld.idx.msk [tilespmem:v30+s1+$0x0], $0xffff  }
0x476: {  	v47 =	vld [tilespmem:$0x10600]  }
0x477: {  	v49 =	vsub.s32 $0x200, v17;
	v17 =	vld [tilespmem:$0x1F400]  }
0x478: {  	v2 =	vld.idx.msk [tilespmem:v45+s1+$0x0], $0xffff;
	s0 =	spop (v2sf)  }
0x479: {  	v45 =	vsub.s32 $0x200, v15;
	v15 =	vld [tilespmem:$0x1F410];
	s0 =	sadd.f32 $1.000000000e+00, s0  }
0x47a: {  	v3 =	vld.idx.msk [tilespmem:v3+s1+$0x0], $0xffff  }
0x47b: {  	vm11 =	vlt.f32 v26, s0;
	v26 =	vld [tilespmem:$0x10450]  }
0x47c: {  	vm12 =	vlt.f32 v59, s0;
	v59 =	vld [tilespmem:$0x10490]  }
0x47d: {  	vm13 =	vlt.f32 v60, s0;
	v60 =	vld [tilespmem:$0x10670]  }
0x47e: {  	vm14 =	vlt.f32 v62, s0;
	v62 =	vld [tilespmem:$0x104A0]  }
0x47f: {  	vm15 =	vlt.f32 v63, s0;
	v63 =	vld [tilespmem:$0x10680]  }
0x480: {  	vm9 =	vlt.f32 v24, s0;
	v24 =	vld [tilespmem:$0x1F430]  }
0x481: {  	vm10 =	vlt.f32 v25, s0;
	v25 =	vld [tilespmem:$0x1F450]  }
0x482: {  	vm4 =	vlt.f32 v27, s0;
	v27 =	vld [tilespmem:$0x1F460]  }
0x483: {  	vm5 =	vlt.f32 v29, s0;
	v29 =	vld [tilespmem:$0x106A0]  }
0x484: {  	vm6 =	vlt.f32 v32, s0;
	v32 =	vld [tilespmem:$0x1F480]  }
0x485: {  	vm7 =	vlt.f32 v35, s0;
	v35 =	vld [tilespmem:$0x1F4A0]  }
0x486: {  	v36 =	vnsel vm4, $0x0, v34;
	v34 =	vld [tilespmem:$0x106B0]  }
0x487: {  	v42 =	vnsel vm6, $0x0, v40;
	v40 =	vld [tilespmem:$0x1F4C0]  }
0x488: {  	v9 =	vsub.s32 $0x200, v9;
	v11 =	vnsel vm9, $0x0, v11;
	vm9 =	vlt.f32 v41, s0;
	v41 =	vld [tilespmem:$0x1F4D0]  }
0x489: {  	v9 =	vnsel vm10, $0x0, v9;
	vm10 =	vlt.f32 v43, s0;
	v43 =	vld [tilespmem:$0x1F4E0]  }
0x48a: {  	v8 =	vsub.s32 $0x200, v8;
	v4 =	vnsel vm11, $0x0, v4;
	vm11 =	vlt.f32 v46, s0;
	v46 =	vld [tilespmem:$0x1F4F0]  }
0x48b: {  	v2 =	vsub.s32 $0x200, v2;
	v5 =	vnsel vm12, $0x0, v5;
	vm12 =	vlt.f32 v47, s0;
	v47 =	vld [tilespmem:$0x106C0]  }
0x48c: {  	vm8 =	vlt.f32 v23, s0;
	v31 =	vnsel vm14, $0x0, v7;
	vm14 =	vlt.f32 v50, s0;
	v50 =	vld [tilespmem:$0x106D0]  }
0x48d: {  	v8 =	vnsel vm8, $0x0, v8;
	v2 =	vnsel vm15, $0x0, v2;
	vm15 =	vlt.f32 v51, s0;
	v51 =	vld [tilespmem:$0x1F520]  }
0x48e: {  	vm4 =	vlt.f32 v54, s0;
	v54 =	vld [tilespmem:$0x1F540];
	v8 =	vadd.s32 v11, v8  }
0x48f: {  	vm6 =	vlt.f32 v56, s0;
	v56 =	vld [tilespmem:$0x1F560];
	v8 =	vadd.s32 v9, v8  }
0x490: {  	v11 =	vld [tilespmem:$0x1F3F0];
	v4 =	vadd.s32 v4, v8  }
0x491: {  	v9 =	vsub.s32 $0x200, v17;
	v17 =	vld [tilespmem:$0x1F6F0];
	v4 =	vadd.s32 v4, v5;
	v5 =	vnsel vm13, $0x0, v28  }
0x492: {  	v3 =	vsub.s32 $0x200, v3;
	vm13 =	vlt.f32 v48, s0;
	v48 =	vld [tilespmem:$0x1F500];
	v4 =	vadd.s32 v5, v4  }
0x493: {  	v3 =	vnsel vm7, $0x0, v3;
	vm7 =	vlt.f32 v60, s0;
	v60 =	vld [tilespmem:$0x1F590];
	v4 =	vadd.s32 v31, v4  }
0x494: {  	v7 =	vsub.s32 $0x200, v32;
	v32 =	vld [tilespmem:$0x1F7D0];
	v2 =	vadd.s32 v2, v4  }
0x495: {  	v5 =	vsub.s32 $0x200, v33;
	v33 =	vld [tilespmem:$0x1F490];
	v4 =	vnsel vm5, $0x0, v38;
	v2 =	vadd.s32 v2, v36  }
0x496: {  	vm2 =	vlt.f32 v47, s0;
	v47 =	vld [tilespmem:$0x1F700];
	v2 =	vadd.s32 v4, v2  }
0x497: {  	v57 =	vsub.s32 $0x200, v21;
	vm8 =	vlt.f32 v37, s0;
	v8 =	vld.idx.msk [tilespmem:v62+s1+$0x0], $0xffff;
	v2 =	vadd.s32 v42, v2  }
0x498: {  	vm3 =	vlt.f32 v50, s0;
	v62 =	vld [tilespmem:$0x1F5D0];
	v2 =	vadd.s32 v3, v2;
	v3 =	vnsel vm8, $0x0, v45  }
0x499: {  	v31 =	vld [tilespmem:$0x1F470];
	vm5 =	vlt.f32 v55, s0;
	v2 =	vadd.s32 v2, v3;
	v3 =	vsub.s32 $0x200, v16  }
0x49a: {  	v4 =	vsub.s32 $0x200, v44;
	vm8 =	vlt.f32 v11, v14;
	v16 =	vld.idx.msk [tilespmem:v59+s1+$0x0], $0xffff;
	v3 =	vnsel vm9, $0x0, v3  }
0x49b: {  	v39 =	vld.idx.msk [tilespmem:v26+s1+$0x0], $0xffff;
	v11 =	vsub.s32 $0x200, v35;
	v2 =	vadd.s32 v3, v2;
	v3 =	vnsel vm10, $0x0, v49  }
0x49c: {  	v26 =	vld [tilespmem:$0x1F440];
	v38 =	vsub.s32 $0x200, v8;
	v2 =	vadd.s32 v3, v2;
	v3 =	vsub.s32 $0x200, v18  }
0x49d: {  	v55 =	vld [tilespmem:$0x1F550];
	vm1 =	vlt.f32 v62, v14;
	vm9 =	vlt.f32 v15, v14;
	v3 =	vnsel vm11, $0x0, v3  }
0x49e: {  	v44 =	vld [tilespmem:$0x104D0];
	vm10 =	vlt.f32 v63, s0;
	vm11 =	vlt.f32 v24, v14;
	v2 =	vadd.s32 v3, v2  }
0x49f: {  	v18 =	vld [tilespmem:$0x1F420];
	v3 =	vnsel vm12, $0x0, v53;
	vm12 =	vlt.f32 v25, v14;
	v30 =	vsub.s32 $0x200, v16  }
0x4a0: {  	v42 =	vld [tilespmem:$0x104C0];
	v2 =	vadd.s32 v2, v3;
	v3 =	vsub.s32 $0x200, v20;
	v20 =	vnsel vm8, $0x0, v9  }
0x4a1: {  	v49 =	vld [tilespmem:$0x1F510];
	v9 =	vsub.s32 $0x200, v27;
	vm8 =	vlt.f32 v46, v14;
	v3 =	vnsel vm13, $0x0, v3  }
0x4a2: {  	v35 =	vld [tilespmem:$0x1F640];
	v28 =	vnsel vm12, $0x0, v9;
	vm13 =	vlt.f32 v19, s0;
	v9 =	vsub.s32 $0x200, v48  }
0x4a3: {  	v59 =	vld [tilespmem:$0x1F570];
	v19 =	vimm.s32 $0x0;
	v2 =	vadd.s32 v3, v2;
	v3 =	vnsel vm14, $0x0, v57  }
0x4a4: {  	v16 =	vld [tilespmem:$0x1F6D0];
	v10 =	vsub.s32 $0x200, v18;
	vm14 =	vlt.f32 v31, v14;
	v9 =	vnsel vm8, $0x0, v9  }
0x4a5: {  	v15 =	vld [tilespmem:$0x1F6B0];
	v2 =	vadd.s32 v3, v2;
	v3 =	vsub.s32 $0x200, v22;
	v21 =	vnsel vm9, $0x0, v10  }
0x4a6: {  	v63 =	vld [tilespmem:$0x1F5F0];
	v7 =	vnsel vm14, $0x0, v7;
	v10 =	vsub.s32 $0x200, v43;
	vm9 =	vlt.f32 v49, v14  }
0x4a7: {  	v24 =	vld [tilespmem:$0x1F770];
	vm14 =	vlt.f32 v13, v14;
	v3 =	vnsel vm15, $0x0, v3;
	v23 =	vadd.s32 v21, v20  }
0x4a8: {  	v22 =	vld [tilespmem:$0x104B0];
	vm15 =	vlt.f32 v33, v14;
	v2 =	vadd.s32 v3, v2;
	v3 =	vnsel vm4, $0x0, v5  }
0x4a9: {  	v53 =	vld [tilespmem:$0x1F530];
	vm12 =	vlt.f32 v16, v14;
	v2 =	vadd.s32 v2, v3;
	v3 =	vsub.s32 $0x200, v39  }
0x4aa: {  	v18 =	vld [tilespmem:$0x1F710];
	v5 =	vsub.s32 $0x200, v61;
	v37 =	vnsel vm15, $0x0, v11;
	v3 =	vnsel vm5, $0x0, v3  }
0x4ab: {  	vm4 =	vlt.f32 v29, s0;
	v61 =	vld [tilespmem:$0x1F5B0];
	v2 =	vadd.s32 v3, v2;
	v3 =	vnsel vm6, $0x0, v4  }
0x4ac: {  	v11 =	vsub.s32 $0x200, v51;
	vm15 =	vlt.f32 v12, v14;
	v2 =	vadd.s32 v3, v2;
	v3 =	vld.idx.msk [tilespmem:v58+s1+$0x0], $0xffff  }
0x4ad: {  	v5 =	vnsel vm7, $0x0, v5;
	v39 =	vld [tilespmem:$0x1F4B0];
	vm7 =	vlt.f32 v34, s0;
	vm6 =	vlt.f32 v41, v14  }
0x4ae: {  	v52 =	vnsel vm9, $0x0, v11;
	vm9 =	vlt.f32 v17, v14;
	v45 =	vnsel vm6, $0x0, v10;
	v10 =	vld [tilespmem:$0x1F630]  }
0x4af: {  	v25 =	vld [tilespmem:$0x1F790];
	vm8 =	vlt.f32 v18, v14;
	v4 =	vnsel vm13, $0x0, v30;
	vm13 =	vlt.f32 v15, v14  }
0x4b0: {  	v2 =	vadd.s32 v5, v2;
	v5 =	vsub.s32 $0x200, v26;
	vm0 =	vlt.f32 v61, v14;
	v36 =	vld.idx.msk [tilespmem:v22+s1+$0x0], $0xffff  }
0x4b1: {  	v29 =	vld [tilespmem:$0x1F5E0];
	v26 =	vimm.s32 $0x0;
	v5 =	vnsel vm11, $0x0, v5;
	v3 =	vsub.s32 $0x200, v3  }
0x4b2: {  	v11 =	vld [tilespmem:$0x1F650];
	vm5 =	vlt.f32 v39, v14;
	vm11 =	vlt.f32 v55, v14;
	v3 =	vnsel vm10, $0x0, v3  }
0x4b3: {  	v27 =	vld [tilespmem:$0x106E0];
	vm6 =	vlt.f32 v10, v14;
	vm10 =	vlt.f32 v53, v14;
	v2 =	vadd.s32 v2, v3  }
0x4b4: {  	v57 =	vld.idx.msk [tilespmem:v42+s1+$0x0], $0xffff;
	v3 =	vadd.s32 v5, v23;
	v5 =	vnsel vm4, $0x0, v38;
	vm4 =	vlt.f32 v59, v14  }
0x4b5: {  	v20 =	vld [tilespmem:$0x1F730];
	v3 =	vadd.s32 v28, v3;
	v2 =	vadd.s32 v4, v2;
	v4 =	vsub.s32 $0x200, v36  }
0x4b6: {  	v22 =	vld [tilespmem:$0x1F580];
	v3 =	vadd.s32 v3, v7;
	v7 =	vsub.s32 $0x200, v40;
	v2 =	vadd.s32 v5, v2  }
0x4b7: {  	v23 =	vld [tilespmem:$0x1F5A0];
	v4 =	vnsel vm7, $0x0, v4;
	vm7 =	vlt.f32 v11, v14;
	v11 =	vsub.s32 $0x200, v29  }
0x4b8: {  	v30 =	vld [tilespmem:$0x1F7B0];
	v3 =	vadd.s32 v37, v3;
	v7 =	vnsel vm5, $0x0, v7;
	v2 =	vadd.s32 v4, v2  }
0x4b9: {  	v28 =	vld [tilespmem:$0x1F5C0];
	v4 =	vsub.s32 $0x200, v54;
	vm5 =	vlt.f32 v60, v14;
	v11 =	vnsel vm1, $0x0, v11  }
0x4ba: {  	v5 =	vld.idx.msk [tilespmem:v44+s1+$0x0], $0xffff;
	v3 =	vadd.s32 v7, v3;
	v4 =	vnsel vm10, $0x0, v4;
	v7 =	vsel vm8, $0xFFFFFFFF, v19  }
0x4bb: {  	v31 =	vld [tilespmem:$0x106F0];
	vm8 =	vlt.f32 v20, v14;
	v3 =	vadd.s32 v45, v3;
	[tilespmem:$0x1F3B0] =	vst v7;
	v7 =	vsub.s32 $0x200, v22  }
0x4bc: {  	v21 =	vld [tilespmem:$0x1F750];
	v8 =	vsub.s32 $0x200, v23;
	v3 =	vadd.s32 v3, v9;
	v9 =	vsub.s32 $0x200, v56  }
0x4bd: {  	v33 =	vld [tilespmem:$0x1F600];
	v7 =	vnsel vm4, $0x0, v7;
	vm4 =	vlt.f32 v24, v14;
	v8 =	vnsel vm5, $0x0, v8  }
0x4be: {  	v37 =	vld [tilespmem:$0x1F660];
	v10 =	vsub.s32 $0x200, v28;
	vm5 =	vlt.f32 v30, v14;
	v3 =	vadd.s32 v52, v3  }
0x4bf: {  	v34 =	vld [tilespmem:$0x1F620];
	v58 =	vnsel vm11, $0x0, v9;
	vm11 =	vlt.f32 v63, v14;
	v5 =	vsub.s32 $0x200, v5  }
0x4c0: {  	v39 =	vld [tilespmem:$0x1F680];
	v10 =	vnsel vm0, $0x0, v10;
	v3 =	vadd.s32 v4, v3;
	v4 =	vsub.s32 $0x200, v57  }
0x4c1: {  	v9 =	vld [tilespmem:$0x1F610];
	v5 =	vnsel vm3, $0x0, v5;
	vm3 =	vlt.f32 v25, v14;
	v4 =	vnsel vm2, $0x0, v4  }
0x4c2: {  	v43 =	vld [tilespmem:$0x1F6C0];
	v3 =	vadd.s32 v58, v3;
	vm2 =	vlt.f32 v21, v14;
	v2 =	vadd.s32 v2, v4  }
0x4c3: {  	v49 =	vld [tilespmem:$0x1F720];
	v3 =	vadd.s32 v3, v7;
	v4 =	vsub.s32 $0x200, v33;
	v7 =	vsub.s32 $0x200, v37  }
0x4c4: {  	v41 =	vld [tilespmem:$0x1F6A0];
	v2 =	vadd.s32 v5, v2;
	v3 =	vadd.s32 v8, v3;
	v4 =	vnsel vm11, $0x0, v4  }
0x4c5: {  	v51 =	vld [tilespmem:$0x1F740];
	v5 =	vsub.s32 $0x200, v34;
	vm11 =	vlt.f32 v27, s0;
	v7 =	vnsel vm7, $0x0, v7  }
0x4c6: {  	v45 =	vld [tilespmem:$0x1F6E0];
	v8 =	vsub.s32 $0x200, v39;
	vm10 =	vlt.f32 v9, v14;
	v3 =	vadd.s32 v10, v3  }
0x4c7: {  	v55 =	vld [tilespmem:$0x1F780];
	v9 =	vsel vm3, $0xFFFFFFFF, v26;
	v40 =	vnsel vm15, $0x0, v8;
	v3 =	vadd.s32 v11, v3  }
0x4c8: {  	v50 =	vld [tilespmem:$0x1F3B0];
	v5 =	vnsel vm10, $0x0, v5;
	v3 =	vadd.s32 v3, v4;
	v4 =	vsub.s32 $0x200, v35  }
0x4c9: {  	v36 =	vld [tilespmem:$0x104E0];
	v8 =	vsub.s32 $0x200, v41;
	v4 =	vnsel vm6, $0x0, v4;
	v3 =	vadd.s32 v5, v3  }
0x4ca: {  	v38 =	vld [tilespmem:$0x104F0];
	v42 =	vnsel vm14, $0x0, v8;
	v8 =	vsub.s32 $0x200, v43;
	v3 =	vadd.s32 v4, v3  }
0x4cb: {  	v53 =	vld [tilespmem:$0x1F760];
	v44 =	vnsel vm13, $0x0, v8;
	v8 =	vsub.s32 $0x200, v45;
	v3 =	vadd.s32 v7, v3  }
0x4cc: {  	v56 =	vld [tilespmem:$0x1F3E0];
	vm3 =	vlt.f32 v32, v14;
	[tilespmem:$0x1F3C0] =	vst v9;
	v46 =	vnsel vm12, $0x0, v8;
	v3 =	vadd.s32 v3, v40  }
0x4cd: {  	v59 =	vld [tilespmem:$0x1F3C0];
	v8 =	vsub.s32 $0x200, v47;
	vm12 =	vnez.u8 v50;
	v3 =	vadd.s32 v42, v3  }
0x4ce: {  	v58 =	vld [tilespmem:$0x1F7A0];
	v48 =	vnsel vm9, $0x0, v8;
	v8 =	vsub.s32 $0x200, v49;
	v3 =	vadd.s32 v44, v3  }
0x4cf: {  	v60 =	vld [tilespmem:$0x1F7C0];
	v7 =	vnsel vm12, $0x0, v8;
	v8 =	vsub.s32 $0x200, v51;
	v3 =	vadd.s32 v46, v3  }
0x4d0: {  	v62 =	vld [tilespmem:$0x1F7E0];
	v52 =	vnsel vm8, $0x0, v8;
	v8 =	vsub.s32 $0x200, v53;
	v3 =	vadd.s32 v3, v48  }
0x4d1: {  	vm10 =	vlt.f32 v31, s0;
	v5 =	vld.idx.msk [tilespmem:v36+s1+$0x0], $0xffff;
	v54 =	vnsel vm2, $0x0, v8;
	v3 =	vadd.s32 v7, v3  }
0x4d2: {  	v4 =	vld.idx.msk [tilespmem:v38+s1+$0x0], $0xffff;
	v8 =	vsub.s32 $0x200, v55;
	vm13 =	vnez.u8 v59;
	v3 =	vadd.s32 v52, v3  }
0x4d3: {  	(xrf2) =	vadd.scan.msk.f32 $0xffff, v56;
	v57 =	vnsel vm4, $0x0, v8;
	v8 =	vsub.s32 $0x200, v58;
	v3 =	vadd.s32 v54, v3  }
0x4d4: {  	v7 =	vnsel vm13, $0x0, v8;
	v8 =	vsub.s32 $0x200, v60;
	v3 =	vadd.s32 v3, v57  }
0x4d5: {  	(xrf2) =	vadd.scan.msk.f32 $0xffff, v6;
	v61 =	vnsel vm5, $0x0, v8;
	v3 =	vadd.s32 v7, v3;
	v7 =	vsub.s32 $0x200, v62  }
0x4d6: {  	v5 =	vsub.s32 $0x200, v5;
	v3 =	vadd.s32 v61, v3;
	v63 =	vnsel vm3, $0x0, v7  }
0x4d7: {  	v5 =	vnsel vm11, $0x0, v5;
	v4 =	vsub.s32 $0x200, v4;
	v3 =	vadd.s32 v63, v3  }
0x4d8: {  	v2 =	vadd.s32 v5, v2;
	(xrf0) =	vadd.scan.msk.s32 $0xffff, v3;
	v3 =	vnsel vm10, $0x0, v4  }
0x4d9: {  	v2 =	vadd.s32 v3, v2  }
0x4da: {  	(xrf0) =	vadd.scan.msk.s32 $0xffff, v2;
	_ =	sdelay $0x2  }
0x4db: {  	v2, _, _ =	vpop (xrf2)  }
0x4dc: {  	(v2sf) =	vpush v2, $0xF;
	v2, _, _ =	vpop (xrf0)  }
0x4dd: {  	(v2sf) =	vpush v2, $0xF;
	v2, _, _ =	vpop (xrf2)  }
0x4de: {  	(v2sf) =	vpush v2, $0xF;
	v2, _, _ =	vpop (xrf0)  }
0x4df: {  	(v2sf) =	vpush v2, $0xF;
	_ =	sdelay $0xb  }
0x4e0: {  	s23 =	spop (v2sf)  }
0x4e1: {  	s0 =	sadd.f32 $0.0e+00, s23;
	s24 =	spop (v2sf)  }
0x4e2: {  	s2 =	spop (v2sf)  }
0x4e3: {  	s0 =	sadd.f32 s2, s0;
	s25 =	spop (v2sf)  }
0x4e4: {  	s1 =	sadd.s32 s24, s25  }
0x4e5: {  	vm14 =	vcmask $0x300;
	s1 =	scvt.s32.f32 s1;
	v2 =	vmov s0  }
0x4e6: {  	vm15 =	vcmask $0x704;
	v2 =	vnsel vm14, $0x0, v2  }
0x4e7: {  	s12 =	simm.s32 $0x0;
	v2 =	vsel vm15, s1, v2  }
0x4e8: {  	s26 =	rddreg [dreg:$0xb];
	s28 =	simm.s32 $0x10780;
	s29 =	simm.s32 $0x7;
	[tilespmem:$0x10780] =	vst v2  }
0x4e9: {  	[hbm4b:s26+s12] =	stream.linear.scatter [tilespmem:s28], [sflag:$0x7], $0x80, $0x38;
	[tilespmem:$0x10800] =	vst v63  }
0x4ea: {  	_ =	swait.ge [sflag:s29], $0x80  }
0x4eb: {  	s30 =	rddreg [dreg:$0xd]  }
0x4ec: {  	s31 =	rddreg [dreg:$0xc];
	s2 =	sadd.s32 $0x1, s30  }
0x4ed: {  	p0 =	sne.s32 s2, s31  }
.Ltmp2:
0x4ee: {  	_ = 	snop;
	(pc) =	sbr.rel @p0 .LBB2_1-.Ltmp2, $3  }
0x4ef: {  	_ =	sdelay $0x1  }
0x4f0: {  	[sflag:s29] =	ssyncset.done $0x0  }
0x4f1: {  	[sflag:s29] =	ssyncadd.s32 $0xFFFFFF80  }
0x4f2: {  	_ =	sfence.sel $0x180000  }
0x4f3: {  	[bflag:$0x0] =	sbarrier.arrive $0xFFFF  }
0x4f4: {  	_ =	strace $0x90000047  }
0x4f5: {  	s0 =	stileid.u32;
	[bflag:$0x2] =	sbarrier.arrive $0xFFFF  }
0x4f6: {  	p0 =	sne.s32 s0, $0x0;
	s0 =	rddreg [dreg:$0x4]  }
0x4f7: {  	s0 =	sadd.s32 @!p0 $0x100000, s0  }
0x4f8: {  	[sflag:s0] =	ssyncadd.tile.s32 @!p0 $0x1;
	_ =	shalt  }
.Lfunc_end2:
_tile_overlayer_lowered:
.L_overlay_start_2:
0x4f9: {  	(tag) =	ssettag $0x2  }
0x4fa: {  	s0 =	rddreg [dreg:$0x0];
	s2 =	stileid.u32  }
0x4fb: {  	s1 =	rddreg [dreg:$0x1];
	p0 =	sne.s32 s2, $0x0  }
0x4fc: {  	s3 =	rddreg [dreg:$0x2];
	[bflag:$0x3] =	sbarrier.arrive $0xFFFF;
	s2 =	simm.s32 @!p0 $0x1C07  }
0x4fd: {  	[timem:s3], [sflag:s2] =	dma.local @!p0 [hbm:s0], s1  }
0x4fe: {  	s0 =	simm.s32 @!p0 $0x7  }
0x4ff: {  	_ =	swait.ge @!p0 [sflag:s0], s1  }
0x500: {  	s1 =	ssub.s32 @!p0 $0x0, s1;
	[sflag:s0] =	ssyncset.done @!p0 $0x0  }
0x501: {  	[sflag:s0] =	ssyncadd.s32 @!p0 s1  }
0x502: {  	[bflag:$0x3] =	sbarrier.arrive $0xFFFF  }
0x503: {  	_ =	shalt  }

</sc_bundles>
